<compile_context>
chip_gen: v7x
topology: tpu7x:2x2x1
jax: 0.10.2.dev20260603
libtpu: 0.0.44.dev20260713+nightly
codegen_flags: <defaults>
</compile_context>

<pallas_src>
import jax
import jax.numpy as jnp
from jax import lax
from jax.experimental import pallas as pl
from jax.experimental.pallas import tpu as pltpu
from jax.experimental.pallas import tpu_sc as plsc

N = 1000
E = 16000
IC = 128
NP = 5
NT = N * (1 + NP)
NHI = NT - N

NW = 32
EPAD = 16384
EPW = EPAD // NW
CPAD = 1000448
CSL = CPAD // 16
NPAD = 1024
NPW = NPAD // NW

_f32 = jnp.float32
_i32 = jnp.int32


def _sc_build_c_body(src_hbm, dst_hbm, val_hbm, out_hbm,
                     src_v, dst_v, val_v, fidx_v, zbuf_v, csh):
    cid = lax.axis_index("c")
    sid = lax.axis_index("s")
    wid = sid * 2 + cid
    zv = jnp.zeros((16,), _f32)

    def _zero(j, carry):
        zbuf_v[pl.ds(j * 16, 16)] = zv
        return carry

    lax.fori_loop(0, CSL // 16, _zero, 0)
    pltpu.sync_copy(zbuf_v, csh.at[pl.ds(sid * CSL, CSL)])
    pltpu.sync_copy(src_hbm.at[pl.ds(wid * EPW, EPW)], src_v)
    pltpu.sync_copy(dst_hbm.at[pl.ds(wid * EPW, EPW)], dst_v)
    pltpu.sync_copy(val_hbm.at[pl.ds(wid * EPW, EPW)], val_v)
    for j in range(EPW // 16):
        sl = pl.ds(j * 16, 16)
        f = src_v[sl] * N + dst_v[sl]
        fidx_v[j // 8, pl.ds((j % 8) * 16, 16)] = f
    plsc.subcore_barrier()
    for ch in range(4):
        pltpu.sync_copy(val_v.at[pl.ds(ch * 128, 128)],
                        csh.at[fidx_v.at[ch]], add=True)
    plsc.subcore_barrier()
    pltpu.sync_copy(csh.at[pl.ds(sid * CSL, CSL)], zbuf_v)
    pltpu.sync_copy(zbuf_v, out_hbm.at[pl.ds(cid * CPAD + sid * CSL, CSL)])


def _sc_build_c(srcp, dstp, vals):
    mesh = plsc.VectorSubcoreMesh(core_axis_name="c", subcore_axis_name="s")
    kfn = pl.kernel(
        _sc_build_c_body,
        out_type=jax.ShapeDtypeStruct((2 * CPAD,), _f32),
        mesh=mesh,
        scratch_types=[
            pltpu.VMEM((EPW,), _i32),
            pltpu.VMEM((EPW,), _i32),
            pltpu.VMEM((EPW,), _f32),
            pltpu.VMEM((4, 128), _i32),
            pltpu.VMEM((CSL,), _f32),
            pltpu.VMEM_SHARED((CPAD,), _f32),
        ],
    )
    return kfn(srcp, dstp, vals)


def _dense_body(p_ref, x_ref, ws1_ref, wn1_ref, b1_ref, ws2_ref, wn2_ref,
                b2_ref, wreg_ref, breg_ref, wf1_ref, bf1_ref, wf2_ref,
                bf2_ref, wfl_ref, bfl_ref, noise_ref,
                c_ref, deg_ref, gen_ref, maskp_ref, dinv_ref):
    C = p_ref[0] + p_ref[1]
    c_ref[...] = C
    x = x_ref[...]
    ones = jnp.ones((N, 1), _f32)
    outdeg = jnp.dot(C, ones, preferred_element_type=_f32)
    indeg = lax.dot_general(C, ones, (((0,), (0,)), ((), ())),
                            preferred_element_type=_f32)
    deg_in = jnp.clip(indeg, 1.0, None)
    neigh1 = lax.dot_general(C, x, (((0,), (0,)), ((), ())),
                             preferred_element_type=_f32) / deg_in
    h1 = jnp.maximum(
        jnp.dot(x, ws1_ref[...], preferred_element_type=_f32)
        + jnp.dot(neigh1, wn1_ref[...], preferred_element_type=_f32)
        + b1_ref[...], 0.0)
    neigh2 = lax.dot_general(C, h1, (((0,), (0,)), ((), ())),
                             preferred_element_type=_f32) / deg_in
    z = (jnp.dot(h1, ws2_ref[...], preferred_element_type=_f32)
         + jnp.dot(neigh2, wn2_ref[...], preferred_element_type=_f32)
         + b2_ref[...])
    degree = jnp.maximum(
        jnp.dot(z, wreg_ref[...], preferred_element_type=_f32)
        + breg_ref[...], 0.0)
    deg_ref[...] = degree
    d = degree
    f = jnp.floor(d)
    frac = d - f
    odd = jnp.floor(f * 0.5) * 2.0 != f
    r = f + jnp.where((frac > 0.5) | ((frac == 0.5) & odd), 1.0, 0.0)
    deg_round = jnp.clip(r, 0.0, float(NP))
    k8 = lax.broadcasted_iota(_i32, (N, 8), 1).astype(_f32)
    maskp_ref[...] = (k8 < deg_round).astype(_f32)
    rowsum = outdeg + deg_round
    dinv_ref[...] = jnp.where(rowsum > 0, lax.rsqrt(rowsum), 0.0)
    g = z + noise_ref[...]
    g = jnp.maximum(jnp.dot(g, wf1_ref[...], preferred_element_type=_f32)
                    + bf1_ref[...], 0.0)
    g = jnp.maximum(jnp.dot(g, wf2_ref[...], preferred_element_type=_f32)
                    + bf2_ref[...], 0.0)
    gen_ref[...] = jnp.tanh(
        jnp.dot(g, wfl_ref[...], preferred_element_type=_f32) + bfl_ref[...])


def _dense(P2, x, Ws1, Wn1, b1, Ws2, Wn2, b2, Wreg, breg,
           Wf1, bf1, Wf2, bf2, Wfl, bfl, noise):
    out_shape = (
        jax.ShapeDtypeStruct((N, N), _f32),
        jax.ShapeDtypeStruct((N, 1), _f32),
        jax.ShapeDtypeStruct((N, NP * IC), _f32),
        jax.ShapeDtypeStruct((N, 8), _f32),
        jax.ShapeDtypeStruct((N, 1), _f32),
    )
    return pl.pallas_call(_dense_body, out_shape=out_shape)(
        P2, x, Ws1, Wn1, b1.reshape(1, -1), Ws2, Wn2, b2.reshape(1, -1),
        Wreg, breg.reshape(1, -1), Wf1, bf1.reshape(1, -1),
        Wf2, bf2.reshape(1, -1), Wfl, bfl.reshape(1, -1), noise)


def _yd_body(x_ref, gen5_ref, wg_ref, dinv_ref, yd_ref):
    wg = wg_ref[...]
    y0 = jnp.dot(x_ref[...], wg, preferred_element_type=_f32)
    y1 = jnp.dot(gen5_ref[...], wg, preferred_element_type=_f32)
    yc = jnp.concatenate([y0, y1], axis=0)
    dcol = jnp.concatenate(
        [dinv_ref[...], jnp.zeros((NT - N, 1), _f32)], axis=0)
    yd_ref[...] = jnp.concatenate(
        [yc, dcol, jnp.zeros((NT, 63), _f32)], axis=1)


def _yd(x, gen5, Wg, dinv):
    return pl.pallas_call(
        _yd_body, out_shape=jax.ShapeDtypeStruct((NT, 128), _f32))(
            x, gen5, Wg, dinv)


WR = 40


def _walk_body(cur_ref, c_ref, m_ref, g_ref, o_ref):
    i = pl.program_id(0)
    rows, mrows, ivals = [], [], []
    for r in range(WR):
        cv = cur_ref[i * WR + r]
        cc = jnp.minimum(cv, N - 1)
        rows.append(c_ref[pl.ds(cc, 1), :])
        mrows.append(m_ref[pl.ds(cc, 1), :])
        ivals.append(cv)
    crows = jnp.concatenate(rows, axis=0)
    mr = jnp.concatenate(mrows, axis=0)
    iv = jnp.concatenate([v.reshape(1, 1) for v in ivals], axis=0)
    valid = iv < N
    lane_lo = lax.broadcasted_iota(_i32, (WR, N), 1)
    onehot = (lane_lo == iv).astype(_f32)
    low_w = jnp.where(valid, crows + onehot, 0.0)
    low = jnp.log(low_w + 1e-12) + g_ref[:, :N]
    ghi = g_ref[:, N:]
    lane_hi = lax.broadcasted_iota(_i32, (WR, NHI), 1)
    dr = jnp.sum(mr, axis=1, keepdims=True).astype(_i32)
    log0 = jnp.log(jnp.zeros((WR, 1), _f32) + 1e-12)
    log1 = jnp.log(jnp.ones((WR, 1), _f32) + 1e-12)
    blo = jnp.where(valid, NP * iv, iv - N)
    bhi = jnp.where(valid, NP * iv + dr, iv - N + 1)
    in_boost = (lane_hi >= blo) & (lane_hi < bhi)
    val_hi = ghi + jnp.where(in_boost, log1, log0)
    ml = jnp.max(low, axis=1, keepdims=True)
    mh = jnp.max(val_hi, axis=1, keepdims=True)
    al = jnp.min(jnp.where(low == ml, lane_lo, NT), axis=1, keepdims=True)
    ah = jnp.min(jnp.where(val_hi == mh, lane_hi, NT), axis=1, keepdims=True)
    o_ref[0, :, :] = jnp.where(ml >= mh, al, ah + N)


def _walk_step(cur, C, maskp, G):
    grid_spec = pltpu.PrefetchScalarGridSpec(
        num_scalar_prefetch=1,
        grid=(N // WR,),
        in_specs=[
            pl.BlockSpec((N, N), lambda i, *_: (0, 0)),
            pl.BlockSpec((N, 8), lambda i, *_: (0, 0)),
            pl.BlockSpec((WR, NT), lambda i, *_: (i, 0)),
        ],
        out_specs=pl.BlockSpec((1, WR, 1), lambda i, *_: (i, 0, 0)),
    )
    out = pl.pallas_call(
        _walk_body, grid_spec=grid_spec,
        out_shape=jax.ShapeDtypeStruct((N // WR, WR, 1), _i32),
        compiler_params=pltpu.CompilerParams(
            dimension_semantics=("arbitrary",)))(
            cur, C, maskp, G)
    return out.reshape(N)


def _sc_gather_body(curs_hbm, yd_hbm, cflat_hbm, ydsub_hbm, cvals_hbm,
                    idx3_v, rows_v, fidx_v, cv_v, sem):
    cid = lax.axis_index("c")
    sid = lax.axis_index("s")
    wid = sid * 2 + cid
    bs = wid * NPW
    for v in range(3):
        pltpu.sync_copy(curs_hbm.at[pl.ds(v * NPAD + bs, NPW)], idx3_v.at[v])
    for v in range(3):
        pltpu.async_copy(yd_hbm.at[idx3_v.at[v]], rows_v, sem).wait()
        pltpu.sync_copy(rows_v, ydsub_hbm.at[v, pl.ds(bs, NPW)])
    iota = lax.broadcasted_iota(_i32, (16,), 0)
    for h in range(2):
        s0 = iota + (bs + 16 * h)
        svals = [s0] + [idx3_v[v, pl.ds(16 * h, 16)] for v in range(3)]
        cl = [jnp.minimum(s, N - 1) for s in svals]
        p = 0
        for v in range(3):
            for u in range(4):
                fidx_v[p, pl.ds(16 * h, 16)] = cl[v] * N + cl[u]
                p += 1
    handles = [pltpu.async_copy(cflat_hbm.at[fidx_v.at[p]], cv_v.at[p], sem)
               for p in range(12)]
    for hd in handles:
        hd.wait()
    for p in range(12):
        pltpu.sync_copy(cv_v.at[p], cvals_hbm.at[pl.ds(p * NPAD + bs, NPW)])


def _sc_gather(curs, yd, cflat):
    mesh = plsc.VectorSubcoreMesh(core_axis_name="c", subcore_axis_name="s")
    kfn = pl.kernel(
        _sc_gather_body,
        out_type=(jax.ShapeDtypeStruct((3, NPAD, 128), _f32),
                  jax.ShapeDtypeStruct((12 * NPAD,), _f32)),
        mesh=mesh,
        scratch_types=[
            pltpu.VMEM((3, NPW), _i32),
            pltpu.VMEM((NPW, 128), _f32),
            pltpu.VMEM((12, NPW), _i32),
            pltpu.VMEM((12, NPW), _f32),
            pltpu.SemaphoreType.DMA,
        ],
    )
    return kfn(curs, yd, cflat)


def _final_body(y0_ref, dg0_ref, ys_ref, dgs_ref, cv_ref, s_ref,
                wb_ref, bb_ref, bg_ref, pa_ref, out_ref):
    bg = bg_ref[...]
    pa = pa_ref[0, 0]
    s0 = lax.broadcasted_iota(_i32, (N, 1), 0)
    svals = [s0] + [s_ref[v].astype(_i32) for v in range(3)]
    dgs = [dg0_ref[...]] + [dgs_ref[v] for v in range(3)]
    ys = [y0_ref[...]] + [ys_ref[v] for v in range(3)]
    hsum = jnp.zeros((N, 64), _f32)
    for u in range(4):
        hg = jnp.broadcast_to(bg, (N, 64))
        for v in range(3):
            cval = cv_ref[:, v * 4 + u:v * 4 + u + 1]
            eq = (svals[u] == svals[v]).astype(_f32)
            A = dgs[u] * cval * dgs[v] + eq
            hg = hg + A * ys[v]
        hsum = hsum + jnp.where(hg > 0, hg, pa * hg)
    c = hsum * 0.25
    hmv_pre = ys[3] + bg
    h_mv = jnp.where(hmv_pre > 0, hmv_pre, pa * hmv_pre)
    m = jnp.dot(h_mv, wb_ref[...], preferred_element_type=_f32)
    out_ref[...] = (jnp.sum(m * c, axis=1, keepdims=True) + bb_ref[0, 0])


def _final(y0, dg0, ys3, dgs3, cvals, s3, Wb0, bb, bg, pa):
    return pl.pallas_call(
        _final_body, out_shape=jax.ShapeDtypeStruct((N, 1), _f32))(
            y0, dg0, ys3, dgs3, cvals, s3,
            Wb0, bb.reshape(1, 1), bg.reshape(1, -1), pa.reshape(1, 1))


def kernel(x, edge_index, W_self1, W_neigh1, b1, W_self2, W_neigh2, b2,
           W_reg, b_reg, W_fc1, b_fc1, W_fc2, b_fc2, W_flat, b_flat,
           W_gcn, b_gcn, prelu_a, W_bil, b_bil):
    src = edge_index[0].astype(_i32)
    dst = edge_index[1].astype(_i32)
    pad = EPAD - E
    srcp = jnp.concatenate([src, jnp.zeros((pad,), _i32)])
    dstp = jnp.concatenate([dst, jnp.zeros((pad,), _i32)])
    vals = jnp.concatenate([jnp.ones((E,), _f32), jnp.zeros((pad,), _f32)])
    partials = _sc_build_c(srcp, dstp, vals)
    P2 = partials.reshape(2, CPAD)[:, :N * N].reshape(2, N, N)

    noise = jax.random.normal(jax.random.key(7), (N, 64), _f32)
    C, degree, gen_feat, maskp, d_inv = _dense(
        P2, x, W_self1, W_neigh1, b1, W_self2, W_neigh2, b2, W_reg, b_reg,
        W_fc1, b_fc1, W_fc2, b_fc2, W_flat, b_flat, noise)

    gen5 = gen_feat.reshape(NP * N, IC)
    yd = _yd(x, gen5, W_gcn, d_inv)

    cur = jnp.arange(N, dtype=_i32)
    curs = []
    for t in range(1, 4):
        G = jax.random.gumbel(
            jax.random.fold_in(jax.random.key(42), t), (N, NT), _f32)
        cur = _walk_step(cur, C, maskp, G)
        curs.append(cur)

    curs_pad = jnp.concatenate(
        [jnp.concatenate([c, jnp.zeros((NPAD - N,), _i32)]) for c in curs])
    cflat = C.reshape(N * N)
    ydsub, cvals_flat = _sc_gather(curs_pad, yd, cflat)
    cvals = cvals_flat.reshape(12, NPAD)

    y0 = yd[:N, :64]
    dg0 = d_inv
    ys3 = ydsub[:, :N, :64]
    dgs3 = ydsub[:, :N, 64:65]
    s3 = jnp.stack(curs).reshape(3, N, 1)[:, :, :]
    logits = _final(y0, dg0, ys3, dgs3, cvals[:, :N].T, s3,
                    W_bil[0], b_bil, b_gcn, prelu_a)
    return degree, gen_feat, logits

# --- scband reference (transcript-rebuilt; emitter-appended) ---
"""Pipeline reference for scband-local-sage-plus-gad-20383914787278 (READ-ONLY COPY).

The authoritative reference and input builder live on the scoring server;
editing this copy changes nothing except your own understanding.
"""

import jax, jax.numpy as jnp
import numpy as np

N_NODES = 1000
N_EDGES = 16000
IN_CH = 128
HID = 64
GEN_HID = 64
NUM_PRED = 5
NEGSAMP = 1
SUBGRAPH = 4
N_TOT = N_NODES * (1 + NUM_PRED)


def _glorot(key, shape, scale=0.05):
    return jax.random.normal(key, shape, jnp.float32) * scale


def setup_inputs(seed: int = 0) -> dict:
    key = jax.random.key(seed)
    ks = jax.random.split(key, 24)
    inp = {}
    inp["x"] = jax.random.normal(ks[0], (N_NODES, IN_CH), jnp.float32)
    inp["edge_index"] = jax.random.randint(ks[1], (2, N_EDGES), 0, N_NODES)
    # SAGE_Net (2-layer GraphSAGE mean aggregator) params
    inp["W_self1"] = _glorot(ks[2], (IN_CH, HID))
    inp["W_neigh1"] = _glorot(ks[3], (IN_CH, HID))
    inp["b1"] = jnp.zeros((HID,), jnp.float32)
    inp["W_self2"] = _glorot(ks[4], (HID, GEN_HID))
    inp["W_neigh2"] = _glorot(ks[5], (HID, GEN_HID))
    inp["b2"] = jnp.zeros((GEN_HID,), jnp.float32)
    # NumPredictor
    inp["W_reg"] = _glorot(ks[6], (GEN_HID, 1))
    inp["b_reg"] = jnp.zeros((1,), jnp.float32)
    # FeatGenerator
    inp["W_fc1"] = _glorot(ks[7], (GEN_HID, 256))
    inp["b_fc1"] = jnp.zeros((256,), jnp.float32)
    inp["W_fc2"] = _glorot(ks[8], (256, 2048))
    inp["b_fc2"] = jnp.zeros((2048,), jnp.float32)
    inp["W_flat"] = _glorot(ks[9], (2048, NUM_PRED * IN_CH))
    inp["b_flat"] = jnp.zeros((NUM_PRED * IN_CH,), jnp.float32)
    # CoLA GCN + PReLU
    inp["W_gcn"] = _glorot(ks[10], (IN_CH, HID))
    inp["b_gcn"] = jnp.zeros((HID,), jnp.float32)
    inp["prelu_a"] = jnp.array(0.25, jnp.float32)
    # Discriminator bilinear
    inp["W_bil"] = _glorot(ks[11], (1, HID, HID))
    inp["b_bil"] = jnp.zeros((1,), jnp.float32)
    return inp


def _forward(x, edge_index, W_self1, W_neigh1, b1, W_self2, W_neigh2, b2,
             W_reg, b_reg, W_fc1, b_fc1, W_fc2, b_fc2, W_flat, b_flat,
             W_gcn, b_gcn, prelu_a, W_bil, b_bil):
    src = edge_index[0]
    dst = edge_index[1]
    # --- SAGE encoder (2-layer mean aggregation) ---
    deg_in = jnp.clip(jax.ops.segment_sum(jnp.ones_like(src, dtype=jnp.float32), dst,
                                          num_segments=N_NODES), 1.0, None)
    neigh1 = jax.ops.segment_sum(x[src], dst, num_segments=N_NODES) / deg_in[:, None]
    h1 = jax.nn.relu(x @ W_self1 + neigh1 @ W_neigh1 + b1)
    neigh2 = jax.ops.segment_sum(h1[src], dst, num_segments=N_NODES) / deg_in[:, None]
    z = h1 @ W_self2 + neigh2 @ W_neigh2 + b2
    # --- NumPredictor ---
    degree = jax.nn.relu(z @ W_reg + b_reg)
    # --- FeatGenerator (Sampling adds gaussian noise; dropout in eval mode) ---
    noise = jax.random.normal(jax.random.key(7), z.shape, jnp.float32)
    g = z + noise
    g = jax.nn.relu(g @ W_fc1 + b_fc1)
    g = jax.nn.relu(g @ W_fc2 + b_fc2)
    gen_feat = jnp.tanh(g @ W_flat + b_flat)
    # --- MendGraph: add up to num_pred generated neighbors per node ---
    deg_round = jnp.clip(jnp.round(jax.lax.stop_gradient(degree[:, 0])), 0.0, float(NUM_PRED))
    mask = (jnp.arange(NUM_PRED, dtype=jnp.float32)[None, :] < deg_round[:, None]).astype(jnp.float32)
    fill_feats = jnp.concatenate([x, gen_feat.reshape(-1, IN_CH)], axis=0)
    adj = jnp.zeros((N_TOT, N_TOT), jnp.float32).at[src, dst].add(1.0)
    mend_src = jnp.repeat(jnp.arange(N_NODES), NUM_PRED)
    mend_dst = N_NODES + jnp.arange(N_NODES * NUM_PRED)
    adj = adj.at[mend_src, mend_dst].add(mask.reshape(-1))
    adj = jax.lax.stop_gradient(adj)
    # --- process_graph: symmetric normalization + self loops (detached, as in torch) ---
    rowsum = adj.sum(axis=1)
    d_inv = jnp.where(rowsum > 0, rowsum ** -0.5, 0.0)
    adj_n = d_inv[:, None] * adj.T * d_inv[None, :] + jnp.eye(N_TOT, dtype=jnp.float32)
    mend_x = jax.lax.stop_gradient(fill_feats)
    # --- random-walk subgraphs of size SUBGRAPH starting at each original node ---
    walk_adj = adj + jnp.eye(N_TOT, dtype=jnp.float32)
    cur = jnp.arange(N_NODES)
    subs = [cur]
    for t in range(1, SUBGRAPH):
        logits_w = jnp.log(walk_adj[cur] + 1e-12)
        cur = jax.random.categorical(jax.random.fold_in(jax.random.key(42), t), logits_w)
        subs.append(cur)
    subgraphs = jnp.stack(subs, axis=1)  # [N_NODES, SUBGRAPH]
    # --- CoLA_Base batch construction ---
    B = N_NODES
    batch_adj = adj_n[subgraphs[:, :, None], subgraphs[:, None, :]]  # [B,S,S]
    batch_adj = jnp.concatenate([batch_adj, jnp.zeros((B, 1, SUBGRAPH), jnp.float32)], axis=1)
    add_col = jnp.zeros((B, SUBGRAPH + 1, 1), jnp.float32).at[:, -1, 0].set(1.0)
    batch_adj = jnp.concatenate([batch_adj, add_col], axis=2)  # [B,S+1,S+1]
    batch_feat = mend_x[subgraphs]  # [B,S,IN_CH]
    zero_row = jnp.zeros((B, 1, IN_CH), jnp.float32)
    batch_feat = jnp.concatenate([batch_feat[:, :-1, :], zero_row, batch_feat[:, -1:, :]], axis=1)
    # --- 1-layer GCN + PReLU ---
    seq_fts = batch_feat @ W_gcn
    hgc = jnp.einsum('bij,bjh->bih', batch_adj, seq_fts) + b_gcn
    h_gcn = jnp.where(hgc > 0, hgc, prelu_a * hgc)
    h_mv = h_gcn[:, -1, :]
    c = jnp.mean(h_gcn[:, :-1, :], axis=1)  # readout='avg'
    # --- Discriminator (bilinear) with negative sampling shift ---
    def bil(h_pl, cc):
        return jnp.einsum('bi,oij,bj->bo', h_pl, W_bil, cc) + b_bil
    scs = [bil(h_mv, c)]
    c_mi = c
    for _ in range(NEGSAMP):
        c_mi = jnp.concatenate([c_mi[-2:-1, :], c_mi[:-1, :]], axis=0)
        scs.append(bil(h_mv, c_mi))
    logits = jnp.concatenate(scs, axis=0)
    return degree, gen_feat, logits[:N_NODES]


def reference(x, edge_index, W_self1, W_neigh1, b1, W_self2, W_neigh2, b2,
              W_reg, b_reg, W_fc1, b_fc1, W_fc2, b_fc2, W_flat, b_flat,
              W_gcn, b_gcn, prelu_a, W_bil, b_bil):
    return _forward(x, edge_index, W_self1, W_neigh1, b1, W_self2, W_neigh2, b2,
                    W_reg, b_reg, W_fc1, b_fc1, W_fc2, b_fc2, W_flat, b_flat,
                    W_gcn, b_gcn, prelu_a, W_bil, b_bil)

if __name__ == "__main__":
    import jax
    _d = setup_inputs()
    print(jax.jit(kernel)(*tuple(_d.values())))

</pallas_src>

<mosaic_0001>
#map = affine_map<(d0, d1) -> (0)>
module attributes {stable_mosaic.version = 14 : i64} {
  func.func @_sc_build_c_body(%arg0: i32, %arg1: i32, %arg2: memref<16384xi32, #tpu.memory_space<hbm>>, %arg3: memref<16384xi32, #tpu.memory_space<hbm>>, %arg4: memref<16384xf32, #tpu.memory_space<hbm>>, %arg5: memref<2000896xf32, #tpu.memory_space<hbm>>, %arg6: memref<512xi32, #tpu.memory_space<vmem>>, %arg7: memref<512xi32, #tpu.memory_space<vmem>>, %arg8: memref<512xf32, #tpu.memory_space<vmem>>, %arg9: memref<4x128xi32, #tpu.memory_space<vmem>>, %arg10: memref<62528xf32, #tpu.memory_space<vmem>>, %arg11: memref<1000448xf32, #tpu.memory_space<vmem_shared>>) attributes {dimension_semantics = [#tpu.dimension_semantics<core_parallel>, #tpu.dimension_semantics<subcore_parallel>], iteration_bounds = array<i64: 2, 16>, scalar_prefetch = 0 : i64, scratch_operands = 6 : i64, tpu.core_type = #tpu.core_type<sc_vector_subcore>, window_params = [{transform_indices = #map}, {transform_indices = #map}, {transform_indices = #map}, {transform_indices = #map}]} {
    %mul3A = arith.constant 2 : i32
    %mul3A_0 = arith.muli %arg1, %mul3A : i32
    %add3A = arith.addi %mul3A_0, %arg0 : i32
    %broadcast_in_dim3A = arith.constant 0.000000e+00 : f32
    %broadcast_in_dim3A_1 = vector.broadcast %broadcast_in_dim3A : f32 to vector<16xf32>
    %scan3A = arith.constant 0 : i32
    %scan3A_2 = arith.constant 0 : i32
    %scan3A_3 = arith.constant 3908 : i32
    %scan3A_4 = arith.addi %scan3A_2, %scan3A_3 : i32
    %scan3A_5 = arith.constant 1 : i32
    scf.for %scan3A_536 = %scan3A_2 to %scan3A_4 step %scan3A_5  : i32 {
      %mul3A_537 = arith.constant 16 : i32
      %mul3A_538 = arith.muli %scan3A_536, %mul3A_537 : i32
      %swap3A_539 = arith.index_cast %mul3A_538 : i32 to index
      %swap3A_540 = tpu.vector_load %arg10[%swap3A_539] {strides = array<i32>} : memref<62528xf32, #tpu.memory_space<vmem>>, vector<16xf32>,
      %swap3A_541 = vector.shape_cast %swap3A_540 : vector<16xf32> to vector<16xf32>
      %swap3A_542 = vector.shape_cast %broadcast_in_dim3A_1 : vector<16xf32> to vector<16xf32>
      tpu.vector_store %arg10[%swap3A_539], %swap3A_542 {strides = array<i32>} : memref<62528xf32, #tpu.memory_space<vmem>>, vector<16xf32>,
    }
    %scan3A_6 = arith.constant 3908 : i32
    %mul3A_7 = arith.constant 62528 : i32
    %mul3A_8 = arith.muli %arg1, %mul3A_7 : i32
    "tpu.region"() ({
      %run_scoped3A_536 = tpu.sem_alloc : memref<!tpu.dma_semaphore, #tpu.memory_space<semaphore_mem>>
      %dma_start3A = tpu.memref_slice %arg11[%mul3A_8] : memref<1000448xf32, #tpu.memory_space<vmem_shared>> -> memref<62528xf32, #tpu.memory_space<vmem_shared>>
      %dma_start3A_537 = tpu.memref_slice %arg11[%mul3A_8] : memref<1000448xf32, #tpu.memory_space<vmem_shared>> -> memref<62528xf32, #tpu.memory_space<vmem_shared>>
      tpu.enqueue_dma source(%arg10 : memref<62528xf32, #tpu.memory_space<vmem>>) target(%dma_start3A_537 : memref<62528xf32, #tpu.memory_space<vmem_shared>>) target_semaphore(%run_scoped3A_536 : memref<!tpu.dma_semaphore, #tpu.memory_space<semaphore_mem>>)
      %dma_wait3A = tpu.memref_slice %arg11[%mul3A_8] : memref<1000448xf32, #tpu.memory_space<vmem_shared>> -> memref<62528xf32, #tpu.memory_space<vmem_shared>>
      %dma_wait3A_538 = tpu.memref_slice %arg11[%mul3A_8] : memref<1000448xf32, #tpu.memory_space<vmem_shared>> -> memref<62528xf32, #tpu.memory_space<vmem_shared>>
      tpu.wait_dma2 semaphore(%run_scoped3A_536 : memref<!tpu.dma_semaphore, #tpu.memory_space<semaphore_mem>>) src(%arg10 : memref<62528xf32, #tpu.memory_space<vmem>>) dst(%dma_wait3A_538 : memref<62528xf32, #tpu.memory_space<vmem_shared>>)
      tpu.yield
    }) : () -> ()
    %mul3A_9 = arith.constant 512 : i32
    %mul3A_10 = arith.muli %add3A, %mul3A_9 : i32
    "tpu.region"() ({
      %run_scoped3A_536 = tpu.sem_alloc : memref<!tpu.dma_semaphore, #tpu.memory_space<semaphore_mem>>
      %dma_start3A = tpu.memref_slice %arg2[%mul3A_10] : memref<16384xi32, #tpu.memory_space<hbm>> -> memref<512xi32, #tpu.memory_space<hbm>>
      %dma_start3A_537 = tpu.memref_slice %arg2[%mul3A_10] : memref<16384xi32, #tpu.memory_space<hbm>> -> memref<512xi32, #tpu.memory_space<hbm>>
      tpu.enqueue_dma source(%dma_start3A_537 : memref<512xi32, #tpu.memory_space<hbm>>) target(%arg6 : memref<512xi32, #tpu.memory_space<vmem>>) target_semaphore(%run_scoped3A_536 : memref<!tpu.dma_semaphore, #tpu.memory_space<semaphore_mem>>)
      %dma_wait3A = tpu.memref_slice %arg2[%mul3A_10] : memref<16384xi32, #tpu.memory_space<hbm>> -> memref<512xi32, #tpu.memory_space<hbm>>
      %dma_wait3A_538 = tpu.memref_slice %arg2[%mul3A_10] : memref<16384xi32, #tpu.memory_space<hbm>> -> memref<512xi32, #tpu.memory_space<hbm>>
      tpu.wait_dma2 semaphore(%run_scoped3A_536 : memref<!tpu.dma_semaphore, #tpu.memory_space<semaphore_mem>>) src(%dma_wait3A_538 : memref<512xi32, #tpu.memory_space<hbm>>) dst(%arg6 : memref<512xi32, #tpu.memory_space<vmem>>)
      tpu.yield
    }) : () -> ()
    %mul3A_11 = arith.constant 512 : i32
    %mul3A_12 = arith.muli %add3A, %mul3A_11 : i32
    "tpu.region"() ({
      %run_scoped3A_536 = tpu.sem_alloc : memref<!tpu.dma_semaphore, #tpu.memory_space<semaphore_mem>>
      %dma_start3A = tpu.memref_slice %arg3[%mul3A_12] : memref<16384xi32, #tpu.memory_space<hbm>> -> memref<512xi32, #tpu.memory_space<hbm>>
      %dma_start3A_537 = tpu.memref_slice %arg3[%mul3A_12] : memref<16384xi32, #tpu.memory_space<hbm>> -> memref<512xi32, #tpu.memory_space<hbm>>
      tpu.enqueue_dma source(%dma_start3A_537 : memref<512xi32, #tpu.memory_space<hbm>>) target(%arg7 : memref<512xi32, #tpu.memory_space<vmem>>) target_semaphore(%run_scoped3A_536 : memref<!tpu.dma_semaphore, #tpu.memory_space<semaphore_mem>>)
      %dma_wait3A = tpu.memref_slice %arg3[%mul3A_12] : memref<16384xi32, #tpu.memory_space<hbm>> -> memref<512xi32, #tpu.memory_space<hbm>>
      %dma_wait3A_538 = tpu.memref_slice %arg3[%mul3A_12] : memref<16384xi32, #tpu.memory_space<hbm>> -> memref<512xi32, #tpu.memory_space<hbm>>
      tpu.wait_dma2 semaphore(%run_scoped3A_536 : memref<!tpu.dma_semaphore, #tpu.memory_space<semaphore_mem>>) src(%dma_wait3A_538 : memref<512xi32, #tpu.memory_space<hbm>>) dst(%arg7 : memref<512xi32, #tpu.memory_space<vmem>>)
      tpu.yield
    }) : () -> ()
    %mul3A_13 = arith.constant 512 : i32
    %mul3A_14 = arith.muli %add3A, %mul3A_13 : i32
    "tpu.region"() ({
      %run_scoped3A_536 = tpu.sem_alloc : memref<!tpu.dma_semaphore, #tpu.memory_space<semaphore_mem>>
      %dma_start3A = tpu.memref_slice %arg4[%mul3A_14] : memref<16384xf32, #tpu.memory_space<hbm>> -> memref<512xf32, #tpu.memory_space<hbm>>
      %dma_start3A_537 = tpu.memref_slice %arg4[%mul3A_14] : memref<16384xf32, #tpu.memory_space<hbm>> -> memref<512xf32, #tpu.memory_space<hbm>>
      tpu.enqueue_dma source(%dma_start3A_537 : memref<512xf32, #tpu.memory_space<hbm>>) target(%arg8 : memref<512xf32, #tpu.memory_space<vmem>>) target_semaphore(%run_scoped3A_536 : memref<!tpu.dma_semaphore, #tpu.memory_space<semaphore_mem>>)
      %dma_wait3A = tpu.memref_slice %arg4[%mul3A_14] : memref<16384xf32, #tpu.memory_space<hbm>> -> memref<512xf32, #tpu.memory_space<hbm>>
      %dma_wait3A_538 = tpu.memref_slice %arg4[%mul3A_14] : memref<16384xf32, #tpu.memory_space<hbm>> -> memref<512xf32, #tpu.memory_space<hbm>>
      tpu.wait_dma2 semaphore(%run_scoped3A_536 : memref<!tpu.dma_semaphore, #tpu.memory_space<semaphore_mem>>) src(%dma_wait3A_538 : memref<512xf32, #tpu.memory_space<hbm>>) dst(%arg8 : memref<512xf32, #tpu.memory_space<vmem>>)
      tpu.yield
    }) : () -> ()
    %get3A = arith.constant 0 : index
    %get3A_15 = tpu.vector_load %arg6[%get3A] {strides = array<i32>} : memref<512xi32, #tpu.memory_space<vmem>>, vector<16xi32>,
    %get3A_16 = vector.shape_cast %get3A_15 : vector<16xi32> to vector<16xi32>
    %mul3A_17 = arith.constant 1000 : i32
    %mul3A_18 = vector.broadcast %mul3A_17 : i32 to vector<16xi32>
    %mul3A_19 = arith.muli %get3A_16, %mul3A_18 : vector<16xi32>
    %get3A_20 = arith.constant 0 : index
    %get3A_21 = tpu.vector_load %arg7[%get3A_20] {strides = array<i32>} : memref<512xi32, #tpu.memory_space<vmem>>, vector<16xi32>,
    %get3A_22 = vector.shape_cast %get3A_21 : vector<16xi32> to vector<16xi32>
    %add3A_23 = arith.addi %mul3A_19, %get3A_22 : vector<16xi32>
    %swap3A = arith.constant 0 : i32
    %swap3A_24 = arith.index_cast %swap3A : i32 to index
    %swap3A_25 = arith.constant 0 : index
    %swap3A_26 = tpu.vector_load %arg9[%swap3A_24, %swap3A_25] {strides = array<i32>} : memref<4x128xi32, #tpu.memory_space<vmem>>, vector<1x16xi32>,
    %swap3A_27 = vector.shape_cast %swap3A_26 : vector<1x16xi32> to vector<16xi32>
    %swap3A_28 = vector.shape_cast %add3A_23 : vector<16xi32> to vector<1x16xi32>
    tpu.vector_store %arg9[%swap3A_24, %swap3A_25], %swap3A_28 {strides = array<i32>} : memref<4x128xi32, #tpu.memory_space<vmem>>, vector<1x16xi32>,
    %get3A_29 = arith.constant 16 : index
    %get3A_30 = tpu.vector_load %arg6[%get3A_29] {strides = array<i32>} : memref<512xi32, #tpu.memory_space<vmem>>, vector<16xi32>,
    %get3A_31 = vector.shape_cast %get3A_30 : vector<16xi32> to vector<16xi32>
    %mul3A_32 = arith.constant 1000 : i32
    %mul3A_33 = vector.broadcast %mul3A_32 : i32 to vector<16xi32>
    %mul3A_34 = arith.muli %get3A_31, %mul3A_33 : vector<16xi32>
    %get3A_35 = arith.constant 16 : index
    %get3A_36 = tpu.vector_load %arg7[%get3A_35] {strides = array<i32>} : memref<512xi32, #tpu.memory_space<vmem>>, vector<16xi32>,
    %get3A_37 = vector.shape_cast %get3A_36 : vector<16xi32> to vector<16xi32>
    %add3A_38 = arith.addi %mul3A_34, %get3A_37 : vector<16xi32>
    %swap3A_39 = arith.constant 0 : i32
    %swap3A_40 = arith.index_cast %swap3A_39 : i32 to index
    %swap3A_41 = arith.constant 16 : index
    %swap3A_42 = tpu.vector_load %arg9[%swap3A_40, %swap3A_41] {strides = array<i32>} : memref<4x128xi32, #tpu.memory_space<vmem>>, vector<1x16xi32>,
    %swap3A_43 = vector.shape_cast %swap3A_42 : vector<1x16xi32> to vector<16xi32>
    %swap3A_44 = vector.shape_cast %add3A_38 : vector<16xi32> to vector<1x16xi32>
    tpu.vector_store %arg9[%swap3A_40, %swap3A_41], %swap3A_44 {strides = array<i32>} : memref<4x128xi32, #tpu.memory_space<vmem>>, vector<1x16xi32>,
    %get3A_45 = arith.constant 32 : index
    %get3A_46 = tpu.vector_load %arg6[%get3A_45] {strides = array<i32>} : memref<512xi32, #tpu.memory_space<vmem>>, vector<16xi32>,
    %get3A_47 = vector.shape_cast %get3A_46 : vector<16xi32> to vector<16xi32>
    %mul3A_48 = arith.constant 1000 : i32
    %mul3A_49 = vector.broadcast %mul3A_48 : i32 to vector<16xi32>
    %mul3A_50 = arith.muli %get3A_47, %mul3A_49 : vector<16xi32>
    %get3A_51 = arith.constant 32 : index
    %get3A_52 = tpu.vector_load %arg7[%get3A_51] {strides = array<i32>} : memref<512xi32, #tpu.memory_space<vmem>>, vector<16xi32>,
    %get3A_53 = vector.shape_cast %get3A_52 : vector<16xi32> to vector<16xi32>
    %add3A_54 = arith.addi %mul3A_50, %get3A_53 : vector<16xi32>
    %swap3A_55 = arith.constant 0 : i32
    %swap3A_56 = arith.index_cast %swap3A_55 : i32 to index
    %swap3A_57 = arith.constant 32 : index
    %swap3A_58 = tpu.vector_load %arg9[%swap3A_56, %swap3A_57] {strides = array<i32>} : memref<4x128xi32, #tpu.memory_space<vmem>>, vector<1x16xi32>,
    %swap3A_59 = vector.shape_cast %swap3A_58 : vector<1x16xi32> to vector<16xi32>
    %swap3A_60 = vector.shape_cast %add3A_54 : vector<16xi32> to vector<1x16xi32>
    tpu.vector_store %arg9[%swap3A_56, %swap3A_57], %swap3A_60 {strides = array<i32>} : memref<4x128xi32, #tpu.memory_space<vmem>>, vector<1x16xi32>,
    %get3A_61 = arith.constant 48 : index
    %get3A_62 = tpu.vector_load %arg6[%get3A_61] {strides = array<i32>} : memref<512xi32, #tpu.memory_space<vmem>>, vector<16xi32>,
    %get3A_63 = vector.shape_cast %get3A_62 : vector<16xi32> to vector<16xi32>
    %mul3A_64 = arith.constant 1000 : i32
    %mul3A_65 = vector.broadcast %mul3A_64 : i32 to vector<16xi32>
    %mul3A_66 = arith.muli %get3A_63, %mul3A_65 : vector<16xi32>
    %get3A_67 = arith.constant 48 : index
    %get3A_68 = tpu.vector_load %arg7[%get3A_67] {strides = array<i32>} : memref<512xi32, #tpu.memory_space<vmem>>, vector<16xi32>,
    %get3A_69 = vector.shape_cast %get3A_68 : vector<16xi32> to vector<16xi32>
    %add3A_70 = arith.addi %mul3A_66, %get3A_69 : vector<16xi32>
    %swap3A_71 = arith.constant 0 : i32
    %swap3A_72 = arith.index_cast %swap3A_71 : i32 to index
    %swap3A_73 = arith.constant 48 : index
    %swap3A_74 = tpu.vector_load %arg9[%swap3A_72, %swap3A_73] {strides = array<i32>} : memref<4x128xi32, #tpu.memory_space<vmem>>, vector<1x16xi32>,
    %swap3A_75 = vector.shape_cast %swap3A_74 : vector<1x16xi32> to vector<16xi32>
    %swap3A_76 = vector.shape_cast %add3A_70 : vector<16xi32> to vector<1x16xi32>
    tpu.vector_store %arg9[%swap3A_72, %swap3A_73], %swap3A_76 {strides = array<i32>} : memref<4x128xi32, #tpu.memory_space<vmem>>, vector<1x16xi32>,
    %get3A_77 = arith.constant 64 : index
    %get3A_78 = tpu.vector_load %arg6[%get3A_77] {strides = array<i32>} : memref<512xi32, #tpu.memory_space<vmem>>, vector<16xi32>,
    %get3A_79 = vector.shape_cast %get3A_78 : vector<16xi32> to vector<16xi32>
    %mul3A_80 = arith.constant 1000 : i32
    %mul3A_81 = vector.broadcast %mul3A_80 : i32 to vector<16xi32>
    %mul3A_82 = arith.muli %get3A_79, %mul3A_81 : vector<16xi32>
    %get3A_83 = arith.constant 64 : index
    %get3A_84 = tpu.vector_load %arg7[%get3A_83] {strides = array<i32>} : memref<512xi32, #tpu.memory_space<vmem>>, vector<16xi32>,
    %get3A_85 = vector.shape_cast %get3A_84 : vector<16xi32> to vector<16xi32>
    %add3A_86 = arith.addi %mul3A_82, %get3A_85 : vector<16xi32>
    %swap3A_87 = arith.constant 0 : i32
    %swap3A_88 = arith.index_cast %swap3A_87 : i32 to index
    %swap3A_89 = arith.constant 64 : index
    %swap3A_90 = tpu.vector_load %arg9[%swap3A_88, %swap3A_89] {strides = array<i32>} : memref<4x128xi32, #tpu.memory_space<vmem>>, vector<1x16xi32>,
    %swap3A_91 = vector.shape_cast %swap3A_90 : vector<1x16xi32> to vector<16xi32>
    %swap3A_92 = vector.shape_cast %add3A_86 : vector<16xi32> to vector<1x16xi32>
    tpu.vector_store %arg9[%swap3A_88, %swap3A_89], %swap3A_92 {strides = array<i32>} : memref<4x128xi32, #tpu.memory_space<vmem>>, vector<1x16xi32>,
    %get3A_93 = arith.constant 80 : index
    %get3A_94 = tpu.vector_load %arg6[%get3A_93] {strides = array<i32>} : memref<512xi32, #tpu.memory_space<vmem>>, vector<16xi32>,
    %get3A_95 = vector.shape_cast %get3A_94 : vector<16xi32> to vector<16xi32>
    %mul3A_96 = arith.constant 1000 : i32
    %mul3A_97 = vector.broadcast %mul3A_96 : i32 to vector<16xi32>
    %mul3A_98 = arith.muli %get3A_95, %mul3A_97 : vector<16xi32>
    %get3A_99 = arith.constant 80 : index
    %get3A_100 = tpu.vector_load %arg7[%get3A_99] {strides = array<i32>} : memref<512xi32, #tpu.memory_space<vmem>>, vector<16xi32>,
    %get3A_101 = vector.shape_cast %get3A_100 : vector<16xi32> to vector<16xi32>
    %add3A_102 = arith.addi %mul3A_98, %get3A_101 : vector<16xi32>
    %swap3A_103 = arith.constant 0 : i32
    %swap3A_104 = arith.index_cast %swap3A_103 : i32 to index
    %swap3A_105 = arith.constant 80 : index
    %swap3A_106 = tpu.vector_load %arg9[%swap3A_104, %swap3A_105] {strides = array<i32>} : memref<4x128xi32, #tpu.memory_space<vmem>>, vector<1x16xi32>,
    %swap3A_107 = vector.shape_cast %swap3A_106 : vector<1x16xi32> to vector<16xi32>
    %swap3A_108 = vector.shape_cast %add3A_102 : vector<16xi32> to vector<1x16xi32>
    tpu.vector_store %arg9[%swap3A_104, %swap3A_105], %swap3A_108 {strides = array<i32>} : memref<4x128xi32, #tpu.memory_space<vmem>>, vector<1x16xi32>,
    %get3A_109 = arith.constant 96 : index
    %get3A_110 = tpu.vector_load %arg6[%get3A_109] {strides = array<i32>} : memref<512xi32, #tpu.memory_space<vmem>>, vector<16xi32>,
    %get3A_111 = vector.shape_cast %get3A_110 : vector<16xi32> to vector<16xi32>
    %mul3A_112 = arith.constant 1000 : i32
    %mul3A_113 = vector.broadcast %mul3A_112 : i32 to vector<16xi32>
    %mul3A_114 = arith.muli %get3A_111, %mul3A_113 : vector<16xi32>
    %get3A_115 = arith.constant 96 : index
    %get3A_116 = tpu.vector_load %arg7[%get3A_115] {strides = array<i32>} : memref<512xi32, #tpu.memory_space<vmem>>, vector<16xi32>,
    %get3A_117 = vector.shape_cast %get3A_116 : vector<16xi32> to vector<16xi32>
    %add3A_118 = arith.addi %mul3A_114, %get3A_117 : vector<16xi32>
    %swap3A_119 = arith.constant 0 : i32
    %swap3A_120 = arith.index_cast %swap3A_119 : i32 to index
    %swap3A_121 = arith.constant 96 : index
    %swap3A_122 = tpu.vector_load %arg9[%swap3A_120, %swap3A_121] {strides = array<i32>} : memref<4x128xi32, #tpu.memory_space<vmem>>, vector<1x16xi32>,
    %swap3A_123 = vector.shape_cast %swap3A_122 : vector<1x16xi32> to vector<16xi32>
    %swap3A_124 = vector.shape_cast %add3A_118 : vector<16xi32> to vector<1x16xi32>
    tpu.vector_store %arg9[%swap3A_120, %swap3A_121], %swap3A_124 {strides = array<i32>} : memref<4x128xi32, #tpu.memory_space<vmem>>, vector<1x16xi32>,
    %get3A_125 = arith.constant 112 : index
    %get3A_126 = tpu.vector_load %arg6[%get3A_125] {strides = array<i32>} : memref<512xi32, #tpu.memory_space<vmem>>, vector<16xi32>,
    %get3A_127 = vector.shape_cast %get3A_126 : vector<16xi32> to vector<16xi32>
    %mul3A_128 = arith.constant 1000 : i32
    %mul3A_129 = vector.broadcast %mul3A_128 : i32 to vector<16xi32>
    %mul3A_130 = arith.muli %get3A_127, %mul3A_129 : vector<16xi32>
    %get3A_131 = arith.constant 112 : index
    %get3A_132 = tpu.vector_load %arg7[%get3A_131] {strides = array<i32>} : memref<512xi32, #tpu.memory_space<vmem>>, vector<16xi32>,
    %get3A_133 = vector.shape_cast %get3A_132 : vector<16xi32> to vector<16xi32>
    %add3A_134 = arith.addi %mul3A_130, %get3A_133 : vector<16xi32>
    %swap3A_135 = arith.constant 0 : i32
    %swap3A_136 = arith.index_cast %swap3A_135 : i32 to index
    %swap3A_137 = arith.constant 112 : index
    %swap3A_138 = tpu.vector_load %arg9[%swap3A_136, %swap3A_137] {strides = array<i32>} : memref<4x128xi32, #tpu.memory_space<vmem>>, vector<1x16xi32>,
    %swap3A_139 = vector.shape_cast %swap3A_138 : vector<1x16xi32> to vector<16xi32>
    %swap3A_140 = vector.shape_cast %add3A_134 : vector<16xi32> to vector<1x16xi32>
    tpu.vector_store %arg9[%swap3A_136, %swap3A_137], %swap3A_140 {strides = array<i32>} : memref<4x128xi32, #tpu.memory_space<vmem>>, vector<1x16xi32>,
    %get3A_141 = arith.constant 128 : index
    %get3A_142 = tpu.vector_load %arg6[%get3A_141] {strides = array<i32>} : memref<512xi32, #tpu.memory_space<vmem>>, vector<16xi32>,
    %get3A_143 = vector.shape_cast %get3A_142 : vector<16xi32> to vector<16xi32>
    %mul3A_144 = arith.constant 1000 : i32
    %mul3A_145 = vector.broadcast %mul3A_144 : i32 to vector<16xi32>
    %mul3A_146 = arith.muli %get3A_143, %mul3A_145 : vector<16xi32>
    %get3A_147 = arith.constant 128 : index
    %get3A_148 = tpu.vector_load %arg7[%get3A_147] {strides = array<i32>} : memref<512xi32, #tpu.memory_space<vmem>>, vector<16xi32>,
    %get3A_149 = vector.shape_cast %get3A_148 : vector<16xi32> to vector<16xi32>
    %add3A_150 = arith.addi %mul3A_146, %get3A_149 : vector<16xi32>
    %swap3A_151 = arith.constant 1 : i32
    %swap3A_152 = arith.index_cast %swap3A_151 : i32 to index
    %swap3A_153 = arith.constant 0 : index
    %swap3A_154 = tpu.vector_load %arg9[%swap3A_152, %swap3A_153] {strides = array<i32>} : memref<4x128xi32, #tpu.memory_space<vmem>>, vector<1x16xi32>,
    %swap3A_155 = vector.shape_cast %swap3A_154 : vector<1x16xi32> to vector<16xi32>
    %swap3A_156 = vector.shape_cast %add3A_150 : vector<16xi32> to vector<1x16xi32>
    tpu.vector_store %arg9[%swap3A_152, %swap3A_153], %swap3A_156 {strides = array<i32>} : memref<4x128xi32, #tpu.memory_space<vmem>>, vector<1x16xi32>,
    %get3A_157 = arith.constant 144 : index
    %get3A_158 = tpu.vector_load %arg6[%get3A_157] {strides = array<i32>} : memref<512xi32, #tpu.memory_space<vmem>>, vector<16xi32>,
    %get3A_159 = vector.shape_cast %get3A_158 : vector<16xi32> to vector<16xi32>
    %mul3A_160 = arith.constant 1000 : i32
    %mul3A_161 = vector.broadcast %mul3A_160 : i32 to vector<16xi32>
    %mul3A_162 = arith.muli %get3A_159, %mul3A_161 : vector<16xi32>
    %get3A_163 = arith.constant 144 : index
    %get3A_164 = tpu.vector_load %arg7[%get3A_163] {strides = array<i32>} : memref<512xi32, #tpu.memory_space<vmem>>, vector<16xi32>,
    %get3A_165 = vector.shape_cast %get3A_164 : vector<16xi32> to vector<16xi32>
    %add3A_166 = arith.addi %mul3A_162, %get3A_165 : vector<16xi32>
    %swap3A_167 = arith.constant 1 : i32
    %swap3A_168 = arith.index_cast %swap3A_167 : i32 to index
    %swap3A_169 = arith.constant 16 : index
    %swap3A_170 = tpu.vector_load %arg9[%swap3A_168, %swap3A_169] {strides = array<i32>} : memref<4x128xi32, #tpu.memory_space<vmem>>, vector<1x16xi32>,
    %swap3A_171 = vector.shape_cast %swap3A_170 : vector<1x16xi32> to vector<16xi32>
    %swap3A_172 = vector.shape_cast %add3A_166 : vector<16xi32> to vector<1x16xi32>
    tpu.vector_store %arg9[%swap3A_168, %swap3A_169], %swap3A_172 {strides = array<i32>} : memref<4x128xi32, #tpu.memory_space<vmem>>, vector<1x16xi32>,
    %get3A_173 = arith.constant 160 : index
    %get3A_174 = tpu.vector_load %arg6[%get3A_173] {strides = array<i32>} : memref<512xi32, #tpu.memory_space<vmem>>, vector<16xi32>,
    %get3A_175 = vector.shape_cast %get3A_174 : vector<16xi32> to vector<16xi32>
    %mul3A_176 = arith.constant 1000 : i32
    %mul3A_177 = vector.broadcast %mul3A_176 : i32 to vector<16xi32>
    %mul3A_178 = arith.muli %get3A_175, %mul3A_177 : vector<16xi32>
    %get3A_179 = arith.constant 160 : index
    %get3A_180 = tpu.vector_load %arg7[%get3A_179] {strides = array<i32>} : memref<512xi32, #tpu.memory_space<vmem>>, vector<16xi32>,
    %get3A_181 = vector.shape_cast %get3A_180 : vector<16xi32> to vector<16xi32>
    %add3A_182 = arith.addi %mul3A_178, %get3A_181 : vector<16xi32>
    %swap3A_183 = arith.constant 1 : i32
    %swap3A_184 = arith.index_cast %swap3A_183 : i32 to index
    %swap3A_185 = arith.constant 32 : index
    %swap3A_186 = tpu.vector_load %arg9[%swap3A_184, %swap3A_185] {strides = array<i32>} : memref<4x128xi32, #tpu.memory_space<vmem>>, vector<1x16xi32>,
    %swap3A_187 = vector.shape_cast %swap3A_186 : vector<1x16xi32> to vector<16xi32>
    %swap3A_188 = vector.shape_cast %add3A_182 : vector<16xi32> to vector<1x16xi32>
    tpu.vector_store %arg9[%swap3A_184, %swap3A_185], %swap3A_188 {strides = array<i32>} : memref<4x128xi32, #tpu.memory_space<vmem>>, vector<1x16xi32>,
    %get3A_189 = arith.constant 176 : index
    %get3A_190 = tpu.vector_load %arg6[%get3A_189] {strides = array<i32>} : memref<512xi32, #tpu.memory_space<vmem>>, vector<16xi32>,
    %get3A_191 = vector.shape_cast %get3A_190 : vector<16xi32> to vector<16xi32>
    %mul3A_192 = arith.constant 1000 : i32
    %mul3A_193 = vector.broadcast %mul3A_192 : i32 to vector<16xi32>
    %mul3A_194 = arith.muli %get3A_191, %mul3A_193 : vector<16xi32>
    %get3A_195 = arith.constant 176 : index
    %get3A_196 = tpu.vector_load %arg7[%get3A_195] {strides = array<i32>} : memref<512xi32, #tpu.memory_space<vmem>>, vector<16xi32>,
    %get3A_197 = vector.shape_cast %get3A_196 : vector<16xi32> to vector<16xi32>
    %add3A_198 = arith.addi %mul3A_194, %get3A_197 : vector<16xi32>
    %swap3A_199 = arith.constant 1 : i32
    %swap3A_200 = arith.index_cast %swap3A_199 : i32 to index
    %swap3A_201 = arith.constant 48 : index
    %swap3A_202 = tpu.vector_load %arg9[%swap3A_200, %swap3A_201] {strides = array<i32>} : memref<4x128xi32, #tpu.memory_space<vmem>>, vector<1x16xi32>,
    %swap3A_203 = vector.shape_cast %swap3A_202 : vector<1x16xi32> to vector<16xi32>
    %swap3A_204 = vector.shape_cast %add3A_198 : vector<16xi32> to vector<1x16xi32>
    tpu.vector_store %arg9[%swap3A_200, %swap3A_201], %swap3A_204 {strides = array<i32>} : memref<4x128xi32, #tpu.memory_space<vmem>>, vector<1x16xi32>,
    %get3A_205 = arith.constant 192 : index
    %get3A_206 = tpu.vector_load %arg6[%get3A_205] {strides = array<i32>} : memref<512xi32, #tpu.memory_space<vmem>>, vector<16xi32>,
    %get3A_207 = vector.shape_cast %get3A_206 : vector<16xi32> to vector<16xi32>
    %mul3A_208 = arith.constant 1000 : i32
    %mul3A_209 = vector.broadcast %mul3A_208 : i32 to vector<16xi32>
    %mul3A_210 = arith.muli %get3A_207, %mul3A_209 : vector<16xi32>
    %get3A_211 = arith.constant 192 : index
    %get3A_212 = tpu.vector_load %arg7[%get3A_211] {strides = array<i32>} : memref<512xi32, #tpu.memory_space<vmem>>, vector<16xi32>,
    %get3A_213 = vector.shape_cast %get3A_212 : vector<16xi32> to vector<16xi32>
    %add3A_214 = arith.addi %mul3A_210, %get3A_213 : vector<16xi32>
    %swap3A_215 = arith.constant 1 : i32
    %swap3A_216 = arith.index_cast %swap3A_215 : i32 to index
    %swap3A_217 = arith.constant 64 : index
    %swap3A_218 = tpu.vector_load %arg9[%swap3A_216, %swap3A_217] {strides = array<i32>} : memref<4x128xi32, #tpu.memory_space<vmem>>, vector<1x16xi32>,
    %swap3A_219 = vector.shape_cast %swap3A_218 : vector<1x16xi32> to vector<16xi32>
    %swap3A_220 = vector.shape_cast %add3A_214 : vector<16xi32> to vector<1x16xi32>
    tpu.vector_store %arg9[%swap3A_216, %swap3A_217], %swap3A_220 {strides = array<i32>} : memref<4x128xi32, #tpu.memory_space<vmem>>, vector<1x16xi32>,
    %get3A_221 = arith.constant 208 : index
    %get3A_222 = tpu.vector_load %arg6[%get3A_221] {strides = array<i32>} : memref<512xi32, #tpu.memory_space<vmem>>, vector<16xi32>,
    %get3A_223 = vector.shape_cast %get3A_222 : vector<16xi32> to vector<16xi32>
    %mul3A_224 = arith.constant 1000 : i32
    %mul3A_225 = vector.broadcast %mul3A_224 : i32 to vector<16xi32>
    %mul3A_226 = arith.muli %get3A_223, %mul3A_225 : vector<16xi32>
    %get3A_227 = arith.constant 208 : index
    %get3A_228 = tpu.vector_load %arg7[%get3A_227] {strides = array<i32>} : memref<512xi32, #tpu.memory_space<vmem>>, vector<16xi32>,
    %get3A_229 = vector.shape_cast %get3A_228 : vector<16xi32> to vector<16xi32>
    %add3A_230 = arith.addi %mul3A_226, %get3A_229 : vector<16xi32>
    %swap3A_231 = arith.constant 1 : i32
    %swap3A_232 = arith.index_cast %swap3A_231 : i32 to index
    %swap3A_233 = arith.constant 80 : index
    %swap3A_234 = tpu.vector_load %arg9[%swap3A_232, %swap3A_233] {strides = array<i32>} : memref<4x128xi32, #tpu.memory_space<vmem>>, vector<1x16xi32>,
    %swap3A_235 = vector.shape_cast %swap3A_234 : vector<1x16xi32> to vector<16xi32>
    %swap3A_236 = vector.shape_cast %add3A_230 : vector<16xi32> to vector<1x16xi32>
    tpu.vector_store %arg9[%swap3A_232, %swap3A_233], %swap3A_236 {strides = array<i32>} : memref<4x128xi32, #tpu.memory_space<vmem>>, vector<1x16xi32>,
    %get3A_237 = arith.constant 224 : index
    %get3A_238 = tpu.vector_load %arg6[%get3A_237] {strides = array<i32>} : memref<512xi32, #tpu.memory_space<vmem>>, vector<16xi32>,
    %get3A_239 = vector.shape_cast %get3A_238 : vector<16xi32> to vector<16xi32>
    %mul3A_240 = arith.constant 1000 : i32
    %mul3A_241 = vector.broadcast %mul3A_240 : i32 to vector<16xi32>
    %mul3A_242 = arith.muli %get3A_239, %mul3A_241 : vector<16xi32>
    %get3A_243 = arith.constant 224 : index
    %get3A_244 = tpu.vector_load %arg7[%get3A_243] {strides = array<i32>} : memref<512xi32, #tpu.memory_space<vmem>>, vector<16xi32>,
    %get3A_245 = vector.shape_cast %get3A_244 : vector<16xi32> to vector<16xi32>
    %add3A_246 = arith.addi %mul3A_242, %get3A_245 : vector<16xi32>
    %swap3A_247 = arith.constant 1 : i32
    %swap3A_248 = arith.index_cast %swap3A_247 : i32 to index
    %swap3A_249 = arith.constant 96 : index
    %swap3A_250 = tpu.vector_load %arg9[%swap3A_248, %swap3A_249] {strides = array<i32>} : memref<4x128xi32, #tpu.memory_space<vmem>>, vector<1x16xi32>,
    %swap3A_251 = vector.shape_cast %swap3A_250 : vector<1x16xi32> to vector<16xi32>
    %swap3A_252 = vector.shape_cast %add3A_246 : vector<16xi32> to vector<1x16xi32>
    tpu.vector_store %arg9[%swap3A_248, %swap3A_249], %swap3A_252 {strides = array<i32>} : memref<4x128xi32, #tpu.memory_space<vmem>>, vector<1x16xi32>,
    %get3A_253 = arith.constant 240 : index
    %get3A_254 = tpu.vector_load %arg6[%get3A_253] {strides = array<i32>} : memref<512xi32, #tpu.memory_space<vmem>>, vector<16xi32>,
    %get3A_255 = vector.shape_cast %get3A_254 : vector<16xi32> to vector<16xi32>
    %mul3A_256 = arith.constant 1000 : i32
    %mul3A_257 = vector.broadcast %mul3A_256 : i32 to vector<16xi32>
    %mul3A_258 = arith.muli %get3A_255, %mul3A_257 : vector<16xi32>
    %get3A_259 = arith.constant 240 : index
    %get3A_260 = tpu.vector_load %arg7[%get3A_259] {strides = array<i32>} : memref<512xi32, #tpu.memory_space<vmem>>, vector<16xi32>,
    %get3A_261 = vector.shape_cast %get3A_260 : vector<16xi32> to vector<16xi32>
    %add3A_262 = arith.addi %mul3A_258, %get3A_261 : vector<16xi32>
    %swap3A_263 = arith.constant 1 : i32
    %swap3A_264 = arith.index_cast %swap3A_263 : i32 to index
    %swap3A_265 = arith.constant 112 : index
    %swap3A_266 = tpu.vector_load %arg9[%swap3A_264, %swap3A_265] {strides = array<i32>} : memref<4x128xi32, #tpu.memory_space<vmem>>, vector<1x16xi32>,
    %swap3A_267 = vector.shape_cast %swap3A_266 : vector<1x16xi32> to vector<16xi32>
    %swap3A_268 = vector.shape_cast %add3A_262 : vector<16xi32> to vector<1x16xi32>
    tpu.vector_store %arg9[%swap3A_264, %swap3A_265], %swap3A_268 {strides = array<i32>} : memref<4x128xi32, #tpu.memory_space<vmem>>, vector<1x16xi32>,
    %get3A_269 = arith.constant 256 : index
    %get3A_270 = tpu.vector_load %arg6[%get3A_269] {strides = array<i32>} : memref<512xi32, #tpu.memory_space<vmem>>, vector<16xi32>,
    %get3A_271 = vector.shape_cast %get3A_270 : vector<16xi32> to vector<16xi32>
    %mul3A_272 = arith.constant 1000 : i32
    %mul3A_273 = vector.broadcast %mul3A_272 : i32 to vector<16xi32>
    %mul3A_274 = arith.muli %get3A_271, %mul3A_273 : vector<16xi32>
    %get3A_275 = arith.constant 256 : index
    %get3A_276 = tpu.vector_load %arg7[%get3A_275] {strides = array<i32>} : memref<512xi32, #tpu.memory_space<vmem>>, vector<16xi32>,
    %get3A_277 = vector.shape_cast %get3A_276 : vector<16xi32> to vector<16xi32>
    %add3A_278 = arith.addi %mul3A_274, %get3A_277 : vector<16xi32>
    %swap3A_279 = arith.constant 2 : i32
    %swap3A_280 = arith.index_cast %swap3A_279 : i32 to index
    %swap3A_281 = arith.constant 0 : index
    %swap3A_282 = tpu.vector_load %arg9[%swap3A_280, %swap3A_281] {strides = array<i32>} : memref<4x128xi32, #tpu.memory_space<vmem>>, vector<1x16xi32>,
    %swap3A_283 = vector.shape_cast %swap3A_282 : vector<1x16xi32> to vector<16xi32>
    %swap3A_284 = vector.shape_cast %add3A_278 : vector<16xi32> to vector<1x16xi32>
    tpu.vector_store %arg9[%swap3A_280, %swap3A_281], %swap3A_284 {strides = array<i32>} : memref<4x128xi32, #tpu.memory_space<vmem>>, vector<1x16xi32>,
    %get3A_285 = arith.constant 272 : index
    %get3A_286 = tpu.vector_load %arg6[%get3A_285] {strides = array<i32>} : memref<512xi32, #tpu.memory_space<vmem>>, vector<16xi32>,
    %get3A_287 = vector.shape_cast %get3A_286 : vector<16xi32> to vector<16xi32>
    %mul3A_288 = arith.constant 1000 : i32
    %mul3A_289 = vector.broadcast %mul3A_288 : i32 to vector<16xi32>
    %mul3A_290 = arith.muli %get3A_287, %mul3A_289 : vector<16xi32>
    %get3A_291 = arith.constant 272 : index
    %get3A_292 = tpu.vector_load %arg7[%get3A_291] {strides = array<i32>} : memref<512xi32, #tpu.memory_space<vmem>>, vector<16xi32>,
    %get3A_293 = vector.shape_cast %get3A_292 : vector<16xi32> to vector<16xi32>
    %add3A_294 = arith.addi %mul3A_290, %get3A_293 : vector<16xi32>
    %swap3A_295 = arith.constant 2 : i32
    %swap3A_296 = arith.index_cast %swap3A_295 : i32 to index
    %swap3A_297 = arith.constant 16 : index
    %swap3A_298 = tpu.vector_load %arg9[%swap3A_296, %swap3A_297] {strides = array<i32>} : memref<4x128xi32, #tpu.memory_space<vmem>>, vector<1x16xi32>,
    %swap3A_299 = vector.shape_cast %swap3A_298 : vector<1x16xi32> to vector<16xi32>
    %swap3A_300 = vector.shape_cast %add3A_294 : vector<16xi32> to vector<1x16xi32>
    tpu.vector_store %arg9[%swap3A_296, %swap3A_297], %swap3A_300 {strides = array<i32>} : memref<4x128xi32, #tpu.memory_space<vmem>>, vector<1x16xi32>,
    %get3A_301 = arith.constant 288 : index
    %get3A_302 = tpu.vector_load %arg6[%get3A_301] {strides = array<i32>} : memref<512xi32, #tpu.memory_space<vmem>>, vector<16xi32>,
    %get3A_303 = vector.shape_cast %get3A_302 : vector<16xi32> to vector<16xi32>
    %mul3A_304 = arith.constant 1000 : i32
    %mul3A_305 = vector.broadcast %mul3A_304 : i32 to vector<16xi32>
    %mul3A_306 = arith.muli %get3A_303, %mul3A_305 : vector<16xi32>
    %get3A_307 = arith.constant 288 : index
    %get3A_308 = tpu.vector_load %arg7[%get3A_307] {strides = array<i32>} : memref<512xi32, #tpu.memory_space<vmem>>, vector<16xi32>,
    %get3A_309 = vector.shape_cast %get3A_308 : vector<16xi32> to vector<16xi32>
    %add3A_310 = arith.addi %mul3A_306, %get3A_309 : vector<16xi32>
    %swap3A_311 = arith.constant 2 : i32
    %swap3A_312 = arith.index_cast %swap3A_311 : i32 to index
    %swap3A_313 = arith.constant 32 : index
    %swap3A_314 = tpu.vector_load %arg9[%swap3A_312, %swap3A_313] {strides = array<i32>} : memref<4x128xi32, #tpu.memory_space<vmem>>, vector<1x16xi32>,
    %swap3A_315 = vector.shape_cast %swap3A_314 : vector<1x16xi32> to vector<16xi32>
    %swap3A_316 = vector.shape_cast %add3A_310 : vector<16xi32> to vector<1x16xi32>
    tpu.vector_store %arg9[%swap3A_312, %swap3A_313], %swap3A_316 {strides = array<i32>} : memref<4x128xi32, #tpu.memory_space<vmem>>, vector<1x16xi32>,
    %get3A_317 = arith.constant 304 : index
    %get3A_318 = tpu.vector_load %arg6[%get3A_317] {strides = array<i32>} : memref<512xi32, #tpu.memory_space<vmem>>, vector<16xi32>,
    %get3A_319 = vector.shape_cast %get3A_318 : vector<16xi32> to vector<16xi32>
    %mul3A_320 = arith.constant 1000 : i32
    %mul3A_321 = vector.broadcast %mul3A_320 : i32 to vector<16xi32>
    %mul3A_322 = arith.muli %get3A_319, %mul3A_321 : vector<16xi32>
    %get3A_323 = arith.constant 304 : index
    %get3A_324 = tpu.vector_load %arg7[%get3A_323] {strides = array<i32>} : memref<512xi32, #tpu.memory_space<vmem>>, vector<16xi32>,
    %get3A_325 = vector.shape_cast %get3A_324 : vector<16xi32> to vector<16xi32>
    %add3A_326 = arith.addi %mul3A_322, %get3A_325 : vector<16xi32>
    %swap3A_327 = arith.constant 2 : i32
    %swap3A_328 = arith.index_cast %swap3A_327 : i32 to index
    %swap3A_329 = arith.constant 48 : index
    %swap3A_330 = tpu.vector_load %arg9[%swap3A_328, %swap3A_329] {strides = array<i32>} : memref<4x128xi32, #tpu.memory_space<vmem>>, vector<1x16xi32>,
    %swap3A_331 = vector.shape_cast %swap3A_330 : vector<1x16xi32> to vector<16xi32>
    %swap3A_332 = vector.shape_cast %add3A_326 : vector<16xi32> to vector<1x16xi32>
    tpu.vector_store %arg9[%swap3A_328, %swap3A_329], %swap3A_332 {strides = array<i32>} : memref<4x128xi32, #tpu.memory_space<vmem>>, vector<1x16xi32>,
    %get3A_333 = arith.constant 320 : index
    %get3A_334 = tpu.vector_load %arg6[%get3A_333] {strides = array<i32>} : memref<512xi32, #tpu.memory_space<vmem>>, vector<16xi32>,
    %get3A_335 = vector.shape_cast %get3A_334 : vector<16xi32> to vector<16xi32>
    %mul3A_336 = arith.constant 1000 : i32
    %mul3A_337 = vector.broadcast %mul3A_336 : i32 to vector<16xi32>
    %mul3A_338 = arith.muli %get3A_335, %mul3A_337 : vector<16xi32>
    %get3A_339 = arith.constant 320 : index
    %get3A_340 = tpu.vector_load %arg7[%get3A_339] {strides = array<i32>} : memref<512xi32, #tpu.memory_space<vmem>>, vector<16xi32>,
    %get3A_341 = vector.shape_cast %get3A_340 : vector<16xi32> to vector<16xi32>
    %add3A_342 = arith.addi %mul3A_338, %get3A_341 : vector<16xi32>
    %swap3A_343 = arith.constant 2 : i32
    %swap3A_344 = arith.index_cast %swap3A_343 : i32 to index
    %swap3A_345 = arith.constant 64 : index
    %swap3A_346 = tpu.vector_load %arg9[%swap3A_344, %swap3A_345] {strides = array<i32>} : memref<4x128xi32, #tpu.memory_space<vmem>>, vector<1x16xi32>,
    %swap3A_347 = vector.shape_cast %swap3A_346 : vector<1x16xi32> to vector<16xi32>
    %swap3A_348 = vector.shape_cast %add3A_342 : vector<16xi32> to vector<1x16xi32>
    tpu.vector_store %arg9[%swap3A_344, %swap3A_345], %swap3A_348 {strides = array<i32>} : memref<4x128xi32, #tpu.memory_space<vmem>>, vector<1x16xi32>,
    %get3A_349 = arith.constant 336 : index
    %get3A_350 = tpu.vector_load %arg6[%get3A_349] {strides = array<i32>} : memref<512xi32, #tpu.memory_space<vmem>>, vector<16xi32>,
    %get3A_351 = vector.shape_cast %get3A_350 : vector<16xi32> to vector<16xi32>
    %mul3A_352 = arith.constant 1000 : i32
    %mul3A_353 = vector.broadcast %mul3A_352 : i32 to vector<16xi32>
    %mul3A_354 = arith.muli %get3A_351, %mul3A_353 : vector<16xi32>
    %get3A_355 = arith.constant 336 : index
    %get3A_356 = tpu.vector_load %arg7[%get3A_355] {strides = array<i32>} : memref<512xi32, #tpu.memory_space<vmem>>, vector<16xi32>,
    %get3A_357 = vector.shape_cast %get3A_356 : vector<16xi32> to vector<16xi32>
    %add3A_358 = arith.addi %mul3A_354, %get3A_357 : vector<16xi32>
    %swap3A_359 = arith.constant 2 : i32
    %swap3A_360 = arith.index_cast %swap3A_359 : i32 to index
    %swap3A_361 = arith.constant 80 : index
    %swap3A_362 = tpu.vector_load %arg9[%swap3A_360, %swap3A_361] {strides = array<i32>} : memref<4x128xi32, #tpu.memory_space<vmem>>, vector<1x16xi32>,
    %swap3A_363 = vector.shape_cast %swap3A_362 : vector<1x16xi32> to vector<16xi32>
    %swap3A_364 = vector.shape_cast %add3A_358 : vector<16xi32> to vector<1x16xi32>
    tpu.vector_store %arg9[%swap3A_360, %swap3A_361], %swap3A_364 {strides = array<i32>} : memref<4x128xi32, #tpu.memory_space<vmem>>, vector<1x16xi32>,
    %get3A_365 = arith.constant 352 : index
    %get3A_366 = tpu.vector_load %arg6[%get3A_365] {strides = array<i32>} : memref<512xi32, #tpu.memory_space<vmem>>, vector<16xi32>,
    %get3A_367 = vector.shape_cast %get3A_366 : vector<16xi32> to vector<16xi32>
    %mul3A_368 = arith.constant 1000 : i32
    %mul3A_369 = vector.broadcast %mul3A_368 : i32 to vector<16xi32>
    %mul3A_370 = arith.muli %get3A_367, %mul3A_369 : vector<16xi32>
    %get3A_371 = arith.constant 352 : index
    %get3A_372 = tpu.vector_load %arg7[%get3A_371] {strides = array<i32>} : memref<512xi32, #tpu.memory_space<vmem>>, vector<16xi32>,
    %get3A_373 = vector.shape_cast %get3A_372 : vector<16xi32> to vector<16xi32>
    %add3A_374 = arith.addi %mul3A_370, %get3A_373 : vector<16xi32>
    %swap3A_375 = arith.constant 2 : i32
    %swap3A_376 = arith.index_cast %swap3A_375 : i32 to index
    %swap3A_377 = arith.constant 96 : index
    %swap3A_378 = tpu.vector_load %arg9[%swap3A_376, %swap3A_377] {strides = array<i32>} : memref<4x128xi32, #tpu.memory_space<vmem>>, vector<1x16xi32>,
    %swap3A_379 = vector.shape_cast %swap3A_378 : vector<1x16xi32> to vector<16xi32>
    %swap3A_380 = vector.shape_cast %add3A_374 : vector<16xi32> to vector<1x16xi32>
    tpu.vector_store %arg9[%swap3A_376, %swap3A_377], %swap3A_380 {strides = array<i32>} : memref<4x128xi32, #tpu.memory_space<vmem>>, vector<1x16xi32>,
    %get3A_381 = arith.constant 368 : index
    %get3A_382 = tpu.vector_load %arg6[%get3A_381] {strides = array<i32>} : memref<512xi32, #tpu.memory_space<vmem>>, vector<16xi32>,
    %get3A_383 = vector.shape_cast %get3A_382 : vector<16xi32> to vector<16xi32>
    %mul3A_384 = arith.constant 1000 : i32
    %mul3A_385 = vector.broadcast %mul3A_384 : i32 to vector<16xi32>
    %mul3A_386 = arith.muli %get3A_383, %mul3A_385 : vector<16xi32>
    %get3A_387 = arith.constant 368 : index
    %get3A_388 = tpu.vector_load %arg7[%get3A_387] {strides = array<i32>} : memref<512xi32, #tpu.memory_space<vmem>>, vector<16xi32>,
    %get3A_389 = vector.shape_cast %get3A_388 : vector<16xi32> to vector<16xi32>
    %add3A_390 = arith.addi %mul3A_386, %get3A_389 : vector<16xi32>
    %swap3A_391 = arith.constant 2 : i32
    %swap3A_392 = arith.index_cast %swap3A_391 : i32 to index
    %swap3A_393 = arith.constant 112 : index
    %swap3A_394 = tpu.vector_load %arg9[%swap3A_392, %swap3A_393] {strides = array<i32>} : memref<4x128xi32, #tpu.memory_space<vmem>>, vector<1x16xi32>,
    %swap3A_395 = vector.shape_cast %swap3A_394 : vector<1x16xi32> to vector<16xi32>
    %swap3A_396 = vector.shape_cast %add3A_390 : vector<16xi32> to vector<1x16xi32>
    tpu.vector_store %arg9[%swap3A_392, %swap3A_393], %swap3A_396 {strides = array<i32>} : memref<4x128xi32, #tpu.memory_space<vmem>>, vector<1x16xi32>,
    %get3A_397 = arith.constant 384 : index
    %get3A_398 = tpu.vector_load %arg6[%get3A_397] {strides = array<i32>} : memref<512xi32, #tpu.memory_space<vmem>>, vector<16xi32>,
    %get3A_399 = vector.shape_cast %get3A_398 : vector<16xi32> to vector<16xi32>
    %mul3A_400 = arith.constant 1000 : i32
    %mul3A_401 = vector.broadcast %mul3A_400 : i32 to vector<16xi32>
    %mul3A_402 = arith.muli %get3A_399, %mul3A_401 : vector<16xi32>
    %get3A_403 = arith.constant 384 : index
    %get3A_404 = tpu.vector_load %arg7[%get3A_403] {strides = array<i32>} : memref<512xi32, #tpu.memory_space<vmem>>, vector<16xi32>,
    %get3A_405 = vector.shape_cast %get3A_404 : vector<16xi32> to vector<16xi32>
    %add3A_406 = arith.addi %mul3A_402, %get3A_405 : vector<16xi32>
    %swap3A_407 = arith.constant 3 : i32
    %swap3A_408 = arith.index_cast %swap3A_407 : i32 to index
    %swap3A_409 = arith.constant 0 : index
    %swap3A_410 = tpu.vector_load %arg9[%swap3A_408, %swap3A_409] {strides = array<i32>} : memref<4x128xi32, #tpu.memory_space<vmem>>, vector<1x16xi32>,
    %swap3A_411 = vector.shape_cast %swap3A_410 : vector<1x16xi32> to vector<16xi32>
    %swap3A_412 = vector.shape_cast %add3A_406 : vector<16xi32> to vector<1x16xi32>
    tpu.vector_store %arg9[%swap3A_408, %swap3A_409], %swap3A_412 {strides = array<i32>} : memref<4x128xi32, #tpu.memory_space<vmem>>, vector<1x16xi32>,
    %get3A_413 = arith.constant 400 : index
    %get3A_414 = tpu.vector_load %arg6[%get3A_413] {strides = array<i32>} : memref<512xi32, #tpu.memory_space<vmem>>, vector<16xi32>,
    %get3A_415 = vector.shape_cast %get3A_414 : vector<16xi32> to vector<16xi32>
    %mul3A_416 = arith.constant 1000 : i32
    %mul3A_417 = vector.broadcast %mul3A_416 : i32 to vector<16xi32>
    %mul3A_418 = arith.muli %get3A_415, %mul3A_417 : vector<16xi32>
    %get3A_419 = arith.constant 400 : index
    %get3A_420 = tpu.vector_load %arg7[%get3A_419] {strides = array<i32>} : memref<512xi32, #tpu.memory_space<vmem>>, vector<16xi32>,
    %get3A_421 = vector.shape_cast %get3A_420 : vector<16xi32> to vector<16xi32>
    %add3A_422 = arith.addi %mul3A_418, %get3A_421 : vector<16xi32>
    %swap3A_423 = arith.constant 3 : i32
    %swap3A_424 = arith.index_cast %swap3A_423 : i32 to index
    %swap3A_425 = arith.constant 16 : index
    %swap3A_426 = tpu.vector_load %arg9[%swap3A_424, %swap3A_425] {strides = array<i32>} : memref<4x128xi32, #tpu.memory_space<vmem>>, vector<1x16xi32>,
    %swap3A_427 = vector.shape_cast %swap3A_426 : vector<1x16xi32> to vector<16xi32>
    %swap3A_428 = vector.shape_cast %add3A_422 : vector<16xi32> to vector<1x16xi32>
    tpu.vector_store %arg9[%swap3A_424, %swap3A_425], %swap3A_428 {strides = array<i32>} : memref<4x128xi32, #tpu.memory_space<vmem>>, vector<1x16xi32>,
    %get3A_429 = arith.constant 416 : index
    %get3A_430 = tpu.vector_load %arg6[%get3A_429] {strides = array<i32>} : memref<512xi32, #tpu.memory_space<vmem>>, vector<16xi32>,
    %get3A_431 = vector.shape_cast %get3A_430 : vector<16xi32> to vector<16xi32>
    %mul3A_432 = arith.constant 1000 : i32
    %mul3A_433 = vector.broadcast %mul3A_432 : i32 to vector<16xi32>
    %mul3A_434 = arith.muli %get3A_431, %mul3A_433 : vector<16xi32>
    %get3A_435 = arith.constant 416 : index
    %get3A_436 = tpu.vector_load %arg7[%get3A_435] {strides = array<i32>} : memref<512xi32, #tpu.memory_space<vmem>>, vector<16xi32>,
    %get3A_437 = vector.shape_cast %get3A_436 : vector<16xi32> to vector<16xi32>
    %add3A_438 = arith.addi %mul3A_434, %get3A_437 : vector<16xi32>
    %swap3A_439 = arith.constant 3 : i32
    %swap3A_440 = arith.index_cast %swap3A_439 : i32 to index
    %swap3A_441 = arith.constant 32 : index
    %swap3A_442 = tpu.vector_load %arg9[%swap3A_440, %swap3A_441] {strides = array<i32>} : memref<4x128xi32, #tpu.memory_space<vmem>>, vector<1x16xi32>,
    %swap3A_443 = vector.shape_cast %swap3A_442 : vector<1x16xi32> to vector<16xi32>
    %swap3A_444 = vector.shape_cast %add3A_438 : vector<16xi32> to vector<1x16xi32>
    tpu.vector_store %arg9[%swap3A_440, %swap3A_441], %swap3A_444 {strides = array<i32>} : memref<4x128xi32, #tpu.memory_space<vmem>>, vector<1x16xi32>,
    %get3A_445 = arith.constant 432 : index
    %get3A_446 = tpu.vector_load %arg6[%get3A_445] {strides = array<i32>} : memref<512xi32, #tpu.memory_space<vmem>>, vector<16xi32>,
    %get3A_447 = vector.shape_cast %get3A_446 : vector<16xi32> to vector<16xi32>
    %mul3A_448 = arith.constant 1000 : i32
    %mul3A_449 = vector.broadcast %mul3A_448 : i32 to vector<16xi32>
    %mul3A_450 = arith.muli %get3A_447, %mul3A_449 : vector<16xi32>
    %get3A_451 = arith.constant 432 : index
    %get3A_452 = tpu.vector_load %arg7[%get3A_451] {strides = array<i32>} : memref<512xi32, #tpu.memory_space<vmem>>, vector<16xi32>,
    %get3A_453 = vector.shape_cast %get3A_452 : vector<16xi32> to vector<16xi32>
    %add3A_454 = arith.addi %mul3A_450, %get3A_453 : vector<16xi32>
    %swap3A_455 = arith.constant 3 : i32
    %swap3A_456 = arith.index_cast %swap3A_455 : i32 to index
    %swap3A_457 = arith.constant 48 : index
    %swap3A_458 = tpu.vector_load %arg9[%swap3A_456, %swap3A_457] {strides = array<i32>} : memref<4x128xi32, #tpu.memory_space<vmem>>, vector<1x16xi32>,
    %swap3A_459 = vector.shape_cast %swap3A_458 : vector<1x16xi32> to vector<16xi32>
    %swap3A_460 = vector.shape_cast %add3A_454 : vector<16xi32> to vector<1x16xi32>
    tpu.vector_store %arg9[%swap3A_456, %swap3A_457], %swap3A_460 {strides = array<i32>} : memref<4x128xi32, #tpu.memory_space<vmem>>, vector<1x16xi32>,
    %get3A_461 = arith.constant 448 : index
    %get3A_462 = tpu.vector_load %arg6[%get3A_461] {strides = array<i32>} : memref<512xi32, #tpu.memory_space<vmem>>, vector<16xi32>,
    %get3A_463 = vector.shape_cast %get3A_462 : vector<16xi32> to vector<16xi32>
    %mul3A_464 = arith.constant 1000 : i32
    %mul3A_465 = vector.broadcast %mul3A_464 : i32 to vector<16xi32>
    %mul3A_466 = arith.muli %get3A_463, %mul3A_465 : vector<16xi32>
    %get3A_467 = arith.constant 448 : index
    %get3A_468 = tpu.vector_load %arg7[%get3A_467] {strides = array<i32>} : memref<512xi32, #tpu.memory_space<vmem>>, vector<16xi32>,
    %get3A_469 = vector.shape_cast %get3A_468 : vector<16xi32> to vector<16xi32>
    %add3A_470 = arith.addi %mul3A_466, %get3A_469 : vector<16xi32>
    %swap3A_471 = arith.constant 3 : i32
    %swap3A_472 = arith.index_cast %swap3A_471 : i32 to index
    %swap3A_473 = arith.constant 64 : index
    %swap3A_474 = tpu.vector_load %arg9[%swap3A_472, %swap3A_473] {strides = array<i32>} : memref<4x128xi32, #tpu.memory_space<vmem>>, vector<1x16xi32>,
    %swap3A_475 = vector.shape_cast %swap3A_474 : vector<1x16xi32> to vector<16xi32>
    %swap3A_476 = vector.shape_cast %add3A_470 : vector<16xi32> to vector<1x16xi32>
    tpu.vector_store %arg9[%swap3A_472, %swap3A_473], %swap3A_476 {strides = array<i32>} : memref<4x128xi32, #tpu.memory_space<vmem>>, vector<1x16xi32>,
    %get3A_477 = arith.constant 464 : index
    %get3A_478 = tpu.vector_load %arg6[%get3A_477] {strides = array<i32>} : memref<512xi32, #tpu.memory_space<vmem>>, vector<16xi32>,
    %get3A_479 = vector.shape_cast %get3A_478 : vector<16xi32> to vector<16xi32>
    %mul3A_480 = arith.constant 1000 : i32
    %mul3A_481 = vector.broadcast %mul3A_480 : i32 to vector<16xi32>
    %mul3A_482 = arith.muli %get3A_479, %mul3A_481 : vector<16xi32>
    %get3A_483 = arith.constant 464 : index
    %get3A_484 = tpu.vector_load %arg7[%get3A_483] {strides = array<i32>} : memref<512xi32, #tpu.memory_space<vmem>>, vector<16xi32>,
    %get3A_485 = vector.shape_cast %get3A_484 : vector<16xi32> to vector<16xi32>
    %add3A_486 = arith.addi %mul3A_482, %get3A_485 : vector<16xi32>
    %swap3A_487 = arith.constant 3 : i32
    %swap3A_488 = arith.index_cast %swap3A_487 : i32 to index
    %swap3A_489 = arith.constant 80 : index
    %swap3A_490 = tpu.vector_load %arg9[%swap3A_488, %swap3A_489] {strides = array<i32>} : memref<4x128xi32, #tpu.memory_space<vmem>>, vector<1x16xi32>,
    %swap3A_491 = vector.shape_cast %swap3A_490 : vector<1x16xi32> to vector<16xi32>
    %swap3A_492 = vector.shape_cast %add3A_486 : vector<16xi32> to vector<1x16xi32>
    tpu.vector_store %arg9[%swap3A_488, %swap3A_489], %swap3A_492 {strides = array<i32>} : memref<4x128xi32, #tpu.memory_space<vmem>>, vector<1x16xi32>,
    %get3A_493 = arith.constant 480 : index
    %get3A_494 = tpu.vector_load %arg6[%get3A_493] {strides = array<i32>} : memref<512xi32, #tpu.memory_space<vmem>>, vector<16xi32>,
    %get3A_495 = vector.shape_cast %get3A_494 : vector<16xi32> to vector<16xi32>
    %mul3A_496 = arith.constant 1000 : i32
    %mul3A_497 = vector.broadcast %mul3A_496 : i32 to vector<16xi32>
    %mul3A_498 = arith.muli %get3A_495, %mul3A_497 : vector<16xi32>
    %get3A_499 = arith.constant 480 : index
    %get3A_500 = tpu.vector_load %arg7[%get3A_499] {strides = array<i32>} : memref<512xi32, #tpu.memory_space<vmem>>, vector<16xi32>,
    %get3A_501 = vector.shape_cast %get3A_500 : vector<16xi32> to vector<16xi32>
    %add3A_502 = arith.addi %mul3A_498, %get3A_501 : vector<16xi32>
    %swap3A_503 = arith.constant 3 : i32
    %swap3A_504 = arith.index_cast %swap3A_503 : i32 to index
    %swap3A_505 = arith.constant 96 : index
    %swap3A_506 = tpu.vector_load %arg9[%swap3A_504, %swap3A_505] {strides = array<i32>} : memref<4x128xi32, #tpu.memory_space<vmem>>, vector<1x16xi32>,
    %swap3A_507 = vector.shape_cast %swap3A_506 : vector<1x16xi32> to vector<16xi32>
    %swap3A_508 = vector.shape_cast %add3A_502 : vector<16xi32> to vector<1x16xi32>
    tpu.vector_store %arg9[%swap3A_504, %swap3A_505], %swap3A_508 {strides = array<i32>} : memref<4x128xi32, #tpu.memory_space<vmem>>, vector<1x16xi32>,
    %get3A_509 = arith.constant 496 : index
    %get3A_510 = tpu.vector_load %arg6[%get3A_509] {strides = array<i32>} : memref<512xi32, #tpu.memory_space<vmem>>, vector<16xi32>,
    %get3A_511 = vector.shape_cast %get3A_510 : vector<16xi32> to vector<16xi32>
    %mul3A_512 = arith.constant 1000 : i32
    %mul3A_513 = vector.broadcast %mul3A_512 : i32 to vector<16xi32>
    %mul3A_514 = arith.muli %get3A_511, %mul3A_513 : vector<16xi32>
    %get3A_515 = arith.constant 496 : index
    %get3A_516 = tpu.vector_load %arg7[%get3A_515] {strides = array<i32>} : memref<512xi32, #tpu.memory_space<vmem>>, vector<16xi32>,
    %get3A_517 = vector.shape_cast %get3A_516 : vector<16xi32> to vector<16xi32>
    %add3A_518 = arith.addi %mul3A_514, %get3A_517 : vector<16xi32>
    %swap3A_519 = arith.constant 3 : i32
    %swap3A_520 = arith.index_cast %swap3A_519 : i32 to index
    %swap3A_521 = arith.constant 112 : index
    %swap3A_522 = tpu.vector_load %arg9[%swap3A_520, %swap3A_521] {strides = array<i32>} : memref<4x128xi32, #tpu.memory_space<vmem>>, vector<1x16xi32>,
    %swap3A_523 = vector.shape_cast %swap3A_522 : vector<1x16xi32> to vector<16xi32>
    %swap3A_524 = vector.shape_cast %add3A_518 : vector<16xi32> to vector<1x16xi32>
    tpu.vector_store %arg9[%swap3A_520, %swap3A_521], %swap3A_524 {strides = array<i32>} : memref<4x128xi32, #tpu.memory_space<vmem>>, vector<1x16xi32>,
    %barrier3A = arith.constant 0 : index
    tpu.barrier barrier_id(%barrier3A)
    %run_scoped3A = arith.constant 0 : i32
    "tpu.region"() ({
      %run_scoped3A_536 = tpu.sem_alloc : memref<!tpu.dma_semaphore, #tpu.memory_space<semaphore_mem>>
      %dma_start3A = arith.constant 0 : i32
      %dma_start3A_537 = tpu.memref_slice %arg8[%dma_start3A] : memref<512xf32, #tpu.memory_space<vmem>> -> memref<128xf32, #tpu.memory_space<vmem>>
      %dma_start3A_538 = arith.constant 0 : i32
      %dma_start3A_539 = tpu.memref_slice %arg9[%run_scoped3A, %dma_start3A_538] : memref<4x128xi32, #tpu.memory_space<vmem>> -> memref<1x128xi32, #tpu.memory_space<vmem>>
      %dma_start3A_540 = tpu.memref_squeeze %dma_start3A_539 : memref<1x128xi32, #tpu.memory_space<vmem>> -> memref<128xi32, #tpu.memory_space<vmem>>
      %dma_start3A_541 = arith.constant 0 : i32
      %dma_start3A_542 = tpu.memref_slice %arg11[%dma_start3A_541] : memref<1000448xf32, #tpu.memory_space<vmem_shared>> -> memref<1000448xf32, #tpu.memory_space<vmem_shared>>
      tpu.enqueue_indirect_dma source(%dma_start3A_537 : memref<128xf32, #tpu.memory_space<vmem>>) target(%dma_start3A_542 : memref<1000448xf32, #tpu.memory_space<vmem_shared>>) offsets(%dma_start3A_540 : memref<128xi32, #tpu.memory_space<vmem>>) semaphore(%run_scoped3A_536 : memref<!tpu.dma_semaphore, #tpu.memory_space<semaphore_mem>>) {add = true}
      %dma_wait3A = arith.constant 0 : i32
      %dma_wait3A_543 = tpu.memref_slice %arg8[%dma_wait3A] : memref<512xf32, #tpu.memory_space<vmem>> -> memref<128xf32, #tpu.memory_space<vmem>>
      %dma_wait3A_544 = arith.constant 0 : i32
      %dma_wait3A_545 = tpu.memref_slice %arg9[%run_scoped3A, %dma_wait3A_544] : memref<4x128xi32, #tpu.memory_space<vmem>> -> memref<1x128xi32, #tpu.memory_space<vmem>>
      %dma_wait3A_546 = tpu.memref_squeeze %dma_wait3A_545 : memref<1x128xi32, #tpu.memory_space<vmem>> -> memref<128xi32, #tpu.memory_space<vmem>>
      %dma_wait3A_547 = arith.constant 0 : i32
      %dma_wait3A_548 = tpu.memref_slice %arg11[%dma_wait3A_547] : memref<1000448xf32, #tpu.memory_space<vmem_shared>> -> memref<1000448xf32, #tpu.memory_space<vmem_shared>>
      tpu.wait_indirect_dma semaphore(%run_scoped3A_536 : memref<!tpu.dma_semaphore, #tpu.memory_space<semaphore_mem>>) src(%dma_wait3A_543 : memref<128xf32, #tpu.memory_space<vmem>>) dst(%dma_wait3A_548 : memref<1000448xf32, #tpu.memory_space<vmem_shared>>)
      tpu.yield
    }) : () -> ()
    %run_scoped3A_525 = arith.constant 1 : i32
    "tpu.region"() ({
      %run_scoped3A_536 = tpu.sem_alloc : memref<!tpu.dma_semaphore, #tpu.memory_space<semaphore_mem>>
      %dma_start3A = arith.constant 128 : i32
      %dma_start3A_537 = tpu.memref_slice %arg8[%dma_start3A] : memref<512xf32, #tpu.memory_space<vmem>> -> memref<128xf32, #tpu.memory_space<vmem>>
      %dma_start3A_538 = arith.constant 0 : i32
      %dma_start3A_539 = tpu.memref_slice %arg9[%run_scoped3A_525, %dma_start3A_538] : memref<4x128xi32, #tpu.memory_space<vmem>> -> memref<1x128xi32, #tpu.memory_space<vmem>>
      %dma_start3A_540 = tpu.memref_squeeze %dma_start3A_539 : memref<1x128xi32, #tpu.memory_space<vmem>> -> memref<128xi32, #tpu.memory_space<vmem>>
      %dma_start3A_541 = arith.constant 0 : i32
      %dma_start3A_542 = tpu.memref_slice %arg11[%dma_start3A_541] : memref<1000448xf32, #tpu.memory_space<vmem_shared>> -> memref<1000448xf32, #tpu.memory_space<vmem_shared>>
      tpu.enqueue_indirect_dma source(%dma_start3A_537 : memref<128xf32, #tpu.memory_space<vmem>>) target(%dma_start3A_542 : memref<1000448xf32, #tpu.memory_space<vmem_shared>>) offsets(%dma_start3A_540 : memref<128xi32, #tpu.memory_space<vmem>>) semaphore(%run_scoped3A_536 : memref<!tpu.dma_semaphore, #tpu.memory_space<semaphore_mem>>) {add = true}
      %dma_wait3A = arith.constant 128 : i32
      %dma_wait3A_543 = tpu.memref_slice %arg8[%dma_wait3A] : memref<512xf32, #tpu.memory_space<vmem>> -> memref<128xf32, #tpu.memory_space<vmem>>
      %dma_wait3A_544 = arith.constant 0 : i32
      %dma_wait3A_545 = tpu.memref_slice %arg9[%run_scoped3A_525, %dma_wait3A_544] : memref<4x128xi32, #tpu.memory_space<vmem>> -> memref<1x128xi32, #tpu.memory_space<vmem>>
      %dma_wait3A_546 = tpu.memref_squeeze %dma_wait3A_545 : memref<1x128xi32, #tpu.memory_space<vmem>> -> memref<128xi32, #tpu.memory_space<vmem>>
      %dma_wait3A_547 = arith.constant 0 : i32
      %dma_wait3A_548 = tpu.memref_slice %arg11[%dma_wait3A_547] : memref<1000448xf32, #tpu.memory_space<vmem_shared>> -> memref<1000448xf32, #tpu.memory_space<vmem_shared>>
      tpu.wait_indirect_dma semaphore(%run_scoped3A_536 : memref<!tpu.dma_semaphore, #tpu.memory_space<semaphore_mem>>) src(%dma_wait3A_543 : memref<128xf32, #tpu.memory_space<vmem>>) dst(%dma_wait3A_548 : memref<1000448xf32, #tpu.memory_space<vmem_shared>>)
      tpu.yield
    }) : () -> ()
    %run_scoped3A_526 = arith.constant 2 : i32
    "tpu.region"() ({
      %run_scoped3A_536 = tpu.sem_alloc : memref<!tpu.dma_semaphore, #tpu.memory_space<semaphore_mem>>
      %dma_start3A = arith.constant 256 : i32
      %dma_start3A_537 = tpu.memref_slice %arg8[%dma_start3A] : memref<512xf32, #tpu.memory_space<vmem>> -> memref<128xf32, #tpu.memory_space<vmem>>
      %dma_start3A_538 = arith.constant 0 : i32
      %dma_start3A_539 = tpu.memref_slice %arg9[%run_scoped3A_526, %dma_start3A_538] : memref<4x128xi32, #tpu.memory_space<vmem>> -> memref<1x128xi32, #tpu.memory_space<vmem>>
      %dma_start3A_540 = tpu.memref_squeeze %dma_start3A_539 : memref<1x128xi32, #tpu.memory_space<vmem>> -> memref<128xi32, #tpu.memory_space<vmem>>
      %dma_start3A_541 = arith.constant 0 : i32
      %dma_start3A_542 = tpu.memref_slice %arg11[%dma_start3A_541] : memref<1000448xf32, #tpu.memory_space<vmem_shared>> -> memref<1000448xf32, #tpu.memory_space<vmem_shared>>
      tpu.enqueue_indirect_dma source(%dma_start3A_537 : memref<128xf32, #tpu.memory_space<vmem>>) target(%dma_start3A_542 : memref<1000448xf32, #tpu.memory_space<vmem_shared>>) offsets(%dma_start3A_540 : memref<128xi32, #tpu.memory_space<vmem>>) semaphore(%run_scoped3A_536 : memref<!tpu.dma_semaphore, #tpu.memory_space<semaphore_mem>>) {add = true}
      %dma_wait3A = arith.constant 256 : i32
      %dma_wait3A_543 = tpu.memref_slice %arg8[%dma_wait3A] : memref<512xf32, #tpu.memory_space<vmem>> -> memref<128xf32, #tpu.memory_space<vmem>>
      %dma_wait3A_544 = arith.constant 0 : i32
      %dma_wait3A_545 = tpu.memref_slice %arg9[%run_scoped3A_526, %dma_wait3A_544] : memref<4x128xi32, #tpu.memory_space<vmem>> -> memref<1x128xi32, #tpu.memory_space<vmem>>
      %dma_wait3A_546 = tpu.memref_squeeze %dma_wait3A_545 : memref<1x128xi32, #tpu.memory_space<vmem>> -> memref<128xi32, #tpu.memory_space<vmem>>
      %dma_wait3A_547 = arith.constant 0 : i32
      %dma_wait3A_548 = tpu.memref_slice %arg11[%dma_wait3A_547] : memref<1000448xf32, #tpu.memory_space<vmem_shared>> -> memref<1000448xf32, #tpu.memory_space<vmem_shared>>
      tpu.wait_indirect_dma semaphore(%run_scoped3A_536 : memref<!tpu.dma_semaphore, #tpu.memory_space<semaphore_mem>>) src(%dma_wait3A_543 : memref<128xf32, #tpu.memory_space<vmem>>) dst(%dma_wait3A_548 : memref<1000448xf32, #tpu.memory_space<vmem_shared>>)
      tpu.yield
    }) : () -> ()
    %run_scoped3A_527 = arith.constant 3 : i32
    "tpu.region"() ({
      %run_scoped3A_536 = tpu.sem_alloc : memref<!tpu.dma_semaphore, #tpu.memory_space<semaphore_mem>>
      %dma_start3A = arith.constant 384 : i32
      %dma_start3A_537 = tpu.memref_slice %arg8[%dma_start3A] : memref<512xf32, #tpu.memory_space<vmem>> -> memref<128xf32, #tpu.memory_space<vmem>>
      %dma_start3A_538 = arith.constant 0 : i32
      %dma_start3A_539 = tpu.memref_slice %arg9[%run_scoped3A_527, %dma_start3A_538] : memref<4x128xi32, #tpu.memory_space<vmem>> -> memref<1x128xi32, #tpu.memory_space<vmem>>
      %dma_start3A_540 = tpu.memref_squeeze %dma_start3A_539 : memref<1x128xi32, #tpu.memory_space<vmem>> -> memref<128xi32, #tpu.memory_space<vmem>>
      %dma_start3A_541 = arith.constant 0 : i32
      %dma_start3A_542 = tpu.memref_slice %arg11[%dma_start3A_541] : memref<1000448xf32, #tpu.memory_space<vmem_shared>> -> memref<1000448xf32, #tpu.memory_space<vmem_shared>>
      tpu.enqueue_indirect_dma source(%dma_start3A_537 : memref<128xf32, #tpu.memory_space<vmem>>) target(%dma_start3A_542 : memref<1000448xf32, #tpu.memory_space<vmem_shared>>) offsets(%dma_start3A_540 : memref<128xi32, #tpu.memory_space<vmem>>) semaphore(%run_scoped3A_536 : memref<!tpu.dma_semaphore, #tpu.memory_space<semaphore_mem>>) {add = true}
      %dma_wait3A = arith.constant 384 : i32
      %dma_wait3A_543 = tpu.memref_slice %arg8[%dma_wait3A] : memref<512xf32, #tpu.memory_space<vmem>> -> memref<128xf32, #tpu.memory_space<vmem>>
      %dma_wait3A_544 = arith.constant 0 : i32
      %dma_wait3A_545 = tpu.memref_slice %arg9[%run_scoped3A_527, %dma_wait3A_544] : memref<4x128xi32, #tpu.memory_space<vmem>> -> memref<1x128xi32, #tpu.memory_space<vmem>>
      %dma_wait3A_546 = tpu.memref_squeeze %dma_wait3A_545 : memref<1x128xi32, #tpu.memory_space<vmem>> -> memref<128xi32, #tpu.memory_space<vmem>>
      %dma_wait3A_547 = arith.constant 0 : i32
      %dma_wait3A_548 = tpu.memref_slice %arg11[%dma_wait3A_547] : memref<1000448xf32, #tpu.memory_space<vmem_shared>> -> memref<1000448xf32, #tpu.memory_space<vmem_shared>>
      tpu.wait_indirect_dma semaphore(%run_scoped3A_536 : memref<!tpu.dma_semaphore, #tpu.memory_space<semaphore_mem>>) src(%dma_wait3A_543 : memref<128xf32, #tpu.memory_space<vmem>>) dst(%dma_wait3A_548 : memref<1000448xf32, #tpu.memory_space<vmem_shared>>)
      tpu.yield
    }) : () -> ()
    %barrier3A_528 = arith.constant 0 : index
    tpu.barrier barrier_id(%barrier3A_528)
    %mul3A_529 = arith.constant 62528 : i32
    %mul3A_530 = arith.muli %arg1, %mul3A_529 : i32
    "tpu.region"() ({
      %run_scoped3A_536 = tpu.sem_alloc : memref<!tpu.dma_semaphore, #tpu.memory_space<semaphore_mem>>
      %dma_start3A = tpu.memref_slice %arg11[%mul3A_530] : memref<1000448xf32, #tpu.memory_space<vmem_shared>> -> memref<62528xf32, #tpu.memory_space<vmem_shared>>
      %dma_start3A_537 = tpu.memref_slice %arg11[%mul3A_530] : memref<1000448xf32, #tpu.memory_space<vmem_shared>> -> memref<62528xf32, #tpu.memory_space<vmem_shared>>
      tpu.enqueue_dma source(%dma_start3A_537 : memref<62528xf32, #tpu.memory_space<vmem_shared>>) target(%arg10 : memref<62528xf32, #tpu.memory_space<vmem>>) target_semaphore(%run_scoped3A_536 : memref<!tpu.dma_semaphore, #tpu.memory_space<semaphore_mem>>)
      %dma_wait3A = tpu.memref_slice %arg11[%mul3A_530] : memref<1000448xf32, #tpu.memory_space<vmem_shared>> -> memref<62528xf32, #tpu.memory_space<vmem_shared>>
      %dma_wait3A_538 = tpu.memref_slice %arg11[%mul3A_530] : memref<1000448xf32, #tpu.memory_space<vmem_shared>> -> memref<62528xf32, #tpu.memory_space<vmem_shared>>
      tpu.wait_dma2 semaphore(%run_scoped3A_536 : memref<!tpu.dma_semaphore, #tpu.memory_space<semaphore_mem>>) src(%dma_wait3A_538 : memref<62528xf32, #tpu.memory_space<vmem_shared>>) dst(%arg10 : memref<62528xf32, #tpu.memory_space<vmem>>)
      tpu.yield
    }) : () -> ()
    %mul3A_531 = arith.constant 1000448 : i32
    %mul3A_532 = arith.muli %arg0, %mul3A_531 : i32
    %mul3A_533 = arith.constant 62528 : i32
    %mul3A_534 = arith.muli %arg1, %mul3A_533 : i32
    %add3A_535 = arith.addi %mul3A_532, %mul3A_534 : i32
    "tpu.region"() ({
      %run_scoped3A_536 = tpu.sem_alloc : memref<!tpu.dma_semaphore, #tpu.memory_space<semaphore_mem>>
      %dma_start3A = tpu.memref_slice %arg5[%add3A_535] : memref<2000896xf32, #tpu.memory_space<hbm>> -> memref<62528xf32, #tpu.memory_space<hbm>>
      %dma_start3A_537 = tpu.memref_slice %arg5[%add3A_535] : memref<2000896xf32, #tpu.memory_space<hbm>> -> memref<62528xf32, #tpu.memory_space<hbm>>
      tpu.enqueue_dma source(%arg10 : memref<62528xf32, #tpu.memory_space<vmem>>) target(%dma_start3A_537 : memref<62528xf32, #tpu.memory_space<hbm>>) target_semaphore(%run_scoped3A_536 : memref<!tpu.dma_semaphore, #tpu.memory_space<semaphore_mem>>)
      %dma_wait3A = tpu.memref_slice %arg5[%add3A_535] : memref<2000896xf32, #tpu.memory_space<hbm>> -> memref<62528xf32, #tpu.memory_space<hbm>>
      %dma_wait3A_538 = tpu.memref_slice %arg5[%add3A_535] : memref<2000896xf32, #tpu.memory_space<hbm>> -> memref<62528xf32, #tpu.memory_space<hbm>>
      tpu.wait_dma2 semaphore(%run_scoped3A_536 : memref<!tpu.dma_semaphore, #tpu.memory_space<semaphore_mem>>) src(%arg10 : memref<62528xf32, #tpu.memory_space<vmem>>) dst(%dma_wait3A_538 : memref<62528xf32, #tpu.memory_space<hbm>>)
      tpu.yield
    }) : () -> ()
    return
  }
}

#map = affine_map<(d0, d1) -> (0)>
#map1 = affine_map<(d0, d1) -> (0, 0)>
#map2 = affine_map<(d0, d1) -> (0, 0, 0)>
module attributes {stable_mosaic.version = 14 : i64} {
  func.func @_sc_gather_body(%arg0: i32, %arg1: i32, %arg2: memref<3072xi32, #tpu.memory_space<hbm>>, %arg3: memref<6000x128xf32, #tpu.memory_space<hbm>>, %arg4: memref<1000000xf32, #tpu.memory_space<hbm>>, %arg5: memref<3x1024x128xf32, #tpu.memory_space<hbm>>, %arg6: memref<12288xf32, #tpu.memory_space<hbm>>, %arg7: memref<3x32xi32, #tpu.memory_space<vmem>>, %arg8: memref<32x128xf32, #tpu.memory_space<vmem>>, %arg9: memref<12x32xi32, #tpu.memory_space<vmem>>, %arg10: memref<12x32xf32, #tpu.memory_space<vmem>>, %arg11: memref<!tpu.dma_semaphore, #tpu.memory_space<semaphore_mem>>) attributes {dimension_semantics = [#tpu.dimension_semantics<core_parallel>, #tpu.dimension_semantics<subcore_parallel>], iteration_bounds = array<i64: 2, 16>, scalar_prefetch = 0 : i64, scratch_operands = 5 : i64, tpu.core_type = #tpu.core_type<sc_vector_subcore>, window_params = [{transform_indices = #map}, {transform_indices = #map1}, {transform_indices = #map}, {transform_indices = #map2}, {transform_indices = #map}]} {
    %mul3A = arith.constant 2 : i32
    %mul3A_0 = arith.muli %arg1, %mul3A : i32
    %add3A = arith.addi %mul3A_0, %arg0 : i32
    %mul3A_1 = arith.constant 32 : i32
    %mul3A_2 = arith.muli %add3A, %mul3A_1 : i32
    %add3A_3 = arith.constant 0 : i32
    %add3A_4 = arith.addi %add3A_3, %mul3A_2 : i32
    %run_scoped3A = arith.constant 0 : i32
    "tpu.region"() ({
      %run_scoped3A_629 = tpu.sem_alloc : memref<!tpu.dma_semaphore, #tpu.memory_space<semaphore_mem>>
      %dma_start3A_630 = arith.constant 0 : i32
      %dma_start3A_631 = tpu.memref_slice %arg7[%run_scoped3A, %dma_start3A_630] : memref<3x32xi32, #tpu.memory_space<vmem>> -> memref<1x32xi32, #tpu.memory_space<vmem>>
      %dma_start3A_632 = tpu.memref_squeeze %dma_start3A_631 : memref<1x32xi32, #tpu.memory_space<vmem>> -> memref<32xi32, #tpu.memory_space<vmem>>
      %dma_start3A_633 = tpu.memref_slice %arg2[%add3A_4] : memref<3072xi32, #tpu.memory_space<hbm>> -> memref<32xi32, #tpu.memory_space<hbm>>
      %dma_start3A_634 = arith.constant 0 : i32
      %dma_start3A_635 = tpu.memref_slice %arg7[%run_scoped3A, %dma_start3A_634] : memref<3x32xi32, #tpu.memory_space<vmem>> -> memref<1x32xi32, #tpu.memory_space<vmem>>
      %dma_start3A_636 = tpu.memref_squeeze %dma_start3A_635 : memref<1x32xi32, #tpu.memory_space<vmem>> -> memref<32xi32, #tpu.memory_space<vmem>>
      %dma_start3A_637 = tpu.memref_slice %arg2[%add3A_4] : memref<3072xi32, #tpu.memory_space<hbm>> -> memref<32xi32, #tpu.memory_space<hbm>>
      tpu.enqueue_dma source(%dma_start3A_637 : memref<32xi32, #tpu.memory_space<hbm>>) target(%dma_start3A_636 : memref<32xi32, #tpu.memory_space<vmem>>) target_semaphore(%run_scoped3A_629 : memref<!tpu.dma_semaphore, #tpu.memory_space<semaphore_mem>>)
      %dma_wait3A_638 = arith.constant 0 : i32
      %dma_wait3A_639 = tpu.memref_slice %arg7[%run_scoped3A, %dma_wait3A_638] : memref<3x32xi32, #tpu.memory_space<vmem>> -> memref<1x32xi32, #tpu.memory_space<vmem>>
      %dma_wait3A_640 = tpu.memref_squeeze %dma_wait3A_639 : memref<1x32xi32, #tpu.memory_space<vmem>> -> memref<32xi32, #tpu.memory_space<vmem>>
      %dma_wait3A_641 = tpu.memref_slice %arg2[%add3A_4] : memref<3072xi32, #tpu.memory_space<hbm>> -> memref<32xi32, #tpu.memory_space<hbm>>
      %dma_wait3A_642 = arith.constant 0 : i32
      %dma_wait3A_643 = tpu.memref_slice %arg7[%run_scoped3A, %dma_wait3A_642] : memref<3x32xi32, #tpu.memory_space<vmem>> -> memref<1x32xi32, #tpu.memory_space<vmem>>
      %dma_wait3A_644 = tpu.memref_squeeze %dma_wait3A_643 : memref<1x32xi32, #tpu.memory_space<vmem>> -> memref<32xi32, #tpu.memory_space<vmem>>
      %dma_wait3A_645 = tpu.memref_slice %arg2[%add3A_4] : memref<3072xi32, #tpu.memory_space<hbm>> -> memref<32xi32, #tpu.memory_space<hbm>>
      tpu.wait_dma2 semaphore(%run_scoped3A_629 : memref<!tpu.dma_semaphore, #tpu.memory_space<semaphore_mem>>) src(%dma_wait3A_645 : memref<32xi32, #tpu.memory_space<hbm>>) dst(%dma_wait3A_644 : memref<32xi32, #tpu.memory_space<vmem>>)
      tpu.yield
    }) : () -> ()
    %add3A_5 = arith.constant 1024 : i32
    %add3A_6 = arith.addi %add3A_5, %mul3A_2 : i32
    %run_scoped3A_7 = arith.constant 1 : i32
    "tpu.region"() ({
      %run_scoped3A_629 = tpu.sem_alloc : memref<!tpu.dma_semaphore, #tpu.memory_space<semaphore_mem>>
      %dma_start3A_630 = arith.constant 0 : i32
      %dma_start3A_631 = tpu.memref_slice %arg7[%run_scoped3A_7, %dma_start3A_630] : memref<3x32xi32, #tpu.memory_space<vmem>> -> memref<1x32xi32, #tpu.memory_space<vmem>>
      %dma_start3A_632 = tpu.memref_squeeze %dma_start3A_631 : memref<1x32xi32, #tpu.memory_space<vmem>> -> memref<32xi32, #tpu.memory_space<vmem>>
      %dma_start3A_633 = tpu.memref_slice %arg2[%add3A_6] : memref<3072xi32, #tpu.memory_space<hbm>> -> memref<32xi32, #tpu.memory_space<hbm>>
      %dma_start3A_634 = arith.constant 0 : i32
      %dma_start3A_635 = tpu.memref_slice %arg7[%run_scoped3A_7, %dma_start3A_634] : memref<3x32xi32, #tpu.memory_space<vmem>> -> memref<1x32xi32, #tpu.memory_space<vmem>>
      %dma_start3A_636 = tpu.memref_squeeze %dma_start3A_635 : memref<1x32xi32, #tpu.memory_space<vmem>> -> memref<32xi32, #tpu.memory_space<vmem>>
      %dma_start3A_637 = tpu.memref_slice %arg2[%add3A_6] : memref<3072xi32, #tpu.memory_space<hbm>> -> memref<32xi32, #tpu.memory_space<hbm>>
      tpu.enqueue_dma source(%dma_start3A_637 : memref<32xi32, #tpu.memory_space<hbm>>) target(%dma_start3A_636 : memref<32xi32, #tpu.memory_space<vmem>>) target_semaphore(%run_scoped3A_629 : memref<!tpu.dma_semaphore, #tpu.memory_space<semaphore_mem>>)
      %dma_wait3A_638 = arith.constant 0 : i32
      %dma_wait3A_639 = tpu.memref_slice %arg7[%run_scoped3A_7, %dma_wait3A_638] : memref<3x32xi32, #tpu.memory_space<vmem>> -> memref<1x32xi32, #tpu.memory_space<vmem>>
      %dma_wait3A_640 = tpu.memref_squeeze %dma_wait3A_639 : memref<1x32xi32, #tpu.memory_space<vmem>> -> memref<32xi32, #tpu.memory_space<vmem>>
      %dma_wait3A_641 = tpu.memref_slice %arg2[%add3A_6] : memref<3072xi32, #tpu.memory_space<hbm>> -> memref<32xi32, #tpu.memory_space<hbm>>
      %dma_wait3A_642 = arith.constant 0 : i32
      %dma_wait3A_643 = tpu.memref_slice %arg7[%run_scoped3A_7, %dma_wait3A_642] : memref<3x32xi32, #tpu.memory_space<vmem>> -> memref<1x32xi32, #tpu.memory_space<vmem>>
      %dma_wait3A_644 = tpu.memref_squeeze %dma_wait3A_643 : memref<1x32xi32, #tpu.memory_space<vmem>> -> memref<32xi32, #tpu.memory_space<vmem>>
      %dma_wait3A_645 = tpu.memref_slice %arg2[%add3A_6] : memref<3072xi32, #tpu.memory_space<hbm>> -> memref<32xi32, #tpu.memory_space<hbm>>
      tpu.wait_dma2 semaphore(%run_scoped3A_629 : memref<!tpu.dma_semaphore, #tpu.memory_space<semaphore_mem>>) src(%dma_wait3A_645 : memref<32xi32, #tpu.memory_space<hbm>>) dst(%dma_wait3A_644 : memref<32xi32, #tpu.memory_space<vmem>>)
      tpu.yield
    }) : () -> ()
    %add3A_8 = arith.constant 2048 : i32
    %add3A_9 = arith.addi %add3A_8, %mul3A_2 : i32
    %run_scoped3A_10 = arith.constant 2 : i32
    "tpu.region"() ({
      %run_scoped3A_629 = tpu.sem_alloc : memref<!tpu.dma_semaphore, #tpu.memory_space<semaphore_mem>>
      %dma_start3A_630 = arith.constant 0 : i32
      %dma_start3A_631 = tpu.memref_slice %arg7[%run_scoped3A_10, %dma_start3A_630] : memref<3x32xi32, #tpu.memory_space<vmem>> -> memref<1x32xi32, #tpu.memory_space<vmem>>
      %dma_start3A_632 = tpu.memref_squeeze %dma_start3A_631 : memref<1x32xi32, #tpu.memory_space<vmem>> -> memref<32xi32, #tpu.memory_space<vmem>>
      %dma_start3A_633 = tpu.memref_slice %arg2[%add3A_9] : memref<3072xi32, #tpu.memory_space<hbm>> -> memref<32xi32, #tpu.memory_space<hbm>>
      %dma_start3A_634 = arith.constant 0 : i32
      %dma_start3A_635 = tpu.memref_slice %arg7[%run_scoped3A_10, %dma_start3A_634] : memref<3x32xi32, #tpu.memory_space<vmem>> -> memref<1x32xi32, #tpu.memory_space<vmem>>
      %dma_start3A_636 = tpu.memref_squeeze %dma_start3A_635 : memref<1x32xi32, #tpu.memory_space<vmem>> -> memref<32xi32, #tpu.memory_space<vmem>>
      %dma_start3A_637 = tpu.memref_slice %arg2[%add3A_9] : memref<3072xi32, #tpu.memory_space<hbm>> -> memref<32xi32, #tpu.memory_space<hbm>>
      tpu.enqueue_dma source(%dma_start3A_637 : memref<32xi32, #tpu.memory_space<hbm>>) target(%dma_start3A_636 : memref<32xi32, #tpu.memory_space<vmem>>) target_semaphore(%run_scoped3A_629 : memref<!tpu.dma_semaphore, #tpu.memory_space<semaphore_mem>>)
      %dma_wait3A_638 = arith.constant 0 : i32
      %dma_wait3A_639 = tpu.memref_slice %arg7[%run_scoped3A_10, %dma_wait3A_638] : memref<3x32xi32, #tpu.memory_space<vmem>> -> memref<1x32xi32, #tpu.memory_space<vmem>>
      %dma_wait3A_640 = tpu.memref_squeeze %dma_wait3A_639 : memref<1x32xi32, #tpu.memory_space<vmem>> -> memref<32xi32, #tpu.memory_space<vmem>>
      %dma_wait3A_641 = tpu.memref_slice %arg2[%add3A_9] : memref<3072xi32, #tpu.memory_space<hbm>> -> memref<32xi32, #tpu.memory_space<hbm>>
      %dma_wait3A_642 = arith.constant 0 : i32
      %dma_wait3A_643 = tpu.memref_slice %arg7[%run_scoped3A_10, %dma_wait3A_642] : memref<3x32xi32, #tpu.memory_space<vmem>> -> memref<1x32xi32, #tpu.memory_space<vmem>>
      %dma_wait3A_644 = tpu.memref_squeeze %dma_wait3A_643 : memref<1x32xi32, #tpu.memory_space<vmem>> -> memref<32xi32, #tpu.memory_space<vmem>>
      %dma_wait3A_645 = tpu.memref_slice %arg2[%add3A_9] : memref<3072xi32, #tpu.memory_space<hbm>> -> memref<32xi32, #tpu.memory_space<hbm>>
      tpu.wait_dma2 semaphore(%run_scoped3A_629 : memref<!tpu.dma_semaphore, #tpu.memory_space<semaphore_mem>>) src(%dma_wait3A_645 : memref<32xi32, #tpu.memory_space<hbm>>) dst(%dma_wait3A_644 : memref<32xi32, #tpu.memory_space<vmem>>)
      tpu.yield
    }) : () -> ()
    %dma_start3A = arith.constant 0 : i32
    %dma_start3A_11 = arith.constant 0 : i32
    %dma_start3A_12 = tpu.memref_slice %arg7[%dma_start3A, %dma_start3A_11] : memref<3x32xi32, #tpu.memory_space<vmem>> -> memref<1x32xi32, #tpu.memory_space<vmem>>
    %dma_start3A_13 = tpu.memref_squeeze %dma_start3A_12 : memref<1x32xi32, #tpu.memory_space<vmem>> -> memref<32xi32, #tpu.memory_space<vmem>>
    %dma_start3A_14 = arith.constant 0 : i32
    %dma_start3A_15 = arith.constant 0 : i32
    %dma_start3A_16 = tpu.memref_slice %arg3[%dma_start3A_14, %dma_start3A_15] : memref<6000x128xf32, #tpu.memory_space<hbm>> -> memref<6000x128xf32, #tpu.memory_space<hbm>>
    tpu.enqueue_indirect_dma source(%dma_start3A_16 : memref<6000x128xf32, #tpu.memory_space<hbm>>) target(%arg8 : memref<32x128xf32, #tpu.memory_space<vmem>>) offsets(%dma_start3A_13 : memref<32xi32, #tpu.memory_space<vmem>>) semaphore(%arg11 : memref<!tpu.dma_semaphore, #tpu.memory_space<semaphore_mem>>)
    %dma_wait3A = arith.constant 0 : i32
    %dma_wait3A_17 = arith.constant 0 : i32
    %dma_wait3A_18 = tpu.memref_slice %arg7[%dma_wait3A, %dma_wait3A_17] : memref<3x32xi32, #tpu.memory_space<vmem>> -> memref<1x32xi32, #tpu.memory_space<vmem>>
    %dma_wait3A_19 = tpu.memref_squeeze %dma_wait3A_18 : memref<1x32xi32, #tpu.memory_space<vmem>> -> memref<32xi32, #tpu.memory_space<vmem>>
    %dma_wait3A_20 = arith.constant 0 : i32
    %dma_wait3A_21 = arith.constant 0 : i32
    %dma_wait3A_22 = tpu.memref_slice %arg3[%dma_wait3A_20, %dma_wait3A_21] : memref<6000x128xf32, #tpu.memory_space<hbm>> -> memref<6000x128xf32, #tpu.memory_space<hbm>>
    tpu.wait_indirect_dma semaphore(%arg11 : memref<!tpu.dma_semaphore, #tpu.memory_space<semaphore_mem>>) src(%dma_wait3A_22 : memref<6000x128xf32, #tpu.memory_space<hbm>>) dst(%arg8 : memref<32x128xf32, #tpu.memory_space<vmem>>)
    %run_scoped3A_23 = arith.constant 0 : i32
    "tpu.region"() ({
      %run_scoped3A_629 = tpu.sem_alloc : memref<!tpu.dma_semaphore, #tpu.memory_space<semaphore_mem>>
      %dma_start3A_630 = arith.constant 0 : i32
      %dma_start3A_631 = tpu.memref_slice %arg5[%run_scoped3A_23, %mul3A_2, %dma_start3A_630] : memref<3x1024x128xf32, #tpu.memory_space<hbm>> -> memref<1x32x128xf32, #tpu.memory_space<hbm>>
      %dma_start3A_632 = tpu.memref_squeeze %dma_start3A_631 : memref<1x32x128xf32, #tpu.memory_space<hbm>> -> memref<32x128xf32, #tpu.memory_space<hbm>>
      %dma_start3A_633 = arith.constant 0 : i32
      %dma_start3A_634 = tpu.memref_slice %arg5[%run_scoped3A_23, %mul3A_2, %dma_start3A_633] : memref<3x1024x128xf32, #tpu.memory_space<hbm>> -> memref<1x32x128xf32, #tpu.memory_space<hbm>>
      %dma_start3A_635 = tpu.memref_squeeze %dma_start3A_634 : memref<1x32x128xf32, #tpu.memory_space<hbm>> -> memref<32x128xf32, #tpu.memory_space<hbm>>
      tpu.enqueue_dma source(%arg8 : memref<32x128xf32, #tpu.memory_space<vmem>>) target(%dma_start3A_635 : memref<32x128xf32, #tpu.memory_space<hbm>>) target_semaphore(%run_scoped3A_629 : memref<!tpu.dma_semaphore, #tpu.memory_space<semaphore_mem>>)
      %dma_wait3A_636 = arith.constant 0 : i32
      %dma_wait3A_637 = tpu.memref_slice %arg5[%run_scoped3A_23, %mul3A_2, %dma_wait3A_636] : memref<3x1024x128xf32, #tpu.memory_space<hbm>> -> memref<1x32x128xf32, #tpu.memory_space<hbm>>
      %dma_wait3A_638 = tpu.memref_squeeze %dma_wait3A_637 : memref<1x32x128xf32, #tpu.memory_space<hbm>> -> memref<32x128xf32, #tpu.memory_space<hbm>>
      %dma_wait3A_639 = arith.constant 0 : i32
      %dma_wait3A_640 = tpu.memref_slice %arg5[%run_scoped3A_23, %mul3A_2, %dma_wait3A_639] : memref<3x1024x128xf32, #tpu.memory_space<hbm>> -> memref<1x32x128xf32, #tpu.memory_space<hbm>>
      %dma_wait3A_641 = tpu.memref_squeeze %dma_wait3A_640 : memref<1x32x128xf32, #tpu.memory_space<hbm>> -> memref<32x128xf32, #tpu.memory_space<hbm>>
      tpu.wait_dma2 semaphore(%run_scoped3A_629 : memref<!tpu.dma_semaphore, #tpu.memory_space<semaphore_mem>>) src(%arg8 : memref<32x128xf32, #tpu.memory_space<vmem>>) dst(%dma_wait3A_641 : memref<32x128xf32, #tpu.memory_space<hbm>>)
      tpu.yield
    }) : () -> ()
    %dma_start3A_24 = arith.constant 1 : i32
    %dma_start3A_25 = arith.constant 0 : i32
    %dma_start3A_26 = tpu.memref_slice %arg7[%dma_start3A_24, %dma_start3A_25] : memref<3x32xi32, #tpu.memory_space<vmem>> -> memref<1x32xi32, #tpu.memory_space<vmem>>
    %dma_start3A_27 = tpu.memref_squeeze %dma_start3A_26 : memref<1x32xi32, #tpu.memory_space<vmem>> -> memref<32xi32, #tpu.memory_space<vmem>>
    %dma_start3A_28 = arith.constant 0 : i32
    %dma_start3A_29 = arith.constant 0 : i32
    %dma_start3A_30 = tpu.memref_slice %arg3[%dma_start3A_28, %dma_start3A_29] : memref<6000x128xf32, #tpu.memory_space<hbm>> -> memref<6000x128xf32, #tpu.memory_space<hbm>>
    tpu.enqueue_indirect_dma source(%dma_start3A_30 : memref<6000x128xf32, #tpu.memory_space<hbm>>) target(%arg8 : memref<32x128xf32, #tpu.memory_space<vmem>>) offsets(%dma_start3A_27 : memref<32xi32, #tpu.memory_space<vmem>>) semaphore(%arg11 : memref<!tpu.dma_semaphore, #tpu.memory_space<semaphore_mem>>)
    %dma_wait3A_31 = arith.constant 1 : i32
    %dma_wait3A_32 = arith.constant 0 : i32
    %dma_wait3A_33 = tpu.memref_slice %arg7[%dma_wait3A_31, %dma_wait3A_32] : memref<3x32xi32, #tpu.memory_space<vmem>> -> memref<1x32xi32, #tpu.memory_space<vmem>>
    %dma_wait3A_34 = tpu.memref_squeeze %dma_wait3A_33 : memref<1x32xi32, #tpu.memory_space<vmem>> -> memref<32xi32, #tpu.memory_space<vmem>>
    %dma_wait3A_35 = arith.constant 0 : i32
    %dma_wait3A_36 = arith.constant 0 : i32
    %dma_wait3A_37 = tpu.memref_slice %arg3[%dma_wait3A_35, %dma_wait3A_36] : memref<6000x128xf32, #tpu.memory_space<hbm>> -> memref<6000x128xf32, #tpu.memory_space<hbm>>
    tpu.wait_indirect_dma semaphore(%arg11 : memref<!tpu.dma_semaphore, #tpu.memory_space<semaphore_mem>>) src(%dma_wait3A_37 : memref<6000x128xf32, #tpu.memory_space<hbm>>) dst(%arg8 : memref<32x128xf32, #tpu.memory_space<vmem>>)
    %run_scoped3A_38 = arith.constant 1 : i32
    "tpu.region"() ({
      %run_scoped3A_629 = tpu.sem_alloc : memref<!tpu.dma_semaphore, #tpu.memory_space<semaphore_mem>>
      %dma_start3A_630 = arith.constant 0 : i32
      %dma_start3A_631 = tpu.memref_slice %arg5[%run_scoped3A_38, %mul3A_2, %dma_start3A_630] : memref<3x1024x128xf32, #tpu.memory_space<hbm>> -> memref<1x32x128xf32, #tpu.memory_space<hbm>>
      %dma_start3A_632 = tpu.memref_squeeze %dma_start3A_631 : memref<1x32x128xf32, #tpu.memory_space<hbm>> -> memref<32x128xf32, #tpu.memory_space<hbm>>
      %dma_start3A_633 = arith.constant 0 : i32
      %dma_start3A_634 = tpu.memref_slice %arg5[%run_scoped3A_38, %mul3A_2, %dma_start3A_633] : memref<3x1024x128xf32, #tpu.memory_space<hbm>> -> memref<1x32x128xf32, #tpu.memory_space<hbm>>
      %dma_start3A_635 = tpu.memref_squeeze %dma_start3A_634 : memref<1x32x128xf32, #tpu.memory_space<hbm>> -> memref<32x128xf32, #tpu.memory_space<hbm>>
      tpu.enqueue_dma source(%arg8 : memref<32x128xf32, #tpu.memory_space<vmem>>) target(%dma_start3A_635 : memref<32x128xf32, #tpu.memory_space<hbm>>) target_semaphore(%run_scoped3A_629 : memref<!tpu.dma_semaphore, #tpu.memory_space<semaphore_mem>>)
      %dma_wait3A_636 = arith.constant 0 : i32
      %dma_wait3A_637 = tpu.memref_slice %arg5[%run_scoped3A_38, %mul3A_2, %dma_wait3A_636] : memref<3x1024x128xf32, #tpu.memory_space<hbm>> -> memref<1x32x128xf32, #tpu.memory_space<hbm>>
      %dma_wait3A_638 = tpu.memref_squeeze %dma_wait3A_637 : memref<1x32x128xf32, #tpu.memory_space<hbm>> -> memref<32x128xf32, #tpu.memory_space<hbm>>
      %dma_wait3A_639 = arith.constant 0 : i32
      %dma_wait3A_640 = tpu.memref_slice %arg5[%run_scoped3A_38, %mul3A_2, %dma_wait3A_639] : memref<3x1024x128xf32, #tpu.memory_space<hbm>> -> memref<1x32x128xf32, #tpu.memory_space<hbm>>
      %dma_wait3A_641 = tpu.memref_squeeze %dma_wait3A_640 : memref<1x32x128xf32, #tpu.memory_space<hbm>> -> memref<32x128xf32, #tpu.memory_space<hbm>>
      tpu.wait_dma2 semaphore(%run_scoped3A_629 : memref<!tpu.dma_semaphore, #tpu.memory_space<semaphore_mem>>) src(%arg8 : memref<32x128xf32, #tpu.memory_space<vmem>>) dst(%dma_wait3A_641 : memref<32x128xf32, #tpu.memory_space<hbm>>)
      tpu.yield
    }) : () -> ()
    %dma_start3A_39 = arith.constant 2 : i32
    %dma_start3A_40 = arith.constant 0 : i32
    %dma_start3A_41 = tpu.memref_slice %arg7[%dma_start3A_39, %dma_start3A_40] : memref<3x32xi32, #tpu.memory_space<vmem>> -> memref<1x32xi32, #tpu.memory_space<vmem>>
    %dma_start3A_42 = tpu.memref_squeeze %dma_start3A_41 : memref<1x32xi32, #tpu.memory_space<vmem>> -> memref<32xi32, #tpu.memory_space<vmem>>
    %dma_start3A_43 = arith.constant 0 : i32
    %dma_start3A_44 = arith.constant 0 : i32
    %dma_start3A_45 = tpu.memref_slice %arg3[%dma_start3A_43, %dma_start3A_44] : memref<6000x128xf32, #tpu.memory_space<hbm>> -> memref<6000x128xf32, #tpu.memory_space<hbm>>
    tpu.enqueue_indirect_dma source(%dma_start3A_45 : memref<6000x128xf32, #tpu.memory_space<hbm>>) target(%arg8 : memref<32x128xf32, #tpu.memory_space<vmem>>) offsets(%dma_start3A_42 : memref<32xi32, #tpu.memory_space<vmem>>) semaphore(%arg11 : memref<!tpu.dma_semaphore, #tpu.memory_space<semaphore_mem>>)
    %dma_wait3A_46 = arith.constant 2 : i32
    %dma_wait3A_47 = arith.constant 0 : i32
    %dma_wait3A_48 = tpu.memref_slice %arg7[%dma_wait3A_46, %dma_wait3A_47] : memref<3x32xi32, #tpu.memory_space<vmem>> -> memref<1x32xi32, #tpu.memory_space<vmem>>
    %dma_wait3A_49 = tpu.memref_squeeze %dma_wait3A_48 : memref<1x32xi32, #tpu.memory_space<vmem>> -> memref<32xi32, #tpu.memory_space<vmem>>
    %dma_wait3A_50 = arith.constant 0 : i32
    %dma_wait3A_51 = arith.constant 0 : i32
    %dma_wait3A_52 = tpu.memref_slice %arg3[%dma_wait3A_50, %dma_wait3A_51] : memref<6000x128xf32, #tpu.memory_space<hbm>> -> memref<6000x128xf32, #tpu.memory_space<hbm>>
    tpu.wait_indirect_dma semaphore(%arg11 : memref<!tpu.dma_semaphore, #tpu.memory_space<semaphore_mem>>) src(%dma_wait3A_52 : memref<6000x128xf32, #tpu.memory_space<hbm>>) dst(%arg8 : memref<32x128xf32, #tpu.memory_space<vmem>>)
    %run_scoped3A_53 = arith.constant 2 : i32
    "tpu.region"() ({
      %run_scoped3A_629 = tpu.sem_alloc : memref<!tpu.dma_semaphore, #tpu.memory_space<semaphore_mem>>
      %dma_start3A_630 = arith.constant 0 : i32
      %dma_start3A_631 = tpu.memref_slice %arg5[%run_scoped3A_53, %mul3A_2, %dma_start3A_630] : memref<3x1024x128xf32, #tpu.memory_space<hbm>> -> memref<1x32x128xf32, #tpu.memory_space<hbm>>
      %dma_start3A_632 = tpu.memref_squeeze %dma_start3A_631 : memref<1x32x128xf32, #tpu.memory_space<hbm>> -> memref<32x128xf32, #tpu.memory_space<hbm>>
      %dma_start3A_633 = arith.constant 0 : i32
      %dma_start3A_634 = tpu.memref_slice %arg5[%run_scoped3A_53, %mul3A_2, %dma_start3A_633] : memref<3x1024x128xf32, #tpu.memory_space<hbm>> -> memref<1x32x128xf32, #tpu.memory_space<hbm>>
      %dma_start3A_635 = tpu.memref_squeeze %dma_start3A_634 : memref<1x32x128xf32, #tpu.memory_space<hbm>> -> memref<32x128xf32, #tpu.memory_space<hbm>>
      tpu.enqueue_dma source(%arg8 : memref<32x128xf32, #tpu.memory_space<vmem>>) target(%dma_start3A_635 : memref<32x128xf32, #tpu.memory_space<hbm>>) target_semaphore(%run_scoped3A_629 : memref<!tpu.dma_semaphore, #tpu.memory_space<semaphore_mem>>)
      %dma_wait3A_636 = arith.constant 0 : i32
      %dma_wait3A_637 = tpu.memref_slice %arg5[%run_scoped3A_53, %mul3A_2, %dma_wait3A_636] : memref<3x1024x128xf32, #tpu.memory_space<hbm>> -> memref<1x32x128xf32, #tpu.memory_space<hbm>>
      %dma_wait3A_638 = tpu.memref_squeeze %dma_wait3A_637 : memref<1x32x128xf32, #tpu.memory_space<hbm>> -> memref<32x128xf32, #tpu.memory_space<hbm>>
      %dma_wait3A_639 = arith.constant 0 : i32
      %dma_wait3A_640 = tpu.memref_slice %arg5[%run_scoped3A_53, %mul3A_2, %dma_wait3A_639] : memref<3x1024x128xf32, #tpu.memory_space<hbm>> -> memref<1x32x128xf32, #tpu.memory_space<hbm>>
      %dma_wait3A_641 = tpu.memref_squeeze %dma_wait3A_640 : memref<1x32x128xf32, #tpu.memory_space<hbm>> -> memref<32x128xf32, #tpu.memory_space<hbm>>
      tpu.wait_dma2 semaphore(%run_scoped3A_629 : memref<!tpu.dma_semaphore, #tpu.memory_space<semaphore_mem>>) src(%arg8 : memref<32x128xf32, #tpu.memory_space<vmem>>) dst(%dma_wait3A_641 : memref<32x128xf32, #tpu.memory_space<hbm>>)
      tpu.yield
    }) : () -> ()
    %iota3A = tpu.iota {dimensions = array<i32: 0>} : vector<16xi32>
    %add3A_54 = arith.constant 0 : i32
    %add3A_55 = arith.addi %mul3A_2, %add3A_54 : i32
    %add3A_56 = vector.broadcast %add3A_55 : i32 to vector<16xi32>
    %add3A_57 = arith.addi %iota3A, %add3A_56 : vector<16xi32>
    %get3A = arith.constant 0 : i32
    %get3A_58 = arith.index_cast %get3A : i32 to index
    %get3A_59 = arith.constant 0 : index
    %get3A_60 = tpu.vector_load %arg7[%get3A_58, %get3A_59] {strides = array<i32>} : memref<3x32xi32, #tpu.memory_space<vmem>>, vector<1x16xi32>,
    %get3A_61 = vector.shape_cast %get3A_60 : vector<1x16xi32> to vector<16xi32>
    %get3A_62 = arith.constant 1 : i32
    %get3A_63 = arith.index_cast %get3A_62 : i32 to index
    %get3A_64 = arith.constant 0 : index
    %get3A_65 = tpu.vector_load %arg7[%get3A_63, %get3A_64] {strides = array<i32>} : memref<3x32xi32, #tpu.memory_space<vmem>>, vector<1x16xi32>,
    %get3A_66 = vector.shape_cast %get3A_65 : vector<1x16xi32> to vector<16xi32>
    %get3A_67 = arith.constant 2 : i32
    %get3A_68 = arith.index_cast %get3A_67 : i32 to index
    %get3A_69 = arith.constant 0 : index
    %get3A_70 = tpu.vector_load %arg7[%get3A_68, %get3A_69] {strides = array<i32>} : memref<3x32xi32, #tpu.memory_space<vmem>>, vector<1x16xi32>,
    %get3A_71 = vector.shape_cast %get3A_70 : vector<1x16xi32> to vector<16xi32>
    %min3A = arith.constant 999 : i32
    %min3A_72 = vector.broadcast %min3A : i32 to vector<16xi32>
    %min3A_73 = arith.minsi %add3A_57, %min3A_72 : vector<16xi32>
    %min3A_74 = arith.constant 999 : i32
    %min3A_75 = vector.broadcast %min3A_74 : i32 to vector<16xi32>
    %min3A_76 = arith.minsi %get3A_61, %min3A_75 : vector<16xi32>
    %min3A_77 = arith.constant 999 : i32
    %min3A_78 = vector.broadcast %min3A_77 : i32 to vector<16xi32>
    %min3A_79 = arith.minsi %get3A_66, %min3A_78 : vector<16xi32>
    %min3A_80 = arith.constant 999 : i32
    %min3A_81 = vector.broadcast %min3A_80 : i32 to vector<16xi32>
    %min3A_82 = arith.minsi %get3A_71, %min3A_81 : vector<16xi32>
    %mul3A_83 = arith.constant 1000 : i32
    %mul3A_84 = vector.broadcast %mul3A_83 : i32 to vector<16xi32>
    %mul3A_85 = arith.muli %min3A_73, %mul3A_84 : vector<16xi32>
    %add3A_86 = arith.addi %mul3A_85, %min3A_73 : vector<16xi32>
    %swap3A = arith.constant 0 : i32
    %swap3A_87 = arith.index_cast %swap3A : i32 to index
    %swap3A_88 = arith.constant 0 : index
    %swap3A_89 = tpu.vector_load %arg9[%swap3A_87, %swap3A_88] {strides = array<i32>} : memref<12x32xi32, #tpu.memory_space<vmem>>, vector<1x16xi32>,
    %swap3A_90 = vector.shape_cast %swap3A_89 : vector<1x16xi32> to vector<16xi32>
    %swap3A_91 = vector.shape_cast %add3A_86 : vector<16xi32> to vector<1x16xi32>
    tpu.vector_store %arg9[%swap3A_87, %swap3A_88], %swap3A_91 {strides = array<i32>} : memref<12x32xi32, #tpu.memory_space<vmem>>, vector<1x16xi32>,
    %mul3A_92 = arith.constant 1000 : i32
    %mul3A_93 = vector.broadcast %mul3A_92 : i32 to vector<16xi32>
    %mul3A_94 = arith.muli %min3A_73, %mul3A_93 : vector<16xi32>
    %add3A_95 = arith.addi %mul3A_94, %min3A_76 : vector<16xi32>
    %swap3A_96 = arith.constant 1 : i32
    %swap3A_97 = arith.index_cast %swap3A_96 : i32 to index
    %swap3A_98 = arith.constant 0 : index
    %swap3A_99 = tpu.vector_load %arg9[%swap3A_97, %swap3A_98] {strides = array<i32>} : memref<12x32xi32, #tpu.memory_space<vmem>>, vector<1x16xi32>,
    %swap3A_100 = vector.shape_cast %swap3A_99 : vector<1x16xi32> to vector<16xi32>
    %swap3A_101 = vector.shape_cast %add3A_95 : vector<16xi32> to vector<1x16xi32>
    tpu.vector_store %arg9[%swap3A_97, %swap3A_98], %swap3A_101 {strides = array<i32>} : memref<12x32xi32, #tpu.memory_space<vmem>>, vector<1x16xi32>,
    %mul3A_102 = arith.constant 1000 : i32
    %mul3A_103 = vector.broadcast %mul3A_102 : i32 to vector<16xi32>
    %mul3A_104 = arith.muli %min3A_73, %mul3A_103 : vector<16xi32>
    %add3A_105 = arith.addi %mul3A_104, %min3A_79 : vector<16xi32>
    %swap3A_106 = arith.constant 2 : i32
    %swap3A_107 = arith.index_cast %swap3A_106 : i32 to index
    %swap3A_108 = arith.constant 0 : index
    %swap3A_109 = tpu.vector_load %arg9[%swap3A_107, %swap3A_108] {strides = array<i32>} : memref<12x32xi32, #tpu.memory_space<vmem>>, vector<1x16xi32>,
    %swap3A_110 = vector.shape_cast %swap3A_109 : vector<1x16xi32> to vector<16xi32>
    %swap3A_111 = vector.shape_cast %add3A_105 : vector<16xi32> to vector<1x16xi32>
    tpu.vector_store %arg9[%swap3A_107, %swap3A_108], %swap3A_111 {strides = array<i32>} : memref<12x32xi32, #tpu.memory_space<vmem>>, vector<1x16xi32>,
    %mul3A_112 = arith.constant 1000 : i32
    %mul3A_113 = vector.broadcast %mul3A_112 : i32 to vector<16xi32>
    %mul3A_114 = arith.muli %min3A_73, %mul3A_113 : vector<16xi32>
    %add3A_115 = arith.addi %mul3A_114, %min3A_82 : vector<16xi32>
    %swap3A_116 = arith.constant 3 : i32
    %swap3A_117 = arith.index_cast %swap3A_116 : i32 to index
    %swap3A_118 = arith.constant 0 : index
    %swap3A_119 = tpu.vector_load %arg9[%swap3A_117, %swap3A_118] {strides = array<i32>} : memref<12x32xi32, #tpu.memory_space<vmem>>, vector<1x16xi32>,
    %swap3A_120 = vector.shape_cast %swap3A_119 : vector<1x16xi32> to vector<16xi32>
    %swap3A_121 = vector.shape_cast %add3A_115 : vector<16xi32> to vector<1x16xi32>
    tpu.vector_store %arg9[%swap3A_117, %swap3A_118], %swap3A_121 {strides = array<i32>} : memref<12x32xi32, #tpu.memory_space<vmem>>, vector<1x16xi32>,
    %mul3A_122 = arith.constant 1000 : i32
    %mul3A_123 = vector.broadcast %mul3A_122 : i32 to vector<16xi32>
    %mul3A_124 = arith.muli %min3A_76, %mul3A_123 : vector<16xi32>
    %add3A_125 = arith.addi %mul3A_124, %min3A_73 : vector<16xi32>
    %swap3A_126 = arith.constant 4 : i32
    %swap3A_127 = arith.index_cast %swap3A_126 : i32 to index
    %swap3A_128 = arith.constant 0 : index
    %swap3A_129 = tpu.vector_load %arg9[%swap3A_127, %swap3A_128] {strides = array<i32>} : memref<12x32xi32, #tpu.memory_space<vmem>>, vector<1x16xi32>,
    %swap3A_130 = vector.shape_cast %swap3A_129 : vector<1x16xi32> to vector<16xi32>
    %swap3A_131 = vector.shape_cast %add3A_125 : vector<16xi32> to vector<1x16xi32>
    tpu.vector_store %arg9[%swap3A_127, %swap3A_128], %swap3A_131 {strides = array<i32>} : memref<12x32xi32, #tpu.memory_space<vmem>>, vector<1x16xi32>,
    %mul3A_132 = arith.constant 1000 : i32
    %mul3A_133 = vector.broadcast %mul3A_132 : i32 to vector<16xi32>
    %mul3A_134 = arith.muli %min3A_76, %mul3A_133 : vector<16xi32>
    %add3A_135 = arith.addi %mul3A_134, %min3A_76 : vector<16xi32>
    %swap3A_136 = arith.constant 5 : i32
    %swap3A_137 = arith.index_cast %swap3A_136 : i32 to index
    %swap3A_138 = arith.constant 0 : index
    %swap3A_139 = tpu.vector_load %arg9[%swap3A_137, %swap3A_138] {strides = array<i32>} : memref<12x32xi32, #tpu.memory_space<vmem>>, vector<1x16xi32>,
    %swap3A_140 = vector.shape_cast %swap3A_139 : vector<1x16xi32> to vector<16xi32>
    %swap3A_141 = vector.shape_cast %add3A_135 : vector<16xi32> to vector<1x16xi32>
    tpu.vector_store %arg9[%swap3A_137, %swap3A_138], %swap3A_141 {strides = array<i32>} : memref<12x32xi32, #tpu.memory_space<vmem>>, vector<1x16xi32>,
    %mul3A_142 = arith.constant 1000 : i32
    %mul3A_143 = vector.broadcast %mul3A_142 : i32 to vector<16xi32>
    %mul3A_144 = arith.muli %min3A_76, %mul3A_143 : vector<16xi32>
    %add3A_145 = arith.addi %mul3A_144, %min3A_79 : vector<16xi32>
    %swap3A_146 = arith.constant 6 : i32
    %swap3A_147 = arith.index_cast %swap3A_146 : i32 to index
    %swap3A_148 = arith.constant 0 : index
    %swap3A_149 = tpu.vector_load %arg9[%swap3A_147, %swap3A_148] {strides = array<i32>} : memref<12x32xi32, #tpu.memory_space<vmem>>, vector<1x16xi32>,
    %swap3A_150 = vector.shape_cast %swap3A_149 : vector<1x16xi32> to vector<16xi32>
    %swap3A_151 = vector.shape_cast %add3A_145 : vector<16xi32> to vector<1x16xi32>
    tpu.vector_store %arg9[%swap3A_147, %swap3A_148], %swap3A_151 {strides = array<i32>} : memref<12x32xi32, #tpu.memory_space<vmem>>, vector<1x16xi32>,
    %mul3A_152 = arith.constant 1000 : i32
    %mul3A_153 = vector.broadcast %mul3A_152 : i32 to vector<16xi32>
    %mul3A_154 = arith.muli %min3A_76, %mul3A_153 : vector<16xi32>
    %add3A_155 = arith.addi %mul3A_154, %min3A_82 : vector<16xi32>
    %swap3A_156 = arith.constant 7 : i32
    %swap3A_157 = arith.index_cast %swap3A_156 : i32 to index
    %swap3A_158 = arith.constant 0 : index
    %swap3A_159 = tpu.vector_load %arg9[%swap3A_157, %swap3A_158] {strides = array<i32>} : memref<12x32xi32, #tpu.memory_space<vmem>>, vector<1x16xi32>,
    %swap3A_160 = vector.shape_cast %swap3A_159 : vector<1x16xi32> to vector<16xi32>
    %swap3A_161 = vector.shape_cast %add3A_155 : vector<16xi32> to vector<1x16xi32>
    tpu.vector_store %arg9[%swap3A_157, %swap3A_158], %swap3A_161 {strides = array<i32>} : memref<12x32xi32, #tpu.memory_space<vmem>>, vector<1x16xi32>,
    %mul3A_162 = arith.constant 1000 : i32
    %mul3A_163 = vector.broadcast %mul3A_162 : i32 to vector<16xi32>
    %mul3A_164 = arith.muli %min3A_79, %mul3A_163 : vector<16xi32>
    %add3A_165 = arith.addi %mul3A_164, %min3A_73 : vector<16xi32>
    %swap3A_166 = arith.constant 8 : i32
    %swap3A_167 = arith.index_cast %swap3A_166 : i32 to index
    %swap3A_168 = arith.constant 0 : index
    %swap3A_169 = tpu.vector_load %arg9[%swap3A_167, %swap3A_168] {strides = array<i32>} : memref<12x32xi32, #tpu.memory_space<vmem>>, vector<1x16xi32>,
    %swap3A_170 = vector.shape_cast %swap3A_169 : vector<1x16xi32> to vector<16xi32>
    %swap3A_171 = vector.shape_cast %add3A_165 : vector<16xi32> to vector<1x16xi32>
    tpu.vector_store %arg9[%swap3A_167, %swap3A_168], %swap3A_171 {strides = array<i32>} : memref<12x32xi32, #tpu.memory_space<vmem>>, vector<1x16xi32>,
    %mul3A_172 = arith.constant 1000 : i32
    %mul3A_173 = vector.broadcast %mul3A_172 : i32 to vector<16xi32>
    %mul3A_174 = arith.muli %min3A_79, %mul3A_173 : vector<16xi32>
    %add3A_175 = arith.addi %mul3A_174, %min3A_76 : vector<16xi32>
    %swap3A_176 = arith.constant 9 : i32
    %swap3A_177 = arith.index_cast %swap3A_176 : i32 to index
    %swap3A_178 = arith.constant 0 : index
    %swap3A_179 = tpu.vector_load %arg9[%swap3A_177, %swap3A_178] {strides = array<i32>} : memref<12x32xi32, #tpu.memory_space<vmem>>, vector<1x16xi32>,
    %swap3A_180 = vector.shape_cast %swap3A_179 : vector<1x16xi32> to vector<16xi32>
    %swap3A_181 = vector.shape_cast %add3A_175 : vector<16xi32> to vector<1x16xi32>
    tpu.vector_store %arg9[%swap3A_177, %swap3A_178], %swap3A_181 {strides = array<i32>} : memref<12x32xi32, #tpu.memory_space<vmem>>, vector<1x16xi32>,
    %mul3A_182 = arith.constant 1000 : i32
    %mul3A_183 = vector.broadcast %mul3A_182 : i32 to vector<16xi32>
    %mul3A_184 = arith.muli %min3A_79, %mul3A_183 : vector<16xi32>
    %add3A_185 = arith.addi %mul3A_184, %min3A_79 : vector<16xi32>
    %swap3A_186 = arith.constant 10 : i32
    %swap3A_187 = arith.index_cast %swap3A_186 : i32 to index
    %swap3A_188 = arith.constant 0 : index
    %swap3A_189 = tpu.vector_load %arg9[%swap3A_187, %swap3A_188] {strides = array<i32>} : memref<12x32xi32, #tpu.memory_space<vmem>>, vector<1x16xi32>,
    %swap3A_190 = vector.shape_cast %swap3A_189 : vector<1x16xi32> to vector<16xi32>
    %swap3A_191 = vector.shape_cast %add3A_185 : vector<16xi32> to vector<1x16xi32>
    tpu.vector_store %arg9[%swap3A_187, %swap3A_188], %swap3A_191 {strides = array<i32>} : memref<12x32xi32, #tpu.memory_space<vmem>>, vector<1x16xi32>,
    %mul3A_192 = arith.constant 1000 : i32
    %mul3A_193 = vector.broadcast %mul3A_192 : i32 to vector<16xi32>
    %mul3A_194 = arith.muli %min3A_79, %mul3A_193 : vector<16xi32>
    %add3A_195 = arith.addi %mul3A_194, %min3A_82 : vector<16xi32>
    %swap3A_196 = arith.constant 11 : i32
    %swap3A_197 = arith.index_cast %swap3A_196 : i32 to index
    %swap3A_198 = arith.constant 0 : index
    %swap3A_199 = tpu.vector_load %arg9[%swap3A_197, %swap3A_198] {strides = array<i32>} : memref<12x32xi32, #tpu.memory_space<vmem>>, vector<1x16xi32>,
    %swap3A_200 = vector.shape_cast %swap3A_199 : vector<1x16xi32> to vector<16xi32>
    %swap3A_201 = vector.shape_cast %add3A_195 : vector<16xi32> to vector<1x16xi32>
    tpu.vector_store %arg9[%swap3A_197, %swap3A_198], %swap3A_201 {strides = array<i32>} : memref<12x32xi32, #tpu.memory_space<vmem>>, vector<1x16xi32>,
    %add3A_202 = arith.constant 16 : i32
    %add3A_203 = arith.addi %mul3A_2, %add3A_202 : i32
    %add3A_204 = vector.broadcast %add3A_203 : i32 to vector<16xi32>
    %add3A_205 = arith.addi %iota3A, %add3A_204 : vector<16xi32>
    %get3A_206 = arith.constant 0 : i32
    %get3A_207 = arith.index_cast %get3A_206 : i32 to index
    %get3A_208 = arith.constant 16 : index
    %get3A_209 = tpu.vector_load %arg7[%get3A_207, %get3A_208] {strides = array<i32>} : memref<3x32xi32, #tpu.memory_space<vmem>>, vector<1x16xi32>,
    %get3A_210 = vector.shape_cast %get3A_209 : vector<1x16xi32> to vector<16xi32>
    %get3A_211 = arith.constant 1 : i32
    %get3A_212 = arith.index_cast %get3A_211 : i32 to index
    %get3A_213 = arith.constant 16 : index
    %get3A_214 = tpu.vector_load %arg7[%get3A_212, %get3A_213] {strides = array<i32>} : memref<3x32xi32, #tpu.memory_space<vmem>>, vector<1x16xi32>,
    %get3A_215 = vector.shape_cast %get3A_214 : vector<1x16xi32> to vector<16xi32>
    %get3A_216 = arith.constant 2 : i32
    %get3A_217 = arith.index_cast %get3A_216 : i32 to index
    %get3A_218 = arith.constant 16 : index
    %get3A_219 = tpu.vector_load %arg7[%get3A_217, %get3A_218] {strides = array<i32>} : memref<3x32xi32, #tpu.memory_space<vmem>>, vector<1x16xi32>,
    %get3A_220 = vector.shape_cast %get3A_219 : vector<1x16xi32> to vector<16xi32>
    %min3A_221 = arith.constant 999 : i32
    %min3A_222 = vector.broadcast %min3A_221 : i32 to vector<16xi32>
    %min3A_223 = arith.minsi %add3A_205, %min3A_222 : vector<16xi32>
    %min3A_224 = arith.constant 999 : i32
    %min3A_225 = vector.broadcast %min3A_224 : i32 to vector<16xi32>
    %min3A_226 = arith.minsi %get3A_210, %min3A_225 : vector<16xi32>
    %min3A_227 = arith.constant 999 : i32
    %min3A_228 = vector.broadcast %min3A_227 : i32 to vector<16xi32>
    %min3A_229 = arith.minsi %get3A_215, %min3A_228 : vector<16xi32>
    %min3A_230 = arith.constant 999 : i32
    %min3A_231 = vector.broadcast %min3A_230 : i32 to vector<16xi32>
    %min3A_232 = arith.minsi %get3A_220, %min3A_231 : vector<16xi32>
    %mul3A_233 = arith.constant 1000 : i32
    %mul3A_234 = vector.broadcast %mul3A_233 : i32 to vector<16xi32>
    %mul3A_235 = arith.muli %min3A_223, %mul3A_234 : vector<16xi32>
    %add3A_236 = arith.addi %mul3A_235, %min3A_223 : vector<16xi32>
    %swap3A_237 = arith.constant 0 : i32
    %swap3A_238 = arith.index_cast %swap3A_237 : i32 to index
    %swap3A_239 = arith.constant 16 : index
    %swap3A_240 = tpu.vector_load %arg9[%swap3A_238, %swap3A_239] {strides = array<i32>} : memref<12x32xi32, #tpu.memory_space<vmem>>, vector<1x16xi32>,
    %swap3A_241 = vector.shape_cast %swap3A_240 : vector<1x16xi32> to vector<16xi32>
    %swap3A_242 = vector.shape_cast %add3A_236 : vector<16xi32> to vector<1x16xi32>
    tpu.vector_store %arg9[%swap3A_238, %swap3A_239], %swap3A_242 {strides = array<i32>} : memref<12x32xi32, #tpu.memory_space<vmem>>, vector<1x16xi32>,
    %mul3A_243 = arith.constant 1000 : i32
    %mul3A_244 = vector.broadcast %mul3A_243 : i32 to vector<16xi32>
    %mul3A_245 = arith.muli %min3A_223, %mul3A_244 : vector<16xi32>
    %add3A_246 = arith.addi %mul3A_245, %min3A_226 : vector<16xi32>
    %swap3A_247 = arith.constant 1 : i32
    %swap3A_248 = arith.index_cast %swap3A_247 : i32 to index
    %swap3A_249 = arith.constant 16 : index
    %swap3A_250 = tpu.vector_load %arg9[%swap3A_248, %swap3A_249] {strides = array<i32>} : memref<12x32xi32, #tpu.memory_space<vmem>>, vector<1x16xi32>,
    %swap3A_251 = vector.shape_cast %swap3A_250 : vector<1x16xi32> to vector<16xi32>
    %swap3A_252 = vector.shape_cast %add3A_246 : vector<16xi32> to vector<1x16xi32>
    tpu.vector_store %arg9[%swap3A_248, %swap3A_249], %swap3A_252 {strides = array<i32>} : memref<12x32xi32, #tpu.memory_space<vmem>>, vector<1x16xi32>,
    %mul3A_253 = arith.constant 1000 : i32
    %mul3A_254 = vector.broadcast %mul3A_253 : i32 to vector<16xi32>
    %mul3A_255 = arith.muli %min3A_223, %mul3A_254 : vector<16xi32>
    %add3A_256 = arith.addi %mul3A_255, %min3A_229 : vector<16xi32>
    %swap3A_257 = arith.constant 2 : i32
    %swap3A_258 = arith.index_cast %swap3A_257 : i32 to index
    %swap3A_259 = arith.constant 16 : index
    %swap3A_260 = tpu.vector_load %arg9[%swap3A_258, %swap3A_259] {strides = array<i32>} : memref<12x32xi32, #tpu.memory_space<vmem>>, vector<1x16xi32>,
    %swap3A_261 = vector.shape_cast %swap3A_260 : vector<1x16xi32> to vector<16xi32>
    %swap3A_262 = vector.shape_cast %add3A_256 : vector<16xi32> to vector<1x16xi32>
    tpu.vector_store %arg9[%swap3A_258, %swap3A_259], %swap3A_262 {strides = array<i32>} : memref<12x32xi32, #tpu.memory_space<vmem>>, vector<1x16xi32>,
    %mul3A_263 = arith.constant 1000 : i32
    %mul3A_264 = vector.broadcast %mul3A_263 : i32 to vector<16xi32>
    %mul3A_265 = arith.muli %min3A_223, %mul3A_264 : vector<16xi32>
    %add3A_266 = arith.addi %mul3A_265, %min3A_232 : vector<16xi32>
    %swap3A_267 = arith.constant 3 : i32
    %swap3A_268 = arith.index_cast %swap3A_267 : i32 to index
    %swap3A_269 = arith.constant 16 : index
    %swap3A_270 = tpu.vector_load %arg9[%swap3A_268, %swap3A_269] {strides = array<i32>} : memref<12x32xi32, #tpu.memory_space<vmem>>, vector<1x16xi32>,
    %swap3A_271 = vector.shape_cast %swap3A_270 : vector<1x16xi32> to vector<16xi32>
    %swap3A_272 = vector.shape_cast %add3A_266 : vector<16xi32> to vector<1x16xi32>
    tpu.vector_store %arg9[%swap3A_268, %swap3A_269], %swap3A_272 {strides = array<i32>} : memref<12x32xi32, #tpu.memory_space<vmem>>, vector<1x16xi32>,
    %mul3A_273 = arith.constant 1000 : i32
    %mul3A_274 = vector.broadcast %mul3A_273 : i32 to vector<16xi32>
    %mul3A_275 = arith.muli %min3A_226, %mul3A_274 : vector<16xi32>
    %add3A_276 = arith.addi %mul3A_275, %min3A_223 : vector<16xi32>
    %swap3A_277 = arith.constant 4 : i32
    %swap3A_278 = arith.index_cast %swap3A_277 : i32 to index
    %swap3A_279 = arith.constant 16 : index
    %swap3A_280 = tpu.vector_load %arg9[%swap3A_278, %swap3A_279] {strides = array<i32>} : memref<12x32xi32, #tpu.memory_space<vmem>>, vector<1x16xi32>,
    %swap3A_281 = vector.shape_cast %swap3A_280 : vector<1x16xi32> to vector<16xi32>
    %swap3A_282 = vector.shape_cast %add3A_276 : vector<16xi32> to vector<1x16xi32>
    tpu.vector_store %arg9[%swap3A_278, %swap3A_279], %swap3A_282 {strides = array<i32>} : memref<12x32xi32, #tpu.memory_space<vmem>>, vector<1x16xi32>,
    %mul3A_283 = arith.constant 1000 : i32
    %mul3A_284 = vector.broadcast %mul3A_283 : i32 to vector<16xi32>
    %mul3A_285 = arith.muli %min3A_226, %mul3A_284 : vector<16xi32>
    %add3A_286 = arith.addi %mul3A_285, %min3A_226 : vector<16xi32>
    %swap3A_287 = arith.constant 5 : i32
    %swap3A_288 = arith.index_cast %swap3A_287 : i32 to index
    %swap3A_289 = arith.constant 16 : index
    %swap3A_290 = tpu.vector_load %arg9[%swap3A_288, %swap3A_289] {strides = array<i32>} : memref<12x32xi32, #tpu.memory_space<vmem>>, vector<1x16xi32>,
    %swap3A_291 = vector.shape_cast %swap3A_290 : vector<1x16xi32> to vector<16xi32>
    %swap3A_292 = vector.shape_cast %add3A_286 : vector<16xi32> to vector<1x16xi32>
    tpu.vector_store %arg9[%swap3A_288, %swap3A_289], %swap3A_292 {strides = array<i32>} : memref<12x32xi32, #tpu.memory_space<vmem>>, vector<1x16xi32>,
    %mul3A_293 = arith.constant 1000 : i32
    %mul3A_294 = vector.broadcast %mul3A_293 : i32 to vector<16xi32>
    %mul3A_295 = arith.muli %min3A_226, %mul3A_294 : vector<16xi32>
    %add3A_296 = arith.addi %mul3A_295, %min3A_229 : vector<16xi32>
    %swap3A_297 = arith.constant 6 : i32
    %swap3A_298 = arith.index_cast %swap3A_297 : i32 to index
    %swap3A_299 = arith.constant 16 : index
    %swap3A_300 = tpu.vector_load %arg9[%swap3A_298, %swap3A_299] {strides = array<i32>} : memref<12x32xi32, #tpu.memory_space<vmem>>, vector<1x16xi32>,
    %swap3A_301 = vector.shape_cast %swap3A_300 : vector<1x16xi32> to vector<16xi32>
    %swap3A_302 = vector.shape_cast %add3A_296 : vector<16xi32> to vector<1x16xi32>
    tpu.vector_store %arg9[%swap3A_298, %swap3A_299], %swap3A_302 {strides = array<i32>} : memref<12x32xi32, #tpu.memory_space<vmem>>, vector<1x16xi32>,
    %mul3A_303 = arith.constant 1000 : i32
    %mul3A_304 = vector.broadcast %mul3A_303 : i32 to vector<16xi32>
    %mul3A_305 = arith.muli %min3A_226, %mul3A_304 : vector<16xi32>
    %add3A_306 = arith.addi %mul3A_305, %min3A_232 : vector<16xi32>
    %swap3A_307 = arith.constant 7 : i32
    %swap3A_308 = arith.index_cast %swap3A_307 : i32 to index
    %swap3A_309 = arith.constant 16 : index
    %swap3A_310 = tpu.vector_load %arg9[%swap3A_308, %swap3A_309] {strides = array<i32>} : memref<12x32xi32, #tpu.memory_space<vmem>>, vector<1x16xi32>,
    %swap3A_311 = vector.shape_cast %swap3A_310 : vector<1x16xi32> to vector<16xi32>
    %swap3A_312 = vector.shape_cast %add3A_306 : vector<16xi32> to vector<1x16xi32>
    tpu.vector_store %arg9[%swap3A_308, %swap3A_309], %swap3A_312 {strides = array<i32>} : memref<12x32xi32, #tpu.memory_space<vmem>>, vector<1x16xi32>,
    %mul3A_313 = arith.constant 1000 : i32
    %mul3A_314 = vector.broadcast %mul3A_313 : i32 to vector<16xi32>
    %mul3A_315 = arith.muli %min3A_229, %mul3A_314 : vector<16xi32>
    %add3A_316 = arith.addi %mul3A_315, %min3A_223 : vector<16xi32>
    %swap3A_317 = arith.constant 8 : i32
    %swap3A_318 = arith.index_cast %swap3A_317 : i32 to index
    %swap3A_319 = arith.constant 16 : index
    %swap3A_320 = tpu.vector_load %arg9[%swap3A_318, %swap3A_319] {strides = array<i32>} : memref<12x32xi32, #tpu.memory_space<vmem>>, vector<1x16xi32>,
    %swap3A_321 = vector.shape_cast %swap3A_320 : vector<1x16xi32> to vector<16xi32>
    %swap3A_322 = vector.shape_cast %add3A_316 : vector<16xi32> to vector<1x16xi32>
    tpu.vector_store %arg9[%swap3A_318, %swap3A_319], %swap3A_322 {strides = array<i32>} : memref<12x32xi32, #tpu.memory_space<vmem>>, vector<1x16xi32>,
    %mul3A_323 = arith.constant 1000 : i32
    %mul3A_324 = vector.broadcast %mul3A_323 : i32 to vector<16xi32>
    %mul3A_325 = arith.muli %min3A_229, %mul3A_324 : vector<16xi32>
    %add3A_326 = arith.addi %mul3A_325, %min3A_226 : vector<16xi32>
    %swap3A_327 = arith.constant 9 : i32
    %swap3A_328 = arith.index_cast %swap3A_327 : i32 to index
    %swap3A_329 = arith.constant 16 : index
    %swap3A_330 = tpu.vector_load %arg9[%swap3A_328, %swap3A_329] {strides = array<i32>} : memref<12x32xi32, #tpu.memory_space<vmem>>, vector<1x16xi32>,
    %swap3A_331 = vector.shape_cast %swap3A_330 : vector<1x16xi32> to vector<16xi32>
    %swap3A_332 = vector.shape_cast %add3A_326 : vector<16xi32> to vector<1x16xi32>
    tpu.vector_store %arg9[%swap3A_328, %swap3A_329], %swap3A_332 {strides = array<i32>} : memref<12x32xi32, #tpu.memory_space<vmem>>, vector<1x16xi32>,
    %mul3A_333 = arith.constant 1000 : i32
    %mul3A_334 = vector.broadcast %mul3A_333 : i32 to vector<16xi32>
    %mul3A_335 = arith.muli %min3A_229, %mul3A_334 : vector<16xi32>
    %add3A_336 = arith.addi %mul3A_335, %min3A_229 : vector<16xi32>
    %swap3A_337 = arith.constant 10 : i32
    %swap3A_338 = arith.index_cast %swap3A_337 : i32 to index
    %swap3A_339 = arith.constant 16 : index
    %swap3A_340 = tpu.vector_load %arg9[%swap3A_338, %swap3A_339] {strides = array<i32>} : memref<12x32xi32, #tpu.memory_space<vmem>>, vector<1x16xi32>,
    %swap3A_341 = vector.shape_cast %swap3A_340 : vector<1x16xi32> to vector<16xi32>
    %swap3A_342 = vector.shape_cast %add3A_336 : vector<16xi32> to vector<1x16xi32>
    tpu.vector_store %arg9[%swap3A_338, %swap3A_339], %swap3A_342 {strides = array<i32>} : memref<12x32xi32, #tpu.memory_space<vmem>>, vector<1x16xi32>,
    %mul3A_343 = arith.constant 1000 : i32
    %mul3A_344 = vector.broadcast %mul3A_343 : i32 to vector<16xi32>
    %mul3A_345 = arith.muli %min3A_229, %mul3A_344 : vector<16xi32>
    %add3A_346 = arith.addi %mul3A_345, %min3A_232 : vector<16xi32>
    %swap3A_347 = arith.constant 11 : i32
    %swap3A_348 = arith.index_cast %swap3A_347 : i32 to index
    %swap3A_349 = arith.constant 16 : index
    %swap3A_350 = tpu.vector_load %arg9[%swap3A_348, %swap3A_349] {strides = array<i32>} : memref<12x32xi32, #tpu.memory_space<vmem>>, vector<1x16xi32>,
    %swap3A_351 = vector.shape_cast %swap3A_350 : vector<1x16xi32> to vector<16xi32>
    %swap3A_352 = vector.shape_cast %add3A_346 : vector<16xi32> to vector<1x16xi32>
    tpu.vector_store %arg9[%swap3A_348, %swap3A_349], %swap3A_352 {strides = array<i32>} : memref<12x32xi32, #tpu.memory_space<vmem>>, vector<1x16xi32>,
    %dma_start3A_353 = arith.constant 0 : i32
    %dma_start3A_354 = arith.constant 0 : i32
    %dma_start3A_355 = arith.constant 0 : i32
    %dma_start3A_356 = tpu.memref_slice %arg10[%dma_start3A_354, %dma_start3A_355] : memref<12x32xf32, #tpu.memory_space<vmem>> -> memref<1x32xf32, #tpu.memory_space<vmem>>
    %dma_start3A_357 = tpu.memref_squeeze %dma_start3A_356 : memref<1x32xf32, #tpu.memory_space<vmem>> -> memref<32xf32, #tpu.memory_space<vmem>>
    %dma_start3A_358 = arith.constant 0 : i32
    %dma_start3A_359 = tpu.memref_slice %arg9[%dma_start3A_353, %dma_start3A_358] : memref<12x32xi32, #tpu.memory_space<vmem>> -> memref<1x32xi32, #tpu.memory_space<vmem>>
    %dma_start3A_360 = tpu.memref_squeeze %dma_start3A_359 : memref<1x32xi32, #tpu.memory_space<vmem>> -> memref<32xi32, #tpu.memory_space<vmem>>
    %dma_start3A_361 = arith.constant 0 : i32
    %dma_start3A_362 = tpu.memref_slice %arg4[%dma_start3A_361] : memref<1000000xf32, #tpu.memory_space<hbm>> -> memref<1000000xf32, #tpu.memory_space<hbm>>
    tpu.enqueue_indirect_dma source(%dma_start3A_362 : memref<1000000xf32, #tpu.memory_space<hbm>>) target(%dma_start3A_357 : memref<32xf32, #tpu.memory_space<vmem>>) offsets(%dma_start3A_360 : memref<32xi32, #tpu.memory_space<vmem>>) semaphore(%arg11 : memref<!tpu.dma_semaphore, #tpu.memory_space<semaphore_mem>>)
    %dma_start3A_363 = arith.constant 1 : i32
    %dma_start3A_364 = arith.constant 1 : i32
    %dma_start3A_365 = arith.constant 0 : i32
    %dma_start3A_366 = tpu.memref_slice %arg10[%dma_start3A_364, %dma_start3A_365] : memref<12x32xf32, #tpu.memory_space<vmem>> -> memref<1x32xf32, #tpu.memory_space<vmem>>
    %dma_start3A_367 = tpu.memref_squeeze %dma_start3A_366 : memref<1x32xf32, #tpu.memory_space<vmem>> -> memref<32xf32, #tpu.memory_space<vmem>>
    %dma_start3A_368 = arith.constant 0 : i32
    %dma_start3A_369 = tpu.memref_slice %arg9[%dma_start3A_363, %dma_start3A_368] : memref<12x32xi32, #tpu.memory_space<vmem>> -> memref<1x32xi32, #tpu.memory_space<vmem>>
    %dma_start3A_370 = tpu.memref_squeeze %dma_start3A_369 : memref<1x32xi32, #tpu.memory_space<vmem>> -> memref<32xi32, #tpu.memory_space<vmem>>
    %dma_start3A_371 = arith.constant 0 : i32
    %dma_start3A_372 = tpu.memref_slice %arg4[%dma_start3A_371] : memref<1000000xf32, #tpu.memory_space<hbm>> -> memref<1000000xf32, #tpu.memory_space<hbm>>
    tpu.enqueue_indirect_dma source(%dma_start3A_372 : memref<1000000xf32, #tpu.memory_space<hbm>>) target(%dma_start3A_367 : memref<32xf32, #tpu.memory_space<vmem>>) offsets(%dma_start3A_370 : memref<32xi32, #tpu.memory_space<vmem>>) semaphore(%arg11 : memref<!tpu.dma_semaphore, #tpu.memory_space<semaphore_mem>>)
    %dma_start3A_373 = arith.constant 2 : i32
    %dma_start3A_374 = arith.constant 2 : i32
    %dma_start3A_375 = arith.constant 0 : i32
    %dma_start3A_376 = tpu.memref_slice %arg10[%dma_start3A_374, %dma_start3A_375] : memref<12x32xf32, #tpu.memory_space<vmem>> -> memref<1x32xf32, #tpu.memory_space<vmem>>
    %dma_start3A_377 = tpu.memref_squeeze %dma_start3A_376 : memref<1x32xf32, #tpu.memory_space<vmem>> -> memref<32xf32, #tpu.memory_space<vmem>>
    %dma_start3A_378 = arith.constant 0 : i32
    %dma_start3A_379 = tpu.memref_slice %arg9[%dma_start3A_373, %dma_start3A_378] : memref<12x32xi32, #tpu.memory_space<vmem>> -> memref<1x32xi32, #tpu.memory_space<vmem>>
    %dma_start3A_380 = tpu.memref_squeeze %dma_start3A_379 : memref<1x32xi32, #tpu.memory_space<vmem>> -> memref<32xi32, #tpu.memory_space<vmem>>
    %dma_start3A_381 = arith.constant 0 : i32
    %dma_start3A_382 = tpu.memref_slice %arg4[%dma_start3A_381] : memref<1000000xf32, #tpu.memory_space<hbm>> -> memref<1000000xf32, #tpu.memory_space<hbm>>
    tpu.enqueue_indirect_dma source(%dma_start3A_382 : memref<1000000xf32, #tpu.memory_space<hbm>>) target(%dma_start3A_377 : memref<32xf32, #tpu.memory_space<vmem>>) offsets(%dma_start3A_380 : memref<32xi32, #tpu.memory_space<vmem>>) semaphore(%arg11 : memref<!tpu.dma_semaphore, #tpu.memory_space<semaphore_mem>>)
    %dma_start3A_383 = arith.constant 3 : i32
    %dma_start3A_384 = arith.constant 3 : i32
    %dma_start3A_385 = arith.constant 0 : i32
    %dma_start3A_386 = tpu.memref_slice %arg10[%dma_start3A_384, %dma_start3A_385] : memref<12x32xf32, #tpu.memory_space<vmem>> -> memref<1x32xf32, #tpu.memory_space<vmem>>
    %dma_start3A_387 = tpu.memref_squeeze %dma_start3A_386 : memref<1x32xf32, #tpu.memory_space<vmem>> -> memref<32xf32, #tpu.memory_space<vmem>>
    %dma_start3A_388 = arith.constant 0 : i32
    %dma_start3A_389 = tpu.memref_slice %arg9[%dma_start3A_383, %dma_start3A_388] : memref<12x32xi32, #tpu.memory_space<vmem>> -> memref<1x32xi32, #tpu.memory_space<vmem>>
    %dma_start3A_390 = tpu.memref_squeeze %dma_start3A_389 : memref<1x32xi32, #tpu.memory_space<vmem>> -> memref<32xi32, #tpu.memory_space<vmem>>
    %dma_start3A_391 = arith.constant 0 : i32
    %dma_start3A_392 = tpu.memref_slice %arg4[%dma_start3A_391] : memref<1000000xf32, #tpu.memory_space<hbm>> -> memref<1000000xf32, #tpu.memory_space<hbm>>
    tpu.enqueue_indirect_dma source(%dma_start3A_392 : memref<1000000xf32, #tpu.memory_space<hbm>>) target(%dma_start3A_387 : memref<32xf32, #tpu.memory_space<vmem>>) offsets(%dma_start3A_390 : memref<32xi32, #tpu.memory_space<vmem>>) semaphore(%arg11 : memref<!tpu.dma_semaphore, #tpu.memory_space<semaphore_mem>>)
    %dma_start3A_393 = arith.constant 4 : i32
    %dma_start3A_394 = arith.constant 4 : i32
    %dma_start3A_395 = arith.constant 0 : i32
    %dma_start3A_396 = tpu.memref_slice %arg10[%dma_start3A_394, %dma_start3A_395] : memref<12x32xf32, #tpu.memory_space<vmem>> -> memref<1x32xf32, #tpu.memory_space<vmem>>
    %dma_start3A_397 = tpu.memref_squeeze %dma_start3A_396 : memref<1x32xf32, #tpu.memory_space<vmem>> -> memref<32xf32, #tpu.memory_space<vmem>>
    %dma_start3A_398 = arith.constant 0 : i32
    %dma_start3A_399 = tpu.memref_slice %arg9[%dma_start3A_393, %dma_start3A_398] : memref<12x32xi32, #tpu.memory_space<vmem>> -> memref<1x32xi32, #tpu.memory_space<vmem>>
    %dma_start3A_400 = tpu.memref_squeeze %dma_start3A_399 : memref<1x32xi32, #tpu.memory_space<vmem>> -> memref<32xi32, #tpu.memory_space<vmem>>
    %dma_start3A_401 = arith.constant 0 : i32
    %dma_start3A_402 = tpu.memref_slice %arg4[%dma_start3A_401] : memref<1000000xf32, #tpu.memory_space<hbm>> -> memref<1000000xf32, #tpu.memory_space<hbm>>
    tpu.enqueue_indirect_dma source(%dma_start3A_402 : memref<1000000xf32, #tpu.memory_space<hbm>>) target(%dma_start3A_397 : memref<32xf32, #tpu.memory_space<vmem>>) offsets(%dma_start3A_400 : memref<32xi32, #tpu.memory_space<vmem>>) semaphore(%arg11 : memref<!tpu.dma_semaphore, #tpu.memory_space<semaphore_mem>>)
    %dma_start3A_403 = arith.constant 5 : i32
    %dma_start3A_404 = arith.constant 5 : i32
    %dma_start3A_405 = arith.constant 0 : i32
    %dma_start3A_406 = tpu.memref_slice %arg10[%dma_start3A_404, %dma_start3A_405] : memref<12x32xf32, #tpu.memory_space<vmem>> -> memref<1x32xf32, #tpu.memory_space<vmem>>
    %dma_start3A_407 = tpu.memref_squeeze %dma_start3A_406 : memref<1x32xf32, #tpu.memory_space<vmem>> -> memref<32xf32, #tpu.memory_space<vmem>>
    %dma_start3A_408 = arith.constant 0 : i32
    %dma_start3A_409 = tpu.memref_slice %arg9[%dma_start3A_403, %dma_start3A_408] : memref<12x32xi32, #tpu.memory_space<vmem>> -> memref<1x32xi32, #tpu.memory_space<vmem>>
    %dma_start3A_410 = tpu.memref_squeeze %dma_start3A_409 : memref<1x32xi32, #tpu.memory_space<vmem>> -> memref<32xi32, #tpu.memory_space<vmem>>
    %dma_start3A_411 = arith.constant 0 : i32
    %dma_start3A_412 = tpu.memref_slice %arg4[%dma_start3A_411] : memref<1000000xf32, #tpu.memory_space<hbm>> -> memref<1000000xf32, #tpu.memory_space<hbm>>
    tpu.enqueue_indirect_dma source(%dma_start3A_412 : memref<1000000xf32, #tpu.memory_space<hbm>>) target(%dma_start3A_407 : memref<32xf32, #tpu.memory_space<vmem>>) offsets(%dma_start3A_410 : memref<32xi32, #tpu.memory_space<vmem>>) semaphore(%arg11 : memref<!tpu.dma_semaphore, #tpu.memory_space<semaphore_mem>>)
    %dma_start3A_413 = arith.constant 6 : i32
    %dma_start3A_414 = arith.constant 6 : i32
    %dma_start3A_415 = arith.constant 0 : i32
    %dma_start3A_416 = tpu.memref_slice %arg10[%dma_start3A_414, %dma_start3A_415] : memref<12x32xf32, #tpu.memory_space<vmem>> -> memref<1x32xf32, #tpu.memory_space<vmem>>
    %dma_start3A_417 = tpu.memref_squeeze %dma_start3A_416 : memref<1x32xf32, #tpu.memory_space<vmem>> -> memref<32xf32, #tpu.memory_space<vmem>>
    %dma_start3A_418 = arith.constant 0 : i32
    %dma_start3A_419 = tpu.memref_slice %arg9[%dma_start3A_413, %dma_start3A_418] : memref<12x32xi32, #tpu.memory_space<vmem>> -> memref<1x32xi32, #tpu.memory_space<vmem>>
    %dma_start3A_420 = tpu.memref_squeeze %dma_start3A_419 : memref<1x32xi32, #tpu.memory_space<vmem>> -> memref<32xi32, #tpu.memory_space<vmem>>
    %dma_start3A_421 = arith.constant 0 : i32
    %dma_start3A_422 = tpu.memref_slice %arg4[%dma_start3A_421] : memref<1000000xf32, #tpu.memory_space<hbm>> -> memref<1000000xf32, #tpu.memory_space<hbm>>
    tpu.enqueue_indirect_dma source(%dma_start3A_422 : memref<1000000xf32, #tpu.memory_space<hbm>>) target(%dma_start3A_417 : memref<32xf32, #tpu.memory_space<vmem>>) offsets(%dma_start3A_420 : memref<32xi32, #tpu.memory_space<vmem>>) semaphore(%arg11 : memref<!tpu.dma_semaphore, #tpu.memory_space<semaphore_mem>>)
    %dma_start3A_423 = arith.constant 7 : i32
    %dma_start3A_424 = arith.constant 7 : i32
    %dma_start3A_425 = arith.constant 0 : i32
    %dma_start3A_426 = tpu.memref_slice %arg10[%dma_start3A_424, %dma_start3A_425] : memref<12x32xf32, #tpu.memory_space<vmem>> -> memref<1x32xf32, #tpu.memory_space<vmem>>
    %dma_start3A_427 = tpu.memref_squeeze %dma_start3A_426 : memref<1x32xf32, #tpu.memory_space<vmem>> -> memref<32xf32, #tpu.memory_space<vmem>>
    %dma_start3A_428 = arith.constant 0 : i32
    %dma_start3A_429 = tpu.memref_slice %arg9[%dma_start3A_423, %dma_start3A_428] : memref<12x32xi32, #tpu.memory_space<vmem>> -> memref<1x32xi32, #tpu.memory_space<vmem>>
    %dma_start3A_430 = tpu.memref_squeeze %dma_start3A_429 : memref<1x32xi32, #tpu.memory_space<vmem>> -> memref<32xi32, #tpu.memory_space<vmem>>
    %dma_start3A_431 = arith.constant 0 : i32
    %dma_start3A_432 = tpu.memref_slice %arg4[%dma_start3A_431] : memref<1000000xf32, #tpu.memory_space<hbm>> -> memref<1000000xf32, #tpu.memory_space<hbm>>
    tpu.enqueue_indirect_dma source(%dma_start3A_432 : memref<1000000xf32, #tpu.memory_space<hbm>>) target(%dma_start3A_427 : memref<32xf32, #tpu.memory_space<vmem>>) offsets(%dma_start3A_430 : memref<32xi32, #tpu.memory_space<vmem>>) semaphore(%arg11 : memref<!tpu.dma_semaphore, #tpu.memory_space<semaphore_mem>>)
    %dma_start3A_433 = arith.constant 8 : i32
    %dma_start3A_434 = arith.constant 8 : i32
    %dma_start3A_435 = arith.constant 0 : i32
    %dma_start3A_436 = tpu.memref_slice %arg10[%dma_start3A_434, %dma_start3A_435] : memref<12x32xf32, #tpu.memory_space<vmem>> -> memref<1x32xf32, #tpu.memory_space<vmem>>
    %dma_start3A_437 = tpu.memref_squeeze %dma_start3A_436 : memref<1x32xf32, #tpu.memory_space<vmem>> -> memref<32xf32, #tpu.memory_space<vmem>>
    %dma_start3A_438 = arith.constant 0 : i32
    %dma_start3A_439 = tpu.memref_slice %arg9[%dma_start3A_433, %dma_start3A_438] : memref<12x32xi32, #tpu.memory_space<vmem>> -> memref<1x32xi32, #tpu.memory_space<vmem>>
    %dma_start3A_440 = tpu.memref_squeeze %dma_start3A_439 : memref<1x32xi32, #tpu.memory_space<vmem>> -> memref<32xi32, #tpu.memory_space<vmem>>
    %dma_start3A_441 = arith.constant 0 : i32
    %dma_start3A_442 = tpu.memref_slice %arg4[%dma_start3A_441] : memref<1000000xf32, #tpu.memory_space<hbm>> -> memref<1000000xf32, #tpu.memory_space<hbm>>
    tpu.enqueue_indirect_dma source(%dma_start3A_442 : memref<1000000xf32, #tpu.memory_space<hbm>>) target(%dma_start3A_437 : memref<32xf32, #tpu.memory_space<vmem>>) offsets(%dma_start3A_440 : memref<32xi32, #tpu.memory_space<vmem>>) semaphore(%arg11 : memref<!tpu.dma_semaphore, #tpu.memory_space<semaphore_mem>>)
    %dma_start3A_443 = arith.constant 9 : i32
    %dma_start3A_444 = arith.constant 9 : i32
    %dma_start3A_445 = arith.constant 0 : i32
    %dma_start3A_446 = tpu.memref_slice %arg10[%dma_start3A_444, %dma_start3A_445] : memref<12x32xf32, #tpu.memory_space<vmem>> -> memref<1x32xf32, #tpu.memory_space<vmem>>
    %dma_start3A_447 = tpu.memref_squeeze %dma_start3A_446 : memref<1x32xf32, #tpu.memory_space<vmem>> -> memref<32xf32, #tpu.memory_space<vmem>>
    %dma_start3A_448 = arith.constant 0 : i32
    %dma_start3A_449 = tpu.memref_slice %arg9[%dma_start3A_443, %dma_start3A_448] : memref<12x32xi32, #tpu.memory_space<vmem>> -> memref<1x32xi32, #tpu.memory_space<vmem>>
    %dma_start3A_450 = tpu.memref_squeeze %dma_start3A_449 : memref<1x32xi32, #tpu.memory_space<vmem>> -> memref<32xi32, #tpu.memory_space<vmem>>
    %dma_start3A_451 = arith.constant 0 : i32
    %dma_start3A_452 = tpu.memref_slice %arg4[%dma_start3A_451] : memref<1000000xf32, #tpu.memory_space<hbm>> -> memref<1000000xf32, #tpu.memory_space<hbm>>
    tpu.enqueue_indirect_dma source(%dma_start3A_452 : memref<1000000xf32, #tpu.memory_space<hbm>>) target(%dma_start3A_447 : memref<32xf32, #tpu.memory_space<vmem>>) offsets(%dma_start3A_450 : memref<32xi32, #tpu.memory_space<vmem>>) semaphore(%arg11 : memref<!tpu.dma_semaphore, #tpu.memory_space<semaphore_mem>>)
    %dma_start3A_453 = arith.constant 10 : i32
    %dma_start3A_454 = arith.constant 10 : i32
    %dma_start3A_455 = arith.constant 0 : i32
    %dma_start3A_456 = tpu.memref_slice %arg10[%dma_start3A_454, %dma_start3A_455] : memref<12x32xf32, #tpu.memory_space<vmem>> -> memref<1x32xf32, #tpu.memory_space<vmem>>
    %dma_start3A_457 = tpu.memref_squeeze %dma_start3A_456 : memref<1x32xf32, #tpu.memory_space<vmem>> -> memref<32xf32, #tpu.memory_space<vmem>>
    %dma_start3A_458 = arith.constant 0 : i32
    %dma_start3A_459 = tpu.memref_slice %arg9[%dma_start3A_453, %dma_start3A_458] : memref<12x32xi32, #tpu.memory_space<vmem>> -> memref<1x32xi32, #tpu.memory_space<vmem>>
    %dma_start3A_460 = tpu.memref_squeeze %dma_start3A_459 : memref<1x32xi32, #tpu.memory_space<vmem>> -> memref<32xi32, #tpu.memory_space<vmem>>
    %dma_start3A_461 = arith.constant 0 : i32
    %dma_start3A_462 = tpu.memref_slice %arg4[%dma_start3A_461] : memref<1000000xf32, #tpu.memory_space<hbm>> -> memref<1000000xf32, #tpu.memory_space<hbm>>
    tpu.enqueue_indirect_dma source(%dma_start3A_462 : memref<1000000xf32, #tpu.memory_space<hbm>>) target(%dma_start3A_457 : memref<32xf32, #tpu.memory_space<vmem>>) offsets(%dma_start3A_460 : memref<32xi32, #tpu.memory_space<vmem>>) semaphore(%arg11 : memref<!tpu.dma_semaphore, #tpu.memory_space<semaphore_mem>>)
    %dma_start3A_463 = arith.constant 11 : i32
    %dma_start3A_464 = arith.constant 11 : i32
    %dma_start3A_465 = arith.constant 0 : i32
    %dma_start3A_466 = tpu.memref_slice %arg10[%dma_start3A_464, %dma_start3A_465] : memref<12x32xf32, #tpu.memory_space<vmem>> -> memref<1x32xf32, #tpu.memory_space<vmem>>
    %dma_start3A_467 = tpu.memref_squeeze %dma_start3A_466 : memref<1x32xf32, #tpu.memory_space<vmem>> -> memref<32xf32, #tpu.memory_space<vmem>>
    %dma_start3A_468 = arith.constant 0 : i32
    %dma_start3A_469 = tpu.memref_slice %arg9[%dma_start3A_463, %dma_start3A_468] : memref<12x32xi32, #tpu.memory_space<vmem>> -> memref<1x32xi32, #tpu.memory_space<vmem>>
    %dma_start3A_470 = tpu.memref_squeeze %dma_start3A_469 : memref<1x32xi32, #tpu.memory_space<vmem>> -> memref<32xi32, #tpu.memory_space<vmem>>
    %dma_start3A_471 = arith.constant 0 : i32
    %dma_start3A_472 = tpu.memref_slice %arg4[%dma_start3A_471] : memref<1000000xf32, #tpu.memory_space<hbm>> -> memref<1000000xf32, #tpu.memory_space<hbm>>
    tpu.enqueue_indirect_dma source(%dma_start3A_472 : memref<1000000xf32, #tpu.memory_space<hbm>>) target(%dma_start3A_467 : memref<32xf32, #tpu.memory_space<vmem>>) offsets(%dma_start3A_470 : memref<32xi32, #tpu.memory_space<vmem>>) semaphore(%arg11 : memref<!tpu.dma_semaphore, #tpu.memory_space<semaphore_mem>>)
    %dma_wait3A_473 = arith.constant 0 : i32
    %dma_wait3A_474 = arith.constant 0 : i32
    %dma_wait3A_475 = arith.constant 0 : i32
    %dma_wait3A_476 = tpu.memref_slice %arg10[%dma_wait3A_474, %dma_wait3A_475] : memref<12x32xf32, #tpu.memory_space<vmem>> -> memref<1x32xf32, #tpu.memory_space<vmem>>
    %dma_wait3A_477 = tpu.memref_squeeze %dma_wait3A_476 : memref<1x32xf32, #tpu.memory_space<vmem>> -> memref<32xf32, #tpu.memory_space<vmem>>
    %dma_wait3A_478 = arith.constant 0 : i32
    %dma_wait3A_479 = tpu.memref_slice %arg9[%dma_wait3A_473, %dma_wait3A_478] : memref<12x32xi32, #tpu.memory_space<vmem>> -> memref<1x32xi32, #tpu.memory_space<vmem>>
    %dma_wait3A_480 = tpu.memref_squeeze %dma_wait3A_479 : memref<1x32xi32, #tpu.memory_space<vmem>> -> memref<32xi32, #tpu.memory_space<vmem>>
    %dma_wait3A_481 = arith.constant 0 : i32
    %dma_wait3A_482 = tpu.memref_slice %arg4[%dma_wait3A_481] : memref<1000000xf32, #tpu.memory_space<hbm>> -> memref<1000000xf32, #tpu.memory_space<hbm>>
    tpu.wait_indirect_dma semaphore(%arg11 : memref<!tpu.dma_semaphore, #tpu.memory_space<semaphore_mem>>) src(%dma_wait3A_482 : memref<1000000xf32, #tpu.memory_space<hbm>>) dst(%dma_wait3A_477 : memref<32xf32, #tpu.memory_space<vmem>>)
    %dma_wait3A_483 = arith.constant 1 : i32
    %dma_wait3A_484 = arith.constant 1 : i32
    %dma_wait3A_485 = arith.constant 0 : i32
    %dma_wait3A_486 = tpu.memref_slice %arg10[%dma_wait3A_484, %dma_wait3A_485] : memref<12x32xf32, #tpu.memory_space<vmem>> -> memref<1x32xf32, #tpu.memory_space<vmem>>
    %dma_wait3A_487 = tpu.memref_squeeze %dma_wait3A_486 : memref<1x32xf32, #tpu.memory_space<vmem>> -> memref<32xf32, #tpu.memory_space<vmem>>
    %dma_wait3A_488 = arith.constant 0 : i32
    %dma_wait3A_489 = tpu.memref_slice %arg9[%dma_wait3A_483, %dma_wait3A_488] : memref<12x32xi32, #tpu.memory_space<vmem>> -> memref<1x32xi32, #tpu.memory_space<vmem>>
    %dma_wait3A_490 = tpu.memref_squeeze %dma_wait3A_489 : memref<1x32xi32, #tpu.memory_space<vmem>> -> memref<32xi32, #tpu.memory_space<vmem>>
    %dma_wait3A_491 = arith.constant 0 : i32
    %dma_wait3A_492 = tpu.memref_slice %arg4[%dma_wait3A_491] : memref<1000000xf32, #tpu.memory_space<hbm>> -> memref<1000000xf32, #tpu.memory_space<hbm>>
    tpu.wait_indirect_dma semaphore(%arg11 : memref<!tpu.dma_semaphore, #tpu.memory_space<semaphore_mem>>) src(%dma_wait3A_492 : memref<1000000xf32, #tpu.memory_space<hbm>>) dst(%dma_wait3A_487 : memref<32xf32, #tpu.memory_space<vmem>>)
    %dma_wait3A_493 = arith.constant 2 : i32
    %dma_wait3A_494 = arith.constant 2 : i32
    %dma_wait3A_495 = arith.constant 0 : i32
    %dma_wait3A_496 = tpu.memref_slice %arg10[%dma_wait3A_494, %dma_wait3A_495] : memref<12x32xf32, #tpu.memory_space<vmem>> -> memref<1x32xf32, #tpu.memory_space<vmem>>
    %dma_wait3A_497 = tpu.memref_squeeze %dma_wait3A_496 : memref<1x32xf32, #tpu.memory_space<vmem>> -> memref<32xf32, #tpu.memory_space<vmem>>
    %dma_wait3A_498 = arith.constant 0 : i32
    %dma_wait3A_499 = tpu.memref_slice %arg9[%dma_wait3A_493, %dma_wait3A_498] : memref<12x32xi32, #tpu.memory_space<vmem>> -> memref<1x32xi32, #tpu.memory_space<vmem>>
    %dma_wait3A_500 = tpu.memref_squeeze %dma_wait3A_499 : memref<1x32xi32, #tpu.memory_space<vmem>> -> memref<32xi32, #tpu.memory_space<vmem>>
    %dma_wait3A_501 = arith.constant 0 : i32
    %dma_wait3A_502 = tpu.memref_slice %arg4[%dma_wait3A_501] : memref<1000000xf32, #tpu.memory_space<hbm>> -> memref<1000000xf32, #tpu.memory_space<hbm>>
    tpu.wait_indirect_dma semaphore(%arg11 : memref<!tpu.dma_semaphore, #tpu.memory_space<semaphore_mem>>) src(%dma_wait3A_502 : memref<1000000xf32, #tpu.memory_space<hbm>>) dst(%dma_wait3A_497 : memref<32xf32, #tpu.memory_space<vmem>>)
    %dma_wait3A_503 = arith.constant 3 : i32
    %dma_wait3A_504 = arith.constant 3 : i32
    %dma_wait3A_505 = arith.constant 0 : i32
    %dma_wait3A_506 = tpu.memref_slice %arg10[%dma_wait3A_504, %dma_wait3A_505] : memref<12x32xf32, #tpu.memory_space<vmem>> -> memref<1x32xf32, #tpu.memory_space<vmem>>
    %dma_wait3A_507 = tpu.memref_squeeze %dma_wait3A_506 : memref<1x32xf32, #tpu.memory_space<vmem>> -> memref<32xf32, #tpu.memory_space<vmem>>
    %dma_wait3A_508 = arith.constant 0 : i32
    %dma_wait3A_509 = tpu.memref_slice %arg9[%dma_wait3A_503, %dma_wait3A_508] : memref<12x32xi32, #tpu.memory_space<vmem>> -> memref<1x32xi32, #tpu.memory_space<vmem>>
    %dma_wait3A_510 = tpu.memref_squeeze %dma_wait3A_509 : memref<1x32xi32, #tpu.memory_space<vmem>> -> memref<32xi32, #tpu.memory_space<vmem>>
    %dma_wait3A_511 = arith.constant 0 : i32
    %dma_wait3A_512 = tpu.memref_slice %arg4[%dma_wait3A_511] : memref<1000000xf32, #tpu.memory_space<hbm>> -> memref<1000000xf32, #tpu.memory_space<hbm>>
    tpu.wait_indirect_dma semaphore(%arg11 : memref<!tpu.dma_semaphore, #tpu.memory_space<semaphore_mem>>) src(%dma_wait3A_512 : memref<1000000xf32, #tpu.memory_space<hbm>>) dst(%dma_wait3A_507 : memref<32xf32, #tpu.memory_space<vmem>>)
    %dma_wait3A_513 = arith.constant 4 : i32
    %dma_wait3A_514 = arith.constant 4 : i32
    %dma_wait3A_515 = arith.constant 0 : i32
    %dma_wait3A_516 = tpu.memref_slice %arg10[%dma_wait3A_514, %dma_wait3A_515] : memref<12x32xf32, #tpu.memory_space<vmem>> -> memref<1x32xf32, #tpu.memory_space<vmem>>
    %dma_wait3A_517 = tpu.memref_squeeze %dma_wait3A_516 : memref<1x32xf32, #tpu.memory_space<vmem>> -> memref<32xf32, #tpu.memory_space<vmem>>
    %dma_wait3A_518 = arith.constant 0 : i32
    %dma_wait3A_519 = tpu.memref_slice %arg9[%dma_wait3A_513, %dma_wait3A_518] : memref<12x32xi32, #tpu.memory_space<vmem>> -> memref<1x32xi32, #tpu.memory_space<vmem>>
    %dma_wait3A_520 = tpu.memref_squeeze %dma_wait3A_519 : memref<1x32xi32, #tpu.memory_space<vmem>> -> memref<32xi32, #tpu.memory_space<vmem>>
    %dma_wait3A_521 = arith.constant 0 : i32
    %dma_wait3A_522 = tpu.memref_slice %arg4[%dma_wait3A_521] : memref<1000000xf32, #tpu.memory_space<hbm>> -> memref<1000000xf32, #tpu.memory_space<hbm>>
    tpu.wait_indirect_dma semaphore(%arg11 : memref<!tpu.dma_semaphore, #tpu.memory_space<semaphore_mem>>) src(%dma_wait3A_522 : memref<1000000xf32, #tpu.memory_space<hbm>>) dst(%dma_wait3A_517 : memref<32xf32, #tpu.memory_space<vmem>>)
    %dma_wait3A_523 = arith.constant 5 : i32
    %dma_wait3A_524 = arith.constant 5 : i32
    %dma_wait3A_525 = arith.constant 0 : i32
    %dma_wait3A_526 = tpu.memref_slice %arg10[%dma_wait3A_524, %dma_wait3A_525] : memref<12x32xf32, #tpu.memory_space<vmem>> -> memref<1x32xf32, #tpu.memory_space<vmem>>
    %dma_wait3A_527 = tpu.memref_squeeze %dma_wait3A_526 : memref<1x32xf32, #tpu.memory_space<vmem>> -> memref<32xf32, #tpu.memory_space<vmem>>
    %dma_wait3A_528 = arith.constant 0 : i32
    %dma_wait3A_529 = tpu.memref_slice %arg9[%dma_wait3A_523, %dma_wait3A_528] : memref<12x32xi32, #tpu.memory_space<vmem>> -> memref<1x32xi32, #tpu.memory_space<vmem>>
    %dma_wait3A_530 = tpu.memref_squeeze %dma_wait3A_529 : memref<1x32xi32, #tpu.memory_space<vmem>> -> memref<32xi32, #tpu.memory_space<vmem>>
    %dma_wait3A_531 = arith.constant 0 : i32
    %dma_wait3A_532 = tpu.memref_slice %arg4[%dma_wait3A_531] : memref<1000000xf32, #tpu.memory_space<hbm>> -> memref<1000000xf32, #tpu.memory_space<hbm>>
    tpu.wait_indirect_dma semaphore(%arg11 : memref<!tpu.dma_semaphore, #tpu.memory_space<semaphore_mem>>) src(%dma_wait3A_532 : memref<1000000xf32, #tpu.memory_space<hbm>>) dst(%dma_wait3A_527 : memref<32xf32, #tpu.memory_space<vmem>>)
    %dma_wait3A_533 = arith.constant 6 : i32
    %dma_wait3A_534 = arith.constant 6 : i32
    %dma_wait3A_535 = arith.constant 0 : i32
    %dma_wait3A_536 = tpu.memref_slice %arg10[%dma_wait3A_534, %dma_wait3A_535] : memref<12x32xf32, #tpu.memory_space<vmem>> -> memref<1x32xf32, #tpu.memory_space<vmem>>
    %dma_wait3A_537 = tpu.memref_squeeze %dma_wait3A_536 : memref<1x32xf32, #tpu.memory_space<vmem>> -> memref<32xf32, #tpu.memory_space<vmem>>
    %dma_wait3A_538 = arith.constant 0 : i32
    %dma_wait3A_539 = tpu.memref_slice %arg9[%dma_wait3A_533, %dma_wait3A_538] : memref<12x32xi32, #tpu.memory_space<vmem>> -> memref<1x32xi32, #tpu.memory_space<vmem>>
    %dma_wait3A_540 = tpu.memref_squeeze %dma_wait3A_539 : memref<1x32xi32, #tpu.memory_space<vmem>> -> memref<32xi32, #tpu.memory_space<vmem>>
    %dma_wait3A_541 = arith.constant 0 : i32
    %dma_wait3A_542 = tpu.memref_slice %arg4[%dma_wait3A_541] : memref<1000000xf32, #tpu.memory_space<hbm>> -> memref<1000000xf32, #tpu.memory_space<hbm>>
    tpu.wait_indirect_dma semaphore(%arg11 : memref<!tpu.dma_semaphore, #tpu.memory_space<semaphore_mem>>) src(%dma_wait3A_542 : memref<1000000xf32, #tpu.memory_space<hbm>>) dst(%dma_wait3A_537 : memref<32xf32, #tpu.memory_space<vmem>>)
    %dma_wait3A_543 = arith.constant 7 : i32
    %dma_wait3A_544 = arith.constant 7 : i32
    %dma_wait3A_545 = arith.constant 0 : i32
    %dma_wait3A_546 = tpu.memref_slice %arg10[%dma_wait3A_544, %dma_wait3A_545] : memref<12x32xf32, #tpu.memory_space<vmem>> -> memref<1x32xf32, #tpu.memory_space<vmem>>
    %dma_wait3A_547 = tpu.memref_squeeze %dma_wait3A_546 : memref<1x32xf32, #tpu.memory_space<vmem>> -> memref<32xf32, #tpu.memory_space<vmem>>
    %dma_wait3A_548 = arith.constant 0 : i32
    %dma_wait3A_549 = tpu.memref_slice %arg9[%dma_wait3A_543, %dma_wait3A_548] : memref<12x32xi32, #tpu.memory_space<vmem>> -> memref<1x32xi32, #tpu.memory_space<vmem>>
    %dma_wait3A_550 = tpu.memref_squeeze %dma_wait3A_549 : memref<1x32xi32, #tpu.memory_space<vmem>> -> memref<32xi32, #tpu.memory_space<vmem>>
    %dma_wait3A_551 = arith.constant 0 : i32
    %dma_wait3A_552 = tpu.memref_slice %arg4[%dma_wait3A_551] : memref<1000000xf32, #tpu.memory_space<hbm>> -> memref<1000000xf32, #tpu.memory_space<hbm>>
    tpu.wait_indirect_dma semaphore(%arg11 : memref<!tpu.dma_semaphore, #tpu.memory_space<semaphore_mem>>) src(%dma_wait3A_552 : memref<1000000xf32, #tpu.memory_space<hbm>>) dst(%dma_wait3A_547 : memref<32xf32, #tpu.memory_space<vmem>>)
    %dma_wait3A_553 = arith.constant 8 : i32
    %dma_wait3A_554 = arith.constant 8 : i32
    %dma_wait3A_555 = arith.constant 0 : i32
    %dma_wait3A_556 = tpu.memref_slice %arg10[%dma_wait3A_554, %dma_wait3A_555] : memref<12x32xf32, #tpu.memory_space<vmem>> -> memref<1x32xf32, #tpu.memory_space<vmem>>
    %dma_wait3A_557 = tpu.memref_squeeze %dma_wait3A_556 : memref<1x32xf32, #tpu.memory_space<vmem>> -> memref<32xf32, #tpu.memory_space<vmem>>
    %dma_wait3A_558 = arith.constant 0 : i32
    %dma_wait3A_559 = tpu.memref_slice %arg9[%dma_wait3A_553, %dma_wait3A_558] : memref<12x32xi32, #tpu.memory_space<vmem>> -> memref<1x32xi32, #tpu.memory_space<vmem>>
    %dma_wait3A_560 = tpu.memref_squeeze %dma_wait3A_559 : memref<1x32xi32, #tpu.memory_space<vmem>> -> memref<32xi32, #tpu.memory_space<vmem>>
    %dma_wait3A_561 = arith.constant 0 : i32
    %dma_wait3A_562 = tpu.memref_slice %arg4[%dma_wait3A_561] : memref<1000000xf32, #tpu.memory_space<hbm>> -> memref<1000000xf32, #tpu.memory_space<hbm>>
    tpu.wait_indirect_dma semaphore(%arg11 : memref<!tpu.dma_semaphore, #tpu.memory_space<semaphore_mem>>) src(%dma_wait3A_562 : memref<1000000xf32, #tpu.memory_space<hbm>>) dst(%dma_wait3A_557 : memref<32xf32, #tpu.memory_space<vmem>>)
    %dma_wait3A_563 = arith.constant 9 : i32
    %dma_wait3A_564 = arith.constant 9 : i32
    %dma_wait3A_565 = arith.constant 0 : i32
    %dma_wait3A_566 = tpu.memref_slice %arg10[%dma_wait3A_564, %dma_wait3A_565] : memref<12x32xf32, #tpu.memory_space<vmem>> -> memref<1x32xf32, #tpu.memory_space<vmem>>
    %dma_wait3A_567 = tpu.memref_squeeze %dma_wait3A_566 : memref<1x32xf32, #tpu.memory_space<vmem>> -> memref<32xf32, #tpu.memory_space<vmem>>
    %dma_wait3A_568 = arith.constant 0 : i32
    %dma_wait3A_569 = tpu.memref_slice %arg9[%dma_wait3A_563, %dma_wait3A_568] : memref<12x32xi32, #tpu.memory_space<vmem>> -> memref<1x32xi32, #tpu.memory_space<vmem>>
    %dma_wait3A_570 = tpu.memref_squeeze %dma_wait3A_569 : memref<1x32xi32, #tpu.memory_space<vmem>> -> memref<32xi32, #tpu.memory_space<vmem>>
    %dma_wait3A_571 = arith.constant 0 : i32
    %dma_wait3A_572 = tpu.memref_slice %arg4[%dma_wait3A_571] : memref<1000000xf32, #tpu.memory_space<hbm>> -> memref<1000000xf32, #tpu.memory_space<hbm>>
    tpu.wait_indirect_dma semaphore(%arg11 : memref<!tpu.dma_semaphore, #tpu.memory_space<semaphore_mem>>) src(%dma_wait3A_572 : memref<1000000xf32, #tpu.memory_space<hbm>>) dst(%dma_wait3A_567 : memref<32xf32, #tpu.memory_space<vmem>>)
    %dma_wait3A_573 = arith.constant 10 : i32
    %dma_wait3A_574 = arith.constant 10 : i32
    %dma_wait3A_575 = arith.constant 0 : i32
    %dma_wait3A_576 = tpu.memref_slice %arg10[%dma_wait3A_574, %dma_wait3A_575] : memref<12x32xf32, #tpu.memory_space<vmem>> -> memref<1x32xf32, #tpu.memory_space<vmem>>
    %dma_wait3A_577 = tpu.memref_squeeze %dma_wait3A_576 : memref<1x32xf32, #tpu.memory_space<vmem>> -> memref<32xf32, #tpu.memory_space<vmem>>
    %dma_wait3A_578 = arith.constant 0 : i32
    %dma_wait3A_579 = tpu.memref_slice %arg9[%dma_wait3A_573, %dma_wait3A_578] : memref<12x32xi32, #tpu.memory_space<vmem>> -> memref<1x32xi32, #tpu.memory_space<vmem>>
    %dma_wait3A_580 = tpu.memref_squeeze %dma_wait3A_579 : memref<1x32xi32, #tpu.memory_space<vmem>> -> memref<32xi32, #tpu.memory_space<vmem>>
    %dma_wait3A_581 = arith.constant 0 : i32
    %dma_wait3A_582 = tpu.memref_slice %arg4[%dma_wait3A_581] : memref<1000000xf32, #tpu.memory_space<hbm>> -> memref<1000000xf32, #tpu.memory_space<hbm>>
    tpu.wait_indirect_dma semaphore(%arg11 : memref<!tpu.dma_semaphore, #tpu.memory_space<semaphore_mem>>) src(%dma_wait3A_582 : memref<1000000xf32, #tpu.memory_space<hbm>>) dst(%dma_wait3A_577 : memref<32xf32, #tpu.memory_space<vmem>>)
    %dma_wait3A_583 = arith.constant 11 : i32
    %dma_wait3A_584 = arith.constant 11 : i32
    %dma_wait3A_585 = arith.constant 0 : i32
    %dma_wait3A_586 = tpu.memref_slice %arg10[%dma_wait3A_584, %dma_wait3A_585] : memref<12x32xf32, #tpu.memory_space<vmem>> -> memref<1x32xf32, #tpu.memory_space<vmem>>
    %dma_wait3A_587 = tpu.memref_squeeze %dma_wait3A_586 : memref<1x32xf32, #tpu.memory_space<vmem>> -> memref<32xf32, #tpu.memory_space<vmem>>
    %dma_wait3A_588 = arith.constant 0 : i32
    %dma_wait3A_589 = tpu.memref_slice %arg9[%dma_wait3A_583, %dma_wait3A_588] : memref<12x32xi32, #tpu.memory_space<vmem>> -> memref<1x32xi32, #tpu.memory_space<vmem>>
    %dma_wait3A_590 = tpu.memref_squeeze %dma_wait3A_589 : memref<1x32xi32, #tpu.memory_space<vmem>> -> memref<32xi32, #tpu.memory_space<vmem>>
    %dma_wait3A_591 = arith.constant 0 : i32
    %dma_wait3A_592 = tpu.memref_slice %arg4[%dma_wait3A_591] : memref<1000000xf32, #tpu.memory_space<hbm>> -> memref<1000000xf32, #tpu.memory_space<hbm>>
    tpu.wait_indirect_dma semaphore(%arg11 : memref<!tpu.dma_semaphore, #tpu.memory_space<semaphore_mem>>) src(%dma_wait3A_592 : memref<1000000xf32, #tpu.memory_space<hbm>>) dst(%dma_wait3A_587 : memref<32xf32, #tpu.memory_space<vmem>>)
    %add3A_593 = arith.constant 0 : i32
    %add3A_594 = arith.addi %add3A_593, %mul3A_2 : i32
    %run_scoped3A_595 = arith.constant 0 : i32
    "tpu.region"() ({
      %run_scoped3A_629 = tpu.sem_alloc : memref<!tpu.dma_semaphore, #tpu.memory_space<semaphore_mem>>
      %dma_start3A_630 = arith.constant 0 : i32
      %dma_start3A_631 = tpu.memref_slice %arg10[%run_scoped3A_595, %dma_start3A_630] : memref<12x32xf32, #tpu.memory_space<vmem>> -> memref<1x32xf32, #tpu.memory_space<vmem>>
      %dma_start3A_632 = tpu.memref_squeeze %dma_start3A_631 : memref<1x32xf32, #tpu.memory_space<vmem>> -> memref<32xf32, #tpu.memory_space<vmem>>
      %dma_start3A_633 = tpu.memref_slice %arg6[%add3A_594] : memref<12288xf32, #tpu.memory_space<hbm>> -> memref<32xf32, #tpu.memory_space<hbm>>
      %dma_start3A_634 = tpu.memref_slice %arg6[%add3A_594] : memref<12288xf32, #tpu.memory_space<hbm>> -> memref<32xf32, #tpu.memory_space<hbm>>
      %dma_start3A_635 = arith.constant 0 : i32
      %dma_start3A_636 = tpu.memref_slice %arg10[%run_scoped3A_595, %dma_start3A_635] : memref<12x32xf32, #tpu.memory_space<vmem>> -> memref<1x32xf32, #tpu.memory_space<vmem>>
      %dma_start3A_637 = tpu.memref_squeeze %dma_start3A_636 : memref<1x32xf32, #tpu.memory_space<vmem>> -> memref<32xf32, #tpu.memory_space<vmem>>
      tpu.enqueue_dma source(%dma_start3A_637 : memref<32xf32, #tpu.memory_space<vmem>>) target(%dma_start3A_634 : memref<32xf32, #tpu.memory_space<hbm>>) target_semaphore(%run_scoped3A_629 : memref<!tpu.dma_semaphore, #tpu.memory_space<semaphore_mem>>)
      %dma_wait3A_638 = arith.constant 0 : i32
      %dma_wait3A_639 = tpu.memref_slice %arg10[%run_scoped3A_595, %dma_wait3A_638] : memref<12x32xf32, #tpu.memory_space<vmem>> -> memref<1x32xf32, #tpu.memory_space<vmem>>
      %dma_wait3A_640 = tpu.memref_squeeze %dma_wait3A_639 : memref<1x32xf32, #tpu.memory_space<vmem>> -> memref<32xf32, #tpu.memory_space<vmem>>
      %dma_wait3A_641 = tpu.memref_slice %arg6[%add3A_594] : memref<12288xf32, #tpu.memory_space<hbm>> -> memref<32xf32, #tpu.memory_space<hbm>>
      %dma_wait3A_642 = tpu.memref_slice %arg6[%add3A_594] : memref<12288xf32, #tpu.memory_space<hbm>> -> memref<32xf32, #tpu.memory_space<hbm>>
      %dma_wait3A_643 = arith.constant 0 : i32
      %dma_wait3A_644 = tpu.memref_slice %arg10[%run_scoped3A_595, %dma_wait3A_643] : memref<12x32xf32, #tpu.memory_space<vmem>> -> memref<1x32xf32, #tpu.memory_space<vmem>>
      %dma_wait3A_645 = tpu.memref_squeeze %dma_wait3A_644 : memref<1x32xf32, #tpu.memory_space<vmem>> -> memref<32xf32, #tpu.memory_space<vmem>>
      tpu.wait_dma2 semaphore(%run_scoped3A_629 : memref<!tpu.dma_semaphore, #tpu.memory_space<semaphore_mem>>) src(%dma_wait3A_645 : memref<32xf32, #tpu.memory_space<vmem>>) dst(%dma_wait3A_642 : memref<32xf32, #tpu.memory_space<hbm>>)
      tpu.yield
    }) : () -> ()
    %add3A_596 = arith.constant 1024 : i32
    %add3A_597 = arith.addi %add3A_596, %mul3A_2 : i32
    %run_scoped3A_598 = arith.constant 1 : i32
    "tpu.region"() ({
      %run_scoped3A_629 = tpu.sem_alloc : memref<!tpu.dma_semaphore, #tpu.memory_space<semaphore_mem>>
      %dma_start3A_630 = arith.constant 0 : i32
      %dma_start3A_631 = tpu.memref_slice %arg10[%run_scoped3A_598, %dma_start3A_630] : memref<12x32xf32, #tpu.memory_space<vmem>> -> memref<1x32xf32, #tpu.memory_space<vmem>>
      %dma_start3A_632 = tpu.memref_squeeze %dma_start3A_631 : memref<1x32xf32, #tpu.memory_space<vmem>> -> memref<32xf32, #tpu.memory_space<vmem>>
      %dma_start3A_633 = tpu.memref_slice %arg6[%add3A_597] : memref<12288xf32, #tpu.memory_space<hbm>> -> memref<32xf32, #tpu.memory_space<hbm>>
      %dma_start3A_634 = tpu.memref_slice %arg6[%add3A_597] : memref<12288xf32, #tpu.memory_space<hbm>> -> memref<32xf32, #tpu.memory_space<hbm>>
      %dma_start3A_635 = arith.constant 0 : i32
      %dma_start3A_636 = tpu.memref_slice %arg10[%run_scoped3A_598, %dma_start3A_635] : memref<12x32xf32, #tpu.memory_space<vmem>> -> memref<1x32xf32, #tpu.memory_space<vmem>>
      %dma_start3A_637 = tpu.memref_squeeze %dma_start3A_636 : memref<1x32xf32, #tpu.memory_space<vmem>> -> memref<32xf32, #tpu.memory_space<vmem>>
      tpu.enqueue_dma source(%dma_start3A_637 : memref<32xf32, #tpu.memory_space<vmem>>) target(%dma_start3A_634 : memref<32xf32, #tpu.memory_space<hbm>>) target_semaphore(%run_scoped3A_629 : memref<!tpu.dma_semaphore, #tpu.memory_space<semaphore_mem>>)
      %dma_wait3A_638 = arith.constant 0 : i32
      %dma_wait3A_639 = tpu.memref_slice %arg10[%run_scoped3A_598, %dma_wait3A_638] : memref<12x32xf32, #tpu.memory_space<vmem>> -> memref<1x32xf32, #tpu.memory_space<vmem>>
      %dma_wait3A_640 = tpu.memref_squeeze %dma_wait3A_639 : memref<1x32xf32, #tpu.memory_space<vmem>> -> memref<32xf32, #tpu.memory_space<vmem>>
      %dma_wait3A_641 = tpu.memref_slice %arg6[%add3A_597] : memref<12288xf32, #tpu.memory_space<hbm>> -> memref<32xf32, #tpu.memory_space<hbm>>
      %dma_wait3A_642 = tpu.memref_slice %arg6[%add3A_597] : memref<12288xf32, #tpu.memory_space<hbm>> -> memref<32xf32, #tpu.memory_space<hbm>>
      %dma_wait3A_643 = arith.constant 0 : i32
      %dma_wait3A_644 = tpu.memref_slice %arg10[%run_scoped3A_598, %dma_wait3A_643] : memref<12x32xf32, #tpu.memory_space<vmem>> -> memref<1x32xf32, #tpu.memory_space<vmem>>
      %dma_wait3A_645 = tpu.memref_squeeze %dma_wait3A_644 : memref<1x32xf32, #tpu.memory_space<vmem>> -> memref<32xf32, #tpu.memory_space<vmem>>
      tpu.wait_dma2 semaphore(%run_scoped3A_629 : memref<!tpu.dma_semaphore, #tpu.memory_space<semaphore_mem>>) src(%dma_wait3A_645 : memref<32xf32, #tpu.memory_space<vmem>>) dst(%dma_wait3A_642 : memref<32xf32, #tpu.memory_space<hbm>>)
      tpu.yield
    }) : () -> ()
    %add3A_599 = arith.constant 2048 : i32
    %add3A_600 = arith.addi %add3A_599, %mul3A_2 : i32
    %run_scoped3A_601 = arith.constant 2 : i32
    "tpu.region"() ({
      %run_scoped3A_629 = tpu.sem_alloc : memref<!tpu.dma_semaphore, #tpu.memory_space<semaphore_mem>>
      %dma_start3A_630 = arith.constant 0 : i32
      %dma_start3A_631 = tpu.memref_slice %arg10[%run_scoped3A_601, %dma_start3A_630] : memref<12x32xf32, #tpu.memory_space<vmem>> -> memref<1x32xf32, #tpu.memory_space<vmem>>
      %dma_start3A_632 = tpu.memref_squeeze %dma_start3A_631 : memref<1x32xf32, #tpu.memory_space<vmem>> -> memref<32xf32, #tpu.memory_space<vmem>>
      %dma_start3A_633 = tpu.memref_slice %arg6[%add3A_600] : memref<12288xf32, #tpu.memory_space<hbm>> -> memref<32xf32, #tpu.memory_space<hbm>>
      %dma_start3A_634 = tpu.memref_slice %arg6[%add3A_600] : memref<12288xf32, #tpu.memory_space<hbm>> -> memref<32xf32, #tpu.memory_space<hbm>>
      %dma_start3A_635 = arith.constant 0 : i32
      %dma_start3A_636 = tpu.memref_slice %arg10[%run_scoped3A_601, %dma_start3A_635] : memref<12x32xf32, #tpu.memory_space<vmem>> -> memref<1x32xf32, #tpu.memory_space<vmem>>
      %dma_start3A_637 = tpu.memref_squeeze %dma_start3A_636 : memref<1x32xf32, #tpu.memory_space<vmem>> -> memref<32xf32, #tpu.memory_space<vmem>>
      tpu.enqueue_dma source(%dma_start3A_637 : memref<32xf32, #tpu.memory_space<vmem>>) target(%dma_start3A_634 : memref<32xf32, #tpu.memory_space<hbm>>) target_semaphore(%run_scoped3A_629 : memref<!tpu.dma_semaphore, #tpu.memory_space<semaphore_mem>>)
      %dma_wait3A_638 = arith.constant 0 : i32
      %dma_wait3A_639 = tpu.memref_slice %arg10[%run_scoped3A_601, %dma_wait3A_638] : memref<12x32xf32, #tpu.memory_space<vmem>> -> memref<1x32xf32, #tpu.memory_space<vmem>>
      %dma_wait3A_640 = tpu.memref_squeeze %dma_wait3A_639 : memref<1x32xf32, #tpu.memory_space<vmem>> -> memref<32xf32, #tpu.memory_space<vmem>>
      %dma_wait3A_641 = tpu.memref_slice %arg6[%add3A_600] : memref<12288xf32, #tpu.memory_space<hbm>> -> memref<32xf32, #tpu.memory_space<hbm>>
      %dma_wait3A_642 = tpu.memref_slice %arg6[%add3A_600] : memref<12288xf32, #tpu.memory_space<hbm>> -> memref<32xf32, #tpu.memory_space<hbm>>
      %dma_wait3A_643 = arith.constant 0 : i32
      %dma_wait3A_644 = tpu.memref_slice %arg10[%run_scoped3A_601, %dma_wait3A_643] : memref<12x32xf32, #tpu.memory_space<vmem>> -> memref<1x32xf32, #tpu.memory_space<vmem>>
      %dma_wait3A_645 = tpu.memref_squeeze %dma_wait3A_644 : memref<1x32xf32, #tpu.memory_space<vmem>> -> memref<32xf32, #tpu.memory_space<vmem>>
      tpu.wait_dma2 semaphore(%run_scoped3A_629 : memref<!tpu.dma_semaphore, #tpu.memory_space<semaphore_mem>>) src(%dma_wait3A_645 : memref<32xf32, #tpu.memory_space<vmem>>) dst(%dma_wait3A_642 : memref<32xf32, #tpu.memory_space<hbm>>)
      tpu.yield
    }) : () -> ()
    %add3A_602 = arith.constant 3072 : i32
    %add3A_603 = arith.addi %add3A_602, %mul3A_2 : i32
    %run_scoped3A_604 = arith.constant 3 : i32
    "tpu.region"() ({
      %run_scoped3A_629 = tpu.sem_alloc : memref<!tpu.dma_semaphore, #tpu.memory_space<semaphore_mem>>
      %dma_start3A_630 = arith.constant 0 : i32
      %dma_start3A_631 = tpu.memref_slice %arg10[%run_scoped3A_604, %dma_start3A_630] : memref<12x32xf32, #tpu.memory_space<vmem>> -> memref<1x32xf32, #tpu.memory_space<vmem>>
      %dma_start3A_632 = tpu.memref_squeeze %dma_start3A_631 : memref<1x32xf32, #tpu.memory_space<vmem>> -> memref<32xf32, #tpu.memory_space<vmem>>
      %dma_start3A_633 = tpu.memref_slice %arg6[%add3A_603] : memref<12288xf32, #tpu.memory_space<hbm>> -> memref<32xf32, #tpu.memory_space<hbm>>
      %dma_start3A_634 = tpu.memref_slice %arg6[%add3A_603] : memref<12288xf32, #tpu.memory_space<hbm>> -> memref<32xf32, #tpu.memory_space<hbm>>
      %dma_start3A_635 = arith.constant 0 : i32
      %dma_start3A_636 = tpu.memref_slice %arg10[%run_scoped3A_604, %dma_start3A_635] : memref<12x32xf32, #tpu.memory_space<vmem>> -> memref<1x32xf32, #tpu.memory_space<vmem>>
      %dma_start3A_637 = tpu.memref_squeeze %dma_start3A_636 : memref<1x32xf32, #tpu.memory_space<vmem>> -> memref<32xf32, #tpu.memory_space<vmem>>
      tpu.enqueue_dma source(%dma_start3A_637 : memref<32xf32, #tpu.memory_space<vmem>>) target(%dma_start3A_634 : memref<32xf32, #tpu.memory_space<hbm>>) target_semaphore(%run_scoped3A_629 : memref<!tpu.dma_semaphore, #tpu.memory_space<semaphore_mem>>)
      %dma_wait3A_638 = arith.constant 0 : i32
      %dma_wait3A_639 = tpu.memref_slice %arg10[%run_scoped3A_604, %dma_wait3A_638] : memref<12x32xf32, #tpu.memory_space<vmem>> -> memref<1x32xf32, #tpu.memory_space<vmem>>
      %dma_wait3A_640 = tpu.memref_squeeze %dma_wait3A_639 : memref<1x32xf32, #tpu.memory_space<vmem>> -> memref<32xf32, #tpu.memory_space<vmem>>
      %dma_wait3A_641 = tpu.memref_slice %arg6[%add3A_603] : memref<12288xf32, #tpu.memory_space<hbm>> -> memref<32xf32, #tpu.memory_space<hbm>>
      %dma_wait3A_642 = tpu.memref_slice %arg6[%add3A_603] : memref<12288xf32, #tpu.memory_space<hbm>> -> memref<32xf32, #tpu.memory_space<hbm>>
      %dma_wait3A_643 = arith.constant 0 : i32
      %dma_wait3A_644 = tpu.memref_slice %arg10[%run_scoped3A_604, %dma_wait3A_643] : memref<12x32xf32, #tpu.memory_space<vmem>> -> memref<1x32xf32, #tpu.memory_space<vmem>>
      %dma_wait3A_645 = tpu.memref_squeeze %dma_wait3A_644 : memref<1x32xf32, #tpu.memory_space<vmem>> -> memref<32xf32, #tpu.memory_space<vmem>>
      tpu.wait_dma2 semaphore(%run_scoped3A_629 : memref<!tpu.dma_semaphore, #tpu.memory_space<semaphore_mem>>) src(%dma_wait3A_645 : memref<32xf32, #tpu.memory_space<vmem>>) dst(%dma_wait3A_642 : memref<32xf32, #tpu.memory_space<hbm>>)
      tpu.yield
    }) : () -> ()
    %add3A_605 = arith.constant 4096 : i32
    %add3A_606 = arith.addi %add3A_605, %mul3A_2 : i32
    %run_scoped3A_607 = arith.constant 4 : i32
    "tpu.region"() ({
      %run_scoped3A_629 = tpu.sem_alloc : memref<!tpu.dma_semaphore, #tpu.memory_space<semaphore_mem>>
      %dma_start3A_630 = arith.constant 0 : i32
      %dma_start3A_631 = tpu.memref_slice %arg10[%run_scoped3A_607, %dma_start3A_630] : memref<12x32xf32, #tpu.memory_space<vmem>> -> memref<1x32xf32, #tpu.memory_space<vmem>>
      %dma_start3A_632 = tpu.memref_squeeze %dma_start3A_631 : memref<1x32xf32, #tpu.memory_space<vmem>> -> memref<32xf32, #tpu.memory_space<vmem>>
      %dma_start3A_633 = tpu.memref_slice %arg6[%add3A_606] : memref<12288xf32, #tpu.memory_space<hbm>> -> memref<32xf32, #tpu.memory_space<hbm>>
      %dma_start3A_634 = tpu.memref_slice %arg6[%add3A_606] : memref<12288xf32, #tpu.memory_space<hbm>> -> memref<32xf32, #tpu.memory_space<hbm>>
      %dma_start3A_635 = arith.constant 0 : i32
      %dma_start3A_636 = tpu.memref_slice %arg10[%run_scoped3A_607, %dma_start3A_635] : memref<12x32xf32, #tpu.memory_space<vmem>> -> memref<1x32xf32, #tpu.memory_space<vmem>>
      %dma_start3A_637 = tpu.memref_squeeze %dma_start3A_636 : memref<1x32xf32, #tpu.memory_space<vmem>> -> memref<32xf32, #tpu.memory_space<vmem>>
      tpu.enqueue_dma source(%dma_start3A_637 : memref<32xf32, #tpu.memory_space<vmem>>) target(%dma_start3A_634 : memref<32xf32, #tpu.memory_space<hbm>>) target_semaphore(%run_scoped3A_629 : memref<!tpu.dma_semaphore, #tpu.memory_space<semaphore_mem>>)
      %dma_wait3A_638 = arith.constant 0 : i32
      %dma_wait3A_639 = tpu.memref_slice %arg10[%run_scoped3A_607, %dma_wait3A_638] : memref<12x32xf32, #tpu.memory_space<vmem>> -> memref<1x32xf32, #tpu.memory_space<vmem>>
      %dma_wait3A_640 = tpu.memref_squeeze %dma_wait3A_639 : memref<1x32xf32, #tpu.memory_space<vmem>> -> memref<32xf32, #tpu.memory_space<vmem>>
      %dma_wait3A_641 = tpu.memref_slice %arg6[%add3A_606] : memref<12288xf32, #tpu.memory_space<hbm>> -> memref<32xf32, #tpu.memory_space<hbm>>
      %dma_wait3A_642 = tpu.memref_slice %arg6[%add3A_606] : memref<12288xf32, #tpu.memory_space<hbm>> -> memref<32xf32, #tpu.memory_space<hbm>>
      %dma_wait3A_643 = arith.constant 0 : i32
      %dma_wait3A_644 = tpu.memref_slice %arg10[%run_scoped3A_607, %dma_wait3A_643] : memref<12x32xf32, #tpu.memory_space<vmem>> -> memref<1x32xf32, #tpu.memory_space<vmem>>
      %dma_wait3A_645 = tpu.memref_squeeze %dma_wait3A_644 : memref<1x32xf32, #tpu.memory_space<vmem>> -> memref<32xf32, #tpu.memory_space<vmem>>
      tpu.wait_dma2 semaphore(%run_scoped3A_629 : memref<!tpu.dma_semaphore, #tpu.memory_space<semaphore_mem>>) src(%dma_wait3A_645 : memref<32xf32, #tpu.memory_space<vmem>>) dst(%dma_wait3A_642 : memref<32xf32, #tpu.memory_space<hbm>>)
      tpu.yield
    }) : () -> ()
    %add3A_608 = arith.constant 5120 : i32
    %add3A_609 = arith.addi %add3A_608, %mul3A_2 : i32
    %run_scoped3A_610 = arith.constant 5 : i32
    "tpu.region"() ({
      %run_scoped3A_629 = tpu.sem_alloc : memref<!tpu.dma_semaphore, #tpu.memory_space<semaphore_mem>>
      %dma_start3A_630 = arith.constant 0 : i32
      %dma_start3A_631 = tpu.memref_slice %arg10[%run_scoped3A_610, %dma_start3A_630] : memref<12x32xf32, #tpu.memory_space<vmem>> -> memref<1x32xf32, #tpu.memory_space<vmem>>
      %dma_start3A_632 = tpu.memref_squeeze %dma_start3A_631 : memref<1x32xf32, #tpu.memory_space<vmem>> -> memref<32xf32, #tpu.memory_space<vmem>>
      %dma_start3A_633 = tpu.memref_slice %arg6[%add3A_609] : memref<12288xf32, #tpu.memory_space<hbm>> -> memref<32xf32, #tpu.memory_space<hbm>>
      %dma_start3A_634 = tpu.memref_slice %arg6[%add3A_609] : memref<12288xf32, #tpu.memory_space<hbm>> -> memref<32xf32, #tpu.memory_space<hbm>>
      %dma_start3A_635 = arith.constant 0 : i32
      %dma_start3A_636 = tpu.memref_slice %arg10[%run_scoped3A_610, %dma_start3A_635] : memref<12x32xf32, #tpu.memory_space<vmem>> -> memref<1x32xf32, #tpu.memory_space<vmem>>
      %dma_start3A_637 = tpu.memref_squeeze %dma_start3A_636 : memref<1x32xf32, #tpu.memory_space<vmem>> -> memref<32xf32, #tpu.memory_space<vmem>>
      tpu.enqueue_dma source(%dma_start3A_637 : memref<32xf32, #tpu.memory_space<vmem>>) target(%dma_start3A_634 : memref<32xf32, #tpu.memory_space<hbm>>) target_semaphore(%run_scoped3A_629 : memref<!tpu.dma_semaphore, #tpu.memory_space<semaphore_mem>>)
      %dma_wait3A_638 = arith.constant 0 : i32
      %dma_wait3A_639 = tpu.memref_slice %arg10[%run_scoped3A_610, %dma_wait3A_638] : memref<12x32xf32, #tpu.memory_space<vmem>> -> memref<1x32xf32, #tpu.memory_space<vmem>>
      %dma_wait3A_640 = tpu.memref_squeeze %dma_wait3A_639 : memref<1x32xf32, #tpu.memory_space<vmem>> -> memref<32xf32, #tpu.memory_space<vmem>>
      %dma_wait3A_641 = tpu.memref_slice %arg6[%add3A_609] : memref<12288xf32, #tpu.memory_space<hbm>> -> memref<32xf32, #tpu.memory_space<hbm>>
      %dma_wait3A_642 = tpu.memref_slice %arg6[%add3A_609] : memref<12288xf32, #tpu.memory_space<hbm>> -> memref<32xf32, #tpu.memory_space<hbm>>
      %dma_wait3A_643 = arith.constant 0 : i32
      %dma_wait3A_644 = tpu.memref_slice %arg10[%run_scoped3A_610, %dma_wait3A_643] : memref<12x32xf32, #tpu.memory_space<vmem>> -> memref<1x32xf32, #tpu.memory_space<vmem>>
      %dma_wait3A_645 = tpu.memref_squeeze %dma_wait3A_644 : memref<1x32xf32, #tpu.memory_space<vmem>> -> memref<32xf32, #tpu.memory_space<vmem>>
      tpu.wait_dma2 semaphore(%run_scoped3A_629 : memref<!tpu.dma_semaphore, #tpu.memory_space<semaphore_mem>>) src(%dma_wait3A_645 : memref<32xf32, #tpu.memory_space<vmem>>) dst(%dma_wait3A_642 : memref<32xf32, #tpu.memory_space<hbm>>)
      tpu.yield
    }) : () -> ()
    %add3A_611 = arith.constant 6144 : i32
    %add3A_612 = arith.addi %add3A_611, %mul3A_2 : i32
    %run_scoped3A_613 = arith.constant 6 : i32
    "tpu.region"() ({
      %run_scoped3A_629 = tpu.sem_alloc : memref<!tpu.dma_semaphore, #tpu.memory_space<semaphore_mem>>
      %dma_start3A_630 = arith.constant 0 : i32
      %dma_start3A_631 = tpu.memref_slice %arg10[%run_scoped3A_613, %dma_start3A_630] : memref<12x32xf32, #tpu.memory_space<vmem>> -> memref<1x32xf32, #tpu.memory_space<vmem>>
      %dma_start3A_632 = tpu.memref_squeeze %dma_start3A_631 : memref<1x32xf32, #tpu.memory_space<vmem>> -> memref<32xf32, #tpu.memory_space<vmem>>
      %dma_start3A_633 = tpu.memref_slice %arg6[%add3A_612] : memref<12288xf32, #tpu.memory_space<hbm>> -> memref<32xf32, #tpu.memory_space<hbm>>
      %dma_start3A_634 = tpu.memref_slice %arg6[%add3A_612] : memref<12288xf32, #tpu.memory_space<hbm>> -> memref<32xf32, #tpu.memory_space<hbm>>
      %dma_start3A_635 = arith.constant 0 : i32
      %dma_start3A_636 = tpu.memref_slice %arg10[%run_scoped3A_613, %dma_start3A_635] : memref<12x32xf32, #tpu.memory_space<vmem>> -> memref<1x32xf32, #tpu.memory_space<vmem>>
      %dma_start3A_637 = tpu.memref_squeeze %dma_start3A_636 : memref<1x32xf32, #tpu.memory_space<vmem>> -> memref<32xf32, #tpu.memory_space<vmem>>
      tpu.enqueue_dma source(%dma_start3A_637 : memref<32xf32, #tpu.memory_space<vmem>>) target(%dma_start3A_634 : memref<32xf32, #tpu.memory_space<hbm>>) target_semaphore(%run_scoped3A_629 : memref<!tpu.dma_semaphore, #tpu.memory_space<semaphore_mem>>)
      %dma_wait3A_638 = arith.constant 0 : i32
      %dma_wait3A_639 = tpu.memref_slice %arg10[%run_scoped3A_613, %dma_wait3A_638] : memref<12x32xf32, #tpu.memory_space<vmem>> -> memref<1x32xf32, #tpu.memory_space<vmem>>
      %dma_wait3A_640 = tpu.memref_squeeze %dma_wait3A_639 : memref<1x32xf32, #tpu.memory_space<vmem>> -> memref<32xf32, #tpu.memory_space<vmem>>
      %dma_wait3A_641 = tpu.memref_slice %arg6[%add3A_612] : memref<12288xf32, #tpu.memory_space<hbm>> -> memref<32xf32, #tpu.memory_space<hbm>>
      %dma_wait3A_642 = tpu.memref_slice %arg6[%add3A_612] : memref<12288xf32, #tpu.memory_space<hbm>> -> memref<32xf32, #tpu.memory_space<hbm>>
      %dma_wait3A_643 = arith.constant 0 : i32
      %dma_wait3A_644 = tpu.memref_slice %arg10[%run_scoped3A_613, %dma_wait3A_643] : memref<12x32xf32, #tpu.memory_space<vmem>> -> memref<1x32xf32, #tpu.memory_space<vmem>>
      %dma_wait3A_645 = tpu.memref_squeeze %dma_wait3A_644 : memref<1x32xf32, #tpu.memory_space<vmem>> -> memref<32xf32, #tpu.memory_space<vmem>>
      tpu.wait_dma2 semaphore(%run_scoped3A_629 : memref<!tpu.dma_semaphore, #tpu.memory_space<semaphore_mem>>) src(%dma_wait3A_645 : memref<32xf32, #tpu.memory_space<vmem>>) dst(%dma_wait3A_642 : memref<32xf32, #tpu.memory_space<hbm>>)
      tpu.yield
    }) : () -> ()
    %add3A_614 = arith.constant 7168 : i32
    %add3A_615 = arith.addi %add3A_614, %mul3A_2 : i32
    %run_scoped3A_616 = arith.constant 7 : i32
    "tpu.region"() ({
      %run_scoped3A_629 = tpu.sem_alloc : memref<!tpu.dma_semaphore, #tpu.memory_space<semaphore_mem>>
      %dma_start3A_630 = arith.constant 0 : i32
      %dma_start3A_631 = tpu.memref_slice %arg10[%run_scoped3A_616, %dma_start3A_630] : memref<12x32xf32, #tpu.memory_space<vmem>> -> memref<1x32xf32, #tpu.memory_space<vmem>>
      %dma_start3A_632 = tpu.memref_squeeze %dma_start3A_631 : memref<1x32xf32, #tpu.memory_space<vmem>> -> memref<32xf32, #tpu.memory_space<vmem>>
      %dma_start3A_633 = tpu.memref_slice %arg6[%add3A_615] : memref<12288xf32, #tpu.memory_space<hbm>> -> memref<32xf32, #tpu.memory_space<hbm>>
      %dma_start3A_634 = tpu.memref_slice %arg6[%add3A_615] : memref<12288xf32, #tpu.memory_space<hbm>> -> memref<32xf32, #tpu.memory_space<hbm>>
      %dma_start3A_635 = arith.constant 0 : i32
      %dma_start3A_636 = tpu.memref_slice %arg10[%run_scoped3A_616, %dma_start3A_635] : memref<12x32xf32, #tpu.memory_space<vmem>> -> memref<1x32xf32, #tpu.memory_space<vmem>>
      %dma_start3A_637 = tpu.memref_squeeze %dma_start3A_636 : memref<1x32xf32, #tpu.memory_space<vmem>> -> memref<32xf32, #tpu.memory_space<vmem>>
      tpu.enqueue_dma source(%dma_start3A_637 : memref<32xf32, #tpu.memory_space<vmem>>) target(%dma_start3A_634 : memref<32xf32, #tpu.memory_space<hbm>>) target_semaphore(%run_scoped3A_629 : memref<!tpu.dma_semaphore, #tpu.memory_space<semaphore_mem>>)
      %dma_wait3A_638 = arith.constant 0 : i32
      %dma_wait3A_639 = tpu.memref_slice %arg10[%run_scoped3A_616, %dma_wait3A_638] : memref<12x32xf32, #tpu.memory_space<vmem>> -> memref<1x32xf32, #tpu.memory_space<vmem>>
      %dma_wait3A_640 = tpu.memref_squeeze %dma_wait3A_639 : memref<1x32xf32, #tpu.memory_space<vmem>> -> memref<32xf32, #tpu.memory_space<vmem>>
      %dma_wait3A_641 = tpu.memref_slice %arg6[%add3A_615] : memref<12288xf32, #tpu.memory_space<hbm>> -> memref<32xf32, #tpu.memory_space<hbm>>
      %dma_wait3A_642 = tpu.memref_slice %arg6[%add3A_615] : memref<12288xf32, #tpu.memory_space<hbm>> -> memref<32xf32, #tpu.memory_space<hbm>>
      %dma_wait3A_643 = arith.constant 0 : i32
      %dma_wait3A_644 = tpu.memref_slice %arg10[%run_scoped3A_616, %dma_wait3A_643] : memref<12x32xf32, #tpu.memory_space<vmem>> -> memref<1x32xf32, #tpu.memory_space<vmem>>
      %dma_wait3A_645 = tpu.memref_squeeze %dma_wait3A_644 : memref<1x32xf32, #tpu.memory_space<vmem>> -> memref<32xf32, #tpu.memory_space<vmem>>
      tpu.wait_dma2 semaphore(%run_scoped3A_629 : memref<!tpu.dma_semaphore, #tpu.memory_space<semaphore_mem>>) src(%dma_wait3A_645 : memref<32xf32, #tpu.memory_space<vmem>>) dst(%dma_wait3A_642 : memref<32xf32, #tpu.memory_space<hbm>>)
      tpu.yield
    }) : () -> ()
    %add3A_617 = arith.constant 8192 : i32
    %add3A_618 = arith.addi %add3A_617, %mul3A_2 : i32
    %run_scoped3A_619 = arith.constant 8 : i32
    "tpu.region"() ({
      %run_scoped3A_629 = tpu.sem_alloc : memref<!tpu.dma_semaphore, #tpu.memory_space<semaphore_mem>>
      %dma_start3A_630 = arith.constant 0 : i32
      %dma_start3A_631 = tpu.memref_slice %arg10[%run_scoped3A_619, %dma_start3A_630] : memref<12x32xf32, #tpu.memory_space<vmem>> -> memref<1x32xf32, #tpu.memory_space<vmem>>
      %dma_start3A_632 = tpu.memref_squeeze %dma_start3A_631 : memref<1x32xf32, #tpu.memory_space<vmem>> -> memref<32xf32, #tpu.memory_space<vmem>>
      %dma_start3A_633 = tpu.memref_slice %arg6[%add3A_618] : memref<12288xf32, #tpu.memory_space<hbm>> -> memref<32xf32, #tpu.memory_space<hbm>>
      %dma_start3A_634 = tpu.memref_slice %arg6[%add3A_618] : memref<12288xf32, #tpu.memory_space<hbm>> -> memref<32xf32, #tpu.memory_space<hbm>>
      %dma_start3A_635 = arith.constant 0 : i32
      %dma_start3A_636 = tpu.memref_slice %arg10[%run_scoped3A_619, %dma_start3A_635] : memref<12x32xf32, #tpu.memory_space<vmem>> -> memref<1x32xf32, #tpu.memory_space<vmem>>
      %dma_start3A_637 = tpu.memref_squeeze %dma_start3A_636 : memref<1x32xf32, #tpu.memory_space<vmem>> -> memref<32xf32, #tpu.memory_space<vmem>>
      tpu.enqueue_dma source(%dma_start3A_637 : memref<32xf32, #tpu.memory_space<vmem>>) target(%dma_start3A_634 : memref<32xf32, #tpu.memory_space<hbm>>) target_semaphore(%run_scoped3A_629 : memref<!tpu.dma_semaphore, #tpu.memory_space<semaphore_mem>>)
      %dma_wait3A_638 = arith.constant 0 : i32
      %dma_wait3A_639 = tpu.memref_slice %arg10[%run_scoped3A_619, %dma_wait3A_638] : memref<12x32xf32, #tpu.memory_space<vmem>> -> memref<1x32xf32, #tpu.memory_space<vmem>>
      %dma_wait3A_640 = tpu.memref_squeeze %dma_wait3A_639 : memref<1x32xf32, #tpu.memory_space<vmem>> -> memref<32xf32, #tpu.memory_space<vmem>>
      %dma_wait3A_641 = tpu.memref_slice %arg6[%add3A_618] : memref<12288xf32, #tpu.memory_space<hbm>> -> memref<32xf32, #tpu.memory_space<hbm>>
      %dma_wait3A_642 = tpu.memref_slice %arg6[%add3A_618] : memref<12288xf32, #tpu.memory_space<hbm>> -> memref<32xf32, #tpu.memory_space<hbm>>
      %dma_wait3A_643 = arith.constant 0 : i32
      %dma_wait3A_644 = tpu.memref_slice %arg10[%run_scoped3A_619, %dma_wait3A_643] : memref<12x32xf32, #tpu.memory_space<vmem>> -> memref<1x32xf32, #tpu.memory_space<vmem>>
      %dma_wait3A_645 = tpu.memref_squeeze %dma_wait3A_644 : memref<1x32xf32, #tpu.memory_space<vmem>> -> memref<32xf32, #tpu.memory_space<vmem>>
      tpu.wait_dma2 semaphore(%run_scoped3A_629 : memref<!tpu.dma_semaphore, #tpu.memory_space<semaphore_mem>>) src(%dma_wait3A_645 : memref<32xf32, #tpu.memory_space<vmem>>) dst(%dma_wait3A_642 : memref<32xf32, #tpu.memory_space<hbm>>)
      tpu.yield
    }) : () -> ()
    %add3A_620 = arith.constant 9216 : i32
    %add3A_621 = arith.addi %add3A_620, %mul3A_2 : i32
    %run_scoped3A_622 = arith.constant 9 : i32
    "tpu.region"() ({
      %run_scoped3A_629 = tpu.sem_alloc : memref<!tpu.dma_semaphore, #tpu.memory_space<semaphore_mem>>
      %dma_start3A_630 = arith.constant 0 : i32
      %dma_start3A_631 = tpu.memref_slice %arg10[%run_scoped3A_622, %dma_start3A_630] : memref<12x32xf32, #tpu.memory_space<vmem>> -> memref<1x32xf32, #tpu.memory_space<vmem>>
      %dma_start3A_632 = tpu.memref_squeeze %dma_start3A_631 : memref<1x32xf32, #tpu.memory_space<vmem>> -> memref<32xf32, #tpu.memory_space<vmem>>
      %dma_start3A_633 = tpu.memref_slice %arg6[%add3A_621] : memref<12288xf32, #tpu.memory_space<hbm>> -> memref<32xf32, #tpu.memory_space<hbm>>
      %dma_start3A_634 = tpu.memref_slice %arg6[%add3A_621] : memref<12288xf32, #tpu.memory_space<hbm>> -> memref<32xf32, #tpu.memory_space<hbm>>
      %dma_start3A_635 = arith.constant 0 : i32
      %dma_start3A_636 = tpu.memref_slice %arg10[%run_scoped3A_622, %dma_start3A_635] : memref<12x32xf32, #tpu.memory_space<vmem>> -> memref<1x32xf32, #tpu.memory_space<vmem>>
      %dma_start3A_637 = tpu.memref_squeeze %dma_start3A_636 : memref<1x32xf32, #tpu.memory_space<vmem>> -> memref<32xf32, #tpu.memory_space<vmem>>
      tpu.enqueue_dma source(%dma_start3A_637 : memref<32xf32, #tpu.memory_space<vmem>>) target(%dma_start3A_634 : memref<32xf32, #tpu.memory_space<hbm>>) target_semaphore(%run_scoped3A_629 : memref<!tpu.dma_semaphore, #tpu.memory_space<semaphore_mem>>)
      %dma_wait3A_638 = arith.constant 0 : i32
      %dma_wait3A_639 = tpu.memref_slice %arg10[%run_scoped3A_622, %dma_wait3A_638] : memref<12x32xf32, #tpu.memory_space<vmem>> -> memref<1x32xf32, #tpu.memory_space<vmem>>
      %dma_wait3A_640 = tpu.memref_squeeze %dma_wait3A_639 : memref<1x32xf32, #tpu.memory_space<vmem>> -> memref<32xf32, #tpu.memory_space<vmem>>
      %dma_wait3A_641 = tpu.memref_slice %arg6[%add3A_621] : memref<12288xf32, #tpu.memory_space<hbm>> -> memref<32xf32, #tpu.memory_space<hbm>>
      %dma_wait3A_642 = tpu.memref_slice %arg6[%add3A_621] : memref<12288xf32, #tpu.memory_space<hbm>> -> memref<32xf32, #tpu.memory_space<hbm>>
      %dma_wait3A_643 = arith.constant 0 : i32
      %dma_wait3A_644 = tpu.memref_slice %arg10[%run_scoped3A_622, %dma_wait3A_643] : memref<12x32xf32, #tpu.memory_space<vmem>> -> memref<1x32xf32, #tpu.memory_space<vmem>>
      %dma_wait3A_645 = tpu.memref_squeeze %dma_wait3A_644 : memref<1x32xf32, #tpu.memory_space<vmem>> -> memref<32xf32, #tpu.memory_space<vmem>>
      tpu.wait_dma2 semaphore(%run_scoped3A_629 : memref<!tpu.dma_semaphore, #tpu.memory_space<semaphore_mem>>) src(%dma_wait3A_645 : memref<32xf32, #tpu.memory_space<vmem>>) dst(%dma_wait3A_642 : memref<32xf32, #tpu.memory_space<hbm>>)
      tpu.yield
    }) : () -> ()
    %add3A_623 = arith.constant 10240 : i32
    %add3A_624 = arith.addi %add3A_623, %mul3A_2 : i32
    %run_scoped3A_625 = arith.constant 10 : i32
    "tpu.region"() ({
      %run_scoped3A_629 = tpu.sem_alloc : memref<!tpu.dma_semaphore, #tpu.memory_space<semaphore_mem>>
      %dma_start3A_630 = arith.constant 0 : i32
      %dma_start3A_631 = tpu.memref_slice %arg10[%run_scoped3A_625, %dma_start3A_630] : memref<12x32xf32, #tpu.memory_space<vmem>> -> memref<1x32xf32, #tpu.memory_space<vmem>>
      %dma_start3A_632 = tpu.memref_squeeze %dma_start3A_631 : memref<1x32xf32, #tpu.memory_space<vmem>> -> memref<32xf32, #tpu.memory_space<vmem>>
      %dma_start3A_633 = tpu.memref_slice %arg6[%add3A_624] : memref<12288xf32, #tpu.memory_space<hbm>> -> memref<32xf32, #tpu.memory_space<hbm>>
      %dma_start3A_634 = tpu.memref_slice %arg6[%add3A_624] : memref<12288xf32, #tpu.memory_space<hbm>> -> memref<32xf32, #tpu.memory_space<hbm>>
      %dma_start3A_635 = arith.constant 0 : i32
      %dma_start3A_636 = tpu.memref_slice %arg10[%run_scoped3A_625, %dma_start3A_635] : memref<12x32xf32, #tpu.memory_space<vmem>> -> memref<1x32xf32, #tpu.memory_space<vmem>>
      %dma_start3A_637 = tpu.memref_squeeze %dma_start3A_636 : memref<1x32xf32, #tpu.memory_space<vmem>> -> memref<32xf32, #tpu.memory_space<vmem>>
      tpu.enqueue_dma source(%dma_start3A_637 : memref<32xf32, #tpu.memory_space<vmem>>) target(%dma_start3A_634 : memref<32xf32, #tpu.memory_space<hbm>>) target_semaphore(%run_scoped3A_629 : memref<!tpu.dma_semaphore, #tpu.memory_space<semaphore_mem>>)
      %dma_wait3A_638 = arith.constant 0 : i32
      %dma_wait3A_639 = tpu.memref_slice %arg10[%run_scoped3A_625, %dma_wait3A_638] : memref<12x32xf32, #tpu.memory_space<vmem>> -> memref<1x32xf32, #tpu.memory_space<vmem>>
      %dma_wait3A_640 = tpu.memref_squeeze %dma_wait3A_639 : memref<1x32xf32, #tpu.memory_space<vmem>> -> memref<32xf32, #tpu.memory_space<vmem>>
      %dma_wait3A_641 = tpu.memref_slice %arg6[%add3A_624] : memref<12288xf32, #tpu.memory_space<hbm>> -> memref<32xf32, #tpu.memory_space<hbm>>
      %dma_wait3A_642 = tpu.memref_slice %arg6[%add3A_624] : memref<12288xf32, #tpu.memory_space<hbm>> -> memref<32xf32, #tpu.memory_space<hbm>>
      %dma_wait3A_643 = arith.constant 0 : i32
      %dma_wait3A_644 = tpu.memref_slice %arg10[%run_scoped3A_625, %dma_wait3A_643] : memref<12x32xf32, #tpu.memory_space<vmem>> -> memref<1x32xf32, #tpu.memory_space<vmem>>
      %dma_wait3A_645 = tpu.memref_squeeze %dma_wait3A_644 : memref<1x32xf32, #tpu.memory_space<vmem>> -> memref<32xf32, #tpu.memory_space<vmem>>
      tpu.wait_dma2 semaphore(%run_scoped3A_629 : memref<!tpu.dma_semaphore, #tpu.memory_space<semaphore_mem>>) src(%dma_wait3A_645 : memref<32xf32, #tpu.memory_space<vmem>>) dst(%dma_wait3A_642 : memref<32xf32, #tpu.memory_space<hbm>>)
      tpu.yield
    }) : () -> ()
    %add3A_626 = arith.constant 11264 : i32
    %add3A_627 = arith.addi %add3A_626, %mul3A_2 : i32
    %run_scoped3A_628 = arith.constant 11 : i32
    "tpu.region"() ({
      %run_scoped3A_629 = tpu.sem_alloc : memref<!tpu.dma_semaphore, #tpu.memory_space<semaphore_mem>>
      %dma_start3A_630 = arith.constant 0 : i32
      %dma_start3A_631 = tpu.memref_slice %arg10[%run_scoped3A_628, %dma_start3A_630] : memref<12x32xf32, #tpu.memory_space<vmem>> -> memref<1x32xf32, #tpu.memory_space<vmem>>
      %dma_start3A_632 = tpu.memref_squeeze %dma_start3A_631 : memref<1x32xf32, #tpu.memory_space<vmem>> -> memref<32xf32, #tpu.memory_space<vmem>>
      %dma_start3A_633 = tpu.memref_slice %arg6[%add3A_627] : memref<12288xf32, #tpu.memory_space<hbm>> -> memref<32xf32, #tpu.memory_space<hbm>>
      %dma_start3A_634 = tpu.memref_slice %arg6[%add3A_627] : memref<12288xf32, #tpu.memory_space<hbm>> -> memref<32xf32, #tpu.memory_space<hbm>>
      %dma_start3A_635 = arith.constant 0 : i32
      %dma_start3A_636 = tpu.memref_slice %arg10[%run_scoped3A_628, %dma_start3A_635] : memref<12x32xf32, #tpu.memory_space<vmem>> -> memref<1x32xf32, #tpu.memory_space<vmem>>
      %dma_start3A_637 = tpu.memref_squeeze %dma_start3A_636 : memref<1x32xf32, #tpu.memory_space<vmem>> -> memref<32xf32, #tpu.memory_space<vmem>>
      tpu.enqueue_dma source(%dma_start3A_637 : memref<32xf32, #tpu.memory_space<vmem>>) target(%dma_start3A_634 : memref<32xf32, #tpu.memory_space<hbm>>) target_semaphore(%run_scoped3A_629 : memref<!tpu.dma_semaphore, #tpu.memory_space<semaphore_mem>>)
      %dma_wait3A_638 = arith.constant 0 : i32
      %dma_wait3A_639 = tpu.memref_slice %arg10[%run_scoped3A_628, %dma_wait3A_638] : memref<12x32xf32, #tpu.memory_space<vmem>> -> memref<1x32xf32, #tpu.memory_space<vmem>>
      %dma_wait3A_640 = tpu.memref_squeeze %dma_wait3A_639 : memref<1x32xf32, #tpu.memory_space<vmem>> -> memref<32xf32, #tpu.memory_space<vmem>>
      %dma_wait3A_641 = tpu.memref_slice %arg6[%add3A_627] : memref<12288xf32, #tpu.memory_space<hbm>> -> memref<32xf32, #tpu.memory_space<hbm>>
      %dma_wait3A_642 = tpu.memref_slice %arg6[%add3A_627] : memref<12288xf32, #tpu.memory_space<hbm>> -> memref<32xf32, #tpu.memory_space<hbm>>
      %dma_wait3A_643 = arith.constant 0 : i32
      %dma_wait3A_644 = tpu.memref_slice %arg10[%run_scoped3A_628, %dma_wait3A_643] : memref<12x32xf32, #tpu.memory_space<vmem>> -> memref<1x32xf32, #tpu.memory_space<vmem>>
      %dma_wait3A_645 = tpu.memref_squeeze %dma_wait3A_644 : memref<1x32xf32, #tpu.memory_space<vmem>> -> memref<32xf32, #tpu.memory_space<vmem>>
      tpu.wait_dma2 semaphore(%run_scoped3A_629 : memref<!tpu.dma_semaphore, #tpu.memory_space<semaphore_mem>>) src(%dma_wait3A_645 : memref<32xf32, #tpu.memory_space<vmem>>) dst(%dma_wait3A_642 : memref<32xf32, #tpu.memory_space<hbm>>)
      tpu.yield
    }) : () -> ()
    return
  }
}

module attributes {stable_mosaic.version = 14 : i64} {
  func.func @_dense_body(%arg0: memref<2x1000x1000xf32, #tpu.memory_space<vmem>>, %arg1: memref<1000x128xf32, #tpu.memory_space<vmem>>, %arg2: memref<128x64xf32, #tpu.memory_space<vmem>>, %arg3: memref<128x64xf32, #tpu.memory_space<vmem>>, %arg4: memref<1x64xf32, #tpu.memory_space<vmem>>, %arg5: memref<64x64xf32, #tpu.memory_space<vmem>>, %arg6: memref<64x64xf32, #tpu.memory_space<vmem>>, %arg7: memref<1x64xf32, #tpu.memory_space<vmem>>, %arg8: memref<64x1xf32, #tpu.memory_space<vmem>>, %arg9: memref<1x1xf32, #tpu.memory_space<vmem>>, %arg10: memref<64x256xf32, #tpu.memory_space<vmem>>, %arg11: memref<1x256xf32, #tpu.memory_space<vmem>>, %arg12: memref<256x2048xf32, #tpu.memory_space<vmem>>, %arg13: memref<1x2048xf32, #tpu.memory_space<vmem>>, %arg14: memref<2048x640xf32, #tpu.memory_space<vmem>>, %arg15: memref<1x640xf32, #tpu.memory_space<vmem>>, %arg16: memref<1000x64xf32, #tpu.memory_space<vmem>>, %arg17: memref<1000x1000xf32, #tpu.memory_space<vmem>>, %arg18: memref<1000x1xf32, #tpu.memory_space<vmem>>, %arg19: memref<1000x640xf32, #tpu.memory_space<vmem>>, %arg20: memref<1000x8xf32, #tpu.memory_space<vmem>>, %arg21: memref<1000x1xf32, #tpu.memory_space<vmem>>) attributes {dimension_semantics = [], scalar_prefetch = 0 : i64, scratch_operands = 0 : i64, tpu.core_type = #tpu.core_type<tc>} {
    %get3A = arith.constant 0 : index
    %get3A_0 = arith.constant 0 : index
    %get3A_1 = arith.constant 0 : index
    %get3A_2 = vector.load %arg0[%get3A, %get3A_0, %get3A_1] : memref<2x1000x1000xf32, #tpu.memory_space<vmem>>, vector<1x1000x1000xf32>
    %get3A_3 = vector.shape_cast %get3A_2 : vector<1x1000x1000xf32> to vector<1000x1000xf32>
    %get3A_4 = arith.constant 1 : index
    %get3A_5 = arith.constant 0 : index
    %get3A_6 = arith.constant 0 : index
    %get3A_7 = vector.load %arg0[%get3A_4, %get3A_5, %get3A_6] : memref<2x1000x1000xf32, #tpu.memory_space<vmem>>, vector<1x1000x1000xf32>
    %get3A_8 = vector.shape_cast %get3A_7 : vector<1x1000x1000xf32> to vector<1000x1000xf32>
    %add3A = arith.addf %get3A_3, %get3A_8 : vector<1000x1000xf32>
    %swap3A = arith.constant 0 : index
    %swap3A_9 = arith.constant 0 : index
    %swap3A_10 = vector.load %arg17[%swap3A, %swap3A_9] : memref<1000x1000xf32, #tpu.memory_space<vmem>>, vector<1000x1000xf32>
    tpu.vector_store %arg17[%swap3A, %swap3A_9], %add3A {strides = array<i32>} : memref<1000x1000xf32, #tpu.memory_space<vmem>>, vector<1000x1000xf32>,
    %get3A_11 = arith.constant 0 : index
    %get3A_12 = arith.constant 0 : index
    %get3A_13 = vector.load %arg1[%get3A_11, %get3A_12] : memref<1000x128xf32, #tpu.memory_space<vmem>>, vector<1000x128xf32>
    %broadcast_in_dim3A = arith.constant 1.000000e+00 : f32
    %broadcast_in_dim3A_14 = vector.broadcast %broadcast_in_dim3A : f32 to vector<1000x1xf32>
    %dot_general3A = arith.constant dense<0.000000e+00> : vector<1000x1xf32>
    %dot_general3A_15 = tpu.matmul %add3A, %broadcast_in_dim3A_14, %dot_general3A {dimension_numbers = #tpu.dot_dimension_numbers<[1], [0], [0], [1], [0, 0, 1, 1], [], []>, transpose_lhs_hint = false} : vector<1000x1000xf32>, vector<1000x1xf32>, vector<1000x1xf32> -> vector<1000x1xf32>
    %dot_general3A_16 = arith.constant dense<0.000000e+00> : vector<1000x1xf32>
    %dot_general3A_17 = tpu.matmul %add3A, %broadcast_in_dim3A_14, %dot_general3A_16 {dimension_numbers = #tpu.dot_dimension_numbers<[0], [0], [1], [1], [0, 1, 1, 1], [], []>, transpose_lhs_hint = false} : vector<1000x1000xf32>, vector<1000x1xf32>, vector<1000x1xf32> -> vector<1000x1xf32>
    %jit3A = arith.constant 1.000000e+00 : f32
    %max3A = vector.broadcast %jit3A : f32 to vector<1000x1xf32>
    %max3A_18 = arith.maximumf %max3A, %dot_general3A_17 : vector<1000x1xf32>
    %dot_general3A_19 = arith.constant dense<0.000000e+00> : vector<1000x128xf32>
    %dot_general3A_20 = tpu.matmul %add3A, %get3A_13, %dot_general3A_19 {dimension_numbers = #tpu.dot_dimension_numbers<[0], [0], [1], [1], [0, 1, 1, 1], [], []>, transpose_lhs_hint = false} : vector<1000x1000xf32>, vector<1000x128xf32>, vector<1000x128xf32> -> vector<1000x128xf32>
    %div3A = vector.broadcast %max3A_18 : vector<1000x1xf32> to vector<1000x128xf32>
    %div3A_21 = arith.divf %dot_general3A_20, %div3A : vector<1000x128xf32>
    %get3A_22 = arith.constant 0 : index
    %get3A_23 = arith.constant 0 : index
    %get3A_24 = vector.load %arg2[%get3A_22, %get3A_23] : memref<128x64xf32, #tpu.memory_space<vmem>>, vector<128x64xf32>
    %dot_general3A_25 = arith.constant dense<0.000000e+00> : vector<1000x64xf32>
    %dot_general3A_26 = tpu.matmul %get3A_13, %get3A_24, %dot_general3A_25 {dimension_numbers = #tpu.dot_dimension_numbers<[1], [0], [0], [1], [0, 0, 1, 1], [], []>, transpose_lhs_hint = false} : vector<1000x128xf32>, vector<128x64xf32>, vector<1000x64xf32> -> vector<1000x64xf32>
    %get3A_27 = arith.constant 0 : index
    %get3A_28 = arith.constant 0 : index
    %get3A_29 = vector.load %arg3[%get3A_27, %get3A_28] : memref<128x64xf32, #tpu.memory_space<vmem>>, vector<128x64xf32>
    %dot_general3A_30 = arith.constant dense<0.000000e+00> : vector<1000x64xf32>
    %dot_general3A_31 = tpu.matmul %div3A_21, %get3A_29, %dot_general3A_30 {dimension_numbers = #tpu.dot_dimension_numbers<[1], [0], [0], [1], [0, 0, 1, 1], [], []>, transpose_lhs_hint = false} : vector<1000x128xf32>, vector<128x64xf32>, vector<1000x64xf32> -> vector<1000x64xf32>
    %add3A_32 = arith.addf %dot_general3A_26, %dot_general3A_31 : vector<1000x64xf32>
    %get3A_33 = arith.constant 0 : index
    %get3A_34 = arith.constant 0 : index
    %get3A_35 = vector.load %arg4[%get3A_33, %get3A_34] : memref<1x64xf32, #tpu.memory_space<vmem>>, vector<1x64xf32>
    %add3A_36 = vector.broadcast %get3A_35 : vector<1x64xf32> to vector<1000x64xf32>
    %add3A_37 = arith.addf %add3A_32, %add3A_36 : vector<1000x64xf32>
    %max3A_38 = arith.constant 0.000000e+00 : f32
    %max3A_39 = vector.broadcast %max3A_38 : f32 to vector<1000x64xf32>
    %max3A_40 = arith.maximumf %add3A_37, %max3A_39 : vector<1000x64xf32>
    %dot_general3A_41 = arith.constant dense<0.000000e+00> : vector<1000x64xf32>
    %dot_general3A_42 = tpu.matmul %add3A, %max3A_40, %dot_general3A_41 {dimension_numbers = #tpu.dot_dimension_numbers<[0], [0], [1], [1], [0, 1, 1, 1], [], []>, transpose_lhs_hint = false} : vector<1000x1000xf32>, vector<1000x64xf32>, vector<1000x64xf32> -> vector<1000x64xf32>
    %div3A_43 = vector.broadcast %max3A_18 : vector<1000x1xf32> to vector<1000x64xf32>
    %div3A_44 = arith.divf %dot_general3A_42, %div3A_43 : vector<1000x64xf32>
    %get3A_45 = arith.constant 0 : index
    %get3A_46 = arith.constant 0 : index
    %get3A_47 = vector.load %arg5[%get3A_45, %get3A_46] : memref<64x64xf32, #tpu.memory_space<vmem>>, vector<64x64xf32>
    %dot_general3A_48 = arith.constant dense<0.000000e+00> : vector<1000x64xf32>
    %dot_general3A_49 = tpu.matmul %max3A_40, %get3A_47, %dot_general3A_48 {dimension_numbers = #tpu.dot_dimension_numbers<[1], [0], [0], [1], [0, 0, 1, 1], [], []>, transpose_lhs_hint = false} : vector<1000x64xf32>, vector<64x64xf32>, vector<1000x64xf32> -> vector<1000x64xf32>
    %get3A_50 = arith.constant 0 : index
    %get3A_51 = arith.constant 0 : index
    %get3A_52 = vector.load %arg6[%get3A_50, %get3A_51] : memref<64x64xf32, #tpu.memory_space<vmem>>, vector<64x64xf32>
    %dot_general3A_53 = arith.constant dense<0.000000e+00> : vector<1000x64xf32>
    %dot_general3A_54 = tpu.matmul %div3A_44, %get3A_52, %dot_general3A_53 {dimension_numbers = #tpu.dot_dimension_numbers<[1], [0], [0], [1], [0, 0, 1, 1], [], []>, transpose_lhs_hint = false} : vector<1000x64xf32>, vector<64x64xf32>, vector<1000x64xf32> -> vector<1000x64xf32>
    %add3A_55 = arith.addf %dot_general3A_49, %dot_general3A_54 : vector<1000x64xf32>
    %get3A_56 = arith.constant 0 : index
    %get3A_57 = arith.constant 0 : index
    %get3A_58 = vector.load %arg7[%get3A_56, %get3A_57] : memref<1x64xf32, #tpu.memory_space<vmem>>, vector<1x64xf32>
    %add3A_59 = vector.broadcast %get3A_58 : vector<1x64xf32> to vector<1000x64xf32>
    %add3A_60 = arith.addf %add3A_55, %add3A_59 : vector<1000x64xf32>
    %get3A_61 = arith.constant 0 : index
    %get3A_62 = arith.constant 0 : index
    %get3A_63 = vector.load %arg8[%get3A_61, %get3A_62] : memref<64x1xf32, #tpu.memory_space<vmem>>, vector<64x1xf32>
    %dot_general3A_64 = arith.constant dense<0.000000e+00> : vector<1000x1xf32>
    %dot_general3A_65 = tpu.matmul %add3A_60, %get3A_63, %dot_general3A_64 {dimension_numbers = #tpu.dot_dimension_numbers<[1], [0], [0], [1], [0, 0, 1, 1], [], []>, transpose_lhs_hint = false} : vector<1000x64xf32>, vector<64x1xf32>, vector<1000x1xf32> -> vector<1000x1xf32>
    %get3A_66 = arith.constant 0 : index
    %get3A_67 = arith.constant 0 : index
    %get3A_68 = vector.load %arg9[%get3A_66, %get3A_67] : memref<1x1xf32, #tpu.memory_space<vmem>>, vector<1x1xf32>
    %add3A_69 = vector.broadcast %get3A_68 : vector<1x1xf32> to vector<1000x1xf32>
    %add3A_70 = arith.addf %dot_general3A_65, %add3A_69 : vector<1000x1xf32>
    %max3A_71 = arith.constant 0.000000e+00 : f32
    %max3A_72 = vector.broadcast %max3A_71 : f32 to vector<1000x1xf32>
    %max3A_73 = arith.maximumf %add3A_70, %max3A_72 : vector<1000x1xf32>
    %swap3A_74 = arith.constant 0 : index
    %swap3A_75 = arith.constant 0 : index
    %swap3A_76 = vector.load %arg18[%swap3A_74, %swap3A_75] : memref<1000x1xf32, #tpu.memory_space<vmem>>, vector<1000x1xf32>
    tpu.vector_store %arg18[%swap3A_74, %swap3A_75], %max3A_73 {strides = array<i32>} : memref<1000x1xf32, #tpu.memory_space<vmem>>, vector<1000x1xf32>,
    %floor3A = math.floor %max3A_73 : vector<1000x1xf32>
    %sub3A = arith.subf %max3A_73, %floor3A : vector<1000x1xf32>
    %mul3A = arith.constant 5.000000e-01 : f32
    %mul3A_77 = vector.broadcast %mul3A : f32 to vector<1000x1xf32>
    %mul3A_78 = arith.mulf %floor3A, %mul3A_77 : vector<1000x1xf32>
    %floor3A_79 = math.floor %mul3A_78 : vector<1000x1xf32>
    %mul3A_80 = arith.constant 2.000000e+00 : f32
    %mul3A_81 = vector.broadcast %mul3A_80 : f32 to vector<1000x1xf32>
    %mul3A_82 = arith.mulf %floor3A_79, %mul3A_81 : vector<1000x1xf32>
    %ne3A = arith.cmpf one, %mul3A_82, %floor3A : vector<1000x1xf32>
    %gt3A = arith.constant 5.000000e-01 : f32
    %gt3A_83 = vector.broadcast %gt3A : f32 to vector<1000x1xf32>
    %gt3A_84 = arith.cmpf ogt, %sub3A, %gt3A_83 : vector<1000x1xf32>
    %eq3A = arith.constant 5.000000e-01 : f32
    %eq3A_85 = vector.broadcast %eq3A : f32 to vector<1000x1xf32>
    %eq3A_86 = arith.cmpf oeq, %sub3A, %eq3A_85 : vector<1000x1xf32>
    %and3A = arith.andi %eq3A_86, %ne3A : vector<1000x1xi1>
    %or3A = arith.ori %gt3A_84, %and3A : vector<1000x1xi1>
    %jit3A_87 = arith.constant 1.000000e+00 : f32
    %jit3A_88 = arith.constant 0.000000e+00 : f32
    %broadcast_in_dim3A_89 = vector.broadcast %jit3A_87 : f32 to vector<1000x1xf32>
    %broadcast_in_dim3A_90 = vector.broadcast %jit3A_88 : f32 to vector<1000x1xf32>
    %select_n3A = arith.select %or3A, %broadcast_in_dim3A_89, %broadcast_in_dim3A_90 : vector<1000x1xi1>, vector<1000x1xf32>
    %add3A_91 = arith.addf %floor3A, %select_n3A : vector<1000x1xf32>
    %jit3A_92 = arith.constant 0.000000e+00 : f32
    %jit3A_93 = arith.constant 5.000000e+00 : f32
    %max3A_94 = vector.broadcast %jit3A_92 : f32 to vector<1000x1xf32>
    %max3A_95 = arith.maximumf %max3A_94, %add3A_91 : vector<1000x1xf32>
    %min3A = vector.broadcast %jit3A_93 : f32 to vector<1000x1xf32>
    %min3A_96 = arith.minimumf %min3A, %max3A_95 : vector<1000x1xf32>
    %iota3A = tpu.iota {dimensions = array<i32: 1>} : vector<1000x8xi32>
    %convert_element_type3A = arith.sitofp %iota3A : vector<1000x8xi32> to vector<1000x8xf32>
    %lt3A = vector.broadcast %min3A_96 : vector<1000x1xf32> to vector<1000x8xf32>
    %lt3A_97 = arith.cmpf olt, %convert_element_type3A, %lt3A : vector<1000x8xf32>
    %convert_element_type3A_98 = arith.extui %lt3A_97 : vector<1000x8xi1> to vector<1000x8xi32>
    %convert_element_type3A_99 = arith.sitofp %convert_element_type3A_98 : vector<1000x8xi32> to vector<1000x8xf32>
    %swap3A_100 = arith.constant 0 : index
    %swap3A_101 = arith.constant 0 : index
    %swap3A_102 = vector.load %arg20[%swap3A_100, %swap3A_101] : memref<1000x8xf32, #tpu.memory_space<vmem>>, vector<1000x8xf32>
    tpu.vector_store %arg20[%swap3A_100, %swap3A_101], %convert_element_type3A_99 {strides = array<i32>} : memref<1000x8xf32, #tpu.memory_space<vmem>>, vector<1000x8xf32>,
    %add3A_103 = arith.addf %dot_general3A_15, %min3A_96 : vector<1000x1xf32>
    %gt3A_104 = arith.constant 0.000000e+00 : f32
    %gt3A_105 = vector.broadcast %gt3A_104 : f32 to vector<1000x1xf32>
    %gt3A_106 = arith.cmpf ogt, %add3A_103, %gt3A_105 : vector<1000x1xf32>
    %rsqrt3A = math.rsqrt %add3A_103 : vector<1000x1xf32>
    %jit3A_107 = arith.constant 0.000000e+00 : f32
    %broadcast_in_dim3A_108 = vector.broadcast %jit3A_107 : f32 to vector<1000x1xf32>
    %select_n3A_109 = arith.select %gt3A_106, %rsqrt3A, %broadcast_in_dim3A_108 : vector<1000x1xi1>, vector<1000x1xf32>
    %swap3A_110 = arith.constant 0 : index
    %swap3A_111 = arith.constant 0 : index
    %swap3A_112 = vector.load %arg21[%swap3A_110, %swap3A_111] : memref<1000x1xf32, #tpu.memory_space<vmem>>, vector<1000x1xf32>
    tpu.vector_store %arg21[%swap3A_110, %swap3A_111], %select_n3A_109 {strides = array<i32>} : memref<1000x1xf32, #tpu.memory_space<vmem>>, vector<1000x1xf32>,
    %get3A_113 = arith.constant 0 : index
    %get3A_114 = arith.constant 0 : index
    %get3A_115 = vector.load %arg16[%get3A_113, %get3A_114] : memref<1000x64xf32, #tpu.memory_space<vmem>>, vector<1000x64xf32>
    %add3A_116 = arith.addf %add3A_60, %get3A_115 : vector<1000x64xf32>
    %get3A_117 = arith.constant 0 : index
    %get3A_118 = arith.constant 0 : index
    %get3A_119 = vector.load %arg10[%get3A_117, %get3A_118] : memref<64x256xf32, #tpu.memory_space<vmem>>, vector<64x256xf32>
    %dot_general3A_120 = arith.constant dense<0.000000e+00> : vector<1000x256xf32>
    %dot_general3A_121 = tpu.matmul %add3A_116, %get3A_119, %dot_general3A_120 {dimension_numbers = #tpu.dot_dimension_numbers<[1], [0], [0], [1], [0, 0, 1, 1], [], []>, transpose_lhs_hint = false} : vector<1000x64xf32>, vector<64x256xf32>, vector<1000x256xf32> -> vector<1000x256xf32>
    %get3A_122 = arith.constant 0 : index
    %get3A_123 = arith.constant 0 : index
    %get3A_124 = vector.load %arg11[%get3A_122, %get3A_123] : memref<1x256xf32, #tpu.memory_space<vmem>>, vector<1x256xf32>
    %add3A_125 = vector.broadcast %get3A_124 : vector<1x256xf32> to vector<1000x256xf32>
    %add3A_126 = arith.addf %dot_general3A_121, %add3A_125 : vector<1000x256xf32>
    %max3A_127 = arith.constant 0.000000e+00 : f32
    %max3A_128 = vector.broadcast %max3A_127 : f32 to vector<1000x256xf32>
    %max3A_129 = arith.maximumf %add3A_126, %max3A_128 : vector<1000x256xf32>
    %get3A_130 = arith.constant 0 : index
    %get3A_131 = arith.constant 0 : index
    %get3A_132 = vector.load %arg12[%get3A_130, %get3A_131] : memref<256x2048xf32, #tpu.memory_space<vmem>>, vector<256x2048xf32>
    %dot_general3A_133 = arith.constant dense<0.000000e+00> : vector<1000x2048xf32>
    %dot_general3A_134 = tpu.matmul %max3A_129, %get3A_132, %dot_general3A_133 {dimension_numbers = #tpu.dot_dimension_numbers<[1], [0], [0], [1], [0, 0, 1, 1], [], []>, transpose_lhs_hint = false} : vector<1000x256xf32>, vector<256x2048xf32>, vector<1000x2048xf32> -> vector<1000x2048xf32>
    %get3A_135 = arith.constant 0 : index
    %get3A_136 = arith.constant 0 : index
    %get3A_137 = vector.load %arg13[%get3A_135, %get3A_136] : memref<1x2048xf32, #tpu.memory_space<vmem>>, vector<1x2048xf32>
    %add3A_138 = vector.broadcast %get3A_137 : vector<1x2048xf32> to vector<1000x2048xf32>
    %add3A_139 = arith.addf %dot_general3A_134, %add3A_138 : vector<1000x2048xf32>
    %max3A_140 = arith.constant 0.000000e+00 : f32
    %max3A_141 = vector.broadcast %max3A_140 : f32 to vector<1000x2048xf32>
    %max3A_142 = arith.maximumf %add3A_139, %max3A_141 : vector<1000x2048xf32>
    %get3A_143 = arith.constant 0 : index
    %get3A_144 = arith.constant 0 : index
    %get3A_145 = vector.load %arg14[%get3A_143, %get3A_144] : memref<2048x640xf32, #tpu.memory_space<vmem>>, vector<2048x640xf32>
    %dot_general3A_146 = arith.constant dense<0.000000e+00> : vector<1000x640xf32>
    %dot_general3A_147 = tpu.matmul %max3A_142, %get3A_145, %dot_general3A_146 {dimension_numbers = #tpu.dot_dimension_numbers<[1], [0], [0], [1], [0, 0, 1, 1], [], []>, transpose_lhs_hint = false} : vector<1000x2048xf32>, vector<2048x640xf32>, vector<1000x640xf32> -> vector<1000x640xf32>
    %get3A_148 = arith.constant 0 : index
    %get3A_149 = arith.constant 0 : index
    %get3A_150 = vector.load %arg15[%get3A_148, %get3A_149] : memref<1x640xf32, #tpu.memory_space<vmem>>, vector<1x640xf32>
    %add3A_151 = vector.broadcast %get3A_150 : vector<1x640xf32> to vector<1000x640xf32>
    %add3A_152 = arith.addf %dot_general3A_147, %add3A_151 : vector<1000x640xf32>
    %tanh3A = math.tanh %add3A_152 : vector<1000x640xf32>
    %swap3A_153 = arith.constant 0 : index
    %swap3A_154 = arith.constant 0 : index
    %swap3A_155 = vector.load %arg19[%swap3A_153, %swap3A_154] : memref<1000x640xf32, #tpu.memory_space<vmem>>, vector<1000x640xf32>
    tpu.vector_store %arg19[%swap3A_153, %swap3A_154], %tanh3A {strides = array<i32>} : memref<1000x640xf32, #tpu.memory_space<vmem>>, vector<1000x640xf32>,
    return
  }
}

module attributes {stable_mosaic.version = 14 : i64} {
  func.func @_walk_body(%arg0: i32, %arg1: memref<1000xi32, #tpu.memory_space<smem>>, %arg2: memref<1000x1000xf32, #tpu.memory_space<vmem>>, %arg3: memref<1000x8xf32, #tpu.memory_space<vmem>>, %arg4: memref<40x6000xf32, #tpu.memory_space<vmem>>, %arg5: memref<1x40x1xi32, #tpu.memory_space<vmem>>) attributes {dimension_semantics = [#tpu.dimension_semantics<arbitrary>], iteration_bounds = array<i64: 25>, scalar_prefetch = 1 : i64, scratch_operands = 0 : i64, tpu.core_type = #tpu.core_type<tc>, window_params = [{pipeline_mode = #tpu.pipeline_mode<synchronous>, transform_indices = @transform_0, window_bounds = array<i64: 1000, 1000>}, {pipeline_mode = #tpu.pipeline_mode<synchronous>, transform_indices = @transform_1, window_bounds = array<i64: 1000, 8>}, {transform_indices = @transform_2, window_bounds = array<i64: 40, 6000>}, {transform_indices = @transform_3, window_bounds = array<i64: 1, 40, 1>}]} {
    %mul3A = arith.constant 40 : i32
    %mul3A_0 = arith.muli %arg0, %mul3A : i32
    %add3A = arith.constant 0 : i32
    %add3A_1 = arith.addi %mul3A_0, %add3A : i32
    %get3A = arith.index_cast %add3A_1 : i32 to index
    %get3A_2 = memref.load %arg1[%get3A] : memref<1000xi32, #tpu.memory_space<smem>>
    %min3A = arith.constant 999 : i32
    %min3A_3 = arith.minsi %get3A_2, %min3A : i32
    %get3A_4 = arith.index_cast %min3A_3 : i32 to index
    %get3A_5 = arith.constant 0 : index
    %get3A_6 = vector.load %arg2[%get3A_4, %get3A_5] : memref<1000x1000xf32, #tpu.memory_space<vmem>>, vector<1x1000xf32>
    %get3A_7 = arith.index_cast %min3A_3 : i32 to index
    %get3A_8 = arith.constant 0 : index
    %get3A_9 = vector.load %arg3[%get3A_7, %get3A_8] : memref<1000x8xf32, #tpu.memory_space<vmem>>, vector<1x8xf32>
    %mul3A_10 = arith.constant 40 : i32
    %mul3A_11 = arith.muli %arg0, %mul3A_10 : i32
    %add3A_12 = arith.constant 1 : i32
    %add3A_13 = arith.addi %mul3A_11, %add3A_12 : i32
    %get3A_14 = arith.index_cast %add3A_13 : i32 to index
    %get3A_15 = memref.load %arg1[%get3A_14] : memref<1000xi32, #tpu.memory_space<smem>>
    %min3A_16 = arith.constant 999 : i32
    %min3A_17 = arith.minsi %get3A_15, %min3A_16 : i32
    %get3A_18 = arith.index_cast %min3A_17 : i32 to index
    %get3A_19 = arith.constant 0 : index
    %get3A_20 = vector.load %arg2[%get3A_18, %get3A_19] : memref<1000x1000xf32, #tpu.memory_space<vmem>>, vector<1x1000xf32>
    %get3A_21 = arith.index_cast %min3A_17 : i32 to index
    %get3A_22 = arith.constant 0 : index
    %get3A_23 = vector.load %arg3[%get3A_21, %get3A_22] : memref<1000x8xf32, #tpu.memory_space<vmem>>, vector<1x8xf32>
    %mul3A_24 = arith.constant 40 : i32
    %mul3A_25 = arith.muli %arg0, %mul3A_24 : i32
    %add3A_26 = arith.constant 2 : i32
    %add3A_27 = arith.addi %mul3A_25, %add3A_26 : i32
    %get3A_28 = arith.index_cast %add3A_27 : i32 to index
    %get3A_29 = memref.load %arg1[%get3A_28] : memref<1000xi32, #tpu.memory_space<smem>>
    %min3A_30 = arith.constant 999 : i32
    %min3A_31 = arith.minsi %get3A_29, %min3A_30 : i32
    %get3A_32 = arith.index_cast %min3A_31 : i32 to index
    %get3A_33 = arith.constant 0 : index
    %get3A_34 = vector.load %arg2[%get3A_32, %get3A_33] : memref<1000x1000xf32, #tpu.memory_space<vmem>>, vector<1x1000xf32>
    %get3A_35 = arith.index_cast %min3A_31 : i32 to index
    %get3A_36 = arith.constant 0 : index
    %get3A_37 = vector.load %arg3[%get3A_35, %get3A_36] : memref<1000x8xf32, #tpu.memory_space<vmem>>, vector<1x8xf32>
    %mul3A_38 = arith.constant 40 : i32
    %mul3A_39 = arith.muli %arg0, %mul3A_38 : i32
    %add3A_40 = arith.constant 3 : i32
    %add3A_41 = arith.addi %mul3A_39, %add3A_40 : i32
    %get3A_42 = arith.index_cast %add3A_41 : i32 to index
    %get3A_43 = memref.load %arg1[%get3A_42] : memref<1000xi32, #tpu.memory_space<smem>>
    %min3A_44 = arith.constant 999 : i32
    %min3A_45 = arith.minsi %get3A_43, %min3A_44 : i32
    %get3A_46 = arith.index_cast %min3A_45 : i32 to index
    %get3A_47 = arith.constant 0 : index
    %get3A_48 = vector.load %arg2[%get3A_46, %get3A_47] : memref<1000x1000xf32, #tpu.memory_space<vmem>>, vector<1x1000xf32>
    %get3A_49 = arith.index_cast %min3A_45 : i32 to index
    %get3A_50 = arith.constant 0 : index
    %get3A_51 = vector.load %arg3[%get3A_49, %get3A_50] : memref<1000x8xf32, #tpu.memory_space<vmem>>, vector<1x8xf32>
    %mul3A_52 = arith.constant 40 : i32
    %mul3A_53 = arith.muli %arg0, %mul3A_52 : i32
    %add3A_54 = arith.constant 4 : i32
    %add3A_55 = arith.addi %mul3A_53, %add3A_54 : i32
    %get3A_56 = arith.index_cast %add3A_55 : i32 to index
    %get3A_57 = memref.load %arg1[%get3A_56] : memref<1000xi32, #tpu.memory_space<smem>>
    %min3A_58 = arith.constant 999 : i32
    %min3A_59 = arith.minsi %get3A_57, %min3A_58 : i32
    %get3A_60 = arith.index_cast %min3A_59 : i32 to index
    %get3A_61 = arith.constant 0 : index
    %get3A_62 = vector.load %arg2[%get3A_60, %get3A_61] : memref<1000x1000xf32, #tpu.memory_space<vmem>>, vector<1x1000xf32>
    %get3A_63 = arith.index_cast %min3A_59 : i32 to index
    %get3A_64 = arith.constant 0 : index
    %get3A_65 = vector.load %arg3[%get3A_63, %get3A_64] : memref<1000x8xf32, #tpu.memory_space<vmem>>, vector<1x8xf32>
    %mul3A_66 = arith.constant 40 : i32
    %mul3A_67 = arith.muli %arg0, %mul3A_66 : i32
    %add3A_68 = arith.constant 5 : i32
    %add3A_69 = arith.addi %mul3A_67, %add3A_68 : i32
    %get3A_70 = arith.index_cast %add3A_69 : i32 to index
    %get3A_71 = memref.load %arg1[%get3A_70] : memref<1000xi32, #tpu.memory_space<smem>>
    %min3A_72 = arith.constant 999 : i32
    %min3A_73 = arith.minsi %get3A_71, %min3A_72 : i32
    %get3A_74 = arith.index_cast %min3A_73 : i32 to index
    %get3A_75 = arith.constant 0 : index
    %get3A_76 = vector.load %arg2[%get3A_74, %get3A_75] : memref<1000x1000xf32, #tpu.memory_space<vmem>>, vector<1x1000xf32>
    %get3A_77 = arith.index_cast %min3A_73 : i32 to index
    %get3A_78 = arith.constant 0 : index
    %get3A_79 = vector.load %arg3[%get3A_77, %get3A_78] : memref<1000x8xf32, #tpu.memory_space<vmem>>, vector<1x8xf32>
    %mul3A_80 = arith.constant 40 : i32
    %mul3A_81 = arith.muli %arg0, %mul3A_80 : i32
    %add3A_82 = arith.constant 6 : i32
    %add3A_83 = arith.addi %mul3A_81, %add3A_82 : i32
    %get3A_84 = arith.index_cast %add3A_83 : i32 to index
    %get3A_85 = memref.load %arg1[%get3A_84] : memref<1000xi32, #tpu.memory_space<smem>>
    %min3A_86 = arith.constant 999 : i32
    %min3A_87 = arith.minsi %get3A_85, %min3A_86 : i32
    %get3A_88 = arith.index_cast %min3A_87 : i32 to index
    %get3A_89 = arith.constant 0 : index
    %get3A_90 = vector.load %arg2[%get3A_88, %get3A_89] : memref<1000x1000xf32, #tpu.memory_space<vmem>>, vector<1x1000xf32>
    %get3A_91 = arith.index_cast %min3A_87 : i32 to index
    %get3A_92 = arith.constant 0 : index
    %get3A_93 = vector.load %arg3[%get3A_91, %get3A_92] : memref<1000x8xf32, #tpu.memory_space<vmem>>, vector<1x8xf32>
    %mul3A_94 = arith.constant 40 : i32
    %mul3A_95 = arith.muli %arg0, %mul3A_94 : i32
    %add3A_96 = arith.constant 7 : i32
    %add3A_97 = arith.addi %mul3A_95, %add3A_96 : i32
    %get3A_98 = arith.index_cast %add3A_97 : i32 to index
    %get3A_99 = memref.load %arg1[%get3A_98] : memref<1000xi32, #tpu.memory_space<smem>>
    %min3A_100 = arith.constant 999 : i32
    %min3A_101 = arith.minsi %get3A_99, %min3A_100 : i32
    %get3A_102 = arith.index_cast %min3A_101 : i32 to index
    %get3A_103 = arith.constant 0 : index
    %get3A_104 = vector.load %arg2[%get3A_102, %get3A_103] : memref<1000x1000xf32, #tpu.memory_space<vmem>>, vector<1x1000xf32>
    %get3A_105 = arith.index_cast %min3A_101 : i32 to index
    %get3A_106 = arith.constant 0 : index
    %get3A_107 = vector.load %arg3[%get3A_105, %get3A_106] : memref<1000x8xf32, #tpu.memory_space<vmem>>, vector<1x8xf32>
    %mul3A_108 = arith.constant 40 : i32
    %mul3A_109 = arith.muli %arg0, %mul3A_108 : i32
    %add3A_110 = arith.constant 8 : i32
    %add3A_111 = arith.addi %mul3A_109, %add3A_110 : i32
    %get3A_112 = arith.index_cast %add3A_111 : i32 to index
    %get3A_113 = memref.load %arg1[%get3A_112] : memref<1000xi32, #tpu.memory_space<smem>>
    %min3A_114 = arith.constant 999 : i32
    %min3A_115 = arith.minsi %get3A_113, %min3A_114 : i32
    %get3A_116 = arith.index_cast %min3A_115 : i32 to index
    %get3A_117 = arith.constant 0 : index
    %get3A_118 = vector.load %arg2[%get3A_116, %get3A_117] : memref<1000x1000xf32, #tpu.memory_space<vmem>>, vector<1x1000xf32>
    %get3A_119 = arith.index_cast %min3A_115 : i32 to index
    %get3A_120 = arith.constant 0 : index
    %get3A_121 = vector.load %arg3[%get3A_119, %get3A_120] : memref<1000x8xf32, #tpu.memory_space<vmem>>, vector<1x8xf32>
    %mul3A_122 = arith.constant 40 : i32
    %mul3A_123 = arith.muli %arg0, %mul3A_122 : i32
    %add3A_124 = arith.constant 9 : i32
    %add3A_125 = arith.addi %mul3A_123, %add3A_124 : i32
    %get3A_126 = arith.index_cast %add3A_125 : i32 to index
    %get3A_127 = memref.load %arg1[%get3A_126] : memref<1000xi32, #tpu.memory_space<smem>>
    %min3A_128 = arith.constant 999 : i32
    %min3A_129 = arith.minsi %get3A_127, %min3A_128 : i32
    %get3A_130 = arith.index_cast %min3A_129 : i32 to index
    %get3A_131 = arith.constant 0 : index
    %get3A_132 = vector.load %arg2[%get3A_130, %get3A_131] : memref<1000x1000xf32, #tpu.memory_space<vmem>>, vector<1x1000xf32>
    %get3A_133 = arith.index_cast %min3A_129 : i32 to index
    %get3A_134 = arith.constant 0 : index
    %get3A_135 = vector.load %arg3[%get3A_133, %get3A_134] : memref<1000x8xf32, #tpu.memory_space<vmem>>, vector<1x8xf32>
    %mul3A_136 = arith.constant 40 : i32
    %mul3A_137 = arith.muli %arg0, %mul3A_136 : i32
    %add3A_138 = arith.constant 10 : i32
    %add3A_139 = arith.addi %mul3A_137, %add3A_138 : i32
    %get3A_140 = arith.index_cast %add3A_139 : i32 to index
    %get3A_141 = memref.load %arg1[%get3A_140] : memref<1000xi32, #tpu.memory_space<smem>>
    %min3A_142 = arith.constant 999 : i32
    %min3A_143 = arith.minsi %get3A_141, %min3A_142 : i32
    %get3A_144 = arith.index_cast %min3A_143 : i32 to index
    %get3A_145 = arith.constant 0 : index
    %get3A_146 = vector.load %arg2[%get3A_144, %get3A_145] : memref<1000x1000xf32, #tpu.memory_space<vmem>>, vector<1x1000xf32>
    %get3A_147 = arith.index_cast %min3A_143 : i32 to index
    %get3A_148 = arith.constant 0 : index
    %get3A_149 = vector.load %arg3[%get3A_147, %get3A_148] : memref<1000x8xf32, #tpu.memory_space<vmem>>, vector<1x8xf32>
    %mul3A_150 = arith.constant 40 : i32
    %mul3A_151 = arith.muli %arg0, %mul3A_150 : i32
    %add3A_152 = arith.constant 11 : i32
    %add3A_153 = arith.addi %mul3A_151, %add3A_152 : i32
    %get3A_154 = arith.index_cast %add3A_153 : i32 to index
    %get3A_155 = memref.load %arg1[%get3A_154] : memref<1000xi32, #tpu.memory_space<smem>>
    %min3A_156 = arith.constant 999 : i32
    %min3A_157 = arith.minsi %get3A_155, %min3A_156 : i32
    %get3A_158 = arith.index_cast %min3A_157 : i32 to index
    %get3A_159 = arith.constant 0 : index
    %get3A_160 = vector.load %arg2[%get3A_158, %get3A_159] : memref<1000x1000xf32, #tpu.memory_space<vmem>>, vector<1x1000xf32>
    %get3A_161 = arith.index_cast %min3A_157 : i32 to index
    %get3A_162 = arith.constant 0 : index
    %get3A_163 = vector.load %arg3[%get3A_161, %get3A_162] : memref<1000x8xf32, #tpu.memory_space<vmem>>, vector<1x8xf32>
    %mul3A_164 = arith.constant 40 : i32
    %mul3A_165 = arith.muli %arg0, %mul3A_164 : i32
    %add3A_166 = arith.constant 12 : i32
    %add3A_167 = arith.addi %mul3A_165, %add3A_166 : i32
    %get3A_168 = arith.index_cast %add3A_167 : i32 to index
    %get3A_169 = memref.load %arg1[%get3A_168] : memref<1000xi32, #tpu.memory_space<smem>>
    %min3A_170 = arith.constant 999 : i32
    %min3A_171 = arith.minsi %get3A_169, %min3A_170 : i32
    %get3A_172 = arith.index_cast %min3A_171 : i32 to index
    %get3A_173 = arith.constant 0 : index
    %get3A_174 = vector.load %arg2[%get3A_172, %get3A_173] : memref<1000x1000xf32, #tpu.memory_space<vmem>>, vector<1x1000xf32>
    %get3A_175 = arith.index_cast %min3A_171 : i32 to index
    %get3A_176 = arith.constant 0 : index
    %get3A_177 = vector.load %arg3[%get3A_175, %get3A_176] : memref<1000x8xf32, #tpu.memory_space<vmem>>, vector<1x8xf32>
    %mul3A_178 = arith.constant 40 : i32
    %mul3A_179 = arith.muli %arg0, %mul3A_178 : i32
    %add3A_180 = arith.constant 13 : i32
    %add3A_181 = arith.addi %mul3A_179, %add3A_180 : i32
    %get3A_182 = arith.index_cast %add3A_181 : i32 to index
    %get3A_183 = memref.load %arg1[%get3A_182] : memref<1000xi32, #tpu.memory_space<smem>>
    %min3A_184 = arith.constant 999 : i32
    %min3A_185 = arith.minsi %get3A_183, %min3A_184 : i32
    %get3A_186 = arith.index_cast %min3A_185 : i32 to index
    %get3A_187 = arith.constant 0 : index
    %get3A_188 = vector.load %arg2[%get3A_186, %get3A_187] : memref<1000x1000xf32, #tpu.memory_space<vmem>>, vector<1x1000xf32>
    %get3A_189 = arith.index_cast %min3A_185 : i32 to index
    %get3A_190 = arith.constant 0 : index
    %get3A_191 = vector.load %arg3[%get3A_189, %get3A_190] : memref<1000x8xf32, #tpu.memory_space<vmem>>, vector<1x8xf32>
    %mul3A_192 = arith.constant 40 : i32
    %mul3A_193 = arith.muli %arg0, %mul3A_192 : i32
    %add3A_194 = arith.constant 14 : i32
    %add3A_195 = arith.addi %mul3A_193, %add3A_194 : i32
    %get3A_196 = arith.index_cast %add3A_195 : i32 to index
    %get3A_197 = memref.load %arg1[%get3A_196] : memref<1000xi32, #tpu.memory_space<smem>>
    %min3A_198 = arith.constant 999 : i32
    %min3A_199 = arith.minsi %get3A_197, %min3A_198 : i32
    %get3A_200 = arith.index_cast %min3A_199 : i32 to index
    %get3A_201 = arith.constant 0 : index
    %get3A_202 = vector.load %arg2[%get3A_200, %get3A_201] : memref<1000x1000xf32, #tpu.memory_space<vmem>>, vector<1x1000xf32>
    %get3A_203 = arith.index_cast %min3A_199 : i32 to index
    %get3A_204 = arith.constant 0 : index
    %get3A_205 = vector.load %arg3[%get3A_203, %get3A_204] : memref<1000x8xf32, #tpu.memory_space<vmem>>, vector<1x8xf32>
    %mul3A_206 = arith.constant 40 : i32
    %mul3A_207 = arith.muli %arg0, %mul3A_206 : i32
    %add3A_208 = arith.constant 15 : i32
    %add3A_209 = arith.addi %mul3A_207, %add3A_208 : i32
    %get3A_210 = arith.index_cast %add3A_209 : i32 to index
    %get3A_211 = memref.load %arg1[%get3A_210] : memref<1000xi32, #tpu.memory_space<smem>>
    %min3A_212 = arith.constant 999 : i32
    %min3A_213 = arith.minsi %get3A_211, %min3A_212 : i32
    %get3A_214 = arith.index_cast %min3A_213 : i32 to index
    %get3A_215 = arith.constant 0 : index
    %get3A_216 = vector.load %arg2[%get3A_214, %get3A_215] : memref<1000x1000xf32, #tpu.memory_space<vmem>>, vector<1x1000xf32>
    %get3A_217 = arith.index_cast %min3A_213 : i32 to index
    %get3A_218 = arith.constant 0 : index
    %get3A_219 = vector.load %arg3[%get3A_217, %get3A_218] : memref<1000x8xf32, #tpu.memory_space<vmem>>, vector<1x8xf32>
    %mul3A_220 = arith.constant 40 : i32
    %mul3A_221 = arith.muli %arg0, %mul3A_220 : i32
    %add3A_222 = arith.constant 16 : i32
    %add3A_223 = arith.addi %mul3A_221, %add3A_222 : i32
    %get3A_224 = arith.index_cast %add3A_223 : i32 to index
    %get3A_225 = memref.load %arg1[%get3A_224] : memref<1000xi32, #tpu.memory_space<smem>>
    %min3A_226 = arith.constant 999 : i32
    %min3A_227 = arith.minsi %get3A_225, %min3A_226 : i32
    %get3A_228 = arith.index_cast %min3A_227 : i32 to index
    %get3A_229 = arith.constant 0 : index
    %get3A_230 = vector.load %arg2[%get3A_228, %get3A_229] : memref<1000x1000xf32, #tpu.memory_space<vmem>>, vector<1x1000xf32>
    %get3A_231 = arith.index_cast %min3A_227 : i32 to index
    %get3A_232 = arith.constant 0 : index
    %get3A_233 = vector.load %arg3[%get3A_231, %get3A_232] : memref<1000x8xf32, #tpu.memory_space<vmem>>, vector<1x8xf32>
    %mul3A_234 = arith.constant 40 : i32
    %mul3A_235 = arith.muli %arg0, %mul3A_234 : i32
    %add3A_236 = arith.constant 17 : i32
    %add3A_237 = arith.addi %mul3A_235, %add3A_236 : i32
    %get3A_238 = arith.index_cast %add3A_237 : i32 to index
    %get3A_239 = memref.load %arg1[%get3A_238] : memref<1000xi32, #tpu.memory_space<smem>>
    %min3A_240 = arith.constant 999 : i32
    %min3A_241 = arith.minsi %get3A_239, %min3A_240 : i32
    %get3A_242 = arith.index_cast %min3A_241 : i32 to index
    %get3A_243 = arith.constant 0 : index
    %get3A_244 = vector.load %arg2[%get3A_242, %get3A_243] : memref<1000x1000xf32, #tpu.memory_space<vmem>>, vector<1x1000xf32>
    %get3A_245 = arith.index_cast %min3A_241 : i32 to index
    %get3A_246 = arith.constant 0 : index
    %get3A_247 = vector.load %arg3[%get3A_245, %get3A_246] : memref<1000x8xf32, #tpu.memory_space<vmem>>, vector<1x8xf32>
    %mul3A_248 = arith.constant 40 : i32
    %mul3A_249 = arith.muli %arg0, %mul3A_248 : i32
    %add3A_250 = arith.constant 18 : i32
    %add3A_251 = arith.addi %mul3A_249, %add3A_250 : i32
    %get3A_252 = arith.index_cast %add3A_251 : i32 to index
    %get3A_253 = memref.load %arg1[%get3A_252] : memref<1000xi32, #tpu.memory_space<smem>>
    %min3A_254 = arith.constant 999 : i32
    %min3A_255 = arith.minsi %get3A_253, %min3A_254 : i32
    %get3A_256 = arith.index_cast %min3A_255 : i32 to index
    %get3A_257 = arith.constant 0 : index
    %get3A_258 = vector.load %arg2[%get3A_256, %get3A_257] : memref<1000x1000xf32, #tpu.memory_space<vmem>>, vector<1x1000xf32>
    %get3A_259 = arith.index_cast %min3A_255 : i32 to index
    %get3A_260 = arith.constant 0 : index
    %get3A_261 = vector.load %arg3[%get3A_259, %get3A_260] : memref<1000x8xf32, #tpu.memory_space<vmem>>, vector<1x8xf32>
    %mul3A_262 = arith.constant 40 : i32
    %mul3A_263 = arith.muli %arg0, %mul3A_262 : i32
    %add3A_264 = arith.constant 19 : i32
    %add3A_265 = arith.addi %mul3A_263, %add3A_264 : i32
    %get3A_266 = arith.index_cast %add3A_265 : i32 to index
    %get3A_267 = memref.load %arg1[%get3A_266] : memref<1000xi32, #tpu.memory_space<smem>>
    %min3A_268 = arith.constant 999 : i32
    %min3A_269 = arith.minsi %get3A_267, %min3A_268 : i32
    %get3A_270 = arith.index_cast %min3A_269 : i32 to index
    %get3A_271 = arith.constant 0 : index
    %get3A_272 = vector.load %arg2[%get3A_270, %get3A_271] : memref<1000x1000xf32, #tpu.memory_space<vmem>>, vector<1x1000xf32>
    %get3A_273 = arith.index_cast %min3A_269 : i32 to index
    %get3A_274 = arith.constant 0 : index
    %get3A_275 = vector.load %arg3[%get3A_273, %get3A_274] : memref<1000x8xf32, #tpu.memory_space<vmem>>, vector<1x8xf32>
    %mul3A_276 = arith.constant 40 : i32
    %mul3A_277 = arith.muli %arg0, %mul3A_276 : i32
    %add3A_278 = arith.constant 20 : i32
    %add3A_279 = arith.addi %mul3A_277, %add3A_278 : i32
    %get3A_280 = arith.index_cast %add3A_279 : i32 to index
    %get3A_281 = memref.load %arg1[%get3A_280] : memref<1000xi32, #tpu.memory_space<smem>>
    %min3A_282 = arith.constant 999 : i32
    %min3A_283 = arith.minsi %get3A_281, %min3A_282 : i32
    %get3A_284 = arith.index_cast %min3A_283 : i32 to index
    %get3A_285 = arith.constant 0 : index
    %get3A_286 = vector.load %arg2[%get3A_284, %get3A_285] : memref<1000x1000xf32, #tpu.memory_space<vmem>>, vector<1x1000xf32>
    %get3A_287 = arith.index_cast %min3A_283 : i32 to index
    %get3A_288 = arith.constant 0 : index
    %get3A_289 = vector.load %arg3[%get3A_287, %get3A_288] : memref<1000x8xf32, #tpu.memory_space<vmem>>, vector<1x8xf32>
    %mul3A_290 = arith.constant 40 : i32
    %mul3A_291 = arith.muli %arg0, %mul3A_290 : i32
    %add3A_292 = arith.constant 21 : i32
    %add3A_293 = arith.addi %mul3A_291, %add3A_292 : i32
    %get3A_294 = arith.index_cast %add3A_293 : i32 to index
    %get3A_295 = memref.load %arg1[%get3A_294] : memref<1000xi32, #tpu.memory_space<smem>>
    %min3A_296 = arith.constant 999 : i32
    %min3A_297 = arith.minsi %get3A_295, %min3A_296 : i32
    %get3A_298 = arith.index_cast %min3A_297 : i32 to index
    %get3A_299 = arith.constant 0 : index
    %get3A_300 = vector.load %arg2[%get3A_298, %get3A_299] : memref<1000x1000xf32, #tpu.memory_space<vmem>>, vector<1x1000xf32>
    %get3A_301 = arith.index_cast %min3A_297 : i32 to index
    %get3A_302 = arith.constant 0 : index
    %get3A_303 = vector.load %arg3[%get3A_301, %get3A_302] : memref<1000x8xf32, #tpu.memory_space<vmem>>, vector<1x8xf32>
    %mul3A_304 = arith.constant 40 : i32
    %mul3A_305 = arith.muli %arg0, %mul3A_304 : i32
    %add3A_306 = arith.constant 22 : i32
    %add3A_307 = arith.addi %mul3A_305, %add3A_306 : i32
    %get3A_308 = arith.index_cast %add3A_307 : i32 to index
    %get3A_309 = memref.load %arg1[%get3A_308] : memref<1000xi32, #tpu.memory_space<smem>>
    %min3A_310 = arith.constant 999 : i32
    %min3A_311 = arith.minsi %get3A_309, %min3A_310 : i32
    %get3A_312 = arith.index_cast %min3A_311 : i32 to index
    %get3A_313 = arith.constant 0 : index
    %get3A_314 = vector.load %arg2[%get3A_312, %get3A_313] : memref<1000x1000xf32, #tpu.memory_space<vmem>>, vector<1x1000xf32>
    %get3A_315 = arith.index_cast %min3A_311 : i32 to index
    %get3A_316 = arith.constant 0 : index
    %get3A_317 = vector.load %arg3[%get3A_315, %get3A_316] : memref<1000x8xf32, #tpu.memory_space<vmem>>, vector<1x8xf32>
    %mul3A_318 = arith.constant 40 : i32
    %mul3A_319 = arith.muli %arg0, %mul3A_318 : i32
    %add3A_320 = arith.constant 23 : i32
    %add3A_321 = arith.addi %mul3A_319, %add3A_320 : i32
    %get3A_322 = arith.index_cast %add3A_321 : i32 to index
    %get3A_323 = memref.load %arg1[%get3A_322] : memref<1000xi32, #tpu.memory_space<smem>>
    %min3A_324 = arith.constant 999 : i32
    %min3A_325 = arith.minsi %get3A_323, %min3A_324 : i32
    %get3A_326 = arith.index_cast %min3A_325 : i32 to index
    %get3A_327 = arith.constant 0 : index
    %get3A_328 = vector.load %arg2[%get3A_326, %get3A_327] : memref<1000x1000xf32, #tpu.memory_space<vmem>>, vector<1x1000xf32>
    %get3A_329 = arith.index_cast %min3A_325 : i32 to index
    %get3A_330 = arith.constant 0 : index
    %get3A_331 = vector.load %arg3[%get3A_329, %get3A_330] : memref<1000x8xf32, #tpu.memory_space<vmem>>, vector<1x8xf32>
    %mul3A_332 = arith.constant 40 : i32
    %mul3A_333 = arith.muli %arg0, %mul3A_332 : i32
    %add3A_334 = arith.constant 24 : i32
    %add3A_335 = arith.addi %mul3A_333, %add3A_334 : i32
    %get3A_336 = arith.index_cast %add3A_335 : i32 to index
    %get3A_337 = memref.load %arg1[%get3A_336] : memref<1000xi32, #tpu.memory_space<smem>>
    %min3A_338 = arith.constant 999 : i32
    %min3A_339 = arith.minsi %get3A_337, %min3A_338 : i32
    %get3A_340 = arith.index_cast %min3A_339 : i32 to index
    %get3A_341 = arith.constant 0 : index
    %get3A_342 = vector.load %arg2[%get3A_340, %get3A_341] : memref<1000x1000xf32, #tpu.memory_space<vmem>>, vector<1x1000xf32>
    %get3A_343 = arith.index_cast %min3A_339 : i32 to index
    %get3A_344 = arith.constant 0 : index
    %get3A_345 = vector.load %arg3[%get3A_343, %get3A_344] : memref<1000x8xf32, #tpu.memory_space<vmem>>, vector<1x8xf32>
    %mul3A_346 = arith.constant 40 : i32
    %mul3A_347 = arith.muli %arg0, %mul3A_346 : i32
    %add3A_348 = arith.constant 25 : i32
    %add3A_349 = arith.addi %mul3A_347, %add3A_348 : i32
    %get3A_350 = arith.index_cast %add3A_349 : i32 to index
    %get3A_351 = memref.load %arg1[%get3A_350] : memref<1000xi32, #tpu.memory_space<smem>>
    %min3A_352 = arith.constant 999 : i32
    %min3A_353 = arith.minsi %get3A_351, %min3A_352 : i32
    %get3A_354 = arith.index_cast %min3A_353 : i32 to index
    %get3A_355 = arith.constant 0 : index
    %get3A_356 = vector.load %arg2[%get3A_354, %get3A_355] : memref<1000x1000xf32, #tpu.memory_space<vmem>>, vector<1x1000xf32>
    %get3A_357 = arith.index_cast %min3A_353 : i32 to index
    %get3A_358 = arith.constant 0 : index
    %get3A_359 = vector.load %arg3[%get3A_357, %get3A_358] : memref<1000x8xf32, #tpu.memory_space<vmem>>, vector<1x8xf32>
    %mul3A_360 = arith.constant 40 : i32
    %mul3A_361 = arith.muli %arg0, %mul3A_360 : i32
    %add3A_362 = arith.constant 26 : i32
    %add3A_363 = arith.addi %mul3A_361, %add3A_362 : i32
    %get3A_364 = arith.index_cast %add3A_363 : i32 to index
    %get3A_365 = memref.load %arg1[%get3A_364] : memref<1000xi32, #tpu.memory_space<smem>>
    %min3A_366 = arith.constant 999 : i32
    %min3A_367 = arith.minsi %get3A_365, %min3A_366 : i32
    %get3A_368 = arith.index_cast %min3A_367 : i32 to index
    %get3A_369 = arith.constant 0 : index
    %get3A_370 = vector.load %arg2[%get3A_368, %get3A_369] : memref<1000x1000xf32, #tpu.memory_space<vmem>>, vector<1x1000xf32>
    %get3A_371 = arith.index_cast %min3A_367 : i32 to index
    %get3A_372 = arith.constant 0 : index
    %get3A_373 = vector.load %arg3[%get3A_371, %get3A_372] : memref<1000x8xf32, #tpu.memory_space<vmem>>, vector<1x8xf32>
    %mul3A_374 = arith.constant 40 : i32
    %mul3A_375 = arith.muli %arg0, %mul3A_374 : i32
    %add3A_376 = arith.constant 27 : i32
    %add3A_377 = arith.addi %mul3A_375, %add3A_376 : i32
    %get3A_378 = arith.index_cast %add3A_377 : i32 to index
    %get3A_379 = memref.load %arg1[%get3A_378] : memref<1000xi32, #tpu.memory_space<smem>>
    %min3A_380 = arith.constant 999 : i32
    %min3A_381 = arith.minsi %get3A_379, %min3A_380 : i32
    %get3A_382 = arith.index_cast %min3A_381 : i32 to index
    %get3A_383 = arith.constant 0 : index
    %get3A_384 = vector.load %arg2[%get3A_382, %get3A_383] : memref<1000x1000xf32, #tpu.memory_space<vmem>>, vector<1x1000xf32>
    %get3A_385 = arith.index_cast %min3A_381 : i32 to index
    %get3A_386 = arith.constant 0 : index
    %get3A_387 = vector.load %arg3[%get3A_385, %get3A_386] : memref<1000x8xf32, #tpu.memory_space<vmem>>, vector<1x8xf32>
    %mul3A_388 = arith.constant 40 : i32
    %mul3A_389 = arith.muli %arg0, %mul3A_388 : i32
    %add3A_390 = arith.constant 28 : i32
    %add3A_391 = arith.addi %mul3A_389, %add3A_390 : i32
    %get3A_392 = arith.index_cast %add3A_391 : i32 to index
    %get3A_393 = memref.load %arg1[%get3A_392] : memref<1000xi32, #tpu.memory_space<smem>>
    %min3A_394 = arith.constant 999 : i32
    %min3A_395 = arith.minsi %get3A_393, %min3A_394 : i32
    %get3A_396 = arith.index_cast %min3A_395 : i32 to index
    %get3A_397 = arith.constant 0 : index
    %get3A_398 = vector.load %arg2[%get3A_396, %get3A_397] : memref<1000x1000xf32, #tpu.memory_space<vmem>>, vector<1x1000xf32>
    %get3A_399 = arith.index_cast %min3A_395 : i32 to index
    %get3A_400 = arith.constant 0 : index
    %get3A_401 = vector.load %arg3[%get3A_399, %get3A_400] : memref<1000x8xf32, #tpu.memory_space<vmem>>, vector<1x8xf32>
    %mul3A_402 = arith.constant 40 : i32
    %mul3A_403 = arith.muli %arg0, %mul3A_402 : i32
    %add3A_404 = arith.constant 29 : i32
    %add3A_405 = arith.addi %mul3A_403, %add3A_404 : i32
    %get3A_406 = arith.index_cast %add3A_405 : i32 to index
    %get3A_407 = memref.load %arg1[%get3A_406] : memref<1000xi32, #tpu.memory_space<smem>>
    %min3A_408 = arith.constant 999 : i32
    %min3A_409 = arith.minsi %get3A_407, %min3A_408 : i32
    %get3A_410 = arith.index_cast %min3A_409 : i32 to index
    %get3A_411 = arith.constant 0 : index
    %get3A_412 = vector.load %arg2[%get3A_410, %get3A_411] : memref<1000x1000xf32, #tpu.memory_space<vmem>>, vector<1x1000xf32>
    %get3A_413 = arith.index_cast %min3A_409 : i32 to index
    %get3A_414 = arith.constant 0 : index
    %get3A_415 = vector.load %arg3[%get3A_413, %get3A_414] : memref<1000x8xf32, #tpu.memory_space<vmem>>, vector<1x8xf32>
    %mul3A_416 = arith.constant 40 : i32
    %mul3A_417 = arith.muli %arg0, %mul3A_416 : i32
    %add3A_418 = arith.constant 30 : i32
    %add3A_419 = arith.addi %mul3A_417, %add3A_418 : i32
    %get3A_420 = arith.index_cast %add3A_419 : i32 to index
    %get3A_421 = memref.load %arg1[%get3A_420] : memref<1000xi32, #tpu.memory_space<smem>>
    %min3A_422 = arith.constant 999 : i32
    %min3A_423 = arith.minsi %get3A_421, %min3A_422 : i32
    %get3A_424 = arith.index_cast %min3A_423 : i32 to index
    %get3A_425 = arith.constant 0 : index
    %get3A_426 = vector.load %arg2[%get3A_424, %get3A_425] : memref<1000x1000xf32, #tpu.memory_space<vmem>>, vector<1x1000xf32>
    %get3A_427 = arith.index_cast %min3A_423 : i32 to index
    %get3A_428 = arith.constant 0 : index
    %get3A_429 = vector.load %arg3[%get3A_427, %get3A_428] : memref<1000x8xf32, #tpu.memory_space<vmem>>, vector<1x8xf32>
    %mul3A_430 = arith.constant 40 : i32
    %mul3A_431 = arith.muli %arg0, %mul3A_430 : i32
    %add3A_432 = arith.constant 31 : i32
    %add3A_433 = arith.addi %mul3A_431, %add3A_432 : i32
    %get3A_434 = arith.index_cast %add3A_433 : i32 to index
    %get3A_435 = memref.load %arg1[%get3A_434] : memref<1000xi32, #tpu.memory_space<smem>>
    %min3A_436 = arith.constant 999 : i32
    %min3A_437 = arith.minsi %get3A_435, %min3A_436 : i32
    %get3A_438 = arith.index_cast %min3A_437 : i32 to index
    %get3A_439 = arith.constant 0 : index
    %get3A_440 = vector.load %arg2[%get3A_438, %get3A_439] : memref<1000x1000xf32, #tpu.memory_space<vmem>>, vector<1x1000xf32>
    %get3A_441 = arith.index_cast %min3A_437 : i32 to index
    %get3A_442 = arith.constant 0 : index
    %get3A_443 = vector.load %arg3[%get3A_441, %get3A_442] : memref<1000x8xf32, #tpu.memory_space<vmem>>, vector<1x8xf32>
    %mul3A_444 = arith.constant 40 : i32
    %mul3A_445 = arith.muli %arg0, %mul3A_444 : i32
    %add3A_446 = arith.constant 32 : i32
    %add3A_447 = arith.addi %mul3A_445, %add3A_446 : i32
    %get3A_448 = arith.index_cast %add3A_447 : i32 to index
    %get3A_449 = memref.load %arg1[%get3A_448] : memref<1000xi32, #tpu.memory_space<smem>>
    %min3A_450 = arith.constant 999 : i32
    %min3A_451 = arith.minsi %get3A_449, %min3A_450 : i32
    %get3A_452 = arith.index_cast %min3A_451 : i32 to index
    %get3A_453 = arith.constant 0 : index
    %get3A_454 = vector.load %arg2[%get3A_452, %get3A_453] : memref<1000x1000xf32, #tpu.memory_space<vmem>>, vector<1x1000xf32>
    %get3A_455 = arith.index_cast %min3A_451 : i32 to index
    %get3A_456 = arith.constant 0 : index
    %get3A_457 = vector.load %arg3[%get3A_455, %get3A_456] : memref<1000x8xf32, #tpu.memory_space<vmem>>, vector<1x8xf32>
    %mul3A_458 = arith.constant 40 : i32
    %mul3A_459 = arith.muli %arg0, %mul3A_458 : i32
    %add3A_460 = arith.constant 33 : i32
    %add3A_461 = arith.addi %mul3A_459, %add3A_460 : i32
    %get3A_462 = arith.index_cast %add3A_461 : i32 to index
    %get3A_463 = memref.load %arg1[%get3A_462] : memref<1000xi32, #tpu.memory_space<smem>>
    %min3A_464 = arith.constant 999 : i32
    %min3A_465 = arith.minsi %get3A_463, %min3A_464 : i32
    %get3A_466 = arith.index_cast %min3A_465 : i32 to index
    %get3A_467 = arith.constant 0 : index
    %get3A_468 = vector.load %arg2[%get3A_466, %get3A_467] : memref<1000x1000xf32, #tpu.memory_space<vmem>>, vector<1x1000xf32>
    %get3A_469 = arith.index_cast %min3A_465 : i32 to index
    %get3A_470 = arith.constant 0 : index
    %get3A_471 = vector.load %arg3[%get3A_469, %get3A_470] : memref<1000x8xf32, #tpu.memory_space<vmem>>, vector<1x8xf32>
    %mul3A_472 = arith.constant 40 : i32
    %mul3A_473 = arith.muli %arg0, %mul3A_472 : i32
    %add3A_474 = arith.constant 34 : i32
    %add3A_475 = arith.addi %mul3A_473, %add3A_474 : i32
    %get3A_476 = arith.index_cast %add3A_475 : i32 to index
    %get3A_477 = memref.load %arg1[%get3A_476] : memref<1000xi32, #tpu.memory_space<smem>>
    %min3A_478 = arith.constant 999 : i32
    %min3A_479 = arith.minsi %get3A_477, %min3A_478 : i32
    %get3A_480 = arith.index_cast %min3A_479 : i32 to index
    %get3A_481 = arith.constant 0 : index
    %get3A_482 = vector.load %arg2[%get3A_480, %get3A_481] : memref<1000x1000xf32, #tpu.memory_space<vmem>>, vector<1x1000xf32>
    %get3A_483 = arith.index_cast %min3A_479 : i32 to index
    %get3A_484 = arith.constant 0 : index
    %get3A_485 = vector.load %arg3[%get3A_483, %get3A_484] : memref<1000x8xf32, #tpu.memory_space<vmem>>, vector<1x8xf32>
    %mul3A_486 = arith.constant 40 : i32
    %mul3A_487 = arith.muli %arg0, %mul3A_486 : i32
    %add3A_488 = arith.constant 35 : i32
    %add3A_489 = arith.addi %mul3A_487, %add3A_488 : i32
    %get3A_490 = arith.index_cast %add3A_489 : i32 to index
    %get3A_491 = memref.load %arg1[%get3A_490] : memref<1000xi32, #tpu.memory_space<smem>>
    %min3A_492 = arith.constant 999 : i32
    %min3A_493 = arith.minsi %get3A_491, %min3A_492 : i32
    %get3A_494 = arith.index_cast %min3A_493 : i32 to index
    %get3A_495 = arith.constant 0 : index
    %get3A_496 = vector.load %arg2[%get3A_494, %get3A_495] : memref<1000x1000xf32, #tpu.memory_space<vmem>>, vector<1x1000xf32>
    %get3A_497 = arith.index_cast %min3A_493 : i32 to index
    %get3A_498 = arith.constant 0 : index
    %get3A_499 = vector.load %arg3[%get3A_497, %get3A_498] : memref<1000x8xf32, #tpu.memory_space<vmem>>, vector<1x8xf32>
    %mul3A_500 = arith.constant 40 : i32
    %mul3A_501 = arith.muli %arg0, %mul3A_500 : i32
    %add3A_502 = arith.constant 36 : i32
    %add3A_503 = arith.addi %mul3A_501, %add3A_502 : i32
    %get3A_504 = arith.index_cast %add3A_503 : i32 to index
    %get3A_505 = memref.load %arg1[%get3A_504] : memref<1000xi32, #tpu.memory_space<smem>>
    %min3A_506 = arith.constant 999 : i32
    %min3A_507 = arith.minsi %get3A_505, %min3A_506 : i32
    %get3A_508 = arith.index_cast %min3A_507 : i32 to index
    %get3A_509 = arith.constant 0 : index
    %get3A_510 = vector.load %arg2[%get3A_508, %get3A_509] : memref<1000x1000xf32, #tpu.memory_space<vmem>>, vector<1x1000xf32>
    %get3A_511 = arith.index_cast %min3A_507 : i32 to index
    %get3A_512 = arith.constant 0 : index
    %get3A_513 = vector.load %arg3[%get3A_511, %get3A_512] : memref<1000x8xf32, #tpu.memory_space<vmem>>, vector<1x8xf32>
    %mul3A_514 = arith.constant 40 : i32
    %mul3A_515 = arith.muli %arg0, %mul3A_514 : i32
    %add3A_516 = arith.constant 37 : i32
    %add3A_517 = arith.addi %mul3A_515, %add3A_516 : i32
    %get3A_518 = arith.index_cast %add3A_517 : i32 to index
    %get3A_519 = memref.load %arg1[%get3A_518] : memref<1000xi32, #tpu.memory_space<smem>>
    %min3A_520 = arith.constant 999 : i32
    %min3A_521 = arith.minsi %get3A_519, %min3A_520 : i32
    %get3A_522 = arith.index_cast %min3A_521 : i32 to index
    %get3A_523 = arith.constant 0 : index
    %get3A_524 = vector.load %arg2[%get3A_522, %get3A_523] : memref<1000x1000xf32, #tpu.memory_space<vmem>>, vector<1x1000xf32>
    %get3A_525 = arith.index_cast %min3A_521 : i32 to index
    %get3A_526 = arith.constant 0 : index
    %get3A_527 = vector.load %arg3[%get3A_525, %get3A_526] : memref<1000x8xf32, #tpu.memory_space<vmem>>, vector<1x8xf32>
    %mul3A_528 = arith.constant 40 : i32
    %mul3A_529 = arith.muli %arg0, %mul3A_528 : i32
    %add3A_530 = arith.constant 38 : i32
    %add3A_531 = arith.addi %mul3A_529, %add3A_530 : i32
    %get3A_532 = arith.index_cast %add3A_531 : i32 to index
    %get3A_533 = memref.load %arg1[%get3A_532] : memref<1000xi32, #tpu.memory_space<smem>>
    %min3A_534 = arith.constant 999 : i32
    %min3A_535 = arith.minsi %get3A_533, %min3A_534 : i32
    %get3A_536 = arith.index_cast %min3A_535 : i32 to index
    %get3A_537 = arith.constant 0 : index
    %get3A_538 = vector.load %arg2[%get3A_536, %get3A_537] : memref<1000x1000xf32, #tpu.memory_space<vmem>>, vector<1x1000xf32>
    %get3A_539 = arith.index_cast %min3A_535 : i32 to index
    %get3A_540 = arith.constant 0 : index
    %get3A_541 = vector.load %arg3[%get3A_539, %get3A_540] : memref<1000x8xf32, #tpu.memory_space<vmem>>, vector<1x8xf32>
    %mul3A_542 = arith.constant 40 : i32
    %mul3A_543 = arith.muli %arg0, %mul3A_542 : i32
    %add3A_544 = arith.constant 39 : i32
    %add3A_545 = arith.addi %mul3A_543, %add3A_544 : i32
    %get3A_546 = arith.index_cast %add3A_545 : i32 to index
    %get3A_547 = memref.load %arg1[%get3A_546] : memref<1000xi32, #tpu.memory_space<smem>>
    %min3A_548 = arith.constant 999 : i32
    %min3A_549 = arith.minsi %get3A_547, %min3A_548 : i32
    %get3A_550 = arith.index_cast %min3A_549 : i32 to index
    %get3A_551 = arith.constant 0 : index
    %get3A_552 = vector.load %arg2[%get3A_550, %get3A_551] : memref<1000x1000xf32, #tpu.memory_space<vmem>>, vector<1x1000xf32>
    %get3A_553 = arith.index_cast %min3A_549 : i32 to index
    %get3A_554 = arith.constant 0 : index
    %get3A_555 = vector.load %arg3[%get3A_553, %get3A_554] : memref<1000x8xf32, #tpu.memory_space<vmem>>, vector<1x8xf32>
    %concatenate3A = tpu.concatenate %get3A_6, %get3A_20, %get3A_34, %get3A_48, %get3A_62, %get3A_76, %get3A_90, %get3A_104, %get3A_118, %get3A_132, %get3A_146, %get3A_160, %get3A_174, %get3A_188, %get3A_202, %get3A_216, %get3A_230, %get3A_244, %get3A_258, %get3A_272, %get3A_286, %get3A_300, %get3A_314, %get3A_328, %get3A_342, %get3A_356, %get3A_370, %get3A_384, %get3A_398, %get3A_412, %get3A_426, %get3A_440, %get3A_454, %get3A_468, %get3A_482, %get3A_496, %get3A_510, %get3A_524, %get3A_538, %get3A_552 in 0 : vector<1x1000xf32>, vector<1x1000xf32>, vector<1x1000xf32>, vector<1x1000xf32>, vector<1x1000xf32>, vector<1x1000xf32>, vector<1x1000xf32>, vector<1x1000xf32>, vector<1x1000xf32>, vector<1x1000xf32>, vector<1x1000xf32>, vector<1x1000xf32>, vector<1x1000xf32>, vector<1x1000xf32>, vector<1x1000xf32>, vector<1x1000xf32>, vector<1x1000xf32>, vector<1x1000xf32>, vector<1x1000xf32>, vector<1x1000xf32>, vector<1x1000xf32>, vector<1x1000xf32>, vector<1x1000xf32>, vector<1x1000xf32>, vector<1x1000xf32>, vector<1x1000xf32>, vector<1x1000xf32>, vector<1x1000xf32>, vector<1x1000xf32>, vector<1x1000xf32>, vector<1x1000xf32>, vector<1x1000xf32>, vector<1x1000xf32>, vector<1x1000xf32>, vector<1x1000xf32>, vector<1x1000xf32>, vector<1x1000xf32>, vector<1x1000xf32>, vector<1x1000xf32>, vector<1x1000xf32> -> vector<40x1000xf32>
    %concatenate3A_556 = tpu.concatenate %get3A_9, %get3A_23, %get3A_37, %get3A_51, %get3A_65, %get3A_79, %get3A_93, %get3A_107, %get3A_121, %get3A_135, %get3A_149, %get3A_163, %get3A_177, %get3A_191, %get3A_205, %get3A_219, %get3A_233, %get3A_247, %get3A_261, %get3A_275, %get3A_289, %get3A_303, %get3A_317, %get3A_331, %get3A_345, %get3A_359, %get3A_373, %get3A_387, %get3A_401, %get3A_415, %get3A_429, %get3A_443, %get3A_457, %get3A_471, %get3A_485, %get3A_499, %get3A_513, %get3A_527, %get3A_541, %get3A_555 in 0 : vector<1x8xf32>, vector<1x8xf32>, vector<1x8xf32>, vector<1x8xf32>, vector<1x8xf32>, vector<1x8xf32>, vector<1x8xf32>, vector<1x8xf32>, vector<1x8xf32>, vector<1x8xf32>, vector<1x8xf32>, vector<1x8xf32>, vector<1x8xf32>, vector<1x8xf32>, vector<1x8xf32>, vector<1x8xf32>, vector<1x8xf32>, vector<1x8xf32>, vector<1x8xf32>, vector<1x8xf32>, vector<1x8xf32>, vector<1x8xf32>, vector<1x8xf32>, vector<1x8xf32>, vector<1x8xf32>, vector<1x8xf32>, vector<1x8xf32>, vector<1x8xf32>, vector<1x8xf32>, vector<1x8xf32>, vector<1x8xf32>, vector<1x8xf32>, vector<1x8xf32>, vector<1x8xf32>, vector<1x8xf32>, vector<1x8xf32>, vector<1x8xf32>, vector<1x8xf32>, vector<1x8xf32>, vector<1x8xf32> -> vector<40x8xf32>
    %reshape3A = vector.broadcast %get3A_2 : i32 to vector<1x1xi32>
    %reshape3A_557 = vector.broadcast %get3A_15 : i32 to vector<1x1xi32>
    %reshape3A_558 = vector.broadcast %get3A_29 : i32 to vector<1x1xi32>
    %reshape3A_559 = vector.broadcast %get3A_43 : i32 to vector<1x1xi32>
    %reshape3A_560 = vector.broadcast %get3A_57 : i32 to vector<1x1xi32>
    %reshape3A_561 = vector.broadcast %get3A_71 : i32 to vector<1x1xi32>
    %reshape3A_562 = vector.broadcast %get3A_85 : i32 to vector<1x1xi32>
    %reshape3A_563 = vector.broadcast %get3A_99 : i32 to vector<1x1xi32>
    %reshape3A_564 = vector.broadcast %get3A_113 : i32 to vector<1x1xi32>
    %reshape3A_565 = vector.broadcast %get3A_127 : i32 to vector<1x1xi32>
    %reshape3A_566 = vector.broadcast %get3A_141 : i32 to vector<1x1xi32>
    %reshape3A_567 = vector.broadcast %get3A_155 : i32 to vector<1x1xi32>
    %reshape3A_568 = vector.broadcast %get3A_169 : i32 to vector<1x1xi32>
    %reshape3A_569 = vector.broadcast %get3A_183 : i32 to vector<1x1xi32>
    %reshape3A_570 = vector.broadcast %get3A_197 : i32 to vector<1x1xi32>
    %reshape3A_571 = vector.broadcast %get3A_211 : i32 to vector<1x1xi32>
    %reshape3A_572 = vector.broadcast %get3A_225 : i32 to vector<1x1xi32>
    %reshape3A_573 = vector.broadcast %get3A_239 : i32 to vector<1x1xi32>
    %reshape3A_574 = vector.broadcast %get3A_253 : i32 to vector<1x1xi32>
    %reshape3A_575 = vector.broadcast %get3A_267 : i32 to vector<1x1xi32>
    %reshape3A_576 = vector.broadcast %get3A_281 : i32 to vector<1x1xi32>
    %reshape3A_577 = vector.broadcast %get3A_295 : i32 to vector<1x1xi32>
    %reshape3A_578 = vector.broadcast %get3A_309 : i32 to vector<1x1xi32>
    %reshape3A_579 = vector.broadcast %get3A_323 : i32 to vector<1x1xi32>
    %reshape3A_580 = vector.broadcast %get3A_337 : i32 to vector<1x1xi32>
    %reshape3A_581 = vector.broadcast %get3A_351 : i32 to vector<1x1xi32>
    %reshape3A_582 = vector.broadcast %get3A_365 : i32 to vector<1x1xi32>
    %reshape3A_583 = vector.broadcast %get3A_379 : i32 to vector<1x1xi32>
    %reshape3A_584 = vector.broadcast %get3A_393 : i32 to vector<1x1xi32>
    %reshape3A_585 = vector.broadcast %get3A_407 : i32 to vector<1x1xi32>
    %reshape3A_586 = vector.broadcast %get3A_421 : i32 to vector<1x1xi32>
    %reshape3A_587 = vector.broadcast %get3A_435 : i32 to vector<1x1xi32>
    %reshape3A_588 = vector.broadcast %get3A_449 : i32 to vector<1x1xi32>
    %reshape3A_589 = vector.broadcast %get3A_463 : i32 to vector<1x1xi32>
    %reshape3A_590 = vector.broadcast %get3A_477 : i32 to vector<1x1xi32>
    %reshape3A_591 = vector.broadcast %get3A_491 : i32 to vector<1x1xi32>
    %reshape3A_592 = vector.broadcast %get3A_505 : i32 to vector<1x1xi32>
    %reshape3A_593 = vector.broadcast %get3A_519 : i32 to vector<1x1xi32>
    %reshape3A_594 = vector.broadcast %get3A_533 : i32 to vector<1x1xi32>
    %reshape3A_595 = vector.broadcast %get3A_547 : i32 to vector<1x1xi32>
    %concatenate3A_596 = tpu.concatenate %reshape3A, %reshape3A_557, %reshape3A_558, %reshape3A_559, %reshape3A_560, %reshape3A_561, %reshape3A_562, %reshape3A_563, %reshape3A_564, %reshape3A_565, %reshape3A_566, %reshape3A_567, %reshape3A_568, %reshape3A_569, %reshape3A_570, %reshape3A_571, %reshape3A_572, %reshape3A_573, %reshape3A_574, %reshape3A_575, %reshape3A_576, %reshape3A_577, %reshape3A_578, %reshape3A_579, %reshape3A_580, %reshape3A_581, %reshape3A_582, %reshape3A_583, %reshape3A_584, %reshape3A_585, %reshape3A_586, %reshape3A_587, %reshape3A_588, %reshape3A_589, %reshape3A_590, %reshape3A_591, %reshape3A_592, %reshape3A_593, %reshape3A_594, %reshape3A_595 in 0 : vector<1x1xi32>, vector<1x1xi32>, vector<1x1xi32>, vector<1x1xi32>, vector<1x1xi32>, vector<1x1xi32>, vector<1x1xi32>, vector<1x1xi32>, vector<1x1xi32>, vector<1x1xi32>, vector<1x1xi32>, vector<1x1xi32>, vector<1x1xi32>, vector<1x1xi32>, vector<1x1xi32>, vector<1x1xi32>, vector<1x1xi32>, vector<1x1xi32>, vector<1x1xi32>, vector<1x1xi32>, vector<1x1xi32>, vector<1x1xi32>, vector<1x1xi32>, vector<1x1xi32>, vector<1x1xi32>, vector<1x1xi32>, vector<1x1xi32>, vector<1x1xi32>, vector<1x1xi32>, vector<1x1xi32>, vector<1x1xi32>, vector<1x1xi32>, vector<1x1xi32>, vector<1x1xi32>, vector<1x1xi32>, vector<1x1xi32>, vector<1x1xi32>, vector<1x1xi32>, vector<1x1xi32>, vector<1x1xi32> -> vector<40x1xi32>
    %lt3A = arith.constant 1000 : i32
    %lt3A_597 = vector.broadcast %lt3A : i32 to vector<40x1xi32>
    %lt3A_598 = arith.cmpi slt, %concatenate3A_596, %lt3A_597 : vector<40x1xi32>
    %iota3A = tpu.iota {dimensions = array<i32: 1>} : vector<40x1000xi32>
    %eq3A = vector.broadcast %concatenate3A_596 : vector<40x1xi32> to vector<40x1000xi32>
    %eq3A_599 = arith.cmpi eq, %iota3A, %eq3A : vector<40x1000xi32>
    %convert_element_type3A = arith.extui %eq3A_599 : vector<40x1000xi1> to vector<40x1000xi32>
    %convert_element_type3A_600 = arith.sitofp %convert_element_type3A : vector<40x1000xi32> to vector<40x1000xf32>
    %add3A_601 = arith.addf %concatenate3A, %convert_element_type3A_600 : vector<40x1000xf32>
    %jit3A = arith.constant 0.000000e+00 : f32
    %broadcast_in_dim3A = vector.shape_cast %lt3A_598 : vector<40x1xi1> to vector<40x1xi1>
    %broadcast_in_dim3A_602 = vector.broadcast %broadcast_in_dim3A : vector<40x1xi1> to vector<40x1000xi1>
    %broadcast_in_dim3A_603 = vector.broadcast %jit3A : f32 to vector<40x1000xf32>
    %select_n3A = arith.select %broadcast_in_dim3A_602, %add3A_601, %broadcast_in_dim3A_603 : vector<40x1000xi1>, vector<40x1000xf32>
    %add3A_604 = arith.constant 9.99999996E-13 : f32
    %add3A_605 = vector.broadcast %add3A_604 : f32 to vector<40x1000xf32>
    %add3A_606 = arith.addf %select_n3A, %add3A_605 : vector<40x1000xf32>
    %log3A = math.log %add3A_606 : vector<40x1000xf32>
    %get3A_607 = arith.constant 0 : index
    %get3A_608 = arith.constant 0 : index
    %get3A_609 = vector.load %arg4[%get3A_607, %get3A_608] : memref<40x6000xf32, #tpu.memory_space<vmem>>, vector<40x1000xf32>
    %add3A_610 = arith.addf %log3A, %get3A_609 : vector<40x1000xf32>
    %get3A_611 = arith.constant 0 : index
    %get3A_612 = arith.constant 1000 : index
    %get3A_613 = vector.load %arg4[%get3A_611, %get3A_612] : memref<40x6000xf32, #tpu.memory_space<vmem>>, vector<40x5000xf32>
    %iota3A_614 = tpu.iota {dimensions = array<i32: 1>} : vector<40x5000xi32>
    %reduce_sum3A = arith.constant dense<0.000000e+00> : vector<40xf32>
    %reduce_sum3A_615 = vector.multi_reduction <add>, %concatenate3A_556, %reduce_sum3A [1] : vector<40x8xf32> to vector<40xf32>
    %broadcast_in_dim3A_616 = vector.shape_cast %reduce_sum3A_615 : vector<40xf32> to vector<40x1xf32>
    %convert_element_type3A_617 = arith.fptosi %broadcast_in_dim3A_616 : vector<40x1xf32> to vector<40x1xi32>
    %broadcast_in_dim3A_618 = arith.constant 0.000000e+00 : f32
    %broadcast_in_dim3A_619 = vector.broadcast %broadcast_in_dim3A_618 : f32 to vector<40x1xf32>
    %add3A_620 = arith.constant 9.99999996E-13 : f32
    %add3A_621 = vector.broadcast %add3A_620 : f32 to vector<40x1xf32>
    %add3A_622 = arith.addf %broadcast_in_dim3A_619, %add3A_621 : vector<40x1xf32>
    %log3A_623 = math.log %add3A_622 : vector<40x1xf32>
    %broadcast_in_dim3A_624 = arith.constant 1.000000e+00 : f32
    %broadcast_in_dim3A_625 = vector.broadcast %broadcast_in_dim3A_624 : f32 to vector<40x1xf32>
    %add3A_626 = arith.constant 9.99999996E-13 : f32
    %add3A_627 = vector.broadcast %add3A_626 : f32 to vector<40x1xf32>
    %add3A_628 = arith.addf %broadcast_in_dim3A_625, %add3A_627 : vector<40x1xf32>
    %log3A_629 = math.log %add3A_628 : vector<40x1xf32>
    %mul3A_630 = arith.constant 5 : i32
    %mul3A_631 = vector.broadcast %mul3A_630 : i32 to vector<40x1xi32>
    %mul3A_632 = arith.muli %mul3A_631, %concatenate3A_596 : vector<40x1xi32>
    %sub3A = arith.constant 1000 : i32
    %sub3A_633 = vector.broadcast %sub3A : i32 to vector<40x1xi32>
    %sub3A_634 = arith.subi %concatenate3A_596, %sub3A_633 : vector<40x1xi32>
    %select_n3A_635 = arith.select %lt3A_598, %mul3A_632, %sub3A_634 : vector<40x1xi1>, vector<40x1xi32>
    %mul3A_636 = arith.constant 5 : i32
    %mul3A_637 = vector.broadcast %mul3A_636 : i32 to vector<40x1xi32>
    %mul3A_638 = arith.muli %mul3A_637, %concatenate3A_596 : vector<40x1xi32>
    %add3A_639 = arith.addi %mul3A_638, %convert_element_type3A_617 : vector<40x1xi32>
    %sub3A_640 = arith.constant 1000 : i32
    %sub3A_641 = vector.broadcast %sub3A_640 : i32 to vector<40x1xi32>
    %sub3A_642 = arith.subi %concatenate3A_596, %sub3A_641 : vector<40x1xi32>
    %add3A_643 = arith.constant 1 : i32
    %add3A_644 = vector.broadcast %add3A_643 : i32 to vector<40x1xi32>
    %add3A_645 = arith.addi %sub3A_642, %add3A_644 : vector<40x1xi32>
    %select_n3A_646 = arith.select %lt3A_598, %add3A_639, %add3A_645 : vector<40x1xi1>, vector<40x1xi32>
    %ge3A = vector.broadcast %select_n3A_635 : vector<40x1xi32> to vector<40x5000xi32>
    %ge3A_647 = arith.cmpi sge, %iota3A_614, %ge3A : vector<40x5000xi32>
    %lt3A_648 = vector.broadcast %select_n3A_646 : vector<40x1xi32> to vector<40x5000xi32>
    %lt3A_649 = arith.cmpi slt, %iota3A_614, %lt3A_648 : vector<40x5000xi32>
    %and3A = arith.andi %ge3A_647, %lt3A_649 : vector<40x5000xi1>
    %broadcast_in_dim3A_650 = vector.shape_cast %log3A_629 : vector<40x1xf32> to vector<40x1xf32>
    %broadcast_in_dim3A_651 = vector.broadcast %broadcast_in_dim3A_650 : vector<40x1xf32> to vector<40x5000xf32>
    %broadcast_in_dim3A_652 = vector.shape_cast %log3A_623 : vector<40x1xf32> to vector<40x1xf32>
    %broadcast_in_dim3A_653 = vector.broadcast %broadcast_in_dim3A_652 : vector<40x1xf32> to vector<40x5000xf32>
    %select_n3A_654 = arith.select %and3A, %broadcast_in_dim3A_651, %broadcast_in_dim3A_653 : vector<40x5000xi1>, vector<40x5000xf32>
    %add3A_655 = arith.addf %get3A_613, %select_n3A_654 : vector<40x5000xf32>
    %reduce_max3A = arith.constant dense<0xFF800000> : vector<40xf32>
    %reduce_max3A_656 = vector.multi_reduction <maximumf>, %add3A_610, %reduce_max3A [1] : vector<40x1000xf32> to vector<40xf32>
    %broadcast_in_dim3A_657 = vector.shape_cast %reduce_max3A_656 : vector<40xf32> to vector<40x1xf32>
    %reduce_max3A_658 = arith.constant dense<0xFF800000> : vector<40xf32>
    %reduce_max3A_659 = vector.multi_reduction <maximumf>, %add3A_655, %reduce_max3A_658 [1] : vector<40x5000xf32> to vector<40xf32>
    %broadcast_in_dim3A_660 = vector.shape_cast %reduce_max3A_659 : vector<40xf32> to vector<40x1xf32>
    %eq3A_661 = vector.broadcast %broadcast_in_dim3A_657 : vector<40x1xf32> to vector<40x1000xf32>
    %eq3A_662 = arith.cmpf oeq, %add3A_610, %eq3A_661 : vector<40x1000xf32>
    %jit3A_663 = arith.constant 6000 : i32
    %broadcast_in_dim3A_664 = vector.broadcast %jit3A_663 : i32 to vector<40x1000xi32>
    %select_n3A_665 = arith.select %eq3A_662, %iota3A, %broadcast_in_dim3A_664 : vector<40x1000xi1>, vector<40x1000xi32>
    %reduce_min3A = arith.constant dense<2147483647> : vector<40xi32>
    %reduce_min3A_666 = vector.multi_reduction <minsi>, %select_n3A_665, %reduce_min3A [1] : vector<40x1000xi32> to vector<40xi32>
    %broadcast_in_dim3A_667 = vector.shape_cast %reduce_min3A_666 : vector<40xi32> to vector<40x1xi32>
    %eq3A_668 = vector.broadcast %broadcast_in_dim3A_660 : vector<40x1xf32> to vector<40x5000xf32>
    %eq3A_669 = arith.cmpf oeq, %add3A_655, %eq3A_668 : vector<40x5000xf32>
    %jit3A_670 = arith.constant 6000 : i32
    %broadcast_in_dim3A_671 = vector.broadcast %jit3A_670 : i32 to vector<40x5000xi32>
    %select_n3A_672 = arith.select %eq3A_669, %iota3A_614, %broadcast_in_dim3A_671 : vector<40x5000xi1>, vector<40x5000xi32>
    %reduce_min3A_673 = arith.constant dense<2147483647> : vector<40xi32>
    %reduce_min3A_674 = vector.multi_reduction <minsi>, %select_n3A_672, %reduce_min3A_673 [1] : vector<40x5000xi32> to vector<40xi32>
    %broadcast_in_dim3A_675 = vector.shape_cast %reduce_min3A_674 : vector<40xi32> to vector<40x1xi32>
    %ge3A_676 = arith.cmpf oge, %broadcast_in_dim3A_657, %broadcast_in_dim3A_660 : vector<40x1xf32>
    %add3A_677 = arith.constant 1000 : i32
    %add3A_678 = vector.broadcast %add3A_677 : i32 to vector<40x1xi32>
    %add3A_679 = arith.addi %broadcast_in_dim3A_675, %add3A_678 : vector<40x1xi32>
    %select_n3A_680 = arith.select %ge3A_676, %broadcast_in_dim3A_667, %add3A_679 : vector<40x1xi1>, vector<40x1xi32>
    %swap3A = arith.constant 0 : index
    %swap3A_681 = arith.constant 0 : index
    %swap3A_682 = arith.constant 0 : index
    %swap3A_683 = vector.load %arg5[%swap3A, %swap3A_681, %swap3A_682] : memref<1x40x1xi32, #tpu.memory_space<vmem>>, vector<1x40x1xi32>
    %swap3A_684 = vector.shape_cast %swap3A_683 : vector<1x40x1xi32> to vector<40x1xi32>
    %swap3A_685 = vector.shape_cast %select_n3A_680 : vector<40x1xi32> to vector<1x40x1xi32>
    tpu.vector_store %arg5[%swap3A, %swap3A_681, %swap3A_682], %swap3A_685 {strides = array<i32>} : memref<1x40x1xi32, #tpu.memory_space<vmem>>, vector<1x40x1xi32>,
    return
  }
  func.func @transform_0(%arg0: i32, %arg1: memref<1000xi32, #tpu.memory_space<smem>>) -> (i32, i32) {
    %c0_i32 = arith.constant 0 : i32
    %c0_i32_0 = arith.constant 0 : i32
    %c0_i32_1 = arith.constant 0 : i32
    return %c0_i32, %c0_i32_0 : i32, i32
  }
  func.func @transform_1(%arg0: i32, %arg1: memref<1000xi32, #tpu.memory_space<smem>>) -> (i32, i32) {
    %c0_i32 = arith.constant 0 : i32
    %c0_i32_0 = arith.constant 0 : i32
    %c0_i32_1 = arith.constant 0 : i32
    return %c0_i32, %c0_i32_0 : i32, i32
  }
  func.func @transform_2(%arg0: i32, %arg1: memref<1000xi32, #tpu.memory_space<smem>>) -> (i32, i32) {
    %c0_i32 = arith.constant 0 : i32
    %c0_i32_0 = arith.constant 0 : i32
    return %arg0, %c0_i32 : i32, i32
  }
  func.func @transform_3(%arg0: i32, %arg1: memref<1000xi32, #tpu.memory_space<smem>>) -> (i32, i32, i32) {
    %c0_i32 = arith.constant 0 : i32
    %c0_i32_0 = arith.constant 0 : i32
    %c0_i32_1 = arith.constant 0 : i32
    return %arg0, %c0_i32, %c0_i32_0 : i32, i32, i32
  }
}

module attributes {stable_mosaic.version = 14 : i64} {
  func.func @_yd_body(%arg0: memref<1000x128xf32, #tpu.memory_space<vmem>>, %arg1: memref<5000x128xf32, #tpu.memory_space<vmem>>, %arg2: memref<128x64xf32, #tpu.memory_space<vmem>>, %arg3: memref<1000x1xf32, #tpu.memory_space<vmem>>, %arg4: memref<6000x128xf32, #tpu.memory_space<vmem>>) attributes {dimension_semantics = [], scalar_prefetch = 0 : i64, scratch_operands = 0 : i64, tpu.core_type = #tpu.core_type<tc>} {
    %get3A = arith.constant 0 : index
    %get3A_0 = arith.constant 0 : index
    %get3A_1 = vector.load %arg2[%get3A, %get3A_0] : memref<128x64xf32, #tpu.memory_space<vmem>>, vector<128x64xf32>
    %get3A_2 = arith.constant 0 : index
    %get3A_3 = arith.constant 0 : index
    %get3A_4 = vector.load %arg0[%get3A_2, %get3A_3] : memref<1000x128xf32, #tpu.memory_space<vmem>>, vector<1000x128xf32>
    %dot_general3A = arith.constant dense<0.000000e+00> : vector<1000x64xf32>
    %dot_general3A_5 = tpu.matmul %get3A_4, %get3A_1, %dot_general3A {dimension_numbers = #tpu.dot_dimension_numbers<[1], [0], [0], [1], [0, 0, 1, 1], [], []>, transpose_lhs_hint = false} : vector<1000x128xf32>, vector<128x64xf32>, vector<1000x64xf32> -> vector<1000x64xf32>
    %get3A_6 = arith.constant 0 : index
    %get3A_7 = arith.constant 0 : index
    %get3A_8 = vector.load %arg1[%get3A_6, %get3A_7] : memref<5000x128xf32, #tpu.memory_space<vmem>>, vector<5000x128xf32>
    %dot_general3A_9 = arith.constant dense<0.000000e+00> : vector<5000x64xf32>
    %dot_general3A_10 = tpu.matmul %get3A_8, %get3A_1, %dot_general3A_9 {dimension_numbers = #tpu.dot_dimension_numbers<[1], [0], [0], [1], [0, 0, 1, 1], [], []>, transpose_lhs_hint = false} : vector<5000x128xf32>, vector<128x64xf32>, vector<5000x64xf32> -> vector<5000x64xf32>
    %concatenate3A = tpu.concatenate %dot_general3A_5, %dot_general3A_10 in 0 : vector<1000x64xf32>, vector<5000x64xf32> -> vector<6000x64xf32>
    %get3A_11 = arith.constant 0 : index
    %get3A_12 = arith.constant 0 : index
    %get3A_13 = vector.load %arg3[%get3A_11, %get3A_12] : memref<1000x1xf32, #tpu.memory_space<vmem>>, vector<1000x1xf32>
    %broadcast_in_dim3A = arith.constant 0.000000e+00 : f32
    %broadcast_in_dim3A_14 = vector.broadcast %broadcast_in_dim3A : f32 to vector<5000x1xf32>
    %concatenate3A_15 = tpu.concatenate %get3A_13, %broadcast_in_dim3A_14 in 0 : vector<1000x1xf32>, vector<5000x1xf32> -> vector<6000x1xf32>
    %broadcast_in_dim3A_16 = arith.constant 0.000000e+00 : f32
    %broadcast_in_dim3A_17 = vector.broadcast %broadcast_in_dim3A_16 : f32 to vector<6000x63xf32>
    %concatenate3A_18 = tpu.concatenate %concatenate3A, %concatenate3A_15, %broadcast_in_dim3A_17 in 1 : vector<6000x64xf32>, vector<6000x1xf32>, vector<6000x63xf32> -> vector<6000x128xf32>
    %swap3A = arith.constant 0 : index
    %swap3A_19 = arith.constant 0 : index
    %swap3A_20 = vector.load %arg4[%swap3A, %swap3A_19] : memref<6000x128xf32, #tpu.memory_space<vmem>>, vector<6000x128xf32>
    tpu.vector_store %arg4[%swap3A, %swap3A_19], %concatenate3A_18 {strides = array<i32>} : memref<6000x128xf32, #tpu.memory_space<vmem>>, vector<6000x128xf32>,
    return
  }
}

module attributes {stable_mosaic.version = 14 : i64} {
  func.func @_final_body(%arg0: memref<1000x64xf32, #tpu.memory_space<vmem>>, %arg1: memref<1000x1xf32, #tpu.memory_space<vmem>>, %arg2: memref<3x1000x64xf32, #tpu.memory_space<vmem>>, %arg3: memref<3x1000x1xf32, #tpu.memory_space<vmem>>, %arg4: memref<1000x12xf32, #tpu.memory_space<vmem>>, %arg5: memref<3x1000x1xi32, #tpu.memory_space<vmem>>, %arg6: memref<64x64xf32, #tpu.memory_space<vmem>>, %arg7: memref<1x1xf32, #tpu.memory_space<vmem>>, %arg8: memref<1x64xf32, #tpu.memory_space<vmem>>, %arg9: memref<1x1xf32, #tpu.memory_space<vmem>>, %arg10: memref<1000x1xf32, #tpu.memory_space<vmem>>) attributes {dimension_semantics = [], scalar_prefetch = 0 : i64, scratch_operands = 0 : i64, tpu.core_type = #tpu.core_type<tc>} {
    %get3A = arith.constant 0 : index
    %get3A_0 = arith.constant 0 : index
    %get3A_1 = vector.load %arg8[%get3A, %get3A_0] : memref<1x64xf32, #tpu.memory_space<vmem>>, vector<1x64xf32>
    %get3A_2 = arith.constant 0 : index
    %get3A_3 = arith.constant 0 : index
    %get3A_4 = vector.load %arg9[%get3A_2, %get3A_3] : memref<1x1xf32, #tpu.memory_space<vmem>>, vector<1x1xf32>
    %get3A_5 = vector.extract %get3A_4[0, 0] : f32 from vector<1x1xf32>
    %iota3A = tpu.iota {dimensions = array<i32: 0>} : vector<1000x1xi32>
    %get3A_6 = arith.constant 0 : index
    %get3A_7 = arith.constant 0 : index
    %get3A_8 = arith.constant 0 : index
    %get3A_9 = vector.load %arg5[%get3A_6, %get3A_7, %get3A_8] : memref<3x1000x1xi32, #tpu.memory_space<vmem>>, vector<1x1000x1xi32>
    %get3A_10 = vector.shape_cast %get3A_9 : vector<1x1000x1xi32> to vector<1000x1xi32>
    %get3A_11 = arith.constant 1 : index
    %get3A_12 = arith.constant 0 : index
    %get3A_13 = arith.constant 0 : index
    %get3A_14 = vector.load %arg5[%get3A_11, %get3A_12, %get3A_13] : memref<3x1000x1xi32, #tpu.memory_space<vmem>>, vector<1x1000x1xi32>
    %get3A_15 = vector.shape_cast %get3A_14 : vector<1x1000x1xi32> to vector<1000x1xi32>
    %get3A_16 = arith.constant 2 : index
    %get3A_17 = arith.constant 0 : index
    %get3A_18 = arith.constant 0 : index
    %get3A_19 = vector.load %arg5[%get3A_16, %get3A_17, %get3A_18] : memref<3x1000x1xi32, #tpu.memory_space<vmem>>, vector<1x1000x1xi32>
    %get3A_20 = vector.shape_cast %get3A_19 : vector<1x1000x1xi32> to vector<1000x1xi32>
    %get3A_21 = arith.constant 0 : index
    %get3A_22 = arith.constant 0 : index
    %get3A_23 = vector.load %arg1[%get3A_21, %get3A_22] : memref<1000x1xf32, #tpu.memory_space<vmem>>, vector<1000x1xf32>
    %get3A_24 = arith.constant 0 : index
    %get3A_25 = arith.constant 0 : index
    %get3A_26 = arith.constant 0 : index
    %get3A_27 = vector.load %arg3[%get3A_24, %get3A_25, %get3A_26] : memref<3x1000x1xf32, #tpu.memory_space<vmem>>, vector<1x1000x1xf32>
    %get3A_28 = vector.shape_cast %get3A_27 : vector<1x1000x1xf32> to vector<1000x1xf32>
    %get3A_29 = arith.constant 1 : index
    %get3A_30 = arith.constant 0 : index
    %get3A_31 = arith.constant 0 : index
    %get3A_32 = vector.load %arg3[%get3A_29, %get3A_30, %get3A_31] : memref<3x1000x1xf32, #tpu.memory_space<vmem>>, vector<1x1000x1xf32>
    %get3A_33 = vector.shape_cast %get3A_32 : vector<1x1000x1xf32> to vector<1000x1xf32>
    %get3A_34 = arith.constant 2 : index
    %get3A_35 = arith.constant 0 : index
    %get3A_36 = arith.constant 0 : index
    %get3A_37 = vector.load %arg3[%get3A_34, %get3A_35, %get3A_36] : memref<3x1000x1xf32, #tpu.memory_space<vmem>>, vector<1x1000x1xf32>
    %get3A_38 = vector.shape_cast %get3A_37 : vector<1x1000x1xf32> to vector<1000x1xf32>
    %get3A_39 = arith.constant 0 : index
    %get3A_40 = arith.constant 0 : index
    %get3A_41 = vector.load %arg0[%get3A_39, %get3A_40] : memref<1000x64xf32, #tpu.memory_space<vmem>>, vector<1000x64xf32>
    %get3A_42 = arith.constant 0 : index
    %get3A_43 = arith.constant 0 : index
    %get3A_44 = arith.constant 0 : index
    %get3A_45 = vector.load %arg2[%get3A_42, %get3A_43, %get3A_44] : memref<3x1000x64xf32, #tpu.memory_space<vmem>>, vector<1x1000x64xf32>
    %get3A_46 = vector.shape_cast %get3A_45 : vector<1x1000x64xf32> to vector<1000x64xf32>
    %get3A_47 = arith.constant 1 : index
    %get3A_48 = arith.constant 0 : index
    %get3A_49 = arith.constant 0 : index
    %get3A_50 = vector.load %arg2[%get3A_47, %get3A_48, %get3A_49] : memref<3x1000x64xf32, #tpu.memory_space<vmem>>, vector<1x1000x64xf32>
    %get3A_51 = vector.shape_cast %get3A_50 : vector<1x1000x64xf32> to vector<1000x64xf32>
    %get3A_52 = arith.constant 2 : index
    %get3A_53 = arith.constant 0 : index
    %get3A_54 = arith.constant 0 : index
    %get3A_55 = vector.load %arg2[%get3A_52, %get3A_53, %get3A_54] : memref<3x1000x64xf32, #tpu.memory_space<vmem>>, vector<1x1000x64xf32>
    %get3A_56 = vector.shape_cast %get3A_55 : vector<1x1000x64xf32> to vector<1000x64xf32>
    %broadcast_in_dim3A = arith.constant 0.000000e+00 : f32
    %broadcast_in_dim3A_57 = vector.broadcast %broadcast_in_dim3A : f32 to vector<1000x64xf32>
    %broadcast_in_dim3A_58 = vector.shape_cast %get3A_1 : vector<1x64xf32> to vector<1x64xf32>
    %broadcast_in_dim3A_59 = vector.broadcast %broadcast_in_dim3A_58 : vector<1x64xf32> to vector<1000x64xf32>
    %get3A_60 = arith.constant 0 : index
    %get3A_61 = arith.constant 0 : index
    %get3A_62 = vector.load %arg4[%get3A_60, %get3A_61] : memref<1000x12xf32, #tpu.memory_space<vmem>>, vector<1000x1xf32>
    %eq3A = arith.cmpi eq, %iota3A, %iota3A : vector<1000x1xi32>
    %convert_element_type3A = arith.extui %eq3A : vector<1000x1xi1> to vector<1000x1xi32>
    %convert_element_type3A_63 = arith.sitofp %convert_element_type3A : vector<1000x1xi32> to vector<1000x1xf32>
    %mul3A = arith.mulf %get3A_23, %get3A_62 : vector<1000x1xf32>
    %mul3A_64 = arith.mulf %mul3A, %get3A_23 : vector<1000x1xf32>
    %add3A = arith.addf %mul3A_64, %convert_element_type3A_63 : vector<1000x1xf32>
    %mul3A_65 = vector.broadcast %add3A : vector<1000x1xf32> to vector<1000x64xf32>
    %mul3A_66 = arith.mulf %mul3A_65, %get3A_41 : vector<1000x64xf32>
    %add3A_67 = arith.addf %broadcast_in_dim3A_59, %mul3A_66 : vector<1000x64xf32>
    %get3A_68 = arith.constant 0 : index
    %get3A_69 = arith.constant 4 : index
    %get3A_70 = vector.load %arg4[%get3A_68, %get3A_69] : memref<1000x12xf32, #tpu.memory_space<vmem>>, vector<1000x1xf32>
    %eq3A_71 = arith.cmpi eq, %iota3A, %get3A_10 : vector<1000x1xi32>
    %convert_element_type3A_72 = arith.extui %eq3A_71 : vector<1000x1xi1> to vector<1000x1xi32>
    %convert_element_type3A_73 = arith.sitofp %convert_element_type3A_72 : vector<1000x1xi32> to vector<1000x1xf32>
    %mul3A_74 = arith.mulf %get3A_23, %get3A_70 : vector<1000x1xf32>
    %mul3A_75 = arith.mulf %mul3A_74, %get3A_28 : vector<1000x1xf32>
    %add3A_76 = arith.addf %mul3A_75, %convert_element_type3A_73 : vector<1000x1xf32>
    %mul3A_77 = vector.broadcast %add3A_76 : vector<1000x1xf32> to vector<1000x64xf32>
    %mul3A_78 = arith.mulf %mul3A_77, %get3A_46 : vector<1000x64xf32>
    %add3A_79 = arith.addf %add3A_67, %mul3A_78 : vector<1000x64xf32>
    %get3A_80 = arith.constant 0 : index
    %get3A_81 = arith.constant 8 : index
    %get3A_82 = vector.load %arg4[%get3A_80, %get3A_81] : memref<1000x12xf32, #tpu.memory_space<vmem>>, vector<1000x1xf32>
    %eq3A_83 = arith.cmpi eq, %iota3A, %get3A_15 : vector<1000x1xi32>
    %convert_element_type3A_84 = arith.extui %eq3A_83 : vector<1000x1xi1> to vector<1000x1xi32>
    %convert_element_type3A_85 = arith.sitofp %convert_element_type3A_84 : vector<1000x1xi32> to vector<1000x1xf32>
    %mul3A_86 = arith.mulf %get3A_23, %get3A_82 : vector<1000x1xf32>
    %mul3A_87 = arith.mulf %mul3A_86, %get3A_33 : vector<1000x1xf32>
    %add3A_88 = arith.addf %mul3A_87, %convert_element_type3A_85 : vector<1000x1xf32>
    %mul3A_89 = vector.broadcast %add3A_88 : vector<1000x1xf32> to vector<1000x64xf32>
    %mul3A_90 = arith.mulf %mul3A_89, %get3A_51 : vector<1000x64xf32>
    %add3A_91 = arith.addf %add3A_79, %mul3A_90 : vector<1000x64xf32>
    %gt3A = arith.constant 0.000000e+00 : f32
    %gt3A_92 = vector.broadcast %gt3A : f32 to vector<1000x64xf32>
    %gt3A_93 = arith.cmpf ogt, %add3A_91, %gt3A_92 : vector<1000x64xf32>
    %mul3A_94 = vector.broadcast %get3A_5 : f32 to vector<1000x64xf32>
    %mul3A_95 = arith.mulf %mul3A_94, %add3A_91 : vector<1000x64xf32>
    %select_n3A = arith.select %gt3A_93, %add3A_91, %mul3A_95 : vector<1000x64xi1>, vector<1000x64xf32>
    %add3A_96 = arith.addf %broadcast_in_dim3A_57, %select_n3A : vector<1000x64xf32>
    %broadcast_in_dim3A_97 = vector.shape_cast %get3A_1 : vector<1x64xf32> to vector<1x64xf32>
    %broadcast_in_dim3A_98 = vector.broadcast %broadcast_in_dim3A_97 : vector<1x64xf32> to vector<1000x64xf32>
    %get3A_99 = arith.constant 0 : index
    %get3A_100 = arith.constant 1 : index
    %get3A_101 = vector.load %arg4[%get3A_99, %get3A_100] : memref<1000x12xf32, #tpu.memory_space<vmem>>, vector<1000x1xf32>
    %eq3A_102 = arith.cmpi eq, %get3A_10, %iota3A : vector<1000x1xi32>
    %convert_element_type3A_103 = arith.extui %eq3A_102 : vector<1000x1xi1> to vector<1000x1xi32>
    %convert_element_type3A_104 = arith.sitofp %convert_element_type3A_103 : vector<1000x1xi32> to vector<1000x1xf32>
    %mul3A_105 = arith.mulf %get3A_28, %get3A_101 : vector<1000x1xf32>
    %mul3A_106 = arith.mulf %mul3A_105, %get3A_23 : vector<1000x1xf32>
    %add3A_107 = arith.addf %mul3A_106, %convert_element_type3A_104 : vector<1000x1xf32>
    %mul3A_108 = vector.broadcast %add3A_107 : vector<1000x1xf32> to vector<1000x64xf32>
    %mul3A_109 = arith.mulf %mul3A_108, %get3A_41 : vector<1000x64xf32>
    %add3A_110 = arith.addf %broadcast_in_dim3A_98, %mul3A_109 : vector<1000x64xf32>
    %get3A_111 = arith.constant 0 : index
    %get3A_112 = arith.constant 5 : index
    %get3A_113 = vector.load %arg4[%get3A_111, %get3A_112] : memref<1000x12xf32, #tpu.memory_space<vmem>>, vector<1000x1xf32>
    %eq3A_114 = arith.cmpi eq, %get3A_10, %get3A_10 : vector<1000x1xi32>
    %convert_element_type3A_115 = arith.extui %eq3A_114 : vector<1000x1xi1> to vector<1000x1xi32>
    %convert_element_type3A_116 = arith.sitofp %convert_element_type3A_115 : vector<1000x1xi32> to vector<1000x1xf32>
    %mul3A_117 = arith.mulf %get3A_28, %get3A_113 : vector<1000x1xf32>
    %mul3A_118 = arith.mulf %mul3A_117, %get3A_28 : vector<1000x1xf32>
    %add3A_119 = arith.addf %mul3A_118, %convert_element_type3A_116 : vector<1000x1xf32>
    %mul3A_120 = vector.broadcast %add3A_119 : vector<1000x1xf32> to vector<1000x64xf32>
    %mul3A_121 = arith.mulf %mul3A_120, %get3A_46 : vector<1000x64xf32>
    %add3A_122 = arith.addf %add3A_110, %mul3A_121 : vector<1000x64xf32>
    %get3A_123 = arith.constant 0 : index
    %get3A_124 = arith.constant 9 : index
    %get3A_125 = vector.load %arg4[%get3A_123, %get3A_124] : memref<1000x12xf32, #tpu.memory_space<vmem>>, vector<1000x1xf32>
    %eq3A_126 = arith.cmpi eq, %get3A_10, %get3A_15 : vector<1000x1xi32>
    %convert_element_type3A_127 = arith.extui %eq3A_126 : vector<1000x1xi1> to vector<1000x1xi32>
    %convert_element_type3A_128 = arith.sitofp %convert_element_type3A_127 : vector<1000x1xi32> to vector<1000x1xf32>
    %mul3A_129 = arith.mulf %get3A_28, %get3A_125 : vector<1000x1xf32>
    %mul3A_130 = arith.mulf %mul3A_129, %get3A_33 : vector<1000x1xf32>
    %add3A_131 = arith.addf %mul3A_130, %convert_element_type3A_128 : vector<1000x1xf32>
    %mul3A_132 = vector.broadcast %add3A_131 : vector<1000x1xf32> to vector<1000x64xf32>
    %mul3A_133 = arith.mulf %mul3A_132, %get3A_51 : vector<1000x64xf32>
    %add3A_134 = arith.addf %add3A_122, %mul3A_133 : vector<1000x64xf32>
    %gt3A_135 = arith.constant 0.000000e+00 : f32
    %gt3A_136 = vector.broadcast %gt3A_135 : f32 to vector<1000x64xf32>
    %gt3A_137 = arith.cmpf ogt, %add3A_134, %gt3A_136 : vector<1000x64xf32>
    %mul3A_138 = vector.broadcast %get3A_5 : f32 to vector<1000x64xf32>
    %mul3A_139 = arith.mulf %mul3A_138, %add3A_134 : vector<1000x64xf32>
    %select_n3A_140 = arith.select %gt3A_137, %add3A_134, %mul3A_139 : vector<1000x64xi1>, vector<1000x64xf32>
    %add3A_141 = arith.addf %add3A_96, %select_n3A_140 : vector<1000x64xf32>
    %broadcast_in_dim3A_142 = vector.shape_cast %get3A_1 : vector<1x64xf32> to vector<1x64xf32>
    %broadcast_in_dim3A_143 = vector.broadcast %broadcast_in_dim3A_142 : vector<1x64xf32> to vector<1000x64xf32>
    %get3A_144 = arith.constant 0 : index
    %get3A_145 = arith.constant 2 : index
    %get3A_146 = vector.load %arg4[%get3A_144, %get3A_145] : memref<1000x12xf32, #tpu.memory_space<vmem>>, vector<1000x1xf32>
    %eq3A_147 = arith.cmpi eq, %get3A_15, %iota3A : vector<1000x1xi32>
    %convert_element_type3A_148 = arith.extui %eq3A_147 : vector<1000x1xi1> to vector<1000x1xi32>
    %convert_element_type3A_149 = arith.sitofp %convert_element_type3A_148 : vector<1000x1xi32> to vector<1000x1xf32>
    %mul3A_150 = arith.mulf %get3A_33, %get3A_146 : vector<1000x1xf32>
    %mul3A_151 = arith.mulf %mul3A_150, %get3A_23 : vector<1000x1xf32>
    %add3A_152 = arith.addf %mul3A_151, %convert_element_type3A_149 : vector<1000x1xf32>
    %mul3A_153 = vector.broadcast %add3A_152 : vector<1000x1xf32> to vector<1000x64xf32>
    %mul3A_154 = arith.mulf %mul3A_153, %get3A_41 : vector<1000x64xf32>
    %add3A_155 = arith.addf %broadcast_in_dim3A_143, %mul3A_154 : vector<1000x64xf32>
    %get3A_156 = arith.constant 0 : index
    %get3A_157 = arith.constant 6 : index
    %get3A_158 = vector.load %arg4[%get3A_156, %get3A_157] : memref<1000x12xf32, #tpu.memory_space<vmem>>, vector<1000x1xf32>
    %eq3A_159 = arith.cmpi eq, %get3A_15, %get3A_10 : vector<1000x1xi32>
    %convert_element_type3A_160 = arith.extui %eq3A_159 : vector<1000x1xi1> to vector<1000x1xi32>
    %convert_element_type3A_161 = arith.sitofp %convert_element_type3A_160 : vector<1000x1xi32> to vector<1000x1xf32>
    %mul3A_162 = arith.mulf %get3A_33, %get3A_158 : vector<1000x1xf32>
    %mul3A_163 = arith.mulf %mul3A_162, %get3A_28 : vector<1000x1xf32>
    %add3A_164 = arith.addf %mul3A_163, %convert_element_type3A_161 : vector<1000x1xf32>
    %mul3A_165 = vector.broadcast %add3A_164 : vector<1000x1xf32> to vector<1000x64xf32>
    %mul3A_166 = arith.mulf %mul3A_165, %get3A_46 : vector<1000x64xf32>
    %add3A_167 = arith.addf %add3A_155, %mul3A_166 : vector<1000x64xf32>
    %get3A_168 = arith.constant 0 : index
    %get3A_169 = arith.constant 10 : index
    %get3A_170 = vector.load %arg4[%get3A_168, %get3A_169] : memref<1000x12xf32, #tpu.memory_space<vmem>>, vector<1000x1xf32>
    %eq3A_171 = arith.cmpi eq, %get3A_15, %get3A_15 : vector<1000x1xi32>
    %convert_element_type3A_172 = arith.extui %eq3A_171 : vector<1000x1xi1> to vector<1000x1xi32>
    %convert_element_type3A_173 = arith.sitofp %convert_element_type3A_172 : vector<1000x1xi32> to vector<1000x1xf32>
    %mul3A_174 = arith.mulf %get3A_33, %get3A_170 : vector<1000x1xf32>
    %mul3A_175 = arith.mulf %mul3A_174, %get3A_33 : vector<1000x1xf32>
    %add3A_176 = arith.addf %mul3A_175, %convert_element_type3A_173 : vector<1000x1xf32>
    %mul3A_177 = vector.broadcast %add3A_176 : vector<1000x1xf32> to vector<1000x64xf32>
    %mul3A_178 = arith.mulf %mul3A_177, %get3A_51 : vector<1000x64xf32>
    %add3A_179 = arith.addf %add3A_167, %mul3A_178 : vector<1000x64xf32>
    %gt3A_180 = arith.constant 0.000000e+00 : f32
    %gt3A_181 = vector.broadcast %gt3A_180 : f32 to vector<1000x64xf32>
    %gt3A_182 = arith.cmpf ogt, %add3A_179, %gt3A_181 : vector<1000x64xf32>
    %mul3A_183 = vector.broadcast %get3A_5 : f32 to vector<1000x64xf32>
    %mul3A_184 = arith.mulf %mul3A_183, %add3A_179 : vector<1000x64xf32>
    %select_n3A_185 = arith.select %gt3A_182, %add3A_179, %mul3A_184 : vector<1000x64xi1>, vector<1000x64xf32>
    %add3A_186 = arith.addf %add3A_141, %select_n3A_185 : vector<1000x64xf32>
    %broadcast_in_dim3A_187 = vector.shape_cast %get3A_1 : vector<1x64xf32> to vector<1x64xf32>
    %broadcast_in_dim3A_188 = vector.broadcast %broadcast_in_dim3A_187 : vector<1x64xf32> to vector<1000x64xf32>
    %get3A_189 = arith.constant 0 : index
    %get3A_190 = arith.constant 3 : index
    %get3A_191 = vector.load %arg4[%get3A_189, %get3A_190] : memref<1000x12xf32, #tpu.memory_space<vmem>>, vector<1000x1xf32>
    %eq3A_192 = arith.cmpi eq, %get3A_20, %iota3A : vector<1000x1xi32>
    %convert_element_type3A_193 = arith.extui %eq3A_192 : vector<1000x1xi1> to vector<1000x1xi32>
    %convert_element_type3A_194 = arith.sitofp %convert_element_type3A_193 : vector<1000x1xi32> to vector<1000x1xf32>
    %mul3A_195 = arith.mulf %get3A_38, %get3A_191 : vector<1000x1xf32>
    %mul3A_196 = arith.mulf %mul3A_195, %get3A_23 : vector<1000x1xf32>
    %add3A_197 = arith.addf %mul3A_196, %convert_element_type3A_194 : vector<1000x1xf32>
    %mul3A_198 = vector.broadcast %add3A_197 : vector<1000x1xf32> to vector<1000x64xf32>
    %mul3A_199 = arith.mulf %mul3A_198, %get3A_41 : vector<1000x64xf32>
    %add3A_200 = arith.addf %broadcast_in_dim3A_188, %mul3A_199 : vector<1000x64xf32>
    %get3A_201 = arith.constant 0 : index
    %get3A_202 = arith.constant 7 : index
    %get3A_203 = vector.load %arg4[%get3A_201, %get3A_202] : memref<1000x12xf32, #tpu.memory_space<vmem>>, vector<1000x1xf32>
    %eq3A_204 = arith.cmpi eq, %get3A_20, %get3A_10 : vector<1000x1xi32>
    %convert_element_type3A_205 = arith.extui %eq3A_204 : vector<1000x1xi1> to vector<1000x1xi32>
    %convert_element_type3A_206 = arith.sitofp %convert_element_type3A_205 : vector<1000x1xi32> to vector<1000x1xf32>
    %mul3A_207 = arith.mulf %get3A_38, %get3A_203 : vector<1000x1xf32>
    %mul3A_208 = arith.mulf %mul3A_207, %get3A_28 : vector<1000x1xf32>
    %add3A_209 = arith.addf %mul3A_208, %convert_element_type3A_206 : vector<1000x1xf32>
    %mul3A_210 = vector.broadcast %add3A_209 : vector<1000x1xf32> to vector<1000x64xf32>
    %mul3A_211 = arith.mulf %mul3A_210, %get3A_46 : vector<1000x64xf32>
    %add3A_212 = arith.addf %add3A_200, %mul3A_211 : vector<1000x64xf32>
    %get3A_213 = arith.constant 0 : index
    %get3A_214 = arith.constant 11 : index
    %get3A_215 = vector.load %arg4[%get3A_213, %get3A_214] : memref<1000x12xf32, #tpu.memory_space<vmem>>, vector<1000x1xf32>
    %eq3A_216 = arith.cmpi eq, %get3A_20, %get3A_15 : vector<1000x1xi32>
    %convert_element_type3A_217 = arith.extui %eq3A_216 : vector<1000x1xi1> to vector<1000x1xi32>
    %convert_element_type3A_218 = arith.sitofp %convert_element_type3A_217 : vector<1000x1xi32> to vector<1000x1xf32>
    %mul3A_219 = arith.mulf %get3A_38, %get3A_215 : vector<1000x1xf32>
    %mul3A_220 = arith.mulf %mul3A_219, %get3A_33 : vector<1000x1xf32>
    %add3A_221 = arith.addf %mul3A_220, %convert_element_type3A_218 : vector<1000x1xf32>
    %mul3A_222 = vector.broadcast %add3A_221 : vector<1000x1xf32> to vector<1000x64xf32>
    %mul3A_223 = arith.mulf %mul3A_222, %get3A_51 : vector<1000x64xf32>
    %add3A_224 = arith.addf %add3A_212, %mul3A_223 : vector<1000x64xf32>
    %gt3A_225 = arith.constant 0.000000e+00 : f32
    %gt3A_226 = vector.broadcast %gt3A_225 : f32 to vector<1000x64xf32>
    %gt3A_227 = arith.cmpf ogt, %add3A_224, %gt3A_226 : vector<1000x64xf32>
    %mul3A_228 = vector.broadcast %get3A_5 : f32 to vector<1000x64xf32>
    %mul3A_229 = arith.mulf %mul3A_228, %add3A_224 : vector<1000x64xf32>
    %select_n3A_230 = arith.select %gt3A_227, %add3A_224, %mul3A_229 : vector<1000x64xi1>, vector<1000x64xf32>
    %add3A_231 = arith.addf %add3A_186, %select_n3A_230 : vector<1000x64xf32>
    %mul3A_232 = arith.constant 2.500000e-01 : f32
    %mul3A_233 = vector.broadcast %mul3A_232 : f32 to vector<1000x64xf32>
    %mul3A_234 = arith.mulf %add3A_231, %mul3A_233 : vector<1000x64xf32>
    %add3A_235 = vector.broadcast %get3A_1 : vector<1x64xf32> to vector<1000x64xf32>
    %add3A_236 = arith.addf %get3A_56, %add3A_235 : vector<1000x64xf32>
    %gt3A_237 = arith.constant 0.000000e+00 : f32
    %gt3A_238 = vector.broadcast %gt3A_237 : f32 to vector<1000x64xf32>
    %gt3A_239 = arith.cmpf ogt, %add3A_236, %gt3A_238 : vector<1000x64xf32>
    %mul3A_240 = vector.broadcast %get3A_5 : f32 to vector<1000x64xf32>
    %mul3A_241 = arith.mulf %mul3A_240, %add3A_236 : vector<1000x64xf32>
    %select_n3A_242 = arith.select %gt3A_239, %add3A_236, %mul3A_241 : vector<1000x64xi1>, vector<1000x64xf32>
    %get3A_243 = arith.constant 0 : index
    %get3A_244 = arith.constant 0 : index
    %get3A_245 = vector.load %arg6[%get3A_243, %get3A_244] : memref<64x64xf32, #tpu.memory_space<vmem>>, vector<64x64xf32>
    %dot_general3A = arith.constant dense<0.000000e+00> : vector<1000x64xf32>
    %dot_general3A_246 = tpu.matmul %select_n3A_242, %get3A_245, %dot_general3A {dimension_numbers = #tpu.dot_dimension_numbers<[1], [0], [0], [1], [0, 0, 1, 1], [], []>, transpose_lhs_hint = false} : vector<1000x64xf32>, vector<64x64xf32>, vector<1000x64xf32> -> vector<1000x64xf32>
    %mul3A_247 = arith.mulf %dot_general3A_246, %mul3A_234 : vector<1000x64xf32>
    %reduce_sum3A = arith.constant dense<0.000000e+00> : vector<1000xf32>
    %reduce_sum3A_248 = vector.multi_reduction <add>, %mul3A_247, %reduce_sum3A [1] : vector<1000x64xf32> to vector<1000xf32>
    %broadcast_in_dim3A_249 = vector.shape_cast %reduce_sum3A_248 : vector<1000xf32> to vector<1000x1xf32>
    %get3A_250 = arith.constant 0 : index
    %get3A_251 = arith.constant 0 : index
    %get3A_252 = vector.load %arg7[%get3A_250, %get3A_251] : memref<1x1xf32, #tpu.memory_space<vmem>>, vector<1x1xf32>
    %get3A_253 = vector.extract %get3A_252[0, 0] : f32 from vector<1x1xf32>
    %add3A_254 = vector.broadcast %get3A_253 : f32 to vector<1000x1xf32>
    %add3A_255 = arith.addf %broadcast_in_dim3A_249, %add3A_254 : vector<1000x1xf32>
    %swap3A = arith.constant 0 : index
    %swap3A_256 = arith.constant 0 : index
    %swap3A_257 = vector.load %arg10[%swap3A, %swap3A_256] : memref<1000x1xf32, #tpu.memory_space<vmem>>, vector<1000x1xf32>
    tpu.vector_store %arg10[%swap3A, %swap3A_256], %add3A_255 {strides = array<i32>} : memref<1000x1xf32, #tpu.memory_space<vmem>>, vector<1000x1xf32>,
    return
  }
}

</mosaic_0001>

<sc_bundles>
// kernel: kernel.10.cloned.1.call-start
scs
__scs_entry_jumppad:
0x0: {  	(pc) =	sbr.rel $0x88, $3  }
0x1: {  	(tag) =	ssettag $0x0;
	lr =	simm.s32 $0x1  }
0x2: {  	[smem:$0x3F8C] =	sst lr;
	_ =	strace $0xD0000000  }
0x3: {  	_ = 	snop  }
0x4: {  	_ = 	snop  }
0x5: {  	_ = 	snop  }
0x6: {  	_ = 	snop  }
0x7: {  	_ = 	snop  }
__scs_overlays_trampoline_lowered:
0x8: {  	[smem:$0x3F9B] =	sst s0  }
0x9: {  	[smem:$0x3F9C] =	sst s1  }
0xa: {  	[smem:$0x3F9D] =	sst s2  }
0xb: {  	[smem:$0x3F9E] =	sst s3  }
0xc: {  	[smem:$0x3F9F] =	sst s4  }
0xd: {  	[smem:$0x3FA0] =	sst s5  }
0xe: {  	[smem:$0x3FA1] =	sst s6  }
0xf: {  	[smem:$0x3FA2] =	sst s7  }
0x10: {  	[smem:$0x3FA3] =	sst s8  }
0x11: {  	[smem:$0x3FA4] =	sst s9;
	s0 =	simm.s32 @!p0 $0x0  }
0x12: {  	s1 =	sld [smem:$0x3F8A];
	s0 =	simm.s32 @p0 $0x1  }
0x13: {  	[smem:$0x3FA5] =	sst s0;
	s0 =	simm.s32 @!p1 $0x0  }
0x14: {  	s2 =	sld [smem:$0x3F89];
	s0 =	simm.s32 @p1 $0x1  }
0x15: {  	[smem:$0x3FA6] =	sst s0;
	s0 =	simm.s32 @!p2 $0x0  }
0x16: {  	s3 =	sld [smem:$0x3FDB];
	s0 =	simm.s32 @p2 $0x1  }
0x17: {  	s4 =	simm.s32 $0x1BF5;
	[smem:$0x3FA8] =	sst s0  }
0x18: {  	s0 =	sld [smem:$0x3F8B];
	_ =	swait.ge [sflag:s4], $0x0  }
0x19: {  	s7 =	sld [smem:$0x3F8C]  }
0x1a: {  	s8 =	sadd.s32 $0xFFFFE003, lr  }
0x1b: {  	s9 =	sadd.s32 $0xFFFFFEF7, lr;
	s5 =	simm.s32 $0xFFFFFFFF;
	p2 =	slt.u32 s8, $0xFFFFF086  }
0x1c: {  	p1 =	slt.u32 s9, $0xF7A;
	s5 =	simm.s32 @!p2 $0x0  }
0x1d: {  	s5 =	simm.s32 @p1 $0x1;
	p0 =	seq.s32 s7, s2  }
0x1e: {  	s7 =	smul.u32 @!p0 $0xF7A, s2;
	p2 =	seq.s32 @!p0 s5, $0x0  }
0x1f: {  	s9 =	smul.u32 $0xF7A, s1;
	s8 =	simm.s32 @!p0 $0x1BF5;
	p2 =	por !p2, p0  }
0x20: {  	[sflag:s8] =	ssyncset.s32 @!p0 $0xFFFFF086;
	s6 =	sadd.s32 @!p0 s3, s7;
	s7 =	simm.s32 @!p0 $0x108  }
0x21: {  	s3 =	sadd.s32 s3, s9;
	s6 =	sadd.s32 @!p0 $0x88, s6;
	s7 =	simm.s32 @p2 $0x1082  }
0x22: {  	[simem:s7], [sflag:s8] =	dma.local @!p0 [hbm:s6], $0xF7A  }
0x23: {  	s9 =	sor.u32 $0xD0000000, s2;
	s6 =	simm.s32 $0x108;
	_ =	swait.ge @!p0 [sflag:s8], $0x0  }
0x24: {  	s3 =	sadd.s32 $0x88, s3;
	s6 =	simm.s32 @!p1 $0x1082;
	[sflag:s4] =	ssyncset.s32 $0xFFFFF086  }
0x25: {  	[simem:s6], [sflag:s4] =	dma.local [hbm:s3], $0xF7A  }
0x26: {  	[smem:$0x3F8C] =	sst s1;
	(tag) =	ssettag s2;
	_ =	strace s9  }
0x27: {  	s1 =	sld [smem:$0x3F9C]  }
0x28: {  	s2 =	sld [smem:$0x3F9D]  }
0x29: {  	s4 =	sld [smem:$0x3F9F]  }
0x2a: {  	p0 =	seq.s32 s5, $0x0;
	s5 =	sld [smem:$0x3FA0]  }
0x2b: {  	s6 =	sld [smem:$0x3FA1]  }
0x2c: {  	s7 =	sld [smem:$0x3FA2]  }
0x2d: {  	s3 =	simm.s32 $0x108;
	s8 =	sld [smem:$0x3FA3]  }
0x2e: {  	s3 =	simm.s32 @!p0 $0x1082;
	s9 =	sld [smem:$0x3FA4]  }
0x2f: {  	lr =	sadd.s32 s0, s3;
	s0 =	sld [smem:$0x3F9B]  }
0x30: {  	s3 =	sld [smem:$0x3F9E]  }
0x31: {  	[smem:$0x3FA7] =	sst s10  }
0x32: {  	s10 =	sld [smem:$0x3FA5];
	_ =	sdelay $0x3  }
0x33: {  	p0 =	seq.s32 s10, $0x1;
	s10 =	sld [smem:$0x3FA7];
	_ =	sdelay $0x3  }
0x34: {  	[smem:$0x3FA7] =	sst s10  }
0x35: {  	s10 =	sld [smem:$0x3FA6];
	_ =	sdelay $0x3  }
0x36: {  	p1 =	seq.s32 s10, $0x1;
	s10 =	sld [smem:$0x3FA7];
	_ =	sdelay $0x3  }
0x37: {  	[smem:$0x3FA7] =	sst s10  }
0x38: {  	s10 =	sld [smem:$0x3FA8]  }
0x39: {  	_ = 	snop;
	(pc) =	sbr.ind lr, $3  }
0x3a: {  	_ = 	snop  }
0x3b: {  	_ = 	snop  }
0x3c: {  	p2 =	seq.s32 s10, $0x1;
	s10 =	sld [smem:$0x3FA7]  }
0x3d: {  	_ =	shalt  }
0x3e: {  	_ =	shalt  }
0x3f: {  	_ =	shalt  }
0x40: {  	_ =	shalt  }
0x41: {  	_ =	shalt  }
0x42: {  	_ =	shalt  }
0x43: {  	_ =	shalt  }
0x44: {  	_ =	shalt  }
0x45: {  	_ =	shalt  }
0x46: {  	_ =	shalt  }
0x47: {  	_ =	shalt  }
0x48: {  	_ =	shalt  }
0x49: {  	_ =	shalt  }
0x4a: {  	_ =	shalt  }
0x4b: {  	_ =	shalt  }
0x4c: {  	_ =	shalt  }
0x4d: {  	_ =	shalt  }
0x4e: {  	_ =	shalt  }
0x4f: {  	_ =	shalt  }
0x50: {  	_ =	shalt  }
0x51: {  	_ =	shalt  }
0x52: {  	_ =	shalt  }
0x53: {  	_ =	shalt  }
0x54: {  	_ =	shalt  }
0x55: {  	_ =	shalt  }
0x56: {  	_ =	shalt  }
0x57: {  	_ =	shalt  }
0x58: {  	_ =	shalt  }
0x59: {  	_ =	shalt  }
0x5a: {  	_ =	shalt  }
0x5b: {  	_ =	shalt  }
0x5c: {  	_ =	shalt  }
0x5d: {  	_ =	shalt  }
0x5e: {  	_ =	shalt  }
0x5f: {  	_ =	shalt  }
0x60: {  	_ =	shalt  }
0x61: {  	_ =	shalt  }
0x62: {  	_ =	shalt  }
0x63: {  	_ =	shalt  }
0x64: {  	_ =	shalt  }
0x65: {  	_ =	shalt  }
0x66: {  	_ =	shalt  }
0x67: {  	_ =	shalt  }
0x68: {  	_ =	shalt  }
0x69: {  	_ =	shalt  }
0x6a: {  	_ =	shalt  }
0x6b: {  	_ =	shalt  }
0x6c: {  	_ =	shalt  }
0x6d: {  	_ =	shalt  }
0x6e: {  	_ =	shalt  }
0x6f: {  	_ =	shalt  }
0x70: {  	_ =	shalt  }
0x71: {  	_ =	shalt  }
0x72: {  	_ =	shalt  }
0x73: {  	_ =	shalt  }
0x74: {  	_ =	shalt  }
0x75: {  	_ =	shalt  }
0x76: {  	_ =	shalt  }
0x77: {  	_ =	shalt  }
0x78: {  	_ =	shalt  }
0x79: {  	_ =	shalt  }
0x7a: {  	_ =	shalt  }
0x7b: {  	_ =	shalt  }
0x7c: {  	_ =	shalt  }
0x7d: {  	_ =	shalt  }
0x7e: {  	_ =	shalt  }
0x7f: {  	_ =	shalt  }
0x80: {  	_ =	shalt  }
0x81: {  	_ =	shalt  }
0x82: {  	_ =	shalt  }
0x83: {  	_ =	shalt  }
0x84: {  	_ =	shalt  }
0x85: {  	_ =	shalt  }
0x86: {  	_ =	shalt  }
0x87: {  	_ =	shalt  }
.Lfunc_end0:
.L_simem_size_0:
called_computation_lowered:
.L_overlay_start_0:
0x88: {  	s2 =	sld [smem:$0x3FD9]  }
0x89: {  	s3 =	sld [smem:$0x3FFE];
	_ =	sdelay $0x1  }
0x8a: {  	s1 =	srdreg.scid  }
0x8b: {  	s0 =	sand.u32 $0x1, s1  }
0x8c: {  	s14 =	sshll.u32 s0, $0xA;
	s2 =	sadd.s32 s3, s2  }
0x8d: {  	s2 =	sadd.s32 s2, s14  }
0x8e: {  	[smem:$0x3FB3] =	sst s2  }
0x8f: {  	_ = 	snop  }
0x90: {  	s2 =	sld [smem:$0x3FD0];
	_ =	sdelay $0x2  }
0x91: {  	s15 =	simm.s32 $0xA;
	s4 =	simm.s32 $0x10  }
0x92: {  	[smem:s4], [sflag:s15] =	dma.local [hbm:s2], $0x1  }
0x93: {  	_ =	swait.eq [sflag:s15], $0x1  }
0x94: {  	[sflag:s15] =	ssyncset.done $0x0  }
0x95: {  	[sflag:s15] =	ssyncadd.s32 $0xFFFFFFFF  }
0x96: {  	s16 =	sld [smem:$0x11];
	(tm) =	ssettm $0x1  }
0x97: {  	s17 =	sld [smem:$0x3FFB];
	_ =	sdelay $0x3  }
0x98: {  	_ =	strace s17  }
0x99: {  	s3 =	sld [smem:$0x3FFC];
	_ =	sdelay $0x3  }
0x9a: {  	_ =	strace s3  }
0x9b: {  	s3 =	sld [smem:$0x3FFD];
	_ =	sdelay $0x3  }
0x9c: {  	_ =	strace s3  }
0x9d: {  	_ =	strace $0x8FFFFFFF  }
0x9e: {  	s18 =	sld [smem:$0x3FDB];
	_ =	sdelay $0x1  }
0x9f: {  	s19 =	simm.s32 $_scs_section_size  }
0xa0: {  	s5 =	simm.s32 $_size__tile_overlayer_lowered;
	s6 =	simm.s32 $_tile_overlayer_lowered  }
0xa1: {  	s22 =	simm.s32 $0x1BFF;
	s21 =	sshll.u32 s6, $0x1;
	s3 =	sadd.s32 s19, s18  }
0xa2: {  	s7 =	simm.s32 $0x0;
	s20 =	sshll.u32 s5, $0x1;
	s5 =	sadd.s32 s21, s3  }
0xa3: {  	[timem:s7], [sflag:s22] =	dma.local [hbm:s5], s20  }
0xa4: {  	_ =	swait.ge [sflag:s22], s20  }
0xa5: {  	s4 =	ssub.s32 $0x0, s20;
	[sflag:s22] =	ssyncset.done $0x0  }
0xa6: {  	[sflag:s22] =	ssyncadd.s32 s4;
	_ =	sdelay $0x1  }
0xa7: {  	s23 =	simm.s32 $0x1B8B  }
0xa8: {  	_ =	swait.ge [sflag:s23], $0x1  }
0xa9: {  	[sflag:s23] =	ssyncset.done $0x0  }
0xaa: {  	s25 =	simm.s32 $0x1B8E;
	s24 =	sld [smem:$0x3FFE];
	[sflag:s23] =	ssyncadd.s32 $0xFFFFFFFF  }
0xab: {  	s26 =	simm.s32 $execute0_lowered;
	[smem:$0x3FD2] =	sst s25  }
0xac: {  	s5 =	sshll.u32 s26, $0x1;
	_ =	strace $0x80000046;
	[dreg:$0x1] =	wrdreg $0xFFFFFFFF  }
0xad: {  	s28 =	simm.s32 $_size_execute0_lowered;
	s3 =	sadd.s32 s3, s5;
	[dreg:$0x0] =	wrdreg $0x0  }
0xae: {  	s5 =	sshll.u32 s28, $0x1;
	[dreg:$0x2] =	wrdreg s3  }
0xaf: {  	[dreg:$0x3] =	wrdreg s5  }
0xb0: {  	[dreg:$0x4] =	wrdreg $0xC0  }
0xb1: {  	_ =	task [dreg:s7], $0x5FFFF  }
0xb2: {  	[dreg:$0x1] =	wrdreg $0xFFFFFFFF  }
0xb3: {  	[dreg:$0x0] =	wrdreg $0x60  }
0xb4: {  	[dreg:$0x2] =	wrdreg s16  }
0xb5: {  	[dreg:$0x3] =	wrdreg s24  }
0xb6: {  	[dreg:$0x4] =	wrdreg $0xFC800  }
0xb7: {  	[dreg:$0x5] =	wrdreg $0x9  }
0xb8: {  	_ =	task.clear_ibuf [dreg:s7], $0x6FFFF;
	_ =	strace $0x90000046  }
0xb9: {  	s29 =	simm.s32 $0x9;
	_ =	strace $0x80000048  }
0xba: {  	_ =	swait.ge [sflag:s29], $0x1  }
0xbb: {  	[sflag:s29] =	ssyncadd.s32 $0xFFFFFFFF  }
0xbc: {  	_ =	strace $0x90000048  }
0xbd: {  	_ =	sfence  }
0xbe: {  	s30 =	sld [smem:$0x0];
	_ =	sdelay $0x2  }
0xbf: {  	s31 =	sshll.u32 s1, $0xD;
	s1 =	sshrl.u32 s1, $0x2  }
0xc0: {  	s3 =	sand.u32 $0x4000, s31;
	s1 =	sadd.s32 s1, s30  }
0xc1: {  	s0 =	sor.u32 s3, s0;
	s1 =	sshll.u32 s1, $0x11  }
0xc2: {  	s0 =	sor.u32 s1, s0  }
0xc3: {  	s0 =	sadd.s32 $0x8F2B, s0  }
0xc4: {  	[sflag:s0] =	ssyncadd.remote.s32 $0x1  }
0xc5: {  	_ =	sfence.sel $0xFFFF  }
0xc6: {  	[dreg:$0x0] =	wrdreg $0xFFFFFFFF;
	(pc) =	sbr.abs _section_cstart, $3  }
0xc7: {  	[dreg:$0x1] =	wrdreg $0xFFFFFFFF  }
0xc8: {  	_ =	task.clear_ibuf [dreg:s7], $0x2FFFF;
	_ =	strace $0x9FFFFFFF  }
0xc9: {  	(tm) =	ssettm $0x7FFFFFFF  }
tec
execute0_lowered:
.L_overlay_start_1:
0x0: {  	(tag) =	ssettag $0x1  }
0x1: {  	s5 =	rddreg [dreg:$0x0]  }
0x2: {  	s4 =	rddreg [dreg:$0x1]  }
0x3: {  	s2 =	rddreg [dreg:$0x2]  }
0x4: {  	s0 =	rddreg [dreg:$0x3];
	s6 =	srdreg.scid  }
0x5: {  	s1 =	stileid.u32;
	s3 =	simm.s32 $0x0;
	s12 =	simm.s32 $0x200  }
0x6: {  	s13 =	simm.s32 $0x400;
	s14 =	simm.s32 $0x80;
	s15 =	simm.s32 $0x600  }
0x7: {  	s16 =	simm.s32 $0x680;
	s17 =	simm.s32 $0x480;
	s18 =	simm.s32 $0x700  }
0x8: {  	s19 =	simm.s32 $0x500;
	s20 =	simm.s32 $0x780;
	s21 =	simm.s32 $0x580  }
0x9: {  	s22 =	simm.s32 $0x0;
	s6 =	sand.u32 $0x1, s6;
	s7 =	smul.u32 $0xF440, s1  }
0xa: {  	[smem:$0x7FF] =	sst s3;
	s9 =	sshll.u32 s1, $0x7;
	s8 =	smul.u32 $0xF4400, s6  }
0xb: {  	_ =	strace $0x80000047;
	s10 =	sshll.u32 s6, $0x6;
	s6 =	ssub.s32 $0x2, s6  }
0xc: {  	s9 =	sor.u32 s10, s9;
	s11 =	sshrl.u32 s6, $0x1;
	s8 =	sadd.s32 s7, s8  }
0xd: {  	s10 =	sadd.s32 s9, s4;
	s11 =	ssub.s32 s6, s11;
	s5 =	sadd.s32 s5, s9  }
0xe: {  	s8 =	sshrl.u32 s8, $0x3;
	s6 =	sadd.s32 $0x3000, s10;
	s9 =	smax.u32 s11, $0x1  }
0xf: {  	s11 =	simm.s32 $0x1;
	s8 =	sadd.s32 s8, s4;
	s4 =	sadd.s32 s7, s2  }
0x10: {  	v0 =	vimm.f32 $0.0e+00;
	s7 =	sadd.s32 $0x3800, s10;
	s10 =	simm.s32 $0x800;
	s8 =	sadd.s32 $0x4000, s8  }
.LBB2_1:
0x11: {  	s23 =	simm.s32 $0x40;
	s24 =	simm.s32 $0x0  }
.LBB2_2:
0x12: {  	p0 =	sne.s32 s23, $0x3D0C0;
	[tilespmem:s24+$0x800] =	vst v0;
	s24 =	smov.u32 s23;
	s23 =	sadd.s32 $0x40, s23  }
.Ltmp0:
0x13: {  	(pc) =	sbr.rel @p0 .LBB2_2-.Ltmp0, $2  }
0x14: {  	_ =	sdelay $0x2  }
0x15: {  	s24 =	sshra.s32 s24, $0x2  }
0x16: {  	[tilespmem:s24+$0x800] =	vst v0  }
0x17: {  	[spmem:s4] =	stream.linear.scatter [tilespmem:s10], [sflag:$0x1], $0xF440, $0x38;
	[tilespmem:$0x1F0C0] =	vst v63  }
0x18: {  	_ =	swait.ge [sflag:s11], $0xF440  }
0x19: {  	[sflag:s11] =	ssyncset.done $0x0  }
0x1a: {  	[sflag:s11] =	ssyncadd.s32 $0xFFFF0BC0  }
0x1b: {  	[tilespmem:s3], [sflag:$0x1] =	stream.linear.gather [hbm4b:s5+s3], $0x200, $0x38;
	[tilespmem:$0x1F0C0] =	vst v63  }
0x1c: {  	_ =	swait.ge [sflag:s11], $0x200  }
0x1d: {  	[sflag:s11] =	ssyncset.done $0x0  }
0x1e: {  	[sflag:s11] =	ssyncadd.s32 $0xFFFFFE00  }
0x1f: {  	[tilespmem:s12], [sflag:$0x1] =	stream.linear.gather [hbm4b:s6+s3], $0x200, $0x38;
	[tilespmem:$0x1F0C0] =	vst v63  }
0x20: {  	_ =	swait.ge [sflag:s11], $0x200  }
0x21: {  	[sflag:s11] =	ssyncset.done $0x0  }
0x22: {  	[sflag:s11] =	ssyncadd.s32 $0xFFFFFE00  }
0x23: {  	[tilespmem:s13], [sflag:$0x1] =	stream.linear.gather [hbm4b:s7+s3], $0x200, $0x38;
	[tilespmem:$0x1F0C0] =	vst v63  }
0x24: {  	_ =	swait.ge [sflag:s11], $0x200  }
0x25: {  	[sflag:s11] =	ssyncset.done $0x0  }
0x26: {  	[sflag:s11] =	ssyncadd.s32 $0xFFFFFE00  }
0x27: {  	v1 =	vld [tilespmem:$0x0]  }
0x28: {  	v2 =	vld [tilespmem:$0x200]  }
0x29: {  	v3 =	vld [tilespmem:$0x10]  }
0x2a: {  	v4 =	vld [tilespmem:$0x210]  }
0x2b: {  	v5 =	vld [tilespmem:$0x20]  }
0x2c: {  	v6 =	vld [tilespmem:$0x220]  }
0x2d: {  	v7 =	vld [tilespmem:$0x30]  }
0x2e: {  	v8 =	vld [tilespmem:$0x230]  }
0x2f: {  	v9 =	vld [tilespmem:$0x40]  }
0x30: {  	v10 =	vld [tilespmem:$0x240]  }
0x31: {  	v11 =	vld [tilespmem:$0x50]  }
0x32: {  	v12 =	vld [tilespmem:$0x250]  }
0x33: {  	v13 =	vld [tilespmem:$0x60]  }
0x34: {  	v14 =	vld [tilespmem:$0x260]  }
0x35: {  	v15 =	vld [tilespmem:$0x70]  }
0x36: {  	v16 =	vld [tilespmem:$0x270]  }
0x37: {  	v17 =	vld [tilespmem:$0x80]  }
0x38: {  	v18 =	vld [tilespmem:$0x280]  }
0x39: {  	v19 =	vld [tilespmem:$0x90]  }
0x3a: {  	v20 =	vld [tilespmem:$0x290]  }
0x3b: {  	v21 =	vld [tilespmem:$0xA0]  }
0x3c: {  	v22 =	vld [tilespmem:$0x2A0]  }
0x3d: {  	v23 =	vld [tilespmem:$0xB0]  }
0x3e: {  	v24 =	vld [tilespmem:$0x2B0]  }
0x3f: {  	v25 =	vld [tilespmem:$0xC0]  }
0x40: {  	v26 =	vld [tilespmem:$0x2C0]  }
0x41: {  	v27 =	vld [tilespmem:$0xD0]  }
0x42: {  	v28 =	vld [tilespmem:$0x2D0]  }
0x43: {  	v29 =	vld [tilespmem:$0xE0]  }
0x44: {  	v30 =	vld [tilespmem:$0x2E0]  }
0x45: {  	v31 =	vld [tilespmem:$0xF0]  }
0x46: {  	v32 =	vld [tilespmem:$0x2F0]  }
0x47: {  	v33 =	vld [tilespmem:$0x100]  }
0x48: {  	v34 =	vld [tilespmem:$0x300]  }
0x49: {  	v35 =	vld [tilespmem:$0x110]  }
0x4a: {  	v36 =	vld [tilespmem:$0x310];
	v1 =	vmul.u32 $0x3E8, v1  }
0x4b: {  	v37 =	vld [tilespmem:$0x120];
	v3 =	vmul.u32 $0x3E8, v3  }
0x4c: {  	v63 =	vld [tilespmem:$0x320];
	v1 =	vadd.s32 v2, v1;
	v2 =	vmul.u32 $0x3E8, v5  }
0x4d: {  	v38 =	vld [tilespmem:$0x130];
	[tilespmem:$0x600] =	vst v1;
	v1 =	vadd.s32 v4, v3;
	v3 =	vmul.u32 $0x3E8, v7  }
0x4e: {  	v39 =	vld [tilespmem:$0x330];
	[tilespmem:$0x610] =	vst v1;
	v1 =	vadd.s32 v6, v2;
	v2 =	vmul.u32 $0x3E8, v9  }
0x4f: {  	v40 =	vld [tilespmem:$0x140];
	[tilespmem:$0x620] =	vst v1;
	v1 =	vadd.s32 v8, v3;
	v3 =	vmul.u32 $0x3E8, v11  }
0x50: {  	v41 =	vld [tilespmem:$0x340];
	[tilespmem:$0x630] =	vst v1;
	v1 =	vadd.s32 v10, v2;
	v2 =	vmul.u32 $0x3E8, v13  }
0x51: {  	v42 =	vld [tilespmem:$0x150];
	[tilespmem:$0x640] =	vst v1;
	v1 =	vadd.s32 v12, v3;
	v3 =	vmul.u32 $0x3E8, v15  }
0x52: {  	v43 =	vld [tilespmem:$0x350];
	[tilespmem:$0x650] =	vst v1;
	v1 =	vadd.s32 v14, v2;
	v2 =	vmul.u32 $0x3E8, v17  }
0x53: {  	v44 =	vld [tilespmem:$0x160];
	[tilespmem:$0x660] =	vst v1;
	v1 =	vadd.s32 v16, v3;
	v3 =	vmul.u32 $0x3E8, v19  }
0x54: {  	v45 =	vld [tilespmem:$0x360];
	[tilespmem:$0x670] =	vst v1;
	v1 =	vadd.s32 v18, v2;
	v2 =	vmul.u32 $0x3E8, v21  }
0x55: {  	v46 =	vld [tilespmem:$0x170];
	[tilespmem:$0x680] =	vst v1;
	v1 =	vadd.s32 v20, v3;
	v3 =	vmul.u32 $0x3E8, v23  }
0x56: {  	v47 =	vld [tilespmem:$0x370];
	[tilespmem:$0x690] =	vst v1;
	v1 =	vadd.s32 v22, v2;
	v2 =	vmul.u32 $0x3E8, v25  }
0x57: {  	v48 =	vld [tilespmem:$0x180];
	[tilespmem:$0x6A0] =	vst v1;
	v1 =	vadd.s32 v24, v3;
	v3 =	vmul.u32 $0x3E8, v27  }
0x58: {  	v49 =	vld [tilespmem:$0x380];
	[tilespmem:$0x6B0] =	vst v1;
	v1 =	vadd.s32 v26, v2;
	v2 =	vmul.u32 $0x3E8, v29  }
0x59: {  	v50 =	vld [tilespmem:$0x190];
	[tilespmem:$0x6C0] =	vst v1;
	v1 =	vadd.s32 v28, v3;
	v3 =	vmul.u32 $0x3E8, v31  }
0x5a: {  	v51 =	vld [tilespmem:$0x390];
	[tilespmem:$0x6D0] =	vst v1;
	v1 =	vadd.s32 v30, v2;
	v2 =	vmul.u32 $0x3E8, v33  }
0x5b: {  	v52 =	vld [tilespmem:$0x1A0];
	[tilespmem:$0x6E0] =	vst v1;
	v1 =	vadd.s32 v32, v3;
	v3 =	vmul.u32 $0x3E8, v35  }
0x5c: {  	v53 =	vld [tilespmem:$0x3A0];
	[tilespmem:$0x6F0] =	vst v1;
	v1 =	vadd.s32 v34, v2;
	v2 =	vmul.u32 $0x3E8, v37  }
0x5d: {  	v54 =	vld [tilespmem:$0x1B0];
	[tilespmem:$0x700] =	vst v1;
	v1 =	vadd.s32 v36, v3;
	v3 =	vmul.u32 $0x3E8, v38  }
0x5e: {  	v55 =	vld [tilespmem:$0x3B0];
	[tilespmem:$0x710] =	vst v1;
	v1 =	vadd.s32 v63, v2;
	v2 =	vmul.u32 $0x3E8, v40  }
0x5f: {  	v56 =	vld [tilespmem:$0x1C0];
	[tilespmem:$0x720] =	vst v1;
	v1 =	vadd.s32 v39, v3;
	v3 =	vmul.u32 $0x3E8, v42  }
0x60: {  	v57 =	vld [tilespmem:$0x3C0];
	[tilespmem:$0x730] =	vst v1;
	v1 =	vadd.s32 v41, v2;
	v2 =	vmul.u32 $0x3E8, v44  }
0x61: {  	v58 =	vld [tilespmem:$0x1D0];
	[tilespmem:$0x740] =	vst v1;
	v1 =	vadd.s32 v43, v3;
	v3 =	vmul.u32 $0x3E8, v46  }
0x62: {  	v59 =	vld [tilespmem:$0x3D0];
	[tilespmem:$0x750] =	vst v1;
	v1 =	vadd.s32 v45, v2;
	v2 =	vmul.u32 $0x3E8, v48  }
0x63: {  	v60 =	vld [tilespmem:$0x1E0];
	[tilespmem:$0x760] =	vst v1;
	v1 =	vadd.s32 v47, v3;
	v3 =	vmul.u32 $0x3E8, v50  }
0x64: {  	v61 =	vld [tilespmem:$0x1F0];
	[tilespmem:$0x770] =	vst v1;
	v1 =	vadd.s32 v49, v2;
	v2 =	vmul.u32 $0x3E8, v52  }
0x65: {  	v62 =	vld [tilespmem:$0x3E0];
	[tilespmem:$0x780] =	vst v1;
	v1 =	vadd.s32 v51, v3;
	v3 =	vmul.u32 $0x3E8, v54  }
0x66: {  	v63 =	vld [tilespmem:$0x3F0];
	[tilespmem:$0x790] =	vst v1;
	v1 =	vadd.s32 v53, v2;
	v2 =	vmul.u32 $0x3E8, v56  }
0x67: {  	[tilespmem:$0x7A0] =	vst v1;
	v1 =	vadd.s32 v55, v3;
	v3 =	vmul.u32 $0x3E8, v58  }
0x68: {  	[tilespmem:$0x7B0] =	vst v1;
	v1 =	vadd.s32 v57, v2;
	v2 =	vmul.u32 $0x3E8, v60  }
0x69: {  	[tilespmem:$0x7C0] =	vst v1;
	v1 =	vadd.s32 v59, v3;
	v3 =	vmul.u32 $0x3E8, v61  }
0x6a: {  	[tilespmem:$0x7D0] =	vst v1;
	v1 =	vadd.s32 v62, v2  }
0x6b: {  	[tilespmem:$0x7E0] =	vst v1;
	v1 =	vadd.s32 v63, v3  }
0x6c: {  	[tilespmem:$0x7F0] =	vst v1  }
0x6d: {  	[bflag:$0x0] =	sbarrier.arrive $0xFFFF  }
0x6e: {  	[spmem:s2] =	stream.indirect.scatter.add.f32 [tilespmem:s13], [sflag:$0x1], $0x1, s15, s14, $0xb8;
	[tilespmem:$0x1F0C0] =	vst v63  }
0x6f: {  	_ =	swait.ge [sflag:s11], $0x80  }
0x70: {  	[sflag:s11] =	ssyncset.done $0x0  }
0x71: {  	[sflag:s11] =	ssyncadd.s32 $0xFFFFFF80  }
0x72: {  	[spmem:s2] =	stream.indirect.scatter.add.f32 [tilespmem:s17], [sflag:$0x1], $0x1, s16, s14, $0xb8;
	[tilespmem:$0x1F0C0] =	vst v63  }
0x73: {  	_ =	swait.ge [sflag:s11], $0x80  }
0x74: {  	[sflag:s11] =	ssyncset.done $0x0  }
0x75: {  	[sflag:s11] =	ssyncadd.s32 $0xFFFFFF80  }
0x76: {  	[spmem:s2] =	stream.indirect.scatter.add.f32 [tilespmem:s19], [sflag:$0x1], $0x1, s18, s14, $0xb8;
	[tilespmem:$0x1F0C0] =	vst v63  }
0x77: {  	_ =	swait.ge [sflag:s11], $0x80  }
0x78: {  	[sflag:s11] =	ssyncset.done $0x0  }
0x79: {  	[sflag:s11] =	ssyncadd.s32 $0xFFFFFF80  }
0x7a: {  	[spmem:s2] =	stream.indirect.scatter.add.f32 [tilespmem:s21], [sflag:$0x1], $0x1, s20, s14, $0xb8;
	[tilespmem:$0x1F0C0] =	vst v63  }
0x7b: {  	_ =	swait.ge [sflag:s11], $0x80  }
0x7c: {  	[sflag:s11] =	ssyncset.done $0x0  }
0x7d: {  	[sflag:s11] =	ssyncadd.s32 $0xFFFFFF80  }
0x7e: {  	[bflag:$0x0] =	sbarrier.arrive $0xFFFF  }
0x7f: {  	[tilespmem:s10], [sflag:$0x1] =	stream.linear.gather [spmem:s4], $0xF440, $0x38;
	[tilespmem:$0x1F0C0] =	vst v63  }
0x80: {  	s22 =	sadd.s32 $0x1, s22;
	_ =	swait.ge [sflag:s11], $0xF440  }
0x81: {  	p0 =	sne.s32 s22, s9;
	[sflag:s11] =	ssyncset.done $0x0  }
.Ltmp1:
0x82: {  	[sflag:s11] =	ssyncadd.s32 $0xFFFF0BC0;
	(pc) =	sbr.rel @p0 .LBB2_1-.Ltmp1, $4  }
0x83: {  	[hbm4b:s8+s3] =	stream.linear.scatter [tilespmem:s10], [sflag:$0x1], $0xF440, $0x38;
	[tilespmem:$0x1F0C0] =	vst v63  }
0x84: {  	_ =	swait.ge [sflag:s11], $0xF440  }
0x85: {  	[sflag:s11] =	ssyncset.done $0x0  }
0x86: {  	[sflag:s11] =	ssyncadd.s32 $0xFFFF0BC0  }
0x87: {  	_ =	sfence.sel $0x180000  }
0x88: {  	[bflag:$0x0] =	sbarrier.arrive $0xFFFF  }
0x89: {  	p0 =	sne.s32 s1, $0x0;
	_ =	strace $0x90000047  }
0x8a: {  	s0 =	sadd.s32 @!p0 $0x100000, s0;
	[bflag:$0x2] =	sbarrier.arrive $0xFFFF  }
0x8b: {  	[sflag:s0] =	ssyncadd.tile.s32 @!p0 $0x1;
	_ =	shalt  }
.Lfunc_end2:
_tile_overlayer_lowered:
.L_overlay_start_2:
0x8c: {  	(tag) =	ssettag $0x2  }
0x8d: {  	s0 =	rddreg [dreg:$0x0];
	s2 =	stileid.u32  }
0x8e: {  	s1 =	rddreg [dreg:$0x1];
	p0 =	sne.s32 s2, $0x0  }
0x8f: {  	s3 =	rddreg [dreg:$0x2];
	[bflag:$0x3] =	sbarrier.arrive $0xFFFF;
	s2 =	simm.s32 @!p0 $0x1C01  }
0x90: {  	[timem:s3], [sflag:s2] =	dma.local @!p0 [hbm:s0], s1  }
0x91: {  	s0 =	simm.s32 @!p0 $0x1  }
0x92: {  	_ =	swait.ge @!p0 [sflag:s0], s1  }
0x93: {  	s1 =	ssub.s32 @!p0 $0x0, s1;
	[sflag:s0] =	ssyncset.done @!p0 $0x0  }
0x94: {  	[sflag:s0] =	ssyncadd.s32 @!p0 s1  }
0x95: {  	[bflag:$0x3] =	sbarrier.arrive $0xFFFF  }
0x96: {  	_ =	shalt  }

// kernel: kernel.15.cloned.1.call-start
scs
__scs_entry_jumppad:
0x0: {  	(pc) =	sbr.rel $0x88, $3  }
0x1: {  	(tag) =	ssettag $0x0;
	lr =	simm.s32 $0x1  }
0x2: {  	[smem:$0x3F8C] =	sst lr;
	_ =	strace $0xD0000000  }
0x3: {  	_ = 	snop  }
0x4: {  	_ = 	snop  }
0x5: {  	_ = 	snop  }
0x6: {  	_ = 	snop  }
0x7: {  	_ = 	snop  }
__scs_overlays_trampoline_lowered:
0x8: {  	[smem:$0x3F9B] =	sst s0  }
0x9: {  	[smem:$0x3F9C] =	sst s1  }
0xa: {  	[smem:$0x3F9D] =	sst s2  }
0xb: {  	[smem:$0x3F9E] =	sst s3  }
0xc: {  	[smem:$0x3F9F] =	sst s4  }
0xd: {  	[smem:$0x3FA0] =	sst s5  }
0xe: {  	[smem:$0x3FA1] =	sst s6  }
0xf: {  	[smem:$0x3FA2] =	sst s7  }
0x10: {  	[smem:$0x3FA3] =	sst s8  }
0x11: {  	[smem:$0x3FA4] =	sst s9;
	s0 =	simm.s32 @!p0 $0x0  }
0x12: {  	s1 =	sld [smem:$0x3F8A];
	s0 =	simm.s32 @p0 $0x1  }
0x13: {  	[smem:$0x3FA5] =	sst s0;
	s0 =	simm.s32 @!p1 $0x0  }
0x14: {  	s2 =	sld [smem:$0x3F89];
	s0 =	simm.s32 @p1 $0x1  }
0x15: {  	[smem:$0x3FA6] =	sst s0;
	s0 =	simm.s32 @!p2 $0x0  }
0x16: {  	s3 =	sld [smem:$0x3FDB];
	s0 =	simm.s32 @p2 $0x1  }
0x17: {  	s4 =	simm.s32 $0x1BF5;
	[smem:$0x3FA8] =	sst s0  }
0x18: {  	s0 =	sld [smem:$0x3F8B];
	_ =	swait.ge [sflag:s4], $0x0  }
0x19: {  	s7 =	sld [smem:$0x3F8C]  }
0x1a: {  	s8 =	sadd.s32 $0xFFFFE003, lr  }
0x1b: {  	s9 =	sadd.s32 $0xFFFFFEF7, lr;
	s5 =	simm.s32 $0xFFFFFFFF;
	p2 =	slt.u32 s8, $0xFFFFF086  }
0x1c: {  	p1 =	slt.u32 s9, $0xF7A;
	s5 =	simm.s32 @!p2 $0x0  }
0x1d: {  	s5 =	simm.s32 @p1 $0x1;
	p0 =	seq.s32 s7, s2  }
0x1e: {  	s7 =	smul.u32 @!p0 $0xF7A, s2;
	p2 =	seq.s32 @!p0 s5, $0x0  }
0x1f: {  	s9 =	smul.u32 $0xF7A, s1;
	s8 =	simm.s32 @!p0 $0x1BF5;
	p2 =	por !p2, p0  }
0x20: {  	[sflag:s8] =	ssyncset.s32 @!p0 $0xFFFFF086;
	s6 =	sadd.s32 @!p0 s3, s7;
	s7 =	simm.s32 @!p0 $0x108  }
0x21: {  	s3 =	sadd.s32 s3, s9;
	s6 =	sadd.s32 @!p0 $0x88, s6;
	s7 =	simm.s32 @p2 $0x1082  }
0x22: {  	[simem:s7], [sflag:s8] =	dma.local @!p0 [hbm:s6], $0xF7A  }
0x23: {  	s9 =	sor.u32 $0xD0000000, s2;
	s6 =	simm.s32 $0x108;
	_ =	swait.ge @!p0 [sflag:s8], $0x0  }
0x24: {  	s3 =	sadd.s32 $0x88, s3;
	s6 =	simm.s32 @!p1 $0x1082;
	[sflag:s4] =	ssyncset.s32 $0xFFFFF086  }
0x25: {  	[simem:s6], [sflag:s4] =	dma.local [hbm:s3], $0xF7A  }
0x26: {  	[smem:$0x3F8C] =	sst s1;
	(tag) =	ssettag s2;
	_ =	strace s9  }
0x27: {  	s1 =	sld [smem:$0x3F9C]  }
0x28: {  	s2 =	sld [smem:$0x3F9D]  }
0x29: {  	s4 =	sld [smem:$0x3F9F]  }
0x2a: {  	p0 =	seq.s32 s5, $0x0;
	s5 =	sld [smem:$0x3FA0]  }
0x2b: {  	s6 =	sld [smem:$0x3FA1]  }
0x2c: {  	s7 =	sld [smem:$0x3FA2]  }
0x2d: {  	s3 =	simm.s32 $0x108;
	s8 =	sld [smem:$0x3FA3]  }
0x2e: {  	s3 =	simm.s32 @!p0 $0x1082;
	s9 =	sld [smem:$0x3FA4]  }
0x2f: {  	lr =	sadd.s32 s0, s3;
	s0 =	sld [smem:$0x3F9B]  }
0x30: {  	s3 =	sld [smem:$0x3F9E]  }
0x31: {  	[smem:$0x3FA7] =	sst s10  }
0x32: {  	s10 =	sld [smem:$0x3FA5];
	_ =	sdelay $0x3  }
0x33: {  	p0 =	seq.s32 s10, $0x1;
	s10 =	sld [smem:$0x3FA7];
	_ =	sdelay $0x3  }
0x34: {  	[smem:$0x3FA7] =	sst s10  }
0x35: {  	s10 =	sld [smem:$0x3FA6];
	_ =	sdelay $0x3  }
0x36: {  	p1 =	seq.s32 s10, $0x1;
	s10 =	sld [smem:$0x3FA7];
	_ =	sdelay $0x3  }
0x37: {  	[smem:$0x3FA7] =	sst s10  }
0x38: {  	s10 =	sld [smem:$0x3FA8]  }
0x39: {  	_ = 	snop;
	(pc) =	sbr.ind lr, $3  }
0x3a: {  	_ = 	snop  }
0x3b: {  	_ = 	snop  }
0x3c: {  	p2 =	seq.s32 s10, $0x1;
	s10 =	sld [smem:$0x3FA7]  }
0x3d: {  	_ =	shalt  }
0x3e: {  	_ =	shalt  }
0x3f: {  	_ =	shalt  }
0x40: {  	_ =	shalt  }
0x41: {  	_ =	shalt  }
0x42: {  	_ =	shalt  }
0x43: {  	_ =	shalt  }
0x44: {  	_ =	shalt  }
0x45: {  	_ =	shalt  }
0x46: {  	_ =	shalt  }
0x47: {  	_ =	shalt  }
0x48: {  	_ =	shalt  }
0x49: {  	_ =	shalt  }
0x4a: {  	_ =	shalt  }
0x4b: {  	_ =	shalt  }
0x4c: {  	_ =	shalt  }
0x4d: {  	_ =	shalt  }
0x4e: {  	_ =	shalt  }
0x4f: {  	_ =	shalt  }
0x50: {  	_ =	shalt  }
0x51: {  	_ =	shalt  }
0x52: {  	_ =	shalt  }
0x53: {  	_ =	shalt  }
0x54: {  	_ =	shalt  }
0x55: {  	_ =	shalt  }
0x56: {  	_ =	shalt  }
0x57: {  	_ =	shalt  }
0x58: {  	_ =	shalt  }
0x59: {  	_ =	shalt  }
0x5a: {  	_ =	shalt  }
0x5b: {  	_ =	shalt  }
0x5c: {  	_ =	shalt  }
0x5d: {  	_ =	shalt  }
0x5e: {  	_ =	shalt  }
0x5f: {  	_ =	shalt  }
0x60: {  	_ =	shalt  }
0x61: {  	_ =	shalt  }
0x62: {  	_ =	shalt  }
0x63: {  	_ =	shalt  }
0x64: {  	_ =	shalt  }
0x65: {  	_ =	shalt  }
0x66: {  	_ =	shalt  }
0x67: {  	_ =	shalt  }
0x68: {  	_ =	shalt  }
0x69: {  	_ =	shalt  }
0x6a: {  	_ =	shalt  }
0x6b: {  	_ =	shalt  }
0x6c: {  	_ =	shalt  }
0x6d: {  	_ =	shalt  }
0x6e: {  	_ =	shalt  }
0x6f: {  	_ =	shalt  }
0x70: {  	_ =	shalt  }
0x71: {  	_ =	shalt  }
0x72: {  	_ =	shalt  }
0x73: {  	_ =	shalt  }
0x74: {  	_ =	shalt  }
0x75: {  	_ =	shalt  }
0x76: {  	_ =	shalt  }
0x77: {  	_ =	shalt  }
0x78: {  	_ =	shalt  }
0x79: {  	_ =	shalt  }
0x7a: {  	_ =	shalt  }
0x7b: {  	_ =	shalt  }
0x7c: {  	_ =	shalt  }
0x7d: {  	_ =	shalt  }
0x7e: {  	_ =	shalt  }
0x7f: {  	_ =	shalt  }
0x80: {  	_ =	shalt  }
0x81: {  	_ =	shalt  }
0x82: {  	_ =	shalt  }
0x83: {  	_ =	shalt  }
0x84: {  	_ =	shalt  }
0x85: {  	_ =	shalt  }
0x86: {  	_ =	shalt  }
0x87: {  	_ =	shalt  }
.Lfunc_end0:
.L_simem_size_0:
called_computation.1_lowered:
.L_overlay_start_0:
0x88: {  	s2 =	sld [smem:$0x3FD9]  }
0x89: {  	s3 =	sld [smem:$0x3FFE];
	_ =	sdelay $0x1  }
0x8a: {  	s1 =	srdreg.scid  }
0x8b: {  	s0 =	sand.u32 $0x1, s1  }
0x8c: {  	s16 =	sshll.u32 s0, $0xA;
	s2 =	sadd.s32 s3, s2  }
0x8d: {  	s2 =	sadd.s32 s2, s16  }
0x8e: {  	[smem:$0x3FB3] =	sst s2  }
0x8f: {  	_ = 	snop  }
0x90: {  	(tm) =	ssettm $0x1  }
0x91: {  	s17 =	sld [smem:$0x3FFB];
	_ =	sdelay $0x3  }
0x92: {  	_ =	strace s17  }
0x93: {  	s2 =	sld [smem:$0x3FFC];
	_ =	sdelay $0x3  }
0x94: {  	_ =	strace s2  }
0x95: {  	s2 =	sld [smem:$0x3FFD];
	_ =	sdelay $0x3  }
0x96: {  	_ =	strace s2  }
0x97: {  	_ =	strace $0x8FFFFFFF  }
0x98: {  	s18 =	sld [smem:$0x3FDB];
	_ =	sdelay $0x1  }
0x99: {  	s19 =	simm.s32 $_scs_section_size  }
0x9a: {  	s4 =	simm.s32 $_size__tile_overlayer_lowered;
	s5 =	simm.s32 $_tile_overlayer_lowered  }
0x9b: {  	s22 =	simm.s32 $0x1BFF;
	s21 =	sshll.u32 s5, $0x1;
	s2 =	sadd.s32 s19, s18  }
0x9c: {  	s6 =	simm.s32 $0x0;
	s20 =	sshll.u32 s4, $0x1;
	s4 =	sadd.s32 s21, s2  }
0x9d: {  	[timem:s6], [sflag:s22] =	dma.local [hbm:s4], s20  }
0x9e: {  	_ =	swait.ge [sflag:s22], s20  }
0x9f: {  	s3 =	ssub.s32 $0x0, s20;
	[sflag:s22] =	ssyncset.done $0x0  }
0xa0: {  	[sflag:s22] =	ssyncadd.s32 s3;
	_ =	sdelay $0x1  }
0xa1: {  	s23 =	simm.s32 $0x1B8B  }
0xa2: {  	_ =	swait.ge [sflag:s23], $0x1  }
0xa3: {  	[sflag:s23] =	ssyncset.done $0x0  }
0xa4: {  	s25 =	simm.s32 $0x1B8E;
	s24 =	sld [smem:$0x3FFE];
	[sflag:s23] =	ssyncadd.s32 $0xFFFFFFFF  }
0xa5: {  	s26 =	simm.s32 $execute0_lowered;
	[smem:$0x3FD2] =	sst s25  }
0xa6: {  	s4 =	sshll.u32 s26, $0x1;
	_ =	strace $0x80000049;
	[dreg:$0x1] =	wrdreg $0xFFFFFFFF  }
0xa7: {  	s28 =	simm.s32 $_size_execute0_lowered;
	s2 =	sadd.s32 s2, s4;
	[dreg:$0x0] =	wrdreg $0x0  }
0xa8: {  	s4 =	sshll.u32 s28, $0x1;
	[dreg:$0x2] =	wrdreg s2  }
0xa9: {  	[dreg:$0x3] =	wrdreg s4  }
0xaa: {  	[dreg:$0x4] =	wrdreg $0xC0  }
0xab: {  	_ =	task [dreg:s6], $0x5FFFF  }
0xac: {  	[dreg:$0x1] =	wrdreg $0xFFFFFFFF  }
0xad: {  	[dreg:$0x0] =	wrdreg $0x60  }
0xae: {  	[dreg:$0x2] =	wrdreg s24  }
0xaf: {  	[dreg:$0x3] =	wrdreg $0x9  }
0xb0: {  	_ =	task.clear_ibuf [dreg:s6], $0x4FFFF;
	_ =	strace $0x90000049  }
0xb1: {  	s29 =	simm.s32 $0x9;
	_ =	strace $0x8000004B  }
0xb2: {  	_ =	swait.ge [sflag:s29], $0x1  }
0xb3: {  	[sflag:s29] =	ssyncadd.s32 $0xFFFFFFFF  }
0xb4: {  	_ =	strace $0x9000004B  }
0xb5: {  	_ =	sfence  }
0xb6: {  	s30 =	sld [smem:$0x0];
	_ =	sdelay $0x2  }
0xb7: {  	s31 =	sshll.u32 s1, $0xD;
	s1 =	sshrl.u32 s1, $0x2  }
0xb8: {  	s3 =	sand.u32 $0x4000, s31;
	s1 =	sadd.s32 s1, s30  }
0xb9: {  	s0 =	sor.u32 s3, s0;
	s1 =	sshll.u32 s1, $0x11  }
0xba: {  	s0 =	sor.u32 s1, s0  }
0xbb: {  	s0 =	sadd.s32 $0x8F2B, s0  }
0xbc: {  	[sflag:s0] =	ssyncadd.remote.s32 $0x1  }
0xbd: {  	_ =	sfence.sel $0xFFFF  }
0xbe: {  	[dreg:$0x0] =	wrdreg $0xFFFFFFFF;
	(pc) =	sbr.abs _section_cstart, $3  }
0xbf: {  	[dreg:$0x1] =	wrdreg $0xFFFFFFFF  }
0xc0: {  	_ =	task.clear_ibuf [dreg:s6], $0x2FFFF;
	_ =	strace $0x9FFFFFFF  }
0xc1: {  	(tm) =	ssettm $0x7FFFFFFF  }
tec
execute0_lowered:
.L_overlay_start_1:
0x0: {  	(tag) =	ssettag $0x1  }
0x1: {  	s0 =	srdreg.scid  }
0x2: {  	s11 =	rddreg [dreg:$0x0];
	s1 =	stileid.u32;
	s0 =	sand.u32 $0x1, s0  }
0x3: {  	s2 =	simm.s32 $0x0;
	s3 =	sshll.u32 s1, $0x6;
	s4 =	sshll.u32 s0, $0x5  }
0x4: {  	[smem:$0x7FF] =	sst s2;
	s12 =	sor.u32 s4, s3  }
0x5: {  	s1 =	sadd.s32 $0x21A00, s11;
	_ =	strace $0x8000004A;
	s4 =	sshrl.u32 s12, $0x3  }
0x6: {  	s5 =	sshll.u32 s12, $0x4;
	s6 =	sadd.s32 s1, s4;
	s7 =	sor.u32 $0x80, s4  }
0x7: {  	s8 =	sor.u32 $0x100, s4;
	[dreg:$0x2] =	wrdreg s6;
	s9 =	sadd.s32 s1, s7  }
0x8: {  	s5 =	sadd.s32 s5, s11;
	s3 =	sadd.s32 s1, s8;
	[dreg:$0x3] =	wrdreg s9  }
0x9: {  	s10 =	sadd.s32 $0x39400, s5;
	[dreg:$0x4] =	wrdreg s3  }
0xa: {  	s13 =	sadd.s32 $0x3D400, s5;
	[dreg:$0x5] =	wrdreg s10  }
0xb: {  	s14 =	sadd.s32 $0x45400, s11;
	s15 =	sadd.s32 $0x41400, s5;
	[dreg:$0x6] =	wrdreg s13  }
0xc: {  	s16 =	sadd.s32 s14, s7;
	[dreg:$0x7] =	wrdreg s15  }
0xd: {  	s17 =	sadd.s32 s14, s8;
	[dreg:$0x8] =	wrdreg s16  }
0xe: {  	s1 =	simm.s32 $0x1200;
	[dreg:$0x9] =	wrdreg s17  }
0xf: {  	s5 =	simm.s32 $0x1280;
	[dreg:$0x13] =	wrdreg s1  }
0x10: {  	s6 =	simm.s32 $0x1300;
	[dreg:$0x14] =	wrdreg s5  }
0x11: {  	[dreg:$0x15] =	wrdreg s6  }
0x12: {  	s7 =	simm.s32 $0x1380;
	s8 =	rddreg [dreg:$0x2]  }
0x13: {  	s3 =	sadd.s32 s14, s4;
	[dreg:$0x16] =	wrdreg s7;
	s9 =	simm.s32 $0x1400  }
0x14: {  	s18 =	sadd.s32 $0x180, s3;
	[dreg:$0x17] =	wrdreg s9  }
0x15: {  	[tilespmem:s2], [sflag:$0x2] =	stream.linear.gather [hbm4b:s8+s2], $0x20, $0x38;
	[tilespmem:$0x2200] =	vst v63  }
0x16: {  	s19 =	sadd.s32 $0x200, s3;
	[dreg:$0xa] =	wrdreg s18  }
0x17: {  	s20 =	sadd.s32 $0x280, s3;
	[dreg:$0xb] =	wrdreg s19  }
0x18: {  	s21 =	sadd.s32 $0x300, s3;
	[dreg:$0xc] =	wrdreg s20  }
0x19: {  	s22 =	sadd.s32 $0x380, s3;
	[dreg:$0xd] =	wrdreg s21  }
0x1a: {  	s23 =	sadd.s32 $0x400, s3;
	[dreg:$0xe] =	wrdreg s22  }
0x1b: {  	s24 =	sadd.s32 $0x480, s3;
	[dreg:$0xf] =	wrdreg s23  }
0x1c: {  	s25 =	sadd.s32 $0x500, s3;
	[dreg:$0x10] =	wrdreg s24  }
0x1d: {  	s26 =	sadd.s32 $0x580, s3;
	[dreg:$0x11] =	wrdreg s25  }
0x1e: {  	s4 =	simm.s32 $0x2;
	[dreg:$0x12] =	wrdreg s26  }
0x1f: {  	_ =	swait.ge [sflag:s4], $0x20  }
0x20: {  	[sflag:s4] =	ssyncset.done $0x0  }
0x21: {  	s5 =	simm.s32 $0x80;
	s10 =	rddreg [dreg:$0x3];
	[sflag:s4] =	ssyncadd.s32 $0xFFFFFFE0  }
0x22: {  	[tilespmem:s5], [sflag:$0x2] =	stream.linear.gather [hbm4b:s10+s2], $0x20, $0x38;
	[tilespmem:$0x2200] =	vst v63  }
0x23: {  	_ =	swait.ge [sflag:s4], $0x20  }
0x24: {  	[sflag:s4] =	ssyncset.done $0x0  }
0x25: {  	s6 =	simm.s32 $0x100;
	s13 =	rddreg [dreg:$0x4];
	[sflag:s4] =	ssyncadd.s32 $0xFFFFFFE0  }
0x26: {  	[tilespmem:s6], [sflag:$0x2] =	stream.linear.gather [hbm4b:s13+s2], $0x20, $0x38;
	[tilespmem:$0x2200] =	vst v63  }
0x27: {  	_ =	swait.ge [sflag:s4], $0x20  }
0x28: {  	s7 =	sadd.s32 $0x21C00, s11;
	s8 =	simm.s32 $0x20;
	[sflag:s4] =	ssyncset.done $0x0  }
0x29: {  	s9 =	simm.s32 $0x200;
	s10 =	simm.s32 $0x1;
	[sflag:s4] =	ssyncadd.s32 $0xFFFFFFE0  }
0x2a: {  	[tilespmem:s9], [sflag:$0x1] =	stream.indirect.gather [hbm4b:s7+s8], $0x80, s2, s8, $0xb8;
	[tilespmem:$0x2200] =	vst v63  }
0x2b: {  	_ =	swait.ge [sflag:s10], $0x1000  }
0x2c: {  	[sflag:s10] =	ssyncset.done $0x0  }
0x2d: {  	s13 =	rddreg [dreg:$0x5];
	[sflag:s10] =	ssyncadd.s32 $0xFFFFF000  }
0x2e: {  	[hbm4b:s13+s2] =	stream.linear.scatter [tilespmem:s9], [sflag:$0x2], $0x1000, $0x38;
	[tilespmem:$0x2200] =	vst v63  }
0x2f: {  	_ =	swait.ge [sflag:s4], $0x1000  }
0x30: {  	[sflag:s4] =	ssyncset.done $0x0  }
0x31: {  	[sflag:s4] =	ssyncadd.s32 $0xFFFFF000  }
0x32: {  	[tilespmem:s9], [sflag:$0x1] =	stream.indirect.gather [hbm4b:s7+s8], $0x80, s5, s8, $0xb8;
	[tilespmem:$0x2200] =	vst v63  }
0x33: {  	_ =	swait.ge [sflag:s10], $0x1000  }
0x34: {  	[sflag:s10] =	ssyncset.done $0x0  }
0x35: {  	s14 =	rddreg [dreg:$0x6];
	[sflag:s10] =	ssyncadd.s32 $0xFFFFF000  }
0x36: {  	[hbm4b:s14+s2] =	stream.linear.scatter [tilespmem:s9], [sflag:$0x2], $0x1000, $0x38;
	[tilespmem:$0x2200] =	vst v63  }
0x37: {  	_ =	swait.ge [sflag:s4], $0x1000  }
0x38: {  	[sflag:s4] =	ssyncset.done $0x0  }
0x39: {  	[sflag:s4] =	ssyncadd.s32 $0xFFFFF000  }
0x3a: {  	[tilespmem:s9], [sflag:$0x1] =	stream.indirect.gather [hbm4b:s7+s8], $0x80, s6, s8, $0xb8;
	[tilespmem:$0x2200] =	vst v63  }
0x3b: {  	_ =	swait.ge [sflag:s10], $0x1000  }
0x3c: {  	[sflag:s10] =	ssyncset.done $0x0  }
0x3d: {  	s15 =	rddreg [dreg:$0x7];
	[sflag:s10] =	ssyncadd.s32 $0xFFFFF000  }
0x3e: {  	[hbm4b:s15+s2] =	stream.linear.scatter [tilespmem:s9], [sflag:$0x2], $0x1000, $0x38;
	[tilespmem:$0x2200] =	vst v63  }
0x3f: {  	_ =	swait.ge [sflag:s4], $0x1000  }
0x40: {  	[sflag:s4] =	ssyncset.done $0x0  }
0x41: {  	[sflag:s4] =	ssyncadd.s32 $0xFFFFF000  }
0x42: {  	v5 =	vld [tilespmem:$0x10]  }
0x43: {  	v4 =	vld [tilespmem:$0x90]  }
0x44: {  	v0 =	vlaneseq.u32;
	s16 =	sor.u32 $0x10, s12;
	v14 =	vld [tilespmem:$0x80]  }
0x45: {  	v1 =	vor.u32 s12, v0;
	v2 =	vor.u32 s16, v0  }
0x46: {  	v0 =	vmin.u32 v1, $0x3E7;
	v1 =	vmin.u32 v2, $0x3E7  }
0x47: {  	v2 =	vmul.u32 $0x3E9, v1;
	vm1 =	vlt.s32 v5, $0x3E7  }
0x48: {  	v3 =	vmul.u32 $0x3E9, v0;
	vm0 =	vlt.s32 v4, $0x3E7;
	v8 =	vnsel vm1, $0x3E7, v5  }
0x49: {  	v6 =	vld [tilespmem:$0x110];
	[tilespmem:$0x1210] =	vst v2;
	vm15 =	vlt.s32 v14, $0x3E7;
	v7 =	vnsel vm0, $0x3E7, v4;
	v4 =	vmul.u32 $0x3E9, v8  }
0x4a: {  	[tilespmem:$0x1200] =	vst v3;
	v59 =	vnsel vm15, $0x3E7, v14;
	v56 =	vmul.u32 $0x3E9, v7  }
0x4b: {  	v5 =	vld [tilespmem:$0x0];
	v9 =	vmul.u32 $0x3E8, v7;
	v63 =	vmul.u32 $0x3E9, v59;
	[tilespmem:$0x1490] =	vst v4  }
0x4c: {  	[tilespmem:$0x1710] =	vst v56  }
0x4d: {  	v10 =	vmul.u32 $0x3E8, v8;
	v11 =	vadd.s32 v8, v9;
	[tilespmem:$0x1700] =	vst v63  }
0x4e: {  	vm12 =	vlt.s32 v6, $0x3E7;
	v4 =	vmul.u32 $0x3E8, v1;
	v12 =	vadd.s32 v1, v9;
	[tilespmem:$0x1690] =	vst v11  }
0x4f: {  	v52 =	vld [tilespmem:$0x100];
	v6 =	vnsel vm12, $0x3E7, v6;
	v13 =	vadd.s32 v1, v10;
	[tilespmem:$0x1610] =	vst v12  }
0x50: {  	[tilespmem:$0x1410] =	vst v13;
	vm13 =	vlt.s32 v5, $0x3E7;
	v53 =	vadd.s32 v4, v6  }
0x51: {  	v54 =	vnsel vm13, $0x3E7, v5;
	v5 =	vadd.s32 v7, v10;
	[tilespmem:$0x1390] =	vst v53  }
0x52: {  	v10 =	vadd.s32 v10, v6;
	[tilespmem:$0x1510] =	vst v5  }
0x53: {  	v7 =	vadd.s32 v4, v7;
	[tilespmem:$0x1590] =	vst v10  }
0x54: {  	vm14 =	vlt.s32 v52, $0x3E7;
	v6 =	vadd.s32 v6, v9;
	[tilespmem:$0x1310] =	vst v7  }
0x55: {  	v55 =	vmul.u32 $0x3E9, v54;
	v5 =	vmul.u32 $0x3E8, v0;
	v7 =	vadd.s32 v4, v8;
	[tilespmem:$0x1790] =	vst v6  }
0x56: {  	v11 =	vnsel vm14, $0x3E7, v52;
	[tilespmem:$0x1290] =	vst v7  }
0x57: {  	[tilespmem:$0x1480] =	vst v55;
	v57 =	vadd.s32 v5, v11  }
0x58: {  	v7 =	vmul.u32 $0x3E8, v54;
	v58 =	vadd.s32 v5, v54;
	[tilespmem:$0x1380] =	vst v57  }
0x59: {  	v60 =	vadd.s32 v5, v59;
	[tilespmem:$0x1280] =	vst v58  }
0x5a: {  	v6 =	vadd.s32 v7, v11;
	[tilespmem:$0x1300] =	vst v60  }
0x5b: {  	v62 =	vmul.u32 $0x3E8, v59;
	v61 =	vadd.s32 v0, v7;
	[tilespmem:$0x1580] =	vst v6  }
0x5c: {  	v7 =	vadd.s32 v59, v7;
	[tilespmem:$0x1400] =	vst v61  }
0x5d: {  	v6 =	vadd.s32 v11, v62;
	[tilespmem:$0x1500] =	vst v7  }
0x5e: {  	v7 =	vadd.s32 v54, v62;
	[tilespmem:$0x1780] =	vst v6  }
0x5f: {  	v6 =	vadd.s32 v0, v62;
	[tilespmem:$0x1680] =	vst v7  }
0x60: {  	s11 =	sadd.s32 $0x3000, s11;
	s12 =	simm.s32 $0x1A00;
	s17 =	rddreg [dreg:$0x13];
	[tilespmem:$0x1600] =	vst v6  }
0x61: {  	[tilespmem:s12], [sflag:$0x1] =	stream.indirect.gather [hbm4b:s11+s8], $0x1, s17, s8, $0xb8;
	[tilespmem:$0x2200] =	vst v63  }
0x62: {  	s13 =	simm.s32 $0x1A80;
	s14 =	rddreg [dreg:$0x14]  }
0x63: {  	[tilespmem:s13], [sflag:$0x1] =	stream.indirect.gather [hbm4b:s11+s8], $0x1, s14, s8, $0xb8;
	[tilespmem:$0x2200] =	vst v63  }
0x64: {  	s15 =	rddreg [dreg:$0x15];
	s14 =	simm.s32 $0x1B00  }
0x65: {  	[tilespmem:s14], [sflag:$0x1] =	stream.indirect.gather [hbm4b:s11+s8], $0x1, s15, s8, $0xb8;
	[tilespmem:$0x2200] =	vst v63  }
0x66: {  	s16 =	rddreg [dreg:$0x16];
	s15 =	simm.s32 $0x1B80  }
0x67: {  	[tilespmem:s15], [sflag:$0x1] =	stream.indirect.gather [hbm4b:s11+s8], $0x1, s16, s8, $0xb8;
	[tilespmem:$0x2200] =	vst v63  }
0x68: {  	s17 =	rddreg [dreg:$0x17];
	s16 =	simm.s32 $0x1C00  }
0x69: {  	[tilespmem:s16], [sflag:$0x1] =	stream.indirect.gather [hbm4b:s11+s8], $0x1, s17, s8, $0xb8;
	[tilespmem:$0x2200] =	vst v63  }
0x6a: {  	s18 =	simm.s32 $0x1480;
	s19 =	simm.s32 $0x1C80  }
0x6b: {  	[tilespmem:s19], [sflag:$0x1] =	stream.indirect.gather [hbm4b:s11+s8], $0x1, s18, s8, $0xb8;
	[tilespmem:$0x2200] =	vst v63  }
0x6c: {  	s20 =	simm.s32 $0x1500;
	s23 =	simm.s32 $0x1D00  }
0x6d: {  	[tilespmem:s23], [sflag:$0x1] =	stream.indirect.gather [hbm4b:s11+s8], $0x1, s20, s8, $0xb8;
	[tilespmem:$0x2200] =	vst v63  }
0x6e: {  	s25 =	simm.s32 $0x1580;
	s26 =	simm.s32 $0x1D80  }
0x6f: {  	[tilespmem:s26], [sflag:$0x1] =	stream.indirect.gather [hbm4b:s11+s8], $0x1, s25, s8, $0xb8;
	[tilespmem:$0x2200] =	vst v63  }
0x70: {  	s28 =	simm.s32 $0x1600;
	s24 =	simm.s32 $0x1E00  }
0x71: {  	[tilespmem:s24], [sflag:$0x1] =	stream.indirect.gather [hbm4b:s11+s8], $0x1, s28, s8, $0xb8;
	[tilespmem:$0x2200] =	vst v63  }
0x72: {  	s29 =	simm.s32 $0x1680;
	s22 =	simm.s32 $0x1E80  }
0x73: {  	[tilespmem:s22], [sflag:$0x1] =	stream.indirect.gather [hbm4b:s11+s8], $0x1, s29, s8, $0xb8;
	[tilespmem:$0x2200] =	vst v63  }
0x74: {  	s30 =	simm.s32 $0x1700;
	s20 =	simm.s32 $0x1F00  }
0x75: {  	[tilespmem:s20], [sflag:$0x1] =	stream.indirect.gather [hbm4b:s11+s8], $0x1, s30, s8, $0xb8;
	[tilespmem:$0x2200] =	vst v63  }
0x76: {  	s31 =	simm.s32 $0x1780;
	s17 =	simm.s32 $0x1F80  }
0x77: {  	[tilespmem:s17], [sflag:$0x1] =	stream.indirect.gather [hbm4b:s11+s8], $0x1, s31, s8, $0xb8;
	[tilespmem:$0x2200] =	vst v63  }
0x78: {  	_ =	swait.ge [sflag:s10], $0x20  }
0x79: {  	[sflag:s10] =	ssyncset.done $0x0  }
0x7a: {  	[sflag:s10] =	ssyncadd.s32 $0xFFFFFFE0  }
0x7b: {  	_ =	swait.ge [sflag:s10], $0x20  }
0x7c: {  	[sflag:s10] =	ssyncset.done $0x0  }
0x7d: {  	[sflag:s10] =	ssyncadd.s32 $0xFFFFFFE0  }
0x7e: {  	_ =	swait.ge [sflag:s10], $0x20  }
0x7f: {  	[sflag:s10] =	ssyncset.done $0x0  }
0x80: {  	[sflag:s10] =	ssyncadd.s32 $0xFFFFFFE0  }
0x81: {  	_ =	swait.ge [sflag:s10], $0x20  }
0x82: {  	[sflag:s10] =	ssyncset.done $0x0  }
0x83: {  	[sflag:s10] =	ssyncadd.s32 $0xFFFFFFE0  }
0x84: {  	_ =	swait.ge [sflag:s10], $0x20  }
0x85: {  	[sflag:s10] =	ssyncset.done $0x0  }
0x86: {  	[sflag:s10] =	ssyncadd.s32 $0xFFFFFFE0  }
0x87: {  	_ =	swait.ge [sflag:s10], $0x20  }
0x88: {  	[sflag:s10] =	ssyncset.done $0x0  }
0x89: {  	[sflag:s10] =	ssyncadd.s32 $0xFFFFFFE0  }
0x8a: {  	_ =	swait.ge [sflag:s10], $0x20  }
0x8b: {  	[sflag:s10] =	ssyncset.done $0x0  }
0x8c: {  	[sflag:s10] =	ssyncadd.s32 $0xFFFFFFE0  }
0x8d: {  	_ =	swait.ge [sflag:s10], $0x20  }
0x8e: {  	[sflag:s10] =	ssyncset.done $0x0  }
0x8f: {  	[sflag:s10] =	ssyncadd.s32 $0xFFFFFFE0  }
0x90: {  	_ =	swait.ge [sflag:s10], $0x20  }
0x91: {  	[sflag:s10] =	ssyncset.done $0x0  }
0x92: {  	[sflag:s10] =	ssyncadd.s32 $0xFFFFFFE0  }
0x93: {  	_ =	swait.ge [sflag:s10], $0x20  }
0x94: {  	[sflag:s10] =	ssyncset.done $0x0  }
0x95: {  	[sflag:s10] =	ssyncadd.s32 $0xFFFFFFE0  }
0x96: {  	_ =	swait.ge [sflag:s10], $0x20  }
0x97: {  	[sflag:s10] =	ssyncset.done $0x0  }
0x98: {  	[sflag:s10] =	ssyncadd.s32 $0xFFFFFFE0  }
0x99: {  	_ =	swait.ge [sflag:s10], $0x20  }
0x9a: {  	[sflag:s10] =	ssyncset.done $0x0  }
0x9b: {  	[sflag:s10] =	ssyncadd.s32 $0xFFFFFFE0  }
0x9c: {  	[hbm4b:s3+s2] =	stream.linear.scatter [tilespmem:s12], [sflag:$0x2], $0x20, $0x38;
	[tilespmem:$0x2200] =	vst v63  }
0x9d: {  	_ =	swait.ge [sflag:s4], $0x20  }
0x9e: {  	[sflag:s4] =	ssyncset.done $0x0  }
0x9f: {  	s21 =	rddreg [dreg:$0x8];
	[sflag:s4] =	ssyncadd.s32 $0xFFFFFFE0  }
0xa0: {  	[hbm4b:s21+s2] =	stream.linear.scatter [tilespmem:s13], [sflag:$0x2], $0x20, $0x38;
	[tilespmem:$0x2200] =	vst v63  }
0xa1: {  	_ =	swait.ge [sflag:s4], $0x20  }
0xa2: {  	[sflag:s4] =	ssyncset.done $0x0  }
0xa3: {  	s18 =	rddreg [dreg:$0x9];
	[sflag:s4] =	ssyncadd.s32 $0xFFFFFFE0  }
0xa4: {  	[hbm4b:s18+s2] =	stream.linear.scatter [tilespmem:s14], [sflag:$0x2], $0x20, $0x38;
	[tilespmem:$0x2200] =	vst v63  }
0xa5: {  	_ =	swait.ge [sflag:s4], $0x20  }
0xa6: {  	[sflag:s4] =	ssyncset.done $0x0  }
0xa7: {  	s21 =	rddreg [dreg:$0xa];
	[sflag:s4] =	ssyncadd.s32 $0xFFFFFFE0  }
0xa8: {  	[hbm4b:s21+s2] =	stream.linear.scatter [tilespmem:s15], [sflag:$0x2], $0x20, $0x38;
	[tilespmem:$0x2200] =	vst v63  }
0xa9: {  	_ =	swait.ge [sflag:s4], $0x20  }
0xaa: {  	[sflag:s4] =	ssyncset.done $0x0  }
0xab: {  	s18 =	rddreg [dreg:$0xb];
	[sflag:s4] =	ssyncadd.s32 $0xFFFFFFE0  }
0xac: {  	[hbm4b:s18+s2] =	stream.linear.scatter [tilespmem:s16], [sflag:$0x2], $0x20, $0x38;
	[tilespmem:$0x2200] =	vst v63  }
0xad: {  	_ =	swait.ge [sflag:s4], $0x20  }
0xae: {  	[sflag:s4] =	ssyncset.done $0x0  }
0xaf: {  	s0 =	ssub.s32 $0x2, s0;
	s21 =	rddreg [dreg:$0xc];
	[sflag:s4] =	ssyncadd.s32 $0xFFFFFFE0  }
0xb0: {  	[hbm4b:s21+s2] =	stream.linear.scatter [tilespmem:s19], [sflag:$0x2], $0x20, $0x38;
	[tilespmem:$0x2200] =	vst v63  }
0xb1: {  	s21 =	sshrl.u32 s0, $0x1  }
0xb2: {  	_ =	swait.ge [sflag:s4], $0x20;
	s0 =	ssub.s32 s0, s21  }
0xb3: {  	[sflag:s4] =	ssyncset.done $0x0;
	s0 =	smax.u32 s0, $0x1  }
0xb4: {  	s18 =	rddreg [dreg:$0xd];
	[sflag:s4] =	ssyncadd.s32 $0xFFFFFFE0;
	p0 =	sne.s32 s0, $0x1  }
0xb5: {  	[hbm4b:s18+s2] =	stream.linear.scatter [tilespmem:s23], [sflag:$0x2], $0x20, $0x38;
	[tilespmem:$0x2200] =	vst v63  }
.Ltmp0:
0xb6: {  	_ =	swait.ge [sflag:s4], $0x20;
	(pc) =	sbr.rel @!p0 .LBB2_2-.Ltmp0, $4  }
0xb7: {  	[sflag:s4] =	ssyncset.done $0x0  }
0xb8: {  	s18 =	rddreg [dreg:$0xe];
	[sflag:s4] =	ssyncadd.s32 $0xFFFFFFE0  }
0xb9: {  	[hbm4b:s18+s2] =	stream.linear.scatter [tilespmem:s26], [sflag:$0x2], $0x20, $0x38;
	[tilespmem:$0x2200] =	vst v63  }
0xba: {  	s0 =	sadd.s32 $0xFFFFFFFF, s0;
	_ =	swait.ge [sflag:s4], $0x20  }
.LBB2_1:
0xbb: {  	[sflag:s4] =	ssyncset.done $0x0  }
0xbc: {  	s1 =	rddreg [dreg:$0xf];
	[sflag:s4] =	ssyncadd.s32 $0xFFFFFFE0  }
0xbd: {  	[hbm4b:s1+s2] =	stream.linear.scatter [tilespmem:s24], [sflag:$0x2], $0x20, $0x38;
	[tilespmem:$0x2200] =	vst v63  }
0xbe: {  	_ =	swait.ge [sflag:s4], $0x20  }
0xbf: {  	[sflag:s4] =	ssyncset.done $0x0  }
0xc0: {  	s18 =	rddreg [dreg:$0x10];
	[sflag:s4] =	ssyncadd.s32 $0xFFFFFFE0  }
0xc1: {  	[hbm4b:s18+s2] =	stream.linear.scatter [tilespmem:s22], [sflag:$0x2], $0x20, $0x38;
	[tilespmem:$0x2200] =	vst v63  }
0xc2: {  	_ =	swait.ge [sflag:s4], $0x20  }
0xc3: {  	[sflag:s4] =	ssyncset.done $0x0  }
0xc4: {  	s21 =	rddreg [dreg:$0x11];
	[sflag:s4] =	ssyncadd.s32 $0xFFFFFFE0  }
0xc5: {  	[hbm4b:s21+s2] =	stream.linear.scatter [tilespmem:s20], [sflag:$0x2], $0x20, $0x38;
	[tilespmem:$0x2200] =	vst v63  }
0xc6: {  	_ =	swait.ge [sflag:s4], $0x20  }
0xc7: {  	[sflag:s4] =	ssyncset.done $0x0  }
0xc8: {  	s18 =	rddreg [dreg:$0x12];
	[sflag:s4] =	ssyncadd.s32 $0xFFFFFFE0  }
0xc9: {  	[hbm4b:s18+s2] =	stream.linear.scatter [tilespmem:s17], [sflag:$0x2], $0x20, $0x38;
	[tilespmem:$0x2200] =	vst v63  }
0xca: {  	_ =	swait.ge [sflag:s4], $0x20  }
0xcb: {  	[sflag:s4] =	ssyncset.done $0x0  }
0xcc: {  	s21 =	rddreg [dreg:$0x2];
	[sflag:s4] =	ssyncadd.s32 $0xFFFFFFE0  }
0xcd: {  	[tilespmem:s2], [sflag:$0x2] =	stream.linear.gather [hbm4b:s21+s2], $0x20, $0x38;
	[tilespmem:$0x2200] =	vst v63  }
0xce: {  	_ =	swait.ge [sflag:s4], $0x20  }
0xcf: {  	[sflag:s4] =	ssyncset.done $0x0  }
0xd0: {  	s18 =	rddreg [dreg:$0x3];
	[sflag:s4] =	ssyncadd.s32 $0xFFFFFFE0  }
0xd1: {  	[tilespmem:s5], [sflag:$0x2] =	stream.linear.gather [hbm4b:s18+s2], $0x20, $0x38;
	[tilespmem:$0x2200] =	vst v63  }
0xd2: {  	_ =	swait.ge [sflag:s4], $0x20  }
0xd3: {  	[sflag:s4] =	ssyncset.done $0x0  }
0xd4: {  	s21 =	rddreg [dreg:$0x4];
	[sflag:s4] =	ssyncadd.s32 $0xFFFFFFE0  }
0xd5: {  	[tilespmem:s6], [sflag:$0x2] =	stream.linear.gather [hbm4b:s21+s2], $0x20, $0x38;
	[tilespmem:$0x2200] =	vst v63  }
0xd6: {  	_ =	swait.ge [sflag:s4], $0x20  }
0xd7: {  	[sflag:s4] =	ssyncset.done $0x0  }
0xd8: {  	[sflag:s4] =	ssyncadd.s32 $0xFFFFFFE0  }
0xd9: {  	[tilespmem:s9], [sflag:$0x1] =	stream.indirect.gather [hbm4b:s7+s8], $0x80, s2, s8, $0xb8;
	[tilespmem:$0x2200] =	vst v63  }
0xda: {  	_ =	swait.ge [sflag:s10], $0x1000  }
0xdb: {  	[sflag:s10] =	ssyncset.done $0x0  }
0xdc: {  	s18 =	rddreg [dreg:$0x5];
	[sflag:s10] =	ssyncadd.s32 $0xFFFFF000  }
0xdd: {  	[hbm4b:s18+s2] =	stream.linear.scatter [tilespmem:s9], [sflag:$0x2], $0x1000, $0x38;
	[tilespmem:$0x2200] =	vst v63  }
0xde: {  	_ =	swait.ge [sflag:s4], $0x1000  }
0xdf: {  	[sflag:s4] =	ssyncset.done $0x0  }
0xe0: {  	[sflag:s4] =	ssyncadd.s32 $0xFFFFF000  }
0xe1: {  	[tilespmem:s9], [sflag:$0x1] =	stream.indirect.gather [hbm4b:s7+s8], $0x80, s5, s8, $0xb8;
	[tilespmem:$0x2200] =	vst v63  }
0xe2: {  	_ =	swait.ge [sflag:s10], $0x1000  }
0xe3: {  	[sflag:s10] =	ssyncset.done $0x0  }
0xe4: {  	s21 =	rddreg [dreg:$0x6];
	[sflag:s10] =	ssyncadd.s32 $0xFFFFF000  }
0xe5: {  	[hbm4b:s21+s2] =	stream.linear.scatter [tilespmem:s9], [sflag:$0x2], $0x1000, $0x38;
	[tilespmem:$0x2200] =	vst v63  }
0xe6: {  	_ =	swait.ge [sflag:s4], $0x1000  }
0xe7: {  	[sflag:s4] =	ssyncset.done $0x0  }
0xe8: {  	[sflag:s4] =	ssyncadd.s32 $0xFFFFF000  }
0xe9: {  	[tilespmem:s9], [sflag:$0x1] =	stream.indirect.gather [hbm4b:s7+s8], $0x80, s6, s8, $0xb8;
	[tilespmem:$0x2200] =	vst v63  }
0xea: {  	_ =	swait.ge [sflag:s10], $0x1000  }
0xeb: {  	[sflag:s10] =	ssyncset.done $0x0  }
0xec: {  	s18 =	rddreg [dreg:$0x7];
	[sflag:s10] =	ssyncadd.s32 $0xFFFFF000  }
0xed: {  	[hbm4b:s18+s2] =	stream.linear.scatter [tilespmem:s9], [sflag:$0x2], $0x1000, $0x38;
	[tilespmem:$0x2200] =	vst v63  }
0xee: {  	_ =	swait.ge [sflag:s4], $0x1000  }
0xef: {  	[sflag:s4] =	ssyncset.done $0x0  }
0xf0: {  	[sflag:s4] =	ssyncadd.s32 $0xFFFFF000  }
0xf1: {  	v7 =	vld [tilespmem:$0x10]  }
0xf2: {  	v9 =	vld [tilespmem:$0x110]  }
0xf3: {  	v10 =	vld [tilespmem:$0x100]  }
0xf4: {  	v8 =	vld [tilespmem:$0x0]  }
0xf5: {  	v11 =	vld [tilespmem:$0x80];
	_ =	sdelay $0x1  }
0xf6: {  	v6 =	vld [tilespmem:$0x90];
	vm13 =	vlt.s32 v9, $0x3E7  }
0xf7: {  	[tilespmem:$0x1210] =	vst v2;
	vm1 =	vlt.s32 v7, $0x3E7;
	vm14 =	vlt.s32 v10, $0x3E7;
	v9 =	vnsel vm13, $0x3E7, v9  }
0xf8: {  	[tilespmem:$0x1200] =	vst v3;
	vm12 =	vlt.s32 v8, $0x3E7;
	v10 =	vnsel vm14, $0x3E7, v10;
	v19 =	vadd.s32 v4, v9  }
0xf9: {  	vm15 =	vlt.s32 v11, $0x3E7;
	v8 =	vnsel vm12, $0x3E7, v8;
	v58 =	vadd.s32 v5, v10;
	[tilespmem:$0x1390] =	vst v19  }
0xfa: {  	v7 =	vnsel vm1, $0x3E7, v7;
	v11 =	vnsel vm15, $0x3E7, v11;
	v61 =	vadd.s32 v5, v8;
	[tilespmem:$0x1380] =	vst v58  }
0xfb: {  	vm0 =	vlt.s32 v6, $0x3E7;
	v14 =	vmul.u32 $0x3E9, v7;
	v60 =	vadd.s32 v5, v11;
	[tilespmem:$0x1280] =	vst v61  }
0xfc: {  	v6 =	vnsel vm0, $0x3E7, v6;
	v56 =	vmul.u32 $0x3E9, v8;
	[tilespmem:$0x1300] =	vst v60  }
0xfd: {  	v62 =	vmul.u32 $0x3E9, v6;
	[tilespmem:$0x1490] =	vst v14  }
0xfe: {  	v12 =	vmul.u32 $0x3E8, v6;
	v21 =	vmul.u32 $0x3E9, v11;
	[tilespmem:$0x1480] =	vst v56  }
0xff: {  	[tilespmem:$0x1710] =	vst v62  }
0x100: {  	v13 =	vmul.u32 $0x3E8, v7;
	v16 =	vadd.s32 v7, v12;
	[tilespmem:$0x1700] =	vst v21  }
0x101: {  	v15 =	vadd.s32 v1, v12;
	[tilespmem:$0x1690] =	vst v16  }
0x102: {  	v17 =	vadd.s32 v1, v13;
	[tilespmem:$0x1610] =	vst v15  }
0x103: {  	v55 =	vadd.s32 v6, v13;
	[tilespmem:$0x1410] =	vst v17  }
0x104: {  	v13 =	vadd.s32 v13, v9;
	[tilespmem:$0x1510] =	vst v55  }
0x105: {  	v6 =	vadd.s32 v4, v6;
	[tilespmem:$0x1590] =	vst v13  }
0x106: {  	v18 =	vmul.u32 $0x3E8, v8;
	v7 =	vadd.s32 v4, v7;
	[tilespmem:$0x1310] =	vst v6  }
0x107: {  	v9 =	vadd.s32 v9, v12;
	[tilespmem:$0x1290] =	vst v7  }
0x108: {  	v20 =	vmul.u32 $0x3E8, v11;
	v59 =	vadd.s32 v18, v10;
	[tilespmem:$0x1790] =	vst v9  }
0x109: {  	v57 =	vadd.s32 v0, v18;
	[tilespmem:$0x1580] =	vst v59  }
0x10a: {  	v10 =	vadd.s32 v10, v20;
	[tilespmem:$0x1400] =	vst v57  }
0x10b: {  	v11 =	vadd.s32 v11, v18;
	[tilespmem:$0x1780] =	vst v10  }
0x10c: {  	v63 =	vadd.s32 v0, v20;
	[tilespmem:$0x1500] =	vst v11  }
0x10d: {  	v8 =	vadd.s32 v8, v20;
	[tilespmem:$0x1600] =	vst v63  }
0x10e: {  	s1 =	rddreg [dreg:$0x13];
	[tilespmem:$0x1680] =	vst v8  }
0x10f: {  	[tilespmem:s12], [sflag:$0x1] =	stream.indirect.gather [hbm4b:s11+s8], $0x1, s1, s8, $0xb8;
	[tilespmem:$0x2200] =	vst v63  }
0x110: {  	s18 =	rddreg [dreg:$0x14]  }
0x111: {  	[tilespmem:s13], [sflag:$0x1] =	stream.indirect.gather [hbm4b:s11+s8], $0x1, s18, s8, $0xb8;
	[tilespmem:$0x2200] =	vst v63  }
0x112: {  	s21 =	rddreg [dreg:$0x15]  }
0x113: {  	[tilespmem:s14], [sflag:$0x1] =	stream.indirect.gather [hbm4b:s11+s8], $0x1, s21, s8, $0xb8;
	[tilespmem:$0x2200] =	vst v63  }
0x114: {  	s1 =	rddreg [dreg:$0x16]  }
0x115: {  	[tilespmem:s15], [sflag:$0x1] =	stream.indirect.gather [hbm4b:s11+s8], $0x1, s1, s8, $0xb8;
	[tilespmem:$0x2200] =	vst v63  }
0x116: {  	s18 =	rddreg [dreg:$0x17]  }
0x117: {  	[tilespmem:s16], [sflag:$0x1] =	stream.indirect.gather [hbm4b:s11+s8], $0x1, s18, s8, $0xb8;
	[tilespmem:$0x2200] =	vst v63  }
0x118: {  	s21 =	simm.s32 $0x1480  }
0x119: {  	[tilespmem:s19], [sflag:$0x1] =	stream.indirect.gather [hbm4b:s11+s8], $0x1, s21, s8, $0xb8;
	[tilespmem:$0x2200] =	vst v63  }
0x11a: {  	s18 =	simm.s32 $0x1500  }
0x11b: {  	[tilespmem:s23], [sflag:$0x1] =	stream.indirect.gather [hbm4b:s11+s8], $0x1, s18, s8, $0xb8;
	[tilespmem:$0x2200] =	vst v63  }
0x11c: {  	_ = 	snop  }
0x11d: {  	[tilespmem:s26], [sflag:$0x1] =	stream.indirect.gather [hbm4b:s11+s8], $0x1, s25, s8, $0xb8;
	[tilespmem:$0x2200] =	vst v63  }
0x11e: {  	_ = 	snop  }
0x11f: {  	[tilespmem:s24], [sflag:$0x1] =	stream.indirect.gather [hbm4b:s11+s8], $0x1, s28, s8, $0xb8;
	[tilespmem:$0x2200] =	vst v63  }
0x120: {  	_ = 	snop  }
0x121: {  	[tilespmem:s22], [sflag:$0x1] =	stream.indirect.gather [hbm4b:s11+s8], $0x1, s29, s8, $0xb8;
	[tilespmem:$0x2200] =	vst v63  }
0x122: {  	_ = 	snop  }
0x123: {  	[tilespmem:s20], [sflag:$0x1] =	stream.indirect.gather [hbm4b:s11+s8], $0x1, s30, s8, $0xb8;
	[tilespmem:$0x2200] =	vst v63  }
0x124: {  	_ = 	snop  }
0x125: {  	[tilespmem:s17], [sflag:$0x1] =	stream.indirect.gather [hbm4b:s11+s8], $0x1, s31, s8, $0xb8;
	[tilespmem:$0x2200] =	vst v63  }
0x126: {  	_ =	swait.ge [sflag:s10], $0x20  }
0x127: {  	[sflag:s10] =	ssyncset.done $0x0  }
0x128: {  	[sflag:s10] =	ssyncadd.s32 $0xFFFFFFE0  }
0x129: {  	_ =	swait.ge [sflag:s10], $0x20  }
0x12a: {  	[sflag:s10] =	ssyncset.done $0x0  }
0x12b: {  	[sflag:s10] =	ssyncadd.s32 $0xFFFFFFE0  }
0x12c: {  	_ =	swait.ge [sflag:s10], $0x20  }
0x12d: {  	[sflag:s10] =	ssyncset.done $0x0  }
0x12e: {  	[sflag:s10] =	ssyncadd.s32 $0xFFFFFFE0  }
0x12f: {  	_ =	swait.ge [sflag:s10], $0x20  }
0x130: {  	[sflag:s10] =	ssyncset.done $0x0  }
0x131: {  	[sflag:s10] =	ssyncadd.s32 $0xFFFFFFE0  }
0x132: {  	_ =	swait.ge [sflag:s10], $0x20  }
0x133: {  	[sflag:s10] =	ssyncset.done $0x0  }
0x134: {  	[sflag:s10] =	ssyncadd.s32 $0xFFFFFFE0  }
0x135: {  	_ =	swait.ge [sflag:s10], $0x20  }
0x136: {  	[sflag:s10] =	ssyncset.done $0x0  }
0x137: {  	[sflag:s10] =	ssyncadd.s32 $0xFFFFFFE0  }
0x138: {  	_ =	swait.ge [sflag:s10], $0x20  }
0x139: {  	[sflag:s10] =	ssyncset.done $0x0  }
0x13a: {  	[sflag:s10] =	ssyncadd.s32 $0xFFFFFFE0  }
0x13b: {  	_ =	swait.ge [sflag:s10], $0x20  }
0x13c: {  	[sflag:s10] =	ssyncset.done $0x0  }
0x13d: {  	[sflag:s10] =	ssyncadd.s32 $0xFFFFFFE0  }
0x13e: {  	_ =	swait.ge [sflag:s10], $0x20  }
0x13f: {  	[sflag:s10] =	ssyncset.done $0x0  }
0x140: {  	[sflag:s10] =	ssyncadd.s32 $0xFFFFFFE0  }
0x141: {  	_ =	swait.ge [sflag:s10], $0x20  }
0x142: {  	[sflag:s10] =	ssyncset.done $0x0  }
0x143: {  	[sflag:s10] =	ssyncadd.s32 $0xFFFFFFE0  }
0x144: {  	_ =	swait.ge [sflag:s10], $0x20  }
0x145: {  	[sflag:s10] =	ssyncset.done $0x0  }
0x146: {  	[sflag:s10] =	ssyncadd.s32 $0xFFFFFFE0  }
0x147: {  	_ =	swait.ge [sflag:s10], $0x20  }
0x148: {  	[sflag:s10] =	ssyncset.done $0x0  }
0x149: {  	[sflag:s10] =	ssyncadd.s32 $0xFFFFFFE0  }
0x14a: {  	[hbm4b:s3+s2] =	stream.linear.scatter [tilespmem:s12], [sflag:$0x2], $0x20, $0x38;
	[tilespmem:$0x2200] =	vst v63  }
0x14b: {  	_ =	swait.ge [sflag:s4], $0x20  }
0x14c: {  	[sflag:s4] =	ssyncset.done $0x0  }
0x14d: {  	s21 =	rddreg [dreg:$0x8];
	[sflag:s4] =	ssyncadd.s32 $0xFFFFFFE0  }
0x14e: {  	[hbm4b:s21+s2] =	stream.linear.scatter [tilespmem:s13], [sflag:$0x2], $0x20, $0x38;
	[tilespmem:$0x2200] =	vst v63  }
0x14f: {  	_ =	swait.ge [sflag:s4], $0x20  }
0x150: {  	[sflag:s4] =	ssyncset.done $0x0  }
0x151: {  	s18 =	rddreg [dreg:$0x9];
	[sflag:s4] =	ssyncadd.s32 $0xFFFFFFE0  }
0x152: {  	[hbm4b:s18+s2] =	stream.linear.scatter [tilespmem:s14], [sflag:$0x2], $0x20, $0x38;
	[tilespmem:$0x2200] =	vst v63  }
0x153: {  	_ =	swait.ge [sflag:s4], $0x20  }
0x154: {  	[sflag:s4] =	ssyncset.done $0x0  }
0x155: {  	s21 =	rddreg [dreg:$0xa];
	[sflag:s4] =	ssyncadd.s32 $0xFFFFFFE0  }
0x156: {  	[hbm4b:s21+s2] =	stream.linear.scatter [tilespmem:s15], [sflag:$0x2], $0x20, $0x38;
	[tilespmem:$0x2200] =	vst v63  }
0x157: {  	_ =	swait.ge [sflag:s4], $0x20  }
0x158: {  	[sflag:s4] =	ssyncset.done $0x0  }
0x159: {  	s18 =	rddreg [dreg:$0xb];
	[sflag:s4] =	ssyncadd.s32 $0xFFFFFFE0  }
0x15a: {  	[hbm4b:s18+s2] =	stream.linear.scatter [tilespmem:s16], [sflag:$0x2], $0x20, $0x38;
	[tilespmem:$0x2200] =	vst v63  }
0x15b: {  	_ =	swait.ge [sflag:s4], $0x20  }
0x15c: {  	[sflag:s4] =	ssyncset.done $0x0  }
0x15d: {  	s21 =	rddreg [dreg:$0xc];
	[sflag:s4] =	ssyncadd.s32 $0xFFFFFFE0  }
0x15e: {  	[hbm4b:s21+s2] =	stream.linear.scatter [tilespmem:s19], [sflag:$0x2], $0x20, $0x38;
	[tilespmem:$0x2200] =	vst v63  }
0x15f: {  	_ =	swait.ge [sflag:s4], $0x20  }
0x160: {  	[sflag:s4] =	ssyncset.done $0x0  }
0x161: {  	p0 =	sne.s32 s0, $0x1;
	s18 =	rddreg [dreg:$0xd];
	[sflag:s4] =	ssyncadd.s32 $0xFFFFFFE0  }
0x162: {  	[hbm4b:s18+s2] =	stream.linear.scatter [tilespmem:s23], [sflag:$0x2], $0x20, $0x38;
	[tilespmem:$0x2200] =	vst v63  }
.Ltmp1:
0x163: {  	_ =	swait.ge [sflag:s4], $0x20;
	(pc) =	sbr.rel @p0 .LBB2_1-.Ltmp1, $4  }
0x164: {  	[sflag:s4] =	ssyncset.done $0x0  }
0x165: {  	s21 =	rddreg [dreg:$0xe];
	[sflag:s4] =	ssyncadd.s32 $0xFFFFFFE0  }
0x166: {  	[hbm4b:s21+s2] =	stream.linear.scatter [tilespmem:s26], [sflag:$0x2], $0x20, $0x38;
	[tilespmem:$0x2200] =	vst v63  }
0x167: {  	s0 =	sadd.s32 $0xFFFFFFFF, s0;
	_ =	swait.ge [sflag:s4], $0x20  }
.LBB2_2:
0x168: {  	[sflag:s4] =	ssyncset.done $0x0  }
0x169: {  	s0 =	rddreg [dreg:$0xf];
	[sflag:s4] =	ssyncadd.s32 $0xFFFFFFE0  }
0x16a: {  	[hbm4b:s0+s2] =	stream.linear.scatter [tilespmem:s24], [sflag:$0x2], $0x20, $0x38;
	[tilespmem:$0x2200] =	vst v63  }
0x16b: {  	_ =	swait.ge [sflag:s4], $0x20  }
0x16c: {  	[sflag:s4] =	ssyncset.done $0x0  }
0x16d: {  	s28 =	rddreg [dreg:$0x10];
	[sflag:s4] =	ssyncadd.s32 $0xFFFFFFE0  }
0x16e: {  	[hbm4b:s28+s2] =	stream.linear.scatter [tilespmem:s22], [sflag:$0x2], $0x20, $0x38;
	[tilespmem:$0x2200] =	vst v63  }
0x16f: {  	_ =	swait.ge [sflag:s4], $0x20  }
0x170: {  	[sflag:s4] =	ssyncset.done $0x0  }
0x171: {  	s29 =	rddreg [dreg:$0x11];
	[sflag:s4] =	ssyncadd.s32 $0xFFFFFFE0  }
0x172: {  	[hbm4b:s29+s2] =	stream.linear.scatter [tilespmem:s20], [sflag:$0x2], $0x20, $0x38;
	[tilespmem:$0x2200] =	vst v63  }
0x173: {  	_ =	swait.ge [sflag:s4], $0x20  }
0x174: {  	[sflag:s4] =	ssyncset.done $0x0  }
0x175: {  	s30 =	rddreg [dreg:$0x12];
	[sflag:s4] =	ssyncadd.s32 $0xFFFFFFE0  }
0x176: {  	[hbm4b:s30+s2] =	stream.linear.scatter [tilespmem:s17], [sflag:$0x2], $0x20, $0x38;
	[tilespmem:$0x2200] =	vst v63  }
0x177: {  	_ =	swait.ge [sflag:s4], $0x20  }
0x178: {  	[sflag:s4] =	ssyncset.done $0x0  }
0x179: {  	[sflag:s4] =	ssyncadd.s32 $0xFFFFFFE0  }
0x17a: {  	_ =	sfence.sel $0x180000  }
0x17b: {  	[bflag:$0x0] =	sbarrier.arrive $0xFFFF  }
0x17c: {  	_ =	strace $0x9000004A  }
0x17d: {  	s31 =	stileid.u32;
	[bflag:$0x2] =	sbarrier.arrive $0xFFFF  }
0x17e: {  	p0 =	sne.s32 s31, $0x0;
	s0 =	rddreg [dreg:$0x1]  }
0x17f: {  	s0 =	sadd.s32 @!p0 $0x100000, s0  }
0x180: {  	[sflag:s0] =	ssyncadd.tile.s32 @!p0 $0x1;
	_ =	shalt  }
.Lfunc_end2:
_tile_overlayer_lowered:
.L_overlay_start_2:
0x181: {  	(tag) =	ssettag $0x2  }
0x182: {  	s0 =	rddreg [dreg:$0x0];
	s2 =	stileid.u32  }
0x183: {  	s1 =	rddreg [dreg:$0x1];
	p0 =	sne.s32 s2, $0x0  }
0x184: {  	s3 =	rddreg [dreg:$0x2];
	[bflag:$0x3] =	sbarrier.arrive $0xFFFF;
	s2 =	simm.s32 @!p0 $0x1C02  }
0x185: {  	[timem:s3], [sflag:s2] =	dma.local @!p0 [hbm:s0], s1  }
0x186: {  	s0 =	simm.s32 @!p0 $0x2  }
0x187: {  	_ =	swait.ge @!p0 [sflag:s0], s1  }
0x188: {  	s1 =	ssub.s32 @!p0 $0x0, s1;
	[sflag:s0] =	ssyncset.done @!p0 $0x0  }
0x189: {  	[sflag:s0] =	ssyncadd.s32 @!p0 s1  }
0x18a: {  	[bflag:$0x3] =	sbarrier.arrive $0xFFFF  }
0x18b: {  	_ =	shalt  }

</sc_bundles>
